<compile_context>
chip_gen: v7x
topology: tpu7x:2x2x1
jax: 0.10.2.dev20260603
libtpu: 0.0.44.dev20260713+nightly
codegen_flags: <defaults>
</compile_context>

<pallas_src>
import functools

import jax
import jax.numpy as jnp
from jax import lax
from jax.experimental import pallas as pl
from jax.experimental.pallas import tpu as pltpu
from jax.experimental.pallas import tpu_sc as plsc

N_NODES = 10000
N_EDGES = 160000
NC = 2
NS = 16
NW = NC * NS
EPW = N_EDGES // NW
CH = 125
NCHUNK = EPW // CH
STRIDE = 624
ZROWS = 128
_NBUF_BY_D = {64: 8, 16: 8}

_MESH = plsc.VectorSubcoreMesh(
    core_axis_name="c", subcore_axis_name="s", num_cores=NC, num_subcores=NS
)


def _make_spmm(d_feat: int):

    zero_stores = (ZROWS * d_feat) // 16
    NBUF = _NBUF_BY_D[d_feat]

    @functools.partial(
        pl.kernel,
        out_type=jax.ShapeDtypeStruct((N_NODES, NC * d_feat), jnp.float32),
        mesh=_MESH,
        compiler_params=pltpu.CompilerParams(use_tc_tiling_on_sc=False),
        scratch_types=[
            pltpu.VMEM((NCHUNK, CH), jnp.int32),
            pltpu.VMEM((NCHUNK, CH), jnp.int32),
            pltpu.VMEM((NBUF, CH, d_feat), jnp.float32),
            pltpu.VMEM((ZROWS, d_feat), jnp.float32),
            pltpu.VMEM_SHARED((N_NODES, d_feat), jnp.float32),
            pltpu.SemaphoreType.DMA((NBUF,)),
            pltpu.SemaphoreType.DMA((NBUF,)),
        ],
    )
    def spmm(h_hbm, src_hbm, dst_hbm, out_hbm,
             sidx, didx, rows, zbuf, acc, gsem, ssem):
        c = lax.axis_index("c")
        s = lax.axis_index("s")
        wid = c * NS + s
        h_src = h_hbm

        pltpu.sync_copy(src_hbm.at[wid], sidx)
        pltpu.sync_copy(dst_hbm.at[wid], didx)

        for k in range(NBUF):
            pltpu.async_copy(h_src.at[sidx.at[k]], rows.at[k], gsem.at[k])

        zeros16 = jnp.zeros((16,), jnp.float32)

        def zbody(k, _):
            i = k // (d_feat // 16)
            j = (k % (d_feat // 16)) * 16
            zbuf[i, pl.ds(j, 16)] = zeros16
            return 0

        lax.fori_loop(0, zero_stores, zbody, 0)
        for k in range(5):
            pltpu.sync_copy(zbuf, acc.at[pl.ds(s * STRIDE + k * ZROWS, ZROWS)])
        plsc.subcore_barrier()

        def body(i, _):
            for k in range(NBUF):
                @pl.when(i > 0)
                def _():
                    pltpu.make_async_copy(
                        rows.at[k], acc.at[didx.at[0]], ssem.at[k]
                    ).wait()
                    pltpu.async_copy(
                        h_src.at[sidx.at[NBUF * i + k]], rows.at[k], gsem.at[k]
                    )
            for k in range(NBUF):
                pltpu.make_async_copy(
                    h_src.at[sidx.at[0]], rows.at[k], gsem.at[k]
                ).wait()
                pltpu.async_copy(
                    rows.at[k], acc.at[didx.at[NBUF * i + k]], ssem.at[k],
                    add=True,
                )
            return 0

        lax.fori_loop(0, NCHUNK // NBUF, body, 0)
        for k in range(NBUF):
            pltpu.make_async_copy(
                rows.at[k], acc.at[didx.at[0]], ssem.at[k]
            ).wait()
        plsc.subcore_barrier()

        pltpu.sync_copy(
            acc.at[pl.ds(s * STRIDE, STRIDE)],
            out_hbm.at[pl.ds(s * STRIDE, STRIDE), pl.ds(c * d_feat, d_feat)],
        )

        @pl.when(s == NS - 1)
        def _():
            pltpu.sync_copy(
                acc.at[pl.ds(NS * STRIDE, N_NODES - NS * STRIDE)],
                out_hbm.at[pl.ds(NS * STRIDE, N_NODES - NS * STRIDE),
                           pl.ds(c * d_feat, d_feat)],
            )

    return spmm


_spmm64 = _make_spmm(64)
_spmm16 = _make_spmm(16)



_ROWS_BLK = 2000
_GRID = N_NODES // _ROWS_BLK


def _dense1_body(x_ref, w1_ref, W1_ref, u_ref):
    u_ref[...] = jnp.dot(
        x_ref[...] * w1_ref[...],
        W1_ref[...],
        preferred_element_type=jnp.float32,
    )


def _dense1(x, w1, W1):
    return pl.pallas_call(
        _dense1_body,
        grid=(_GRID,),
        in_specs=[
            pl.BlockSpec((_ROWS_BLK, 256), lambda i: (i, 0)),
            pl.BlockSpec((1, 256), lambda i: (0, 0)),
            pl.BlockSpec((256, 64), lambda i: (0, 0)),
        ],
        out_specs=pl.BlockSpec((_ROWS_BLK, 64), lambda i: (i, 0)),
        out_shape=jax.ShapeDtypeStruct((N_NODES, 64), jnp.float32),
    )(x, w1, W1)


def _dense2_body(v_ref, M_ref, b1w2_ref, W2_ref, Wo16_ref, t_ref):
    m = jnp.dot(v_ref[...], M_ref[...], preferred_element_type=jnp.float32)
    m = m + jnp.dot(b1w2_ref[...], W2_ref[...],
                    preferred_element_type=jnp.float32)
    t_ref[...] = jnp.dot(m, Wo16_ref[...], preferred_element_type=jnp.float32)


def _dense2(vcat, M, b1w2, W2, Wo16):
    return pl.pallas_call(
        _dense2_body,
        grid=(_GRID,),
        in_specs=[
            pl.BlockSpec((_ROWS_BLK, 128), lambda i: (i, 0)),
            pl.BlockSpec((128, 32), lambda i: (0, 0)),
            pl.BlockSpec((1, 64), lambda i: (0, 0)),
            pl.BlockSpec((64, 32), lambda i: (0, 0)),
            pl.BlockSpec((32, 16), lambda i: (0, 0)),
        ],
        out_specs=pl.BlockSpec((_ROWS_BLK, 16), lambda i: (i, 0)),
        out_shape=jax.ShapeDtypeStruct((N_NODES, 16), jnp.float32),
    )(vcat, M, b1w2, W2, Wo16)


def _softmax_body(r_ref, b2r_ref, Wo16_ref, bo16_ref, out_ref):
    cvec = jnp.dot(b2r_ref[...], Wo16_ref[...],
                   preferred_element_type=jnp.float32,
                   ) + bo16_ref[...]
    logits = r_ref[:, :16] + r_ref[:, 16:32] + cvec
    col = lax.broadcasted_iota(jnp.int32, logits.shape, 1)
    logits = jnp.where(col < 4, logits, -1e30)
    m = jnp.max(logits, axis=1, keepdims=True)
    e = jnp.exp(logits - m)
    p = e / jnp.sum(e, axis=1, keepdims=True)
    out_ref[...] = p[:, :4]


def _softmax(rcat, b2r, Wo16, bo16):
    return pl.pallas_call(
        _softmax_body,
        grid=(_GRID,),
        in_specs=[
            pl.BlockSpec((_ROWS_BLK, 32), lambda i: (i, 0)),
            pl.BlockSpec((1, 32), lambda i: (0, 0)),
            pl.BlockSpec((32, 16), lambda i: (0, 0)),
            pl.BlockSpec((1, 16), lambda i: (0, 0)),
        ],
        out_specs=pl.BlockSpec((_ROWS_BLK, 4), lambda i: (i, 0)),
        out_shape=jax.ShapeDtypeStruct((N_NODES, 4), jnp.float32),
    )(rcat, b2r, Wo16, bo16)


def kernel(x, edge_index, w1, W1, b1, w2, W2, b2, Wo, bo):
    src = edge_index[1].astype(jnp.int32).reshape(NW, NCHUNK, CH)
    dst = edge_index[0].astype(jnp.int32).reshape(NW, NCHUNK, CH)
    Wo16 = jnp.concatenate([Wo, jnp.zeros((32, 12), jnp.float32)], axis=1)
    bo16 = jnp.concatenate([bo, jnp.zeros((12,), jnp.float32)]).reshape(1, 16)
    dW2 = w2.reshape(64, 1) * W2
    M = jnp.concatenate([dW2, dW2], axis=0)
    b1w2 = (b1 * w2).reshape(1, 64)
    b2r = b2.reshape(1, 32)

    u = _dense1(x, w1, W1)
    vcat = _spmm64(u, src, dst)
    t = _dense2(vcat, M, b1w2, W2, Wo16)
    rcat = _spmm16(t, src, dst)
    return _softmax(rcat, b2r, Wo16, bo16)

# --- scband reference (transcript-rebuilt; emitter-appended) ---
"""Pipeline reference for scband-my-model-55233279427253 (READ-ONLY COPY).

The authoritative reference and input builder live on the scoring server;
editing this copy changes nothing except your own understanding.
"""

import jax, jax.numpy as jnp
import numpy as np

N_NODES = 10000
N_EDGES = 160000
D_FEAT = 256

def setup_inputs(seed: int = 0) -> dict:
    key = jax.random.key(seed)
    ks = jax.random.split(key, 12)
    x = jax.random.normal(ks[0], (N_NODES, D_FEAT), dtype=jnp.float32)
    edge_index = jax.random.randint(ks[1], (2, N_EDGES), 0, N_NODES, dtype=jnp.int64)
    # GraphLayer 1 weight: shape (1, d_feat) elementwise scale
    w1 = jax.random.normal(ks[2], (1, D_FEAT), dtype=jnp.float32) * 0.05
    # Dense1: 256 -> 64
    W1 = jax.random.normal(ks[3], (D_FEAT, 64), dtype=jnp.float32) * (1.0 / np.sqrt(D_FEAT))
    b1 = jnp.zeros((64,), dtype=jnp.float32)
    # GraphLayer 2 weight: shape (1, 64)
    w2 = jax.random.normal(ks[4], (1, 64), dtype=jnp.float32) * 0.05
    # Dense2: 64 -> 32
    W2 = jax.random.normal(ks[5], (64, 32), dtype=jnp.float32) * (1.0 / np.sqrt(64))
    b2 = jnp.zeros((32,), dtype=jnp.float32)
    # Out: 32 -> 4, softmax
    Wo = jax.random.normal(ks[6], (32, 4), dtype=jnp.float32) * (1.0 / np.sqrt(32))
    bo = jnp.zeros((4,), dtype=jnp.float32)
    return {"x": x, "edge_index": edge_index, "w1": w1, "W1": W1, "b1": b1,
            "w2": w2, "W2": W2, "b2": b2, "Wo": Wo, "bo": bo}

def _spmm(h, edge_index, n_nodes):
    # tf.sparse.sparse_dense_matmul(A, h) with binary adjacency A:
    # out[dst] = sum over edges (dst, src) of h[src]
    src = edge_index[1]
    dst = edge_index[0]
    gathered = jnp.take(h, src, axis=0)
    return jax.ops.segment_sum(gathered, dst, num_segments=n_nodes)

def reference(x, edge_index, w1, W1, b1, w2, W2, b2, Wo, bo):
    n = x.shape[0]
    # GraphLayer 1: A @ x, elementwise scale by w1
    ax = _spmm(x, edge_index, n)
    z = ax * w1
    # Dense1 (dropout is identity at inference)
    h = z @ W1 + b1
    # GraphLayer 2
    ax2 = _spmm(h, edge_index, n)
    z2 = ax2 * w2
    # Dense2
    h2 = z2 @ W2 + b2
    # Output softmax dense
    logits = h2 @ Wo + bo
    return jax.nn.softmax(logits, axis=-1)

if __name__ == "__main__":
    import jax
    _d = setup_inputs()
    print(jax.jit(kernel)(*tuple(_d.values())))

</pallas_src>

<mosaic_0001>
#map = affine_map<(d0, d1) -> (0, 0)>
#map1 = affine_map<(d0, d1) -> (0, 0, 0)>
module attributes {stable_mosaic.version = 14 : i64} {
  func.func @spmm(%arg0: i32, %arg1: i32, %arg2: memref<10000x64xf32, #tpu.memory_space<hbm>>, %arg3: memref<32x40x125xi32, #tpu.memory_space<hbm>>, %arg4: memref<32x40x125xi32, #tpu.memory_space<hbm>>, %arg5: memref<10000x128xf32, #tpu.memory_space<hbm>>, %arg6: memref<40x125xi32, #tpu.memory_space<vmem>>, %arg7: memref<40x125xi32, #tpu.memory_space<vmem>>, %arg8: memref<8x125x64xf32, #tpu.memory_space<vmem>>, %arg9: memref<128x64xf32, #tpu.memory_space<vmem>>, %arg10: memref<10000x64xf32, #tpu.memory_space<vmem_shared>>, %arg11: memref<8x!tpu.dma_semaphore, #tpu.memory_space<semaphore_mem>>, %arg12: memref<8x!tpu.dma_semaphore, #tpu.memory_space<semaphore_mem>>) attributes {dimension_semantics = [#tpu.dimension_semantics<core_parallel>, #tpu.dimension_semantics<subcore_parallel>], iteration_bounds = array<i64: 2, 16>, scalar_prefetch = 0 : i64, scratch_operands = 7 : i64, tpu.core_type = #tpu.core_type<sc_vector_subcore>, window_params = [{transform_indices = #map}, {transform_indices = #map1}, {transform_indices = #map1}, {transform_indices = #map}]} {
    %mul3A = arith.constant 16 : i32
    %mul3A_0 = arith.muli %arg0, %mul3A : i32
    %add3A = arith.addi %mul3A_0, %arg1 : i32
    "tpu.region"() ({
      %run_scoped3A = tpu.sem_alloc : memref<!tpu.dma_semaphore, #tpu.memory_space<semaphore_mem>>
      %dma_start3A_282 = arith.constant 0 : i32
      %dma_start3A_283 = arith.constant 0 : i32
      %dma_start3A_284 = tpu.memref_slice %arg3[%add3A, %dma_start3A_282, %dma_start3A_283] : memref<32x40x125xi32, #tpu.memory_space<hbm>> -> memref<1x40x125xi32, #tpu.memory_space<hbm>>
      %dma_start3A_285 = tpu.memref_squeeze %dma_start3A_284 : memref<1x40x125xi32, #tpu.memory_space<hbm>> -> memref<40x125xi32, #tpu.memory_space<hbm>>
      %dma_start3A_286 = arith.constant 0 : i32
      %dma_start3A_287 = arith.constant 0 : i32
      %dma_start3A_288 = tpu.memref_slice %arg3[%add3A, %dma_start3A_286, %dma_start3A_287] : memref<32x40x125xi32, #tpu.memory_space<hbm>> -> memref<1x40x125xi32, #tpu.memory_space<hbm>>
      %dma_start3A_289 = tpu.memref_squeeze %dma_start3A_288 : memref<1x40x125xi32, #tpu.memory_space<hbm>> -> memref<40x125xi32, #tpu.memory_space<hbm>>
      tpu.enqueue_dma source(%dma_start3A_289 : memref<40x125xi32, #tpu.memory_space<hbm>>) target(%arg6 : memref<40x125xi32, #tpu.memory_space<vmem>>) target_semaphore(%run_scoped3A : memref<!tpu.dma_semaphore, #tpu.memory_space<semaphore_mem>>)
      %dma_wait3A_290 = arith.constant 0 : i32
      %dma_wait3A_291 = arith.constant 0 : i32
      %dma_wait3A_292 = tpu.memref_slice %arg3[%add3A, %dma_wait3A_290, %dma_wait3A_291] : memref<32x40x125xi32, #tpu.memory_space<hbm>> -> memref<1x40x125xi32, #tpu.memory_space<hbm>>
      %dma_wait3A_293 = tpu.memref_squeeze %dma_wait3A_292 : memref<1x40x125xi32, #tpu.memory_space<hbm>> -> memref<40x125xi32, #tpu.memory_space<hbm>>
      %dma_wait3A_294 = arith.constant 0 : i32
      %dma_wait3A_295 = arith.constant 0 : i32
      %dma_wait3A_296 = tpu.memref_slice %arg3[%add3A, %dma_wait3A_294, %dma_wait3A_295] : memref<32x40x125xi32, #tpu.memory_space<hbm>> -> memref<1x40x125xi32, #tpu.memory_space<hbm>>
      %dma_wait3A_297 = tpu.memref_squeeze %dma_wait3A_296 : memref<1x40x125xi32, #tpu.memory_space<hbm>> -> memref<40x125xi32, #tpu.memory_space<hbm>>
      tpu.wait_dma2 semaphore(%run_scoped3A : memref<!tpu.dma_semaphore, #tpu.memory_space<semaphore_mem>>) src(%dma_wait3A_297 : memref<40x125xi32, #tpu.memory_space<hbm>>) dst(%arg6 : memref<40x125xi32, #tpu.memory_space<vmem>>)
      tpu.yield
    }) : () -> ()
    "tpu.region"() ({
      %run_scoped3A = tpu.sem_alloc : memref<!tpu.dma_semaphore, #tpu.memory_space<semaphore_mem>>
      %dma_start3A_282 = arith.constant 0 : i32
      %dma_start3A_283 = arith.constant 0 : i32
      %dma_start3A_284 = tpu.memref_slice %arg4[%add3A, %dma_start3A_282, %dma_start3A_283] : memref<32x40x125xi32, #tpu.memory_space<hbm>> -> memref<1x40x125xi32, #tpu.memory_space<hbm>>
      %dma_start3A_285 = tpu.memref_squeeze %dma_start3A_284 : memref<1x40x125xi32, #tpu.memory_space<hbm>> -> memref<40x125xi32, #tpu.memory_space<hbm>>
      %dma_start3A_286 = arith.constant 0 : i32
      %dma_start3A_287 = arith.constant 0 : i32
      %dma_start3A_288 = tpu.memref_slice %arg4[%add3A, %dma_start3A_286, %dma_start3A_287] : memref<32x40x125xi32, #tpu.memory_space<hbm>> -> memref<1x40x125xi32, #tpu.memory_space<hbm>>
      %dma_start3A_289 = tpu.memref_squeeze %dma_start3A_288 : memref<1x40x125xi32, #tpu.memory_space<hbm>> -> memref<40x125xi32, #tpu.memory_space<hbm>>
      tpu.enqueue_dma source(%dma_start3A_289 : memref<40x125xi32, #tpu.memory_space<hbm>>) target(%arg7 : memref<40x125xi32, #tpu.memory_space<vmem>>) target_semaphore(%run_scoped3A : memref<!tpu.dma_semaphore, #tpu.memory_space<semaphore_mem>>)
      %dma_wait3A_290 = arith.constant 0 : i32
      %dma_wait3A_291 = arith.constant 0 : i32
      %dma_wait3A_292 = tpu.memref_slice %arg4[%add3A, %dma_wait3A_290, %dma_wait3A_291] : memref<32x40x125xi32, #tpu.memory_space<hbm>> -> memref<1x40x125xi32, #tpu.memory_space<hbm>>
      %dma_wait3A_293 = tpu.memref_squeeze %dma_wait3A_292 : memref<1x40x125xi32, #tpu.memory_space<hbm>> -> memref<40x125xi32, #tpu.memory_space<hbm>>
      %dma_wait3A_294 = arith.constant 0 : i32
      %dma_wait3A_295 = arith.constant 0 : i32
      %dma_wait3A_296 = tpu.memref_slice %arg4[%add3A, %dma_wait3A_294, %dma_wait3A_295] : memref<32x40x125xi32, #tpu.memory_space<hbm>> -> memref<1x40x125xi32, #tpu.memory_space<hbm>>
      %dma_wait3A_297 = tpu.memref_squeeze %dma_wait3A_296 : memref<1x40x125xi32, #tpu.memory_space<hbm>> -> memref<40x125xi32, #tpu.memory_space<hbm>>
      tpu.wait_dma2 semaphore(%run_scoped3A : memref<!tpu.dma_semaphore, #tpu.memory_space<semaphore_mem>>) src(%dma_wait3A_297 : memref<40x125xi32, #tpu.memory_space<hbm>>) dst(%arg7 : memref<40x125xi32, #tpu.memory_space<vmem>>)
      tpu.yield
    }) : () -> ()
    %dma_start3A = arith.constant 0 : i32
    %dma_start3A_1 = arith.constant 0 : i32
    %dma_start3A_2 = arith.constant 0 : i32
    %dma_start3A_3 = arith.constant 0 : i32
    %dma_start3A_4 = arith.constant 0 : i32
    %dma_start3A_5 = tpu.memref_slice %arg8[%dma_start3A_1, %dma_start3A_3, %dma_start3A_4] : memref<8x125x64xf32, #tpu.memory_space<vmem>> -> memref<1x125x64xf32, #tpu.memory_space<vmem>>
    %dma_start3A_6 = tpu.memref_squeeze %dma_start3A_5 : memref<1x125x64xf32, #tpu.memory_space<vmem>> -> memref<125x64xf32, #tpu.memory_space<vmem>>
    %dma_start3A_7 = arith.constant 0 : i32
    %dma_start3A_8 = tpu.memref_slice %arg6[%dma_start3A, %dma_start3A_7] : memref<40x125xi32, #tpu.memory_space<vmem>> -> memref<1x125xi32, #tpu.memory_space<vmem>>
    %dma_start3A_9 = tpu.memref_squeeze %dma_start3A_8 : memref<1x125xi32, #tpu.memory_space<vmem>> -> memref<125xi32, #tpu.memory_space<vmem>>
    %dma_start3A_10 = arith.constant 0 : i32
    %dma_start3A_11 = arith.constant 0 : i32
    %dma_start3A_12 = tpu.memref_slice %arg2[%dma_start3A_10, %dma_start3A_11] : memref<10000x64xf32, #tpu.memory_space<hbm>> -> memref<10000x64xf32, #tpu.memory_space<hbm>>
    %dma_start3A_13 = tpu.memref_slice %arg11[%dma_start3A_2] : memref<8x!tpu.dma_semaphore, #tpu.memory_space<semaphore_mem>> -> memref<1x!tpu.dma_semaphore, #tpu.memory_space<semaphore_mem>>
    %dma_start3A_14 = tpu.memref_squeeze %dma_start3A_13 : memref<1x!tpu.dma_semaphore, #tpu.memory_space<semaphore_mem>> -> memref<!tpu.dma_semaphore, #tpu.memory_space<semaphore_mem>>
    tpu.enqueue_indirect_dma source(%dma_start3A_12 : memref<10000x64xf32, #tpu.memory_space<hbm>>) target(%dma_start3A_6 : memref<125x64xf32, #tpu.memory_space<vmem>>) offsets(%dma_start3A_9 : memref<125xi32, #tpu.memory_space<vmem>>) semaphore(%dma_start3A_14 : memref<!tpu.dma_semaphore, #tpu.memory_space<semaphore_mem>>)
    %dma_start3A_15 = arith.constant 1 : i32
    %dma_start3A_16 = arith.constant 1 : i32
    %dma_start3A_17 = arith.constant 1 : i32
    %dma_start3A_18 = arith.constant 0 : i32
    %dma_start3A_19 = arith.constant 0 : i32
    %dma_start3A_20 = tpu.memref_slice %arg8[%dma_start3A_16, %dma_start3A_18, %dma_start3A_19] : memref<8x125x64xf32, #tpu.memory_space<vmem>> -> memref<1x125x64xf32, #tpu.memory_space<vmem>>
    %dma_start3A_21 = tpu.memref_squeeze %dma_start3A_20 : memref<1x125x64xf32, #tpu.memory_space<vmem>> -> memref<125x64xf32, #tpu.memory_space<vmem>>
    %dma_start3A_22 = arith.constant 0 : i32
    %dma_start3A_23 = tpu.memref_slice %arg6[%dma_start3A_15, %dma_start3A_22] : memref<40x125xi32, #tpu.memory_space<vmem>> -> memref<1x125xi32, #tpu.memory_space<vmem>>
    %dma_start3A_24 = tpu.memref_squeeze %dma_start3A_23 : memref<1x125xi32, #tpu.memory_space<vmem>> -> memref<125xi32, #tpu.memory_space<vmem>>
    %dma_start3A_25 = arith.constant 0 : i32
    %dma_start3A_26 = arith.constant 0 : i32
    %dma_start3A_27 = tpu.memref_slice %arg2[%dma_start3A_25, %dma_start3A_26] : memref<10000x64xf32, #tpu.memory_space<hbm>> -> memref<10000x64xf32, #tpu.memory_space<hbm>>
    %dma_start3A_28 = tpu.memref_slice %arg11[%dma_start3A_17] : memref<8x!tpu.dma_semaphore, #tpu.memory_space<semaphore_mem>> -> memref<1x!tpu.dma_semaphore, #tpu.memory_space<semaphore_mem>>
    %dma_start3A_29 = tpu.memref_squeeze %dma_start3A_28 : memref<1x!tpu.dma_semaphore, #tpu.memory_space<semaphore_mem>> -> memref<!tpu.dma_semaphore, #tpu.memory_space<semaphore_mem>>
    tpu.enqueue_indirect_dma source(%dma_start3A_27 : memref<10000x64xf32, #tpu.memory_space<hbm>>) target(%dma_start3A_21 : memref<125x64xf32, #tpu.memory_space<vmem>>) offsets(%dma_start3A_24 : memref<125xi32, #tpu.memory_space<vmem>>) semaphore(%dma_start3A_29 : memref<!tpu.dma_semaphore, #tpu.memory_space<semaphore_mem>>)
    %dma_start3A_30 = arith.constant 2 : i32
    %dma_start3A_31 = arith.constant 2 : i32
    %dma_start3A_32 = arith.constant 2 : i32
    %dma_start3A_33 = arith.constant 0 : i32
    %dma_start3A_34 = arith.constant 0 : i32
    %dma_start3A_35 = tpu.memref_slice %arg8[%dma_start3A_31, %dma_start3A_33, %dma_start3A_34] : memref<8x125x64xf32, #tpu.memory_space<vmem>> -> memref<1x125x64xf32, #tpu.memory_space<vmem>>
    %dma_start3A_36 = tpu.memref_squeeze %dma_start3A_35 : memref<1x125x64xf32, #tpu.memory_space<vmem>> -> memref<125x64xf32, #tpu.memory_space<vmem>>
    %dma_start3A_37 = arith.constant 0 : i32
    %dma_start3A_38 = tpu.memref_slice %arg6[%dma_start3A_30, %dma_start3A_37] : memref<40x125xi32, #tpu.memory_space<vmem>> -> memref<1x125xi32, #tpu.memory_space<vmem>>
    %dma_start3A_39 = tpu.memref_squeeze %dma_start3A_38 : memref<1x125xi32, #tpu.memory_space<vmem>> -> memref<125xi32, #tpu.memory_space<vmem>>
    %dma_start3A_40 = arith.constant 0 : i32
    %dma_start3A_41 = arith.constant 0 : i32
    %dma_start3A_42 = tpu.memref_slice %arg2[%dma_start3A_40, %dma_start3A_41] : memref<10000x64xf32, #tpu.memory_space<hbm>> -> memref<10000x64xf32, #tpu.memory_space<hbm>>
    %dma_start3A_43 = tpu.memref_slice %arg11[%dma_start3A_32] : memref<8x!tpu.dma_semaphore, #tpu.memory_space<semaphore_mem>> -> memref<1x!tpu.dma_semaphore, #tpu.memory_space<semaphore_mem>>
    %dma_start3A_44 = tpu.memref_squeeze %dma_start3A_43 : memref<1x!tpu.dma_semaphore, #tpu.memory_space<semaphore_mem>> -> memref<!tpu.dma_semaphore, #tpu.memory_space<semaphore_mem>>
    tpu.enqueue_indirect_dma source(%dma_start3A_42 : memref<10000x64xf32, #tpu.memory_space<hbm>>) target(%dma_start3A_36 : memref<125x64xf32, #tpu.memory_space<vmem>>) offsets(%dma_start3A_39 : memref<125xi32, #tpu.memory_space<vmem>>) semaphore(%dma_start3A_44 : memref<!tpu.dma_semaphore, #tpu.memory_space<semaphore_mem>>)
    %dma_start3A_45 = arith.constant 3 : i32
    %dma_start3A_46 = arith.constant 3 : i32
    %dma_start3A_47 = arith.constant 3 : i32
    %dma_start3A_48 = arith.constant 0 : i32
    %dma_start3A_49 = arith.constant 0 : i32
    %dma_start3A_50 = tpu.memref_slice %arg8[%dma_start3A_46, %dma_start3A_48, %dma_start3A_49] : memref<8x125x64xf32, #tpu.memory_space<vmem>> -> memref<1x125x64xf32, #tpu.memory_space<vmem>>
    %dma_start3A_51 = tpu.memref_squeeze %dma_start3A_50 : memref<1x125x64xf32, #tpu.memory_space<vmem>> -> memref<125x64xf32, #tpu.memory_space<vmem>>
    %dma_start3A_52 = arith.constant 0 : i32
    %dma_start3A_53 = tpu.memref_slice %arg6[%dma_start3A_45, %dma_start3A_52] : memref<40x125xi32, #tpu.memory_space<vmem>> -> memref<1x125xi32, #tpu.memory_space<vmem>>
    %dma_start3A_54 = tpu.memref_squeeze %dma_start3A_53 : memref<1x125xi32, #tpu.memory_space<vmem>> -> memref<125xi32, #tpu.memory_space<vmem>>
    %dma_start3A_55 = arith.constant 0 : i32
    %dma_start3A_56 = arith.constant 0 : i32
    %dma_start3A_57 = tpu.memref_slice %arg2[%dma_start3A_55, %dma_start3A_56] : memref<10000x64xf32, #tpu.memory_space<hbm>> -> memref<10000x64xf32, #tpu.memory_space<hbm>>
    %dma_start3A_58 = tpu.memref_slice %arg11[%dma_start3A_47] : memref<8x!tpu.dma_semaphore, #tpu.memory_space<semaphore_mem>> -> memref<1x!tpu.dma_semaphore, #tpu.memory_space<semaphore_mem>>
    %dma_start3A_59 = tpu.memref_squeeze %dma_start3A_58 : memref<1x!tpu.dma_semaphore, #tpu.memory_space<semaphore_mem>> -> memref<!tpu.dma_semaphore, #tpu.memory_space<semaphore_mem>>
    tpu.enqueue_indirect_dma source(%dma_start3A_57 : memref<10000x64xf32, #tpu.memory_space<hbm>>) target(%dma_start3A_51 : memref<125x64xf32, #tpu.memory_space<vmem>>) offsets(%dma_start3A_54 : memref<125xi32, #tpu.memory_space<vmem>>) semaphore(%dma_start3A_59 : memref<!tpu.dma_semaphore, #tpu.memory_space<semaphore_mem>>)
    %dma_start3A_60 = arith.constant 4 : i32
    %dma_start3A_61 = arith.constant 4 : i32
    %dma_start3A_62 = arith.constant 4 : i32
    %dma_start3A_63 = arith.constant 0 : i32
    %dma_start3A_64 = arith.constant 0 : i32
    %dma_start3A_65 = tpu.memref_slice %arg8[%dma_start3A_61, %dma_start3A_63, %dma_start3A_64] : memref<8x125x64xf32, #tpu.memory_space<vmem>> -> memref<1x125x64xf32, #tpu.memory_space<vmem>>
    %dma_start3A_66 = tpu.memref_squeeze %dma_start3A_65 : memref<1x125x64xf32, #tpu.memory_space<vmem>> -> memref<125x64xf32, #tpu.memory_space<vmem>>
    %dma_start3A_67 = arith.constant 0 : i32
    %dma_start3A_68 = tpu.memref_slice %arg6[%dma_start3A_60, %dma_start3A_67] : memref<40x125xi32, #tpu.memory_space<vmem>> -> memref<1x125xi32, #tpu.memory_space<vmem>>
    %dma_start3A_69 = tpu.memref_squeeze %dma_start3A_68 : memref<1x125xi32, #tpu.memory_space<vmem>> -> memref<125xi32, #tpu.memory_space<vmem>>
    %dma_start3A_70 = arith.constant 0 : i32
    %dma_start3A_71 = arith.constant 0 : i32
    %dma_start3A_72 = tpu.memref_slice %arg2[%dma_start3A_70, %dma_start3A_71] : memref<10000x64xf32, #tpu.memory_space<hbm>> -> memref<10000x64xf32, #tpu.memory_space<hbm>>
    %dma_start3A_73 = tpu.memref_slice %arg11[%dma_start3A_62] : memref<8x!tpu.dma_semaphore, #tpu.memory_space<semaphore_mem>> -> memref<1x!tpu.dma_semaphore, #tpu.memory_space<semaphore_mem>>
    %dma_start3A_74 = tpu.memref_squeeze %dma_start3A_73 : memref<1x!tpu.dma_semaphore, #tpu.memory_space<semaphore_mem>> -> memref<!tpu.dma_semaphore, #tpu.memory_space<semaphore_mem>>
    tpu.enqueue_indirect_dma source(%dma_start3A_72 : memref<10000x64xf32, #tpu.memory_space<hbm>>) target(%dma_start3A_66 : memref<125x64xf32, #tpu.memory_space<vmem>>) offsets(%dma_start3A_69 : memref<125xi32, #tpu.memory_space<vmem>>) semaphore(%dma_start3A_74 : memref<!tpu.dma_semaphore, #tpu.memory_space<semaphore_mem>>)
    %dma_start3A_75 = arith.constant 5 : i32
    %dma_start3A_76 = arith.constant 5 : i32
    %dma_start3A_77 = arith.constant 5 : i32
    %dma_start3A_78 = arith.constant 0 : i32
    %dma_start3A_79 = arith.constant 0 : i32
    %dma_start3A_80 = tpu.memref_slice %arg8[%dma_start3A_76, %dma_start3A_78, %dma_start3A_79] : memref<8x125x64xf32, #tpu.memory_space<vmem>> -> memref<1x125x64xf32, #tpu.memory_space<vmem>>
    %dma_start3A_81 = tpu.memref_squeeze %dma_start3A_80 : memref<1x125x64xf32, #tpu.memory_space<vmem>> -> memref<125x64xf32, #tpu.memory_space<vmem>>
    %dma_start3A_82 = arith.constant 0 : i32
    %dma_start3A_83 = tpu.memref_slice %arg6[%dma_start3A_75, %dma_start3A_82] : memref<40x125xi32, #tpu.memory_space<vmem>> -> memref<1x125xi32, #tpu.memory_space<vmem>>
    %dma_start3A_84 = tpu.memref_squeeze %dma_start3A_83 : memref<1x125xi32, #tpu.memory_space<vmem>> -> memref<125xi32, #tpu.memory_space<vmem>>
    %dma_start3A_85 = arith.constant 0 : i32
    %dma_start3A_86 = arith.constant 0 : i32
    %dma_start3A_87 = tpu.memref_slice %arg2[%dma_start3A_85, %dma_start3A_86] : memref<10000x64xf32, #tpu.memory_space<hbm>> -> memref<10000x64xf32, #tpu.memory_space<hbm>>
    %dma_start3A_88 = tpu.memref_slice %arg11[%dma_start3A_77] : memref<8x!tpu.dma_semaphore, #tpu.memory_space<semaphore_mem>> -> memref<1x!tpu.dma_semaphore, #tpu.memory_space<semaphore_mem>>
    %dma_start3A_89 = tpu.memref_squeeze %dma_start3A_88 : memref<1x!tpu.dma_semaphore, #tpu.memory_space<semaphore_mem>> -> memref<!tpu.dma_semaphore, #tpu.memory_space<semaphore_mem>>
    tpu.enqueue_indirect_dma source(%dma_start3A_87 : memref<10000x64xf32, #tpu.memory_space<hbm>>) target(%dma_start3A_81 : memref<125x64xf32, #tpu.memory_space<vmem>>) offsets(%dma_start3A_84 : memref<125xi32, #tpu.memory_space<vmem>>) semaphore(%dma_start3A_89 : memref<!tpu.dma_semaphore, #tpu.memory_space<semaphore_mem>>)
    %dma_start3A_90 = arith.constant 6 : i32
    %dma_start3A_91 = arith.constant 6 : i32
    %dma_start3A_92 = arith.constant 6 : i32
    %dma_start3A_93 = arith.constant 0 : i32
    %dma_start3A_94 = arith.constant 0 : i32
    %dma_start3A_95 = tpu.memref_slice %arg8[%dma_start3A_91, %dma_start3A_93, %dma_start3A_94] : memref<8x125x64xf32, #tpu.memory_space<vmem>> -> memref<1x125x64xf32, #tpu.memory_space<vmem>>
    %dma_start3A_96 = tpu.memref_squeeze %dma_start3A_95 : memref<1x125x64xf32, #tpu.memory_space<vmem>> -> memref<125x64xf32, #tpu.memory_space<vmem>>
    %dma_start3A_97 = arith.constant 0 : i32
    %dma_start3A_98 = tpu.memref_slice %arg6[%dma_start3A_90, %dma_start3A_97] : memref<40x125xi32, #tpu.memory_space<vmem>> -> memref<1x125xi32, #tpu.memory_space<vmem>>
    %dma_start3A_99 = tpu.memref_squeeze %dma_start3A_98 : memref<1x125xi32, #tpu.memory_space<vmem>> -> memref<125xi32, #tpu.memory_space<vmem>>
    %dma_start3A_100 = arith.constant 0 : i32
    %dma_start3A_101 = arith.constant 0 : i32
    %dma_start3A_102 = tpu.memref_slice %arg2[%dma_start3A_100, %dma_start3A_101] : memref<10000x64xf32, #tpu.memory_space<hbm>> -> memref<10000x64xf32, #tpu.memory_space<hbm>>
    %dma_start3A_103 = tpu.memref_slice %arg11[%dma_start3A_92] : memref<8x!tpu.dma_semaphore, #tpu.memory_space<semaphore_mem>> -> memref<1x!tpu.dma_semaphore, #tpu.memory_space<semaphore_mem>>
    %dma_start3A_104 = tpu.memref_squeeze %dma_start3A_103 : memref<1x!tpu.dma_semaphore, #tpu.memory_space<semaphore_mem>> -> memref<!tpu.dma_semaphore, #tpu.memory_space<semaphore_mem>>
    tpu.enqueue_indirect_dma source(%dma_start3A_102 : memref<10000x64xf32, #tpu.memory_space<hbm>>) target(%dma_start3A_96 : memref<125x64xf32, #tpu.memory_space<vmem>>) offsets(%dma_start3A_99 : memref<125xi32, #tpu.memory_space<vmem>>) semaphore(%dma_start3A_104 : memref<!tpu.dma_semaphore, #tpu.memory_space<semaphore_mem>>)
    %dma_start3A_105 = arith.constant 7 : i32
    %dma_start3A_106 = arith.constant 7 : i32
    %dma_start3A_107 = arith.constant 7 : i32
    %dma_start3A_108 = arith.constant 0 : i32
    %dma_start3A_109 = arith.constant 0 : i32
    %dma_start3A_110 = tpu.memref_slice %arg8[%dma_start3A_106, %dma_start3A_108, %dma_start3A_109] : memref<8x125x64xf32, #tpu.memory_space<vmem>> -> memref<1x125x64xf32, #tpu.memory_space<vmem>>
    %dma_start3A_111 = tpu.memref_squeeze %dma_start3A_110 : memref<1x125x64xf32, #tpu.memory_space<vmem>> -> memref<125x64xf32, #tpu.memory_space<vmem>>
    %dma_start3A_112 = arith.constant 0 : i32
    %dma_start3A_113 = tpu.memref_slice %arg6[%dma_start3A_105, %dma_start3A_112] : memref<40x125xi32, #tpu.memory_space<vmem>> -> memref<1x125xi32, #tpu.memory_space<vmem>>
    %dma_start3A_114 = tpu.memref_squeeze %dma_start3A_113 : memref<1x125xi32, #tpu.memory_space<vmem>> -> memref<125xi32, #tpu.memory_space<vmem>>
    %dma_start3A_115 = arith.constant 0 : i32
    %dma_start3A_116 = arith.constant 0 : i32
    %dma_start3A_117 = tpu.memref_slice %arg2[%dma_start3A_115, %dma_start3A_116] : memref<10000x64xf32, #tpu.memory_space<hbm>> -> memref<10000x64xf32, #tpu.memory_space<hbm>>
    %dma_start3A_118 = tpu.memref_slice %arg11[%dma_start3A_107] : memref<8x!tpu.dma_semaphore, #tpu.memory_space<semaphore_mem>> -> memref<1x!tpu.dma_semaphore, #tpu.memory_space<semaphore_mem>>
    %dma_start3A_119 = tpu.memref_squeeze %dma_start3A_118 : memref<1x!tpu.dma_semaphore, #tpu.memory_space<semaphore_mem>> -> memref<!tpu.dma_semaphore, #tpu.memory_space<semaphore_mem>>
    tpu.enqueue_indirect_dma source(%dma_start3A_117 : memref<10000x64xf32, #tpu.memory_space<hbm>>) target(%dma_start3A_111 : memref<125x64xf32, #tpu.memory_space<vmem>>) offsets(%dma_start3A_114 : memref<125xi32, #tpu.memory_space<vmem>>) semaphore(%dma_start3A_119 : memref<!tpu.dma_semaphore, #tpu.memory_space<semaphore_mem>>)
    %broadcast_in_dim3A = arith.constant 0.000000e+00 : f32
    %broadcast_in_dim3A_120 = vector.broadcast %broadcast_in_dim3A : f32 to vector<16xf32>
    %scan3A = arith.constant 0 : i32
    %scan3A_121 = arith.constant 0 : i32
    %scan3A_122 = arith.constant 512 : i32
    %scan3A_123 = arith.addi %scan3A_121, %scan3A_122 : i32
    %scan3A_124 = arith.constant 1 : i32
    %scan3A_125 = scf.for %scan3A_282 = %scan3A_121 to %scan3A_123 step %scan3A_124 iter_args(%scan3A_283 = %scan3A) -> (i32)  : i32 {
      %jit3A = arith.constant 4 : i32
      %div3A = arith.divsi %scan3A_282, %jit3A : i32
      %sign3A = arith.constant 0 : i32
      %sign3A_284 = arith.cmpi sgt, %scan3A_282, %sign3A : i32
      %sign3A_285 = arith.extui %sign3A_284 : i1 to i32
      %sign3A_286 = arith.constant 0 : i32
      %sign3A_287 = arith.cmpi slt, %scan3A_282, %sign3A_286 : i32
      %sign3A_288 = arith.extui %sign3A_287 : i1 to i32
      %sign3A_289 = arith.subi %sign3A_285, %sign3A_288 : i32
      %sign3A_290 = arith.constant 0 : i32
      %sign3A_291 = arith.cmpi sgt, %jit3A, %sign3A_290 : i32
      %sign3A_292 = arith.extui %sign3A_291 : i1 to i32
      %sign3A_293 = arith.constant 0 : i32
      %sign3A_294 = arith.cmpi slt, %jit3A, %sign3A_293 : i32
      %sign3A_295 = arith.extui %sign3A_294 : i1 to i32
      %sign3A_296 = arith.subi %sign3A_292, %sign3A_295 : i32
      %ne3A = arith.cmpi ne, %sign3A_289, %sign3A_296 : i32
      %rem3A = arith.remsi %scan3A_282, %jit3A : i32
      %ne3A_297 = arith.constant 0 : i32
      %ne3A_298 = arith.cmpi ne, %rem3A, %ne3A_297 : i32
      %and3A = arith.andi %ne3A, %ne3A_298 : i1
      %sub3A = arith.constant 1 : i32
      %sub3A_299 = arith.subi %div3A, %sub3A : i32
      %select_n3A = arith.select %and3A, %sub3A_299, %div3A : i32
      %jit3A_300 = arith.constant 4 : i32
      %eq3A_301 = arith.constant 0 : i32
      %eq3A_302 = arith.cmpi eq, %jit3A_300, %eq3A_301 : i32
      %jit3A_303 = arith.constant 1 : i32
      %select_n3A_304 = arith.select %eq3A_302, %jit3A_303, %jit3A_300 : i32
      %rem3A_305 = arith.remsi %scan3A_282, %select_n3A_304 : i32
      %ne3A_306 = arith.constant 0 : i32
      %ne3A_307 = arith.cmpi ne, %rem3A_305, %ne3A_306 : i32
      %lt3A = arith.constant 0 : i32
      %lt3A_308 = arith.cmpi slt, %rem3A_305, %lt3A : i32
      %lt3A_309 = arith.constant 0 : i32
      %lt3A_310 = arith.cmpi slt, %select_n3A_304, %lt3A_309 : i32
      %ne3A_311 = arith.xori %lt3A_308, %lt3A_310 : i1
      %and3A_312 = arith.andi %ne3A_311, %ne3A_307 : i1
      %add3A_313 = arith.addi %rem3A_305, %select_n3A_304 : i32
      %select_n3A_314 = arith.select %and3A_312, %add3A_313, %rem3A_305 : i32
      %mul3A_315 = arith.constant 16 : i32
      %mul3A_316 = arith.muli %select_n3A_314, %mul3A_315 : i32
      %swap3A = arith.index_cast %select_n3A : i32 to index
      %swap3A_317 = arith.index_cast %mul3A_316 : i32 to index
      %swap3A_318 = tpu.vector_load %arg9[%swap3A, %swap3A_317] {strides = array<i32>} : memref<128x64xf32, #tpu.memory_space<vmem>>, vector<1x16xf32>,
      %swap3A_319 = vector.shape_cast %swap3A_318 : vector<1x16xf32> to vector<16xf32>
      %swap3A_320 = vector.shape_cast %broadcast_in_dim3A_120 : vector<16xf32> to vector<1x16xf32>
      tpu.vector_store %arg9[%swap3A, %swap3A_317], %swap3A_320 {strides = array<i32>} : memref<128x64xf32, #tpu.memory_space<vmem>>, vector<1x16xf32>,
      %scan3A_321 = arith.constant 0 : i32
      scf.yield %scan3A_321 : i32
    }
    %scan3A_126 = arith.constant 512 : i32
    %mul3A_127 = arith.constant 624 : i32
    %mul3A_128 = arith.muli %arg1, %mul3A_127 : i32
    %add3A_129 = arith.constant 0 : i32
    %add3A_130 = arith.addi %mul3A_128, %add3A_129 : i32
    "tpu.region"() ({
      %run_scoped3A = tpu.sem_alloc : memref<!tpu.dma_semaphore, #tpu.memory_space<semaphore_mem>>
      %dma_start3A_282 = arith.constant 0 : i32
      %dma_start3A_283 = tpu.memref_slice %arg10[%add3A_130, %dma_start3A_282] : memref<10000x64xf32, #tpu.memory_space<vmem_shared>> -> memref<128x64xf32, #tpu.memory_space<vmem_shared>>
      %dma_start3A_284 = arith.constant 0 : i32
      %dma_start3A_285 = tpu.memref_slice %arg10[%add3A_130, %dma_start3A_284] : memref<10000x64xf32, #tpu.memory_space<vmem_shared>> -> memref<128x64xf32, #tpu.memory_space<vmem_shared>>
      tpu.enqueue_dma source(%arg9 : memref<128x64xf32, #tpu.memory_space<vmem>>) target(%dma_start3A_285 : memref<128x64xf32, #tpu.memory_space<vmem_shared>>) target_semaphore(%run_scoped3A : memref<!tpu.dma_semaphore, #tpu.memory_space<semaphore_mem>>)
      %dma_wait3A_286 = arith.constant 0 : i32
      %dma_wait3A_287 = tpu.memref_slice %arg10[%add3A_130, %dma_wait3A_286] : memref<10000x64xf32, #tpu.memory_space<vmem_shared>> -> memref<128x64xf32, #tpu.memory_space<vmem_shared>>
      %dma_wait3A_288 = arith.constant 0 : i32
      %dma_wait3A_289 = tpu.memref_slice %arg10[%add3A_130, %dma_wait3A_288] : memref<10000x64xf32, #tpu.memory_space<vmem_shared>> -> memref<128x64xf32, #tpu.memory_space<vmem_shared>>
      tpu.wait_dma2 semaphore(%run_scoped3A : memref<!tpu.dma_semaphore, #tpu.memory_space<semaphore_mem>>) src(%arg9 : memref<128x64xf32, #tpu.memory_space<vmem>>) dst(%dma_wait3A_289 : memref<128x64xf32, #tpu.memory_space<vmem_shared>>)
      tpu.yield
    }) : () -> ()
    %mul3A_131 = arith.constant 624 : i32
    %mul3A_132 = arith.muli %arg1, %mul3A_131 : i32
    %add3A_133 = arith.constant 128 : i32
    %add3A_134 = arith.addi %mul3A_132, %add3A_133 : i32
    "tpu.region"() ({
      %run_scoped3A = tpu.sem_alloc : memref<!tpu.dma_semaphore, #tpu.memory_space<semaphore_mem>>
      %dma_start3A_282 = arith.constant 0 : i32
      %dma_start3A_283 = tpu.memref_slice %arg10[%add3A_134, %dma_start3A_282] : memref<10000x64xf32, #tpu.memory_space<vmem_shared>> -> memref<128x64xf32, #tpu.memory_space<vmem_shared>>
      %dma_start3A_284 = arith.constant 0 : i32
      %dma_start3A_285 = tpu.memref_slice %arg10[%add3A_134, %dma_start3A_284] : memref<10000x64xf32, #tpu.memory_space<vmem_shared>> -> memref<128x64xf32, #tpu.memory_space<vmem_shared>>
      tpu.enqueue_dma source(%arg9 : memref<128x64xf32, #tpu.memory_space<vmem>>) target(%dma_start3A_285 : memref<128x64xf32, #tpu.memory_space<vmem_shared>>) target_semaphore(%run_scoped3A : memref<!tpu.dma_semaphore, #tpu.memory_space<semaphore_mem>>)
      %dma_wait3A_286 = arith.constant 0 : i32
      %dma_wait3A_287 = tpu.memref_slice %arg10[%add3A_134, %dma_wait3A_286] : memref<10000x64xf32, #tpu.memory_space<vmem_shared>> -> memref<128x64xf32, #tpu.memory_space<vmem_shared>>
      %dma_wait3A_288 = arith.constant 0 : i32
      %dma_wait3A_289 = tpu.memref_slice %arg10[%add3A_134, %dma_wait3A_288] : memref<10000x64xf32, #tpu.memory_space<vmem_shared>> -> memref<128x64xf32, #tpu.memory_space<vmem_shared>>
      tpu.wait_dma2 semaphore(%run_scoped3A : memref<!tpu.dma_semaphore, #tpu.memory_space<semaphore_mem>>) src(%arg9 : memref<128x64xf32, #tpu.memory_space<vmem>>) dst(%dma_wait3A_289 : memref<128x64xf32, #tpu.memory_space<vmem_shared>>)
      tpu.yield
    }) : () -> ()
    %mul3A_135 = arith.constant 624 : i32
    %mul3A_136 = arith.muli %arg1, %mul3A_135 : i32
    %add3A_137 = arith.constant 256 : i32
    %add3A_138 = arith.addi %mul3A_136, %add3A_137 : i32
    "tpu.region"() ({
      %run_scoped3A = tpu.sem_alloc : memref<!tpu.dma_semaphore, #tpu.memory_space<semaphore_mem>>
      %dma_start3A_282 = arith.constant 0 : i32
      %dma_start3A_283 = tpu.memref_slice %arg10[%add3A_138, %dma_start3A_282] : memref<10000x64xf32, #tpu.memory_space<vmem_shared>> -> memref<128x64xf32, #tpu.memory_space<vmem_shared>>
      %dma_start3A_284 = arith.constant 0 : i32
      %dma_start3A_285 = tpu.memref_slice %arg10[%add3A_138, %dma_start3A_284] : memref<10000x64xf32, #tpu.memory_space<vmem_shared>> -> memref<128x64xf32, #tpu.memory_space<vmem_shared>>
      tpu.enqueue_dma source(%arg9 : memref<128x64xf32, #tpu.memory_space<vmem>>) target(%dma_start3A_285 : memref<128x64xf32, #tpu.memory_space<vmem_shared>>) target_semaphore(%run_scoped3A : memref<!tpu.dma_semaphore, #tpu.memory_space<semaphore_mem>>)
      %dma_wait3A_286 = arith.constant 0 : i32
      %dma_wait3A_287 = tpu.memref_slice %arg10[%add3A_138, %dma_wait3A_286] : memref<10000x64xf32, #tpu.memory_space<vmem_shared>> -> memref<128x64xf32, #tpu.memory_space<vmem_shared>>
      %dma_wait3A_288 = arith.constant 0 : i32
      %dma_wait3A_289 = tpu.memref_slice %arg10[%add3A_138, %dma_wait3A_288] : memref<10000x64xf32, #tpu.memory_space<vmem_shared>> -> memref<128x64xf32, #tpu.memory_space<vmem_shared>>
      tpu.wait_dma2 semaphore(%run_scoped3A : memref<!tpu.dma_semaphore, #tpu.memory_space<semaphore_mem>>) src(%arg9 : memref<128x64xf32, #tpu.memory_space<vmem>>) dst(%dma_wait3A_289 : memref<128x64xf32, #tpu.memory_space<vmem_shared>>)
      tpu.yield
    }) : () -> ()
    %mul3A_139 = arith.constant 624 : i32
    %mul3A_140 = arith.muli %arg1, %mul3A_139 : i32
    %add3A_141 = arith.constant 384 : i32
    %add3A_142 = arith.addi %mul3A_140, %add3A_141 : i32
    "tpu.region"() ({
      %run_scoped3A = tpu.sem_alloc : memref<!tpu.dma_semaphore, #tpu.memory_space<semaphore_mem>>
      %dma_start3A_282 = arith.constant 0 : i32
      %dma_start3A_283 = tpu.memref_slice %arg10[%add3A_142, %dma_start3A_282] : memref<10000x64xf32, #tpu.memory_space<vmem_shared>> -> memref<128x64xf32, #tpu.memory_space<vmem_shared>>
      %dma_start3A_284 = arith.constant 0 : i32
      %dma_start3A_285 = tpu.memref_slice %arg10[%add3A_142, %dma_start3A_284] : memref<10000x64xf32, #tpu.memory_space<vmem_shared>> -> memref<128x64xf32, #tpu.memory_space<vmem_shared>>
      tpu.enqueue_dma source(%arg9 : memref<128x64xf32, #tpu.memory_space<vmem>>) target(%dma_start3A_285 : memref<128x64xf32, #tpu.memory_space<vmem_shared>>) target_semaphore(%run_scoped3A : memref<!tpu.dma_semaphore, #tpu.memory_space<semaphore_mem>>)
      %dma_wait3A_286 = arith.constant 0 : i32
      %dma_wait3A_287 = tpu.memref_slice %arg10[%add3A_142, %dma_wait3A_286] : memref<10000x64xf32, #tpu.memory_space<vmem_shared>> -> memref<128x64xf32, #tpu.memory_space<vmem_shared>>
      %dma_wait3A_288 = arith.constant 0 : i32
      %dma_wait3A_289 = tpu.memref_slice %arg10[%add3A_142, %dma_wait3A_288] : memref<10000x64xf32, #tpu.memory_space<vmem_shared>> -> memref<128x64xf32, #tpu.memory_space<vmem_shared>>
      tpu.wait_dma2 semaphore(%run_scoped3A : memref<!tpu.dma_semaphore, #tpu.memory_space<semaphore_mem>>) src(%arg9 : memref<128x64xf32, #tpu.memory_space<vmem>>) dst(%dma_wait3A_289 : memref<128x64xf32, #tpu.memory_space<vmem_shared>>)
      tpu.yield
    }) : () -> ()
    %mul3A_143 = arith.constant 624 : i32
    %mul3A_144 = arith.muli %arg1, %mul3A_143 : i32
    %add3A_145 = arith.constant 512 : i32
    %add3A_146 = arith.addi %mul3A_144, %add3A_145 : i32
    "tpu.region"() ({
      %run_scoped3A = tpu.sem_alloc : memref<!tpu.dma_semaphore, #tpu.memory_space<semaphore_mem>>
      %dma_start3A_282 = arith.constant 0 : i32
      %dma_start3A_283 = tpu.memref_slice %arg10[%add3A_146, %dma_start3A_282] : memref<10000x64xf32, #tpu.memory_space<vmem_shared>> -> memref<128x64xf32, #tpu.memory_space<vmem_shared>>
      %dma_start3A_284 = arith.constant 0 : i32
      %dma_start3A_285 = tpu.memref_slice %arg10[%add3A_146, %dma_start3A_284] : memref<10000x64xf32, #tpu.memory_space<vmem_shared>> -> memref<128x64xf32, #tpu.memory_space<vmem_shared>>
      tpu.enqueue_dma source(%arg9 : memref<128x64xf32, #tpu.memory_space<vmem>>) target(%dma_start3A_285 : memref<128x64xf32, #tpu.memory_space<vmem_shared>>) target_semaphore(%run_scoped3A : memref<!tpu.dma_semaphore, #tpu.memory_space<semaphore_mem>>)
      %dma_wait3A_286 = arith.constant 0 : i32
      %dma_wait3A_287 = tpu.memref_slice %arg10[%add3A_146, %dma_wait3A_286] : memref<10000x64xf32, #tpu.memory_space<vmem_shared>> -> memref<128x64xf32, #tpu.memory_space<vmem_shared>>
      %dma_wait3A_288 = arith.constant 0 : i32
      %dma_wait3A_289 = tpu.memref_slice %arg10[%add3A_146, %dma_wait3A_288] : memref<10000x64xf32, #tpu.memory_space<vmem_shared>> -> memref<128x64xf32, #tpu.memory_space<vmem_shared>>
      tpu.wait_dma2 semaphore(%run_scoped3A : memref<!tpu.dma_semaphore, #tpu.memory_space<semaphore_mem>>) src(%arg9 : memref<128x64xf32, #tpu.memory_space<vmem>>) dst(%dma_wait3A_289 : memref<128x64xf32, #tpu.memory_space<vmem_shared>>)
      tpu.yield
    }) : () -> ()
    %barrier3A = arith.constant 0 : index
    tpu.barrier barrier_id(%barrier3A)
    %scan3A_147 = arith.constant 0 : i32
    %scan3A_148 = arith.constant 0 : i32
    %scan3A_149 = arith.constant 5 : i32
    %scan3A_150 = arith.addi %scan3A_148, %scan3A_149 : i32
    %scan3A_151 = arith.constant 1 : i32
    %scan3A_152 = scf.for %scan3A_282 = %scan3A_148 to %scan3A_150 step %scan3A_151 iter_args(%scan3A_283 = %scan3A_147) -> (i32)  : i32 {
      %gt3A = arith.constant 0 : i32
      %gt3A_284 = arith.cmpi sgt, %scan3A_282, %gt3A : i32
      %convert_element_type3A_285 = arith.extui %gt3A_284 : i1 to i32
      %cond3A_286 = arith.constant 0 : i32
      %cond3A_287 = arith.cmpi ne, %convert_element_type3A_285, %cond3A_286 : i32
      scf.if %cond3A_287 {
        %dma_wait3A_588 = arith.constant 0 : i32
        %dma_wait3A_589 = arith.constant 0 : i32
        %dma_wait3A_590 = arith.constant 0 : i32
        %dma_wait3A_591 = arith.constant 0 : i32
        %dma_wait3A_592 = arith.constant 0 : i32
        %dma_wait3A_593 = tpu.memref_slice %arg8[%dma_wait3A_588, %dma_wait3A_591, %dma_wait3A_592] : memref<8x125x64xf32, #tpu.memory_space<vmem>> -> memref<1x125x64xf32, #tpu.memory_space<vmem>>
        %dma_wait3A_594 = tpu.memref_squeeze %dma_wait3A_593 : memref<1x125x64xf32, #tpu.memory_space<vmem>> -> memref<125x64xf32, #tpu.memory_space<vmem>>
        %dma_wait3A_595 = arith.constant 0 : i32
        %dma_wait3A_596 = tpu.memref_slice %arg7[%dma_wait3A_589, %dma_wait3A_595] : memref<40x125xi32, #tpu.memory_space<vmem>> -> memref<1x125xi32, #tpu.memory_space<vmem>>
        %dma_wait3A_597 = tpu.memref_squeeze %dma_wait3A_596 : memref<1x125xi32, #tpu.memory_space<vmem>> -> memref<125xi32, #tpu.memory_space<vmem>>
        %dma_wait3A_598 = arith.constant 0 : i32
        %dma_wait3A_599 = arith.constant 0 : i32
        %dma_wait3A_600 = tpu.memref_slice %arg10[%dma_wait3A_598, %dma_wait3A_599] : memref<10000x64xf32, #tpu.memory_space<vmem_shared>> -> memref<10000x64xf32, #tpu.memory_space<vmem_shared>>
        %dma_wait3A_601 = tpu.memref_slice %arg12[%dma_wait3A_590] : memref<8x!tpu.dma_semaphore, #tpu.memory_space<semaphore_mem>> -> memref<1x!tpu.dma_semaphore, #tpu.memory_space<semaphore_mem>>
        %dma_wait3A_602 = tpu.memref_squeeze %dma_wait3A_601 : memref<1x!tpu.dma_semaphore, #tpu.memory_space<semaphore_mem>> -> memref<!tpu.dma_semaphore, #tpu.memory_space<semaphore_mem>>
        tpu.wait_indirect_dma semaphore(%dma_wait3A_602 : memref<!tpu.dma_semaphore, #tpu.memory_space<semaphore_mem>>) src(%dma_wait3A_594 : memref<125x64xf32, #tpu.memory_space<vmem>>) dst(%dma_wait3A_600 : memref<10000x64xf32, #tpu.memory_space<vmem_shared>>)
        %mul3A_603 = arith.constant 8 : i32
        %mul3A_604 = arith.muli %mul3A_603, %scan3A_282 : i32
        %add3A_605 = arith.constant 0 : i32
        %add3A_606 = arith.addi %mul3A_604, %add3A_605 : i32
        %dma_start3A_607 = arith.constant 0 : i32
        %dma_start3A_608 = arith.constant 0 : i32
        %dma_start3A_609 = arith.constant 0 : i32
        %dma_start3A_610 = arith.constant 0 : i32
        %dma_start3A_611 = tpu.memref_slice %arg8[%dma_start3A_607, %dma_start3A_609, %dma_start3A_610] : memref<8x125x64xf32, #tpu.memory_space<vmem>> -> memref<1x125x64xf32, #tpu.memory_space<vmem>>
        %dma_start3A_612 = tpu.memref_squeeze %dma_start3A_611 : memref<1x125x64xf32, #tpu.memory_space<vmem>> -> memref<125x64xf32, #tpu.memory_space<vmem>>
        %dma_start3A_613 = arith.constant 0 : i32
        %dma_start3A_614 = tpu.memref_slice %arg6[%add3A_606, %dma_start3A_613] : memref<40x125xi32, #tpu.memory_space<vmem>> -> memref<1x125xi32, #tpu.memory_space<vmem>>
        %dma_start3A_615 = tpu.memref_squeeze %dma_start3A_614 : memref<1x125xi32, #tpu.memory_space<vmem>> -> memref<125xi32, #tpu.memory_space<vmem>>
        %dma_start3A_616 = arith.constant 0 : i32
        %dma_start3A_617 = arith.constant 0 : i32
        %dma_start3A_618 = tpu.memref_slice %arg2[%dma_start3A_616, %dma_start3A_617] : memref<10000x64xf32, #tpu.memory_space<hbm>> -> memref<10000x64xf32, #tpu.memory_space<hbm>>
        %dma_start3A_619 = tpu.memref_slice %arg11[%dma_start3A_608] : memref<8x!tpu.dma_semaphore, #tpu.memory_space<semaphore_mem>> -> memref<1x!tpu.dma_semaphore, #tpu.memory_space<semaphore_mem>>
        %dma_start3A_620 = tpu.memref_squeeze %dma_start3A_619 : memref<1x!tpu.dma_semaphore, #tpu.memory_space<semaphore_mem>> -> memref<!tpu.dma_semaphore, #tpu.memory_space<semaphore_mem>>
        tpu.enqueue_indirect_dma source(%dma_start3A_618 : memref<10000x64xf32, #tpu.memory_space<hbm>>) target(%dma_start3A_612 : memref<125x64xf32, #tpu.memory_space<vmem>>) offsets(%dma_start3A_615 : memref<125xi32, #tpu.memory_space<vmem>>) semaphore(%dma_start3A_620 : memref<!tpu.dma_semaphore, #tpu.memory_space<semaphore_mem>>)
      } else {
      }
      %gt3A_288 = arith.constant 0 : i32
      %gt3A_289 = arith.cmpi sgt, %scan3A_282, %gt3A_288 : i32
      %convert_element_type3A_290 = arith.extui %gt3A_289 : i1 to i32
      %cond3A_291 = arith.constant 0 : i32
      %cond3A_292 = arith.cmpi ne, %convert_element_type3A_290, %cond3A_291 : i32
      scf.if %cond3A_292 {
        %dma_wait3A_588 = arith.constant 1 : i32
        %dma_wait3A_589 = arith.constant 0 : i32
        %dma_wait3A_590 = arith.constant 1 : i32
        %dma_wait3A_591 = arith.constant 0 : i32
        %dma_wait3A_592 = arith.constant 0 : i32
        %dma_wait3A_593 = tpu.memref_slice %arg8[%dma_wait3A_588, %dma_wait3A_591, %dma_wait3A_592] : memref<8x125x64xf32, #tpu.memory_space<vmem>> -> memref<1x125x64xf32, #tpu.memory_space<vmem>>
        %dma_wait3A_594 = tpu.memref_squeeze %dma_wait3A_593 : memref<1x125x64xf32, #tpu.memory_space<vmem>> -> memref<125x64xf32, #tpu.memory_space<vmem>>
        %dma_wait3A_595 = arith.constant 0 : i32
        %dma_wait3A_596 = tpu.memref_slice %arg7[%dma_wait3A_589, %dma_wait3A_595] : memref<40x125xi32, #tpu.memory_space<vmem>> -> memref<1x125xi32, #tpu.memory_space<vmem>>
        %dma_wait3A_597 = tpu.memref_squeeze %dma_wait3A_596 : memref<1x125xi32, #tpu.memory_space<vmem>> -> memref<125xi32, #tpu.memory_space<vmem>>
        %dma_wait3A_598 = arith.constant 0 : i32
        %dma_wait3A_599 = arith.constant 0 : i32
        %dma_wait3A_600 = tpu.memref_slice %arg10[%dma_wait3A_598, %dma_wait3A_599] : memref<10000x64xf32, #tpu.memory_space<vmem_shared>> -> memref<10000x64xf32, #tpu.memory_space<vmem_shared>>
        %dma_wait3A_601 = tpu.memref_slice %arg12[%dma_wait3A_590] : memref<8x!tpu.dma_semaphore, #tpu.memory_space<semaphore_mem>> -> memref<1x!tpu.dma_semaphore, #tpu.memory_space<semaphore_mem>>
        %dma_wait3A_602 = tpu.memref_squeeze %dma_wait3A_601 : memref<1x!tpu.dma_semaphore, #tpu.memory_space<semaphore_mem>> -> memref<!tpu.dma_semaphore, #tpu.memory_space<semaphore_mem>>
        tpu.wait_indirect_dma semaphore(%dma_wait3A_602 : memref<!tpu.dma_semaphore, #tpu.memory_space<semaphore_mem>>) src(%dma_wait3A_594 : memref<125x64xf32, #tpu.memory_space<vmem>>) dst(%dma_wait3A_600 : memref<10000x64xf32, #tpu.memory_space<vmem_shared>>)
        %mul3A_603 = arith.constant 8 : i32
        %mul3A_604 = arith.muli %mul3A_603, %scan3A_282 : i32
        %add3A_605 = arith.constant 1 : i32
        %add3A_606 = arith.addi %mul3A_604, %add3A_605 : i32
        %dma_start3A_607 = arith.constant 1 : i32
        %dma_start3A_608 = arith.constant 1 : i32
        %dma_start3A_609 = arith.constant 0 : i32
        %dma_start3A_610 = arith.constant 0 : i32
        %dma_start3A_611 = tpu.memref_slice %arg8[%dma_start3A_607, %dma_start3A_609, %dma_start3A_610] : memref<8x125x64xf32, #tpu.memory_space<vmem>> -> memref<1x125x64xf32, #tpu.memory_space<vmem>>
        %dma_start3A_612 = tpu.memref_squeeze %dma_start3A_611 : memref<1x125x64xf32, #tpu.memory_space<vmem>> -> memref<125x64xf32, #tpu.memory_space<vmem>>
        %dma_start3A_613 = arith.constant 0 : i32
        %dma_start3A_614 = tpu.memref_slice %arg6[%add3A_606, %dma_start3A_613] : memref<40x125xi32, #tpu.memory_space<vmem>> -> memref<1x125xi32, #tpu.memory_space<vmem>>
        %dma_start3A_615 = tpu.memref_squeeze %dma_start3A_614 : memref<1x125xi32, #tpu.memory_space<vmem>> -> memref<125xi32, #tpu.memory_space<vmem>>
        %dma_start3A_616 = arith.constant 0 : i32
        %dma_start3A_617 = arith.constant 0 : i32
        %dma_start3A_618 = tpu.memref_slice %arg2[%dma_start3A_616, %dma_start3A_617] : memref<10000x64xf32, #tpu.memory_space<hbm>> -> memref<10000x64xf32, #tpu.memory_space<hbm>>
        %dma_start3A_619 = tpu.memref_slice %arg11[%dma_start3A_608] : memref<8x!tpu.dma_semaphore, #tpu.memory_space<semaphore_mem>> -> memref<1x!tpu.dma_semaphore, #tpu.memory_space<semaphore_mem>>
        %dma_start3A_620 = tpu.memref_squeeze %dma_start3A_619 : memref<1x!tpu.dma_semaphore, #tpu.memory_space<semaphore_mem>> -> memref<!tpu.dma_semaphore, #tpu.memory_space<semaphore_mem>>
        tpu.enqueue_indirect_dma source(%dma_start3A_618 : memref<10000x64xf32, #tpu.memory_space<hbm>>) target(%dma_start3A_612 : memref<125x64xf32, #tpu.memory_space<vmem>>) offsets(%dma_start3A_615 : memref<125xi32, #tpu.memory_space<vmem>>) semaphore(%dma_start3A_620 : memref<!tpu.dma_semaphore, #tpu.memory_space<semaphore_mem>>)
      } else {
      }
      %gt3A_293 = arith.constant 0 : i32
      %gt3A_294 = arith.cmpi sgt, %scan3A_282, %gt3A_293 : i32
      %convert_element_type3A_295 = arith.extui %gt3A_294 : i1 to i32
      %cond3A_296 = arith.constant 0 : i32
      %cond3A_297 = arith.cmpi ne, %convert_element_type3A_295, %cond3A_296 : i32
      scf.if %cond3A_297 {
        %dma_wait3A_588 = arith.constant 2 : i32
        %dma_wait3A_589 = arith.constant 0 : i32
        %dma_wait3A_590 = arith.constant 2 : i32
        %dma_wait3A_591 = arith.constant 0 : i32
        %dma_wait3A_592 = arith.constant 0 : i32
        %dma_wait3A_593 = tpu.memref_slice %arg8[%dma_wait3A_588, %dma_wait3A_591, %dma_wait3A_592] : memref<8x125x64xf32, #tpu.memory_space<vmem>> -> memref<1x125x64xf32, #tpu.memory_space<vmem>>
        %dma_wait3A_594 = tpu.memref_squeeze %dma_wait3A_593 : memref<1x125x64xf32, #tpu.memory_space<vmem>> -> memref<125x64xf32, #tpu.memory_space<vmem>>
        %dma_wait3A_595 = arith.constant 0 : i32
        %dma_wait3A_596 = tpu.memref_slice %arg7[%dma_wait3A_589, %dma_wait3A_595] : memref<40x125xi32, #tpu.memory_space<vmem>> -> memref<1x125xi32, #tpu.memory_space<vmem>>
        %dma_wait3A_597 = tpu.memref_squeeze %dma_wait3A_596 : memref<1x125xi32, #tpu.memory_space<vmem>> -> memref<125xi32, #tpu.memory_space<vmem>>
        %dma_wait3A_598 = arith.constant 0 : i32
        %dma_wait3A_599 = arith.constant 0 : i32
        %dma_wait3A_600 = tpu.memref_slice %arg10[%dma_wait3A_598, %dma_wait3A_599] : memref<10000x64xf32, #tpu.memory_space<vmem_shared>> -> memref<10000x64xf32, #tpu.memory_space<vmem_shared>>
        %dma_wait3A_601 = tpu.memref_slice %arg12[%dma_wait3A_590] : memref<8x!tpu.dma_semaphore, #tpu.memory_space<semaphore_mem>> -> memref<1x!tpu.dma_semaphore, #tpu.memory_space<semaphore_mem>>
        %dma_wait3A_602 = tpu.memref_squeeze %dma_wait3A_601 : memref<1x!tpu.dma_semaphore, #tpu.memory_space<semaphore_mem>> -> memref<!tpu.dma_semaphore, #tpu.memory_space<semaphore_mem>>
        tpu.wait_indirect_dma semaphore(%dma_wait3A_602 : memref<!tpu.dma_semaphore, #tpu.memory_space<semaphore_mem>>) src(%dma_wait3A_594 : memref<125x64xf32, #tpu.memory_space<vmem>>) dst(%dma_wait3A_600 : memref<10000x64xf32, #tpu.memory_space<vmem_shared>>)
        %mul3A_603 = arith.constant 8 : i32
        %mul3A_604 = arith.muli %mul3A_603, %scan3A_282 : i32
        %add3A_605 = arith.constant 2 : i32
        %add3A_606 = arith.addi %mul3A_604, %add3A_605 : i32
        %dma_start3A_607 = arith.constant 2 : i32
        %dma_start3A_608 = arith.constant 2 : i32
        %dma_start3A_609 = arith.constant 0 : i32
        %dma_start3A_610 = arith.constant 0 : i32
        %dma_start3A_611 = tpu.memref_slice %arg8[%dma_start3A_607, %dma_start3A_609, %dma_start3A_610] : memref<8x125x64xf32, #tpu.memory_space<vmem>> -> memref<1x125x64xf32, #tpu.memory_space<vmem>>
        %dma_start3A_612 = tpu.memref_squeeze %dma_start3A_611 : memref<1x125x64xf32, #tpu.memory_space<vmem>> -> memref<125x64xf32, #tpu.memory_space<vmem>>
        %dma_start3A_613 = arith.constant 0 : i32
        %dma_start3A_614 = tpu.memref_slice %arg6[%add3A_606, %dma_start3A_613] : memref<40x125xi32, #tpu.memory_space<vmem>> -> memref<1x125xi32, #tpu.memory_space<vmem>>
        %dma_start3A_615 = tpu.memref_squeeze %dma_start3A_614 : memref<1x125xi32, #tpu.memory_space<vmem>> -> memref<125xi32, #tpu.memory_space<vmem>>
        %dma_start3A_616 = arith.constant 0 : i32
        %dma_start3A_617 = arith.constant 0 : i32
        %dma_start3A_618 = tpu.memref_slice %arg2[%dma_start3A_616, %dma_start3A_617] : memref<10000x64xf32, #tpu.memory_space<hbm>> -> memref<10000x64xf32, #tpu.memory_space<hbm>>
        %dma_start3A_619 = tpu.memref_slice %arg11[%dma_start3A_608] : memref<8x!tpu.dma_semaphore, #tpu.memory_space<semaphore_mem>> -> memref<1x!tpu.dma_semaphore, #tpu.memory_space<semaphore_mem>>
        %dma_start3A_620 = tpu.memref_squeeze %dma_start3A_619 : memref<1x!tpu.dma_semaphore, #tpu.memory_space<semaphore_mem>> -> memref<!tpu.dma_semaphore, #tpu.memory_space<semaphore_mem>>
        tpu.enqueue_indirect_dma source(%dma_start3A_618 : memref<10000x64xf32, #tpu.memory_space<hbm>>) target(%dma_start3A_612 : memref<125x64xf32, #tpu.memory_space<vmem>>) offsets(%dma_start3A_615 : memref<125xi32, #tpu.memory_space<vmem>>) semaphore(%dma_start3A_620 : memref<!tpu.dma_semaphore, #tpu.memory_space<semaphore_mem>>)
      } else {
      }
      %gt3A_298 = arith.constant 0 : i32
      %gt3A_299 = arith.cmpi sgt, %scan3A_282, %gt3A_298 : i32
      %convert_element_type3A_300 = arith.extui %gt3A_299 : i1 to i32
      %cond3A_301 = arith.constant 0 : i32
      %cond3A_302 = arith.cmpi ne, %convert_element_type3A_300, %cond3A_301 : i32
      scf.if %cond3A_302 {
        %dma_wait3A_588 = arith.constant 3 : i32
        %dma_wait3A_589 = arith.constant 0 : i32
        %dma_wait3A_590 = arith.constant 3 : i32
        %dma_wait3A_591 = arith.constant 0 : i32
        %dma_wait3A_592 = arith.constant 0 : i32
        %dma_wait3A_593 = tpu.memref_slice %arg8[%dma_wait3A_588, %dma_wait3A_591, %dma_wait3A_592] : memref<8x125x64xf32, #tpu.memory_space<vmem>> -> memref<1x125x64xf32, #tpu.memory_space<vmem>>
        %dma_wait3A_594 = tpu.memref_squeeze %dma_wait3A_593 : memref<1x125x64xf32, #tpu.memory_space<vmem>> -> memref<125x64xf32, #tpu.memory_space<vmem>>
        %dma_wait3A_595 = arith.constant 0 : i32
        %dma_wait3A_596 = tpu.memref_slice %arg7[%dma_wait3A_589, %dma_wait3A_595] : memref<40x125xi32, #tpu.memory_space<vmem>> -> memref<1x125xi32, #tpu.memory_space<vmem>>
        %dma_wait3A_597 = tpu.memref_squeeze %dma_wait3A_596 : memref<1x125xi32, #tpu.memory_space<vmem>> -> memref<125xi32, #tpu.memory_space<vmem>>
        %dma_wait3A_598 = arith.constant 0 : i32
        %dma_wait3A_599 = arith.constant 0 : i32
        %dma_wait3A_600 = tpu.memref_slice %arg10[%dma_wait3A_598, %dma_wait3A_599] : memref<10000x64xf32, #tpu.memory_space<vmem_shared>> -> memref<10000x64xf32, #tpu.memory_space<vmem_shared>>
        %dma_wait3A_601 = tpu.memref_slice %arg12[%dma_wait3A_590] : memref<8x!tpu.dma_semaphore, #tpu.memory_space<semaphore_mem>> -> memref<1x!tpu.dma_semaphore, #tpu.memory_space<semaphore_mem>>
        %dma_wait3A_602 = tpu.memref_squeeze %dma_wait3A_601 : memref<1x!tpu.dma_semaphore, #tpu.memory_space<semaphore_mem>> -> memref<!tpu.dma_semaphore, #tpu.memory_space<semaphore_mem>>
        tpu.wait_indirect_dma semaphore(%dma_wait3A_602 : memref<!tpu.dma_semaphore, #tpu.memory_space<semaphore_mem>>) src(%dma_wait3A_594 : memref<125x64xf32, #tpu.memory_space<vmem>>) dst(%dma_wait3A_600 : memref<10000x64xf32, #tpu.memory_space<vmem_shared>>)
        %mul3A_603 = arith.constant 8 : i32
        %mul3A_604 = arith.muli %mul3A_603, %scan3A_282 : i32
        %add3A_605 = arith.constant 3 : i32
        %add3A_606 = arith.addi %mul3A_604, %add3A_605 : i32
        %dma_start3A_607 = arith.constant 3 : i32
        %dma_start3A_608 = arith.constant 3 : i32
        %dma_start3A_609 = arith.constant 0 : i32
        %dma_start3A_610 = arith.constant 0 : i32
        %dma_start3A_611 = tpu.memref_slice %arg8[%dma_start3A_607, %dma_start3A_609, %dma_start3A_610] : memref<8x125x64xf32, #tpu.memory_space<vmem>> -> memref<1x125x64xf32, #tpu.memory_space<vmem>>
        %dma_start3A_612 = tpu.memref_squeeze %dma_start3A_611 : memref<1x125x64xf32, #tpu.memory_space<vmem>> -> memref<125x64xf32, #tpu.memory_space<vmem>>
        %dma_start3A_613 = arith.constant 0 : i32
        %dma_start3A_614 = tpu.memref_slice %arg6[%add3A_606, %dma_start3A_613] : memref<40x125xi32, #tpu.memory_space<vmem>> -> memref<1x125xi32, #tpu.memory_space<vmem>>
        %dma_start3A_615 = tpu.memref_squeeze %dma_start3A_614 : memref<1x125xi32, #tpu.memory_space<vmem>> -> memref<125xi32, #tpu.memory_space<vmem>>
        %dma_start3A_616 = arith.constant 0 : i32
        %dma_start3A_617 = arith.constant 0 : i32
        %dma_start3A_618 = tpu.memref_slice %arg2[%dma_start3A_616, %dma_start3A_617] : memref<10000x64xf32, #tpu.memory_space<hbm>> -> memref<10000x64xf32, #tpu.memory_space<hbm>>
        %dma_start3A_619 = tpu.memref_slice %arg11[%dma_start3A_608] : memref<8x!tpu.dma_semaphore, #tpu.memory_space<semaphore_mem>> -> memref<1x!tpu.dma_semaphore, #tpu.memory_space<semaphore_mem>>
        %dma_start3A_620 = tpu.memref_squeeze %dma_start3A_619 : memref<1x!tpu.dma_semaphore, #tpu.memory_space<semaphore_mem>> -> memref<!tpu.dma_semaphore, #tpu.memory_space<semaphore_mem>>
        tpu.enqueue_indirect_dma source(%dma_start3A_618 : memref<10000x64xf32, #tpu.memory_space<hbm>>) target(%dma_start3A_612 : memref<125x64xf32, #tpu.memory_space<vmem>>) offsets(%dma_start3A_615 : memref<125xi32, #tpu.memory_space<vmem>>) semaphore(%dma_start3A_620 : memref<!tpu.dma_semaphore, #tpu.memory_space<semaphore_mem>>)
      } else {
      }
      %gt3A_303 = arith.constant 0 : i32
      %gt3A_304 = arith.cmpi sgt, %scan3A_282, %gt3A_303 : i32
      %convert_element_type3A_305 = arith.extui %gt3A_304 : i1 to i32
      %cond3A_306 = arith.constant 0 : i32
      %cond3A_307 = arith.cmpi ne, %convert_element_type3A_305, %cond3A_306 : i32
      scf.if %cond3A_307 {
        %dma_wait3A_588 = arith.constant 4 : i32
        %dma_wait3A_589 = arith.constant 0 : i32
        %dma_wait3A_590 = arith.constant 4 : i32
        %dma_wait3A_591 = arith.constant 0 : i32
        %dma_wait3A_592 = arith.constant 0 : i32
        %dma_wait3A_593 = tpu.memref_slice %arg8[%dma_wait3A_588, %dma_wait3A_591, %dma_wait3A_592] : memref<8x125x64xf32, #tpu.memory_space<vmem>> -> memref<1x125x64xf32, #tpu.memory_space<vmem>>
        %dma_wait3A_594 = tpu.memref_squeeze %dma_wait3A_593 : memref<1x125x64xf32, #tpu.memory_space<vmem>> -> memref<125x64xf32, #tpu.memory_space<vmem>>
        %dma_wait3A_595 = arith.constant 0 : i32
        %dma_wait3A_596 = tpu.memref_slice %arg7[%dma_wait3A_589, %dma_wait3A_595] : memref<40x125xi32, #tpu.memory_space<vmem>> -> memref<1x125xi32, #tpu.memory_space<vmem>>
        %dma_wait3A_597 = tpu.memref_squeeze %dma_wait3A_596 : memref<1x125xi32, #tpu.memory_space<vmem>> -> memref<125xi32, #tpu.memory_space<vmem>>
        %dma_wait3A_598 = arith.constant 0 : i32
        %dma_wait3A_599 = arith.constant 0 : i32
        %dma_wait3A_600 = tpu.memref_slice %arg10[%dma_wait3A_598, %dma_wait3A_599] : memref<10000x64xf32, #tpu.memory_space<vmem_shared>> -> memref<10000x64xf32, #tpu.memory_space<vmem_shared>>
        %dma_wait3A_601 = tpu.memref_slice %arg12[%dma_wait3A_590] : memref<8x!tpu.dma_semaphore, #tpu.memory_space<semaphore_mem>> -> memref<1x!tpu.dma_semaphore, #tpu.memory_space<semaphore_mem>>
        %dma_wait3A_602 = tpu.memref_squeeze %dma_wait3A_601 : memref<1x!tpu.dma_semaphore, #tpu.memory_space<semaphore_mem>> -> memref<!tpu.dma_semaphore, #tpu.memory_space<semaphore_mem>>
        tpu.wait_indirect_dma semaphore(%dma_wait3A_602 : memref<!tpu.dma_semaphore, #tpu.memory_space<semaphore_mem>>) src(%dma_wait3A_594 : memref<125x64xf32, #tpu.memory_space<vmem>>) dst(%dma_wait3A_600 : memref<10000x64xf32, #tpu.memory_space<vmem_shared>>)
        %mul3A_603 = arith.constant 8 : i32
        %mul3A_604 = arith.muli %mul3A_603, %scan3A_282 : i32
        %add3A_605 = arith.constant 4 : i32
        %add3A_606 = arith.addi %mul3A_604, %add3A_605 : i32
        %dma_start3A_607 = arith.constant 4 : i32
        %dma_start3A_608 = arith.constant 4 : i32
        %dma_start3A_609 = arith.constant 0 : i32
        %dma_start3A_610 = arith.constant 0 : i32
        %dma_start3A_611 = tpu.memref_slice %arg8[%dma_start3A_607, %dma_start3A_609, %dma_start3A_610] : memref<8x125x64xf32, #tpu.memory_space<vmem>> -> memref<1x125x64xf32, #tpu.memory_space<vmem>>
        %dma_start3A_612 = tpu.memref_squeeze %dma_start3A_611 : memref<1x125x64xf32, #tpu.memory_space<vmem>> -> memref<125x64xf32, #tpu.memory_space<vmem>>
        %dma_start3A_613 = arith.constant 0 : i32
        %dma_start3A_614 = tpu.memref_slice %arg6[%add3A_606, %dma_start3A_613] : memref<40x125xi32, #tpu.memory_space<vmem>> -> memref<1x125xi32, #tpu.memory_space<vmem>>
        %dma_start3A_615 = tpu.memref_squeeze %dma_start3A_614 : memref<1x125xi32, #tpu.memory_space<vmem>> -> memref<125xi32, #tpu.memory_space<vmem>>
        %dma_start3A_616 = arith.constant 0 : i32
        %dma_start3A_617 = arith.constant 0 : i32
        %dma_start3A_618 = tpu.memref_slice %arg2[%dma_start3A_616, %dma_start3A_617] : memref<10000x64xf32, #tpu.memory_space<hbm>> -> memref<10000x64xf32, #tpu.memory_space<hbm>>
        %dma_start3A_619 = tpu.memref_slice %arg11[%dma_start3A_608] : memref<8x!tpu.dma_semaphore, #tpu.memory_space<semaphore_mem>> -> memref<1x!tpu.dma_semaphore, #tpu.memory_space<semaphore_mem>>
        %dma_start3A_620 = tpu.memref_squeeze %dma_start3A_619 : memref<1x!tpu.dma_semaphore, #tpu.memory_space<semaphore_mem>> -> memref<!tpu.dma_semaphore, #tpu.memory_space<semaphore_mem>>
        tpu.enqueue_indirect_dma source(%dma_start3A_618 : memref<10000x64xf32, #tpu.memory_space<hbm>>) target(%dma_start3A_612 : memref<125x64xf32, #tpu.memory_space<vmem>>) offsets(%dma_start3A_615 : memref<125xi32, #tpu.memory_space<vmem>>) semaphore(%dma_start3A_620 : memref<!tpu.dma_semaphore, #tpu.memory_space<semaphore_mem>>)
      } else {
      }
      %gt3A_308 = arith.constant 0 : i32
      %gt3A_309 = arith.cmpi sgt, %scan3A_282, %gt3A_308 : i32
      %convert_element_type3A_310 = arith.extui %gt3A_309 : i1 to i32
      %cond3A_311 = arith.constant 0 : i32
      %cond3A_312 = arith.cmpi ne, %convert_element_type3A_310, %cond3A_311 : i32
      scf.if %cond3A_312 {
        %dma_wait3A_588 = arith.constant 5 : i32
        %dma_wait3A_589 = arith.constant 0 : i32
        %dma_wait3A_590 = arith.constant 5 : i32
        %dma_wait3A_591 = arith.constant 0 : i32
        %dma_wait3A_592 = arith.constant 0 : i32
        %dma_wait3A_593 = tpu.memref_slice %arg8[%dma_wait3A_588, %dma_wait3A_591, %dma_wait3A_592] : memref<8x125x64xf32, #tpu.memory_space<vmem>> -> memref<1x125x64xf32, #tpu.memory_space<vmem>>
        %dma_wait3A_594 = tpu.memref_squeeze %dma_wait3A_593 : memref<1x125x64xf32, #tpu.memory_space<vmem>> -> memref<125x64xf32, #tpu.memory_space<vmem>>
        %dma_wait3A_595 = arith.constant 0 : i32
        %dma_wait3A_596 = tpu.memref_slice %arg7[%dma_wait3A_589, %dma_wait3A_595] : memref<40x125xi32, #tpu.memory_space<vmem>> -> memref<1x125xi32, #tpu.memory_space<vmem>>
        %dma_wait3A_597 = tpu.memref_squeeze %dma_wait3A_596 : memref<1x125xi32, #tpu.memory_space<vmem>> -> memref<125xi32, #tpu.memory_space<vmem>>
        %dma_wait3A_598 = arith.constant 0 : i32
        %dma_wait3A_599 = arith.constant 0 : i32
        %dma_wait3A_600 = tpu.memref_slice %arg10[%dma_wait3A_598, %dma_wait3A_599] : memref<10000x64xf32, #tpu.memory_space<vmem_shared>> -> memref<10000x64xf32, #tpu.memory_space<vmem_shared>>
        %dma_wait3A_601 = tpu.memref_slice %arg12[%dma_wait3A_590] : memref<8x!tpu.dma_semaphore, #tpu.memory_space<semaphore_mem>> -> memref<1x!tpu.dma_semaphore, #tpu.memory_space<semaphore_mem>>
        %dma_wait3A_602 = tpu.memref_squeeze %dma_wait3A_601 : memref<1x!tpu.dma_semaphore, #tpu.memory_space<semaphore_mem>> -> memref<!tpu.dma_semaphore, #tpu.memory_space<semaphore_mem>>
        tpu.wait_indirect_dma semaphore(%dma_wait3A_602 : memref<!tpu.dma_semaphore, #tpu.memory_space<semaphore_mem>>) src(%dma_wait3A_594 : memref<125x64xf32, #tpu.memory_space<vmem>>) dst(%dma_wait3A_600 : memref<10000x64xf32, #tpu.memory_space<vmem_shared>>)
        %mul3A_603 = arith.constant 8 : i32
        %mul3A_604 = arith.muli %mul3A_603, %scan3A_282 : i32
        %add3A_605 = arith.constant 5 : i32
        %add3A_606 = arith.addi %mul3A_604, %add3A_605 : i32
        %dma_start3A_607 = arith.constant 5 : i32
        %dma_start3A_608 = arith.constant 5 : i32
        %dma_start3A_609 = arith.constant 0 : i32
        %dma_start3A_610 = arith.constant 0 : i32
        %dma_start3A_611 = tpu.memref_slice %arg8[%dma_start3A_607, %dma_start3A_609, %dma_start3A_610] : memref<8x125x64xf32, #tpu.memory_space<vmem>> -> memref<1x125x64xf32, #tpu.memory_space<vmem>>
        %dma_start3A_612 = tpu.memref_squeeze %dma_start3A_611 : memref<1x125x64xf32, #tpu.memory_space<vmem>> -> memref<125x64xf32, #tpu.memory_space<vmem>>
        %dma_start3A_613 = arith.constant 0 : i32
        %dma_start3A_614 = tpu.memref_slice %arg6[%add3A_606, %dma_start3A_613] : memref<40x125xi32, #tpu.memory_space<vmem>> -> memref<1x125xi32, #tpu.memory_space<vmem>>
        %dma_start3A_615 = tpu.memref_squeeze %dma_start3A_614 : memref<1x125xi32, #tpu.memory_space<vmem>> -> memref<125xi32, #tpu.memory_space<vmem>>
        %dma_start3A_616 = arith.constant 0 : i32
        %dma_start3A_617 = arith.constant 0 : i32
        %dma_start3A_618 = tpu.memref_slice %arg2[%dma_start3A_616, %dma_start3A_617] : memref<10000x64xf32, #tpu.memory_space<hbm>> -> memref<10000x64xf32, #tpu.memory_space<hbm>>
        %dma_start3A_619 = tpu.memref_slice %arg11[%dma_start3A_608] : memref<8x!tpu.dma_semaphore, #tpu.memory_space<semaphore_mem>> -> memref<1x!tpu.dma_semaphore, #tpu.memory_space<semaphore_mem>>
        %dma_start3A_620 = tpu.memref_squeeze %dma_start3A_619 : memref<1x!tpu.dma_semaphore, #tpu.memory_space<semaphore_mem>> -> memref<!tpu.dma_semaphore, #tpu.memory_space<semaphore_mem>>
        tpu.enqueue_indirect_dma source(%dma_start3A_618 : memref<10000x64xf32, #tpu.memory_space<hbm>>) target(%dma_start3A_612 : memref<125x64xf32, #tpu.memory_space<vmem>>) offsets(%dma_start3A_615 : memref<125xi32, #tpu.memory_space<vmem>>) semaphore(%dma_start3A_620 : memref<!tpu.dma_semaphore, #tpu.memory_space<semaphore_mem>>)
      } else {
      }
      %gt3A_313 = arith.constant 0 : i32
      %gt3A_314 = arith.cmpi sgt, %scan3A_282, %gt3A_313 : i32
      %convert_element_type3A_315 = arith.extui %gt3A_314 : i1 to i32
      %cond3A_316 = arith.constant 0 : i32
      %cond3A_317 = arith.cmpi ne, %convert_element_type3A_315, %cond3A_316 : i32
      scf.if %cond3A_317 {
        %dma_wait3A_588 = arith.constant 6 : i32
        %dma_wait3A_589 = arith.constant 0 : i32
        %dma_wait3A_590 = arith.constant 6 : i32
        %dma_wait3A_591 = arith.constant 0 : i32
        %dma_wait3A_592 = arith.constant 0 : i32
        %dma_wait3A_593 = tpu.memref_slice %arg8[%dma_wait3A_588, %dma_wait3A_591, %dma_wait3A_592] : memref<8x125x64xf32, #tpu.memory_space<vmem>> -> memref<1x125x64xf32, #tpu.memory_space<vmem>>
        %dma_wait3A_594 = tpu.memref_squeeze %dma_wait3A_593 : memref<1x125x64xf32, #tpu.memory_space<vmem>> -> memref<125x64xf32, #tpu.memory_space<vmem>>
        %dma_wait3A_595 = arith.constant 0 : i32
        %dma_wait3A_596 = tpu.memref_slice %arg7[%dma_wait3A_589, %dma_wait3A_595] : memref<40x125xi32, #tpu.memory_space<vmem>> -> memref<1x125xi32, #tpu.memory_space<vmem>>
        %dma_wait3A_597 = tpu.memref_squeeze %dma_wait3A_596 : memref<1x125xi32, #tpu.memory_space<vmem>> -> memref<125xi32, #tpu.memory_space<vmem>>
        %dma_wait3A_598 = arith.constant 0 : i32
        %dma_wait3A_599 = arith.constant 0 : i32
        %dma_wait3A_600 = tpu.memref_slice %arg10[%dma_wait3A_598, %dma_wait3A_599] : memref<10000x64xf32, #tpu.memory_space<vmem_shared>> -> memref<10000x64xf32, #tpu.memory_space<vmem_shared>>
        %dma_wait3A_601 = tpu.memref_slice %arg12[%dma_wait3A_590] : memref<8x!tpu.dma_semaphore, #tpu.memory_space<semaphore_mem>> -> memref<1x!tpu.dma_semaphore, #tpu.memory_space<semaphore_mem>>
        %dma_wait3A_602 = tpu.memref_squeeze %dma_wait3A_601 : memref<1x!tpu.dma_semaphore, #tpu.memory_space<semaphore_mem>> -> memref<!tpu.dma_semaphore, #tpu.memory_space<semaphore_mem>>
        tpu.wait_indirect_dma semaphore(%dma_wait3A_602 : memref<!tpu.dma_semaphore, #tpu.memory_space<semaphore_mem>>) src(%dma_wait3A_594 : memref<125x64xf32, #tpu.memory_space<vmem>>) dst(%dma_wait3A_600 : memref<10000x64xf32, #tpu.memory_space<vmem_shared>>)
        %mul3A_603 = arith.constant 8 : i32
        %mul3A_604 = arith.muli %mul3A_603, %scan3A_282 : i32
        %add3A_605 = arith.constant 6 : i32
        %add3A_606 = arith.addi %mul3A_604, %add3A_605 : i32
        %dma_start3A_607 = arith.constant 6 : i32
        %dma_start3A_608 = arith.constant 6 : i32
        %dma_start3A_609 = arith.constant 0 : i32
        %dma_start3A_610 = arith.constant 0 : i32
        %dma_start3A_611 = tpu.memref_slice %arg8[%dma_start3A_607, %dma_start3A_609, %dma_start3A_610] : memref<8x125x64xf32, #tpu.memory_space<vmem>> -> memref<1x125x64xf32, #tpu.memory_space<vmem>>
        %dma_start3A_612 = tpu.memref_squeeze %dma_start3A_611 : memref<1x125x64xf32, #tpu.memory_space<vmem>> -> memref<125x64xf32, #tpu.memory_space<vmem>>
        %dma_start3A_613 = arith.constant 0 : i32
        %dma_start3A_614 = tpu.memref_slice %arg6[%add3A_606, %dma_start3A_613] : memref<40x125xi32, #tpu.memory_space<vmem>> -> memref<1x125xi32, #tpu.memory_space<vmem>>
        %dma_start3A_615 = tpu.memref_squeeze %dma_start3A_614 : memref<1x125xi32, #tpu.memory_space<vmem>> -> memref<125xi32, #tpu.memory_space<vmem>>
        %dma_start3A_616 = arith.constant 0 : i32
        %dma_start3A_617 = arith.constant 0 : i32
        %dma_start3A_618 = tpu.memref_slice %arg2[%dma_start3A_616, %dma_start3A_617] : memref<10000x64xf32, #tpu.memory_space<hbm>> -> memref<10000x64xf32, #tpu.memory_space<hbm>>
        %dma_start3A_619 = tpu.memref_slice %arg11[%dma_start3A_608] : memref<8x!tpu.dma_semaphore, #tpu.memory_space<semaphore_mem>> -> memref<1x!tpu.dma_semaphore, #tpu.memory_space<semaphore_mem>>
        %dma_start3A_620 = tpu.memref_squeeze %dma_start3A_619 : memref<1x!tpu.dma_semaphore, #tpu.memory_space<semaphore_mem>> -> memref<!tpu.dma_semaphore, #tpu.memory_space<semaphore_mem>>
        tpu.enqueue_indirect_dma source(%dma_start3A_618 : memref<10000x64xf32, #tpu.memory_space<hbm>>) target(%dma_start3A_612 : memref<125x64xf32, #tpu.memory_space<vmem>>) offsets(%dma_start3A_615 : memref<125xi32, #tpu.memory_space<vmem>>) semaphore(%dma_start3A_620 : memref<!tpu.dma_semaphore, #tpu.memory_space<semaphore_mem>>)
      } else {
      }
      %gt3A_318 = arith.constant 0 : i32
      %gt3A_319 = arith.cmpi sgt, %scan3A_282, %gt3A_318 : i32
      %convert_element_type3A_320 = arith.extui %gt3A_319 : i1 to i32
      %cond3A_321 = arith.constant 0 : i32
      %cond3A_322 = arith.cmpi ne, %convert_element_type3A_320, %cond3A_321 : i32
      scf.if %cond3A_322 {
        %dma_wait3A_588 = arith.constant 7 : i32
        %dma_wait3A_589 = arith.constant 0 : i32
        %dma_wait3A_590 = arith.constant 7 : i32
        %dma_wait3A_591 = arith.constant 0 : i32
        %dma_wait3A_592 = arith.constant 0 : i32
        %dma_wait3A_593 = tpu.memref_slice %arg8[%dma_wait3A_588, %dma_wait3A_591, %dma_wait3A_592] : memref<8x125x64xf32, #tpu.memory_space<vmem>> -> memref<1x125x64xf32, #tpu.memory_space<vmem>>
        %dma_wait3A_594 = tpu.memref_squeeze %dma_wait3A_593 : memref<1x125x64xf32, #tpu.memory_space<vmem>> -> memref<125x64xf32, #tpu.memory_space<vmem>>
        %dma_wait3A_595 = arith.constant 0 : i32
        %dma_wait3A_596 = tpu.memref_slice %arg7[%dma_wait3A_589, %dma_wait3A_595] : memref<40x125xi32, #tpu.memory_space<vmem>> -> memref<1x125xi32, #tpu.memory_space<vmem>>
        %dma_wait3A_597 = tpu.memref_squeeze %dma_wait3A_596 : memref<1x125xi32, #tpu.memory_space<vmem>> -> memref<125xi32, #tpu.memory_space<vmem>>
        %dma_wait3A_598 = arith.constant 0 : i32
        %dma_wait3A_599 = arith.constant 0 : i32
        %dma_wait3A_600 = tpu.memref_slice %arg10[%dma_wait3A_598, %dma_wait3A_599] : memref<10000x64xf32, #tpu.memory_space<vmem_shared>> -> memref<10000x64xf32, #tpu.memory_space<vmem_shared>>
        %dma_wait3A_601 = tpu.memref_slice %arg12[%dma_wait3A_590] : memref<8x!tpu.dma_semaphore, #tpu.memory_space<semaphore_mem>> -> memref<1x!tpu.dma_semaphore, #tpu.memory_space<semaphore_mem>>
        %dma_wait3A_602 = tpu.memref_squeeze %dma_wait3A_601 : memref<1x!tpu.dma_semaphore, #tpu.memory_space<semaphore_mem>> -> memref<!tpu.dma_semaphore, #tpu.memory_space<semaphore_mem>>
        tpu.wait_indirect_dma semaphore(%dma_wait3A_602 : memref<!tpu.dma_semaphore, #tpu.memory_space<semaphore_mem>>) src(%dma_wait3A_594 : memref<125x64xf32, #tpu.memory_space<vmem>>) dst(%dma_wait3A_600 : memref<10000x64xf32, #tpu.memory_space<vmem_shared>>)
        %mul3A_603 = arith.constant 8 : i32
        %mul3A_604 = arith.muli %mul3A_603, %scan3A_282 : i32
        %add3A_605 = arith.constant 7 : i32
        %add3A_606 = arith.addi %mul3A_604, %add3A_605 : i32
        %dma_start3A_607 = arith.constant 7 : i32
        %dma_start3A_608 = arith.constant 7 : i32
        %dma_start3A_609 = arith.constant 0 : i32
        %dma_start3A_610 = arith.constant 0 : i32
        %dma_start3A_611 = tpu.memref_slice %arg8[%dma_start3A_607, %dma_start3A_609, %dma_start3A_610] : memref<8x125x64xf32, #tpu.memory_space<vmem>> -> memref<1x125x64xf32, #tpu.memory_space<vmem>>
        %dma_start3A_612 = tpu.memref_squeeze %dma_start3A_611 : memref<1x125x64xf32, #tpu.memory_space<vmem>> -> memref<125x64xf32, #tpu.memory_space<vmem>>
        %dma_start3A_613 = arith.constant 0 : i32
        %dma_start3A_614 = tpu.memref_slice %arg6[%add3A_606, %dma_start3A_613] : memref<40x125xi32, #tpu.memory_space<vmem>> -> memref<1x125xi32, #tpu.memory_space<vmem>>
        %dma_start3A_615 = tpu.memref_squeeze %dma_start3A_614 : memref<1x125xi32, #tpu.memory_space<vmem>> -> memref<125xi32, #tpu.memory_space<vmem>>
        %dma_start3A_616 = arith.constant 0 : i32
        %dma_start3A_617 = arith.constant 0 : i32
        %dma_start3A_618 = tpu.memref_slice %arg2[%dma_start3A_616, %dma_start3A_617] : memref<10000x64xf32, #tpu.memory_space<hbm>> -> memref<10000x64xf32, #tpu.memory_space<hbm>>
        %dma_start3A_619 = tpu.memref_slice %arg11[%dma_start3A_608] : memref<8x!tpu.dma_semaphore, #tpu.memory_space<semaphore_mem>> -> memref<1x!tpu.dma_semaphore, #tpu.memory_space<semaphore_mem>>
        %dma_start3A_620 = tpu.memref_squeeze %dma_start3A_619 : memref<1x!tpu.dma_semaphore, #tpu.memory_space<semaphore_mem>> -> memref<!tpu.dma_semaphore, #tpu.memory_space<semaphore_mem>>
        tpu.enqueue_indirect_dma source(%dma_start3A_618 : memref<10000x64xf32, #tpu.memory_space<hbm>>) target(%dma_start3A_612 : memref<125x64xf32, #tpu.memory_space<vmem>>) offsets(%dma_start3A_615 : memref<125xi32, #tpu.memory_space<vmem>>) semaphore(%dma_start3A_620 : memref<!tpu.dma_semaphore, #tpu.memory_space<semaphore_mem>>)
      } else {
      }
      %dma_wait3A_323 = arith.constant 0 : i32
      %dma_wait3A_324 = arith.constant 0 : i32
      %dma_wait3A_325 = arith.constant 0 : i32
      %dma_wait3A_326 = arith.constant 0 : i32
      %dma_wait3A_327 = arith.constant 0 : i32
      %dma_wait3A_328 = tpu.memref_slice %arg8[%dma_wait3A_324, %dma_wait3A_326, %dma_wait3A_327] : memref<8x125x64xf32, #tpu.memory_space<vmem>> -> memref<1x125x64xf32, #tpu.memory_space<vmem>>
      %dma_wait3A_329 = tpu.memref_squeeze %dma_wait3A_328 : memref<1x125x64xf32, #tpu.memory_space<vmem>> -> memref<125x64xf32, #tpu.memory_space<vmem>>
      %dma_wait3A_330 = arith.constant 0 : i32
      %dma_wait3A_331 = tpu.memref_slice %arg6[%dma_wait3A_323, %dma_wait3A_330] : memref<40x125xi32, #tpu.memory_space<vmem>> -> memref<1x125xi32, #tpu.memory_space<vmem>>
      %dma_wait3A_332 = tpu.memref_squeeze %dma_wait3A_331 : memref<1x125xi32, #tpu.memory_space<vmem>> -> memref<125xi32, #tpu.memory_space<vmem>>
      %dma_wait3A_333 = arith.constant 0 : i32
      %dma_wait3A_334 = arith.constant 0 : i32
      %dma_wait3A_335 = tpu.memref_slice %arg2[%dma_wait3A_333, %dma_wait3A_334] : memref<10000x64xf32, #tpu.memory_space<hbm>> -> memref<10000x64xf32, #tpu.memory_space<hbm>>
      %dma_wait3A_336 = tpu.memref_slice %arg11[%dma_wait3A_325] : memref<8x!tpu.dma_semaphore, #tpu.memory_space<semaphore_mem>> -> memref<1x!tpu.dma_semaphore, #tpu.memory_space<semaphore_mem>>
      %dma_wait3A_337 = tpu.memref_squeeze %dma_wait3A_336 : memref<1x!tpu.dma_semaphore, #tpu.memory_space<semaphore_mem>> -> memref<!tpu.dma_semaphore, #tpu.memory_space<semaphore_mem>>
      tpu.wait_indirect_dma semaphore(%dma_wait3A_337 : memref<!tpu.dma_semaphore, #tpu.memory_space<semaphore_mem>>) src(%dma_wait3A_335 : memref<10000x64xf32, #tpu.memory_space<hbm>>) dst(%dma_wait3A_329 : memref<125x64xf32, #tpu.memory_space<vmem>>)
      %mul3A_338 = arith.constant 8 : i32
      %mul3A_339 = arith.muli %mul3A_338, %scan3A_282 : i32
      %add3A_340 = arith.constant 0 : i32
      %add3A_341 = arith.addi %mul3A_339, %add3A_340 : i32
      %dma_start3A_342 = arith.constant 0 : i32
      %dma_start3A_343 = arith.constant 0 : i32
      %dma_start3A_344 = arith.constant 0 : i32
      %dma_start3A_345 = arith.constant 0 : i32
      %dma_start3A_346 = tpu.memref_slice %arg8[%dma_start3A_342, %dma_start3A_344, %dma_start3A_345] : memref<8x125x64xf32, #tpu.memory_space<vmem>> -> memref<1x125x64xf32, #tpu.memory_space<vmem>>
      %dma_start3A_347 = tpu.memref_squeeze %dma_start3A_346 : memref<1x125x64xf32, #tpu.memory_space<vmem>> -> memref<125x64xf32, #tpu.memory_space<vmem>>
      %dma_start3A_348 = arith.constant 0 : i32
      %dma_start3A_349 = tpu.memref_slice %arg7[%add3A_341, %dma_start3A_348] : memref<40x125xi32, #tpu.memory_space<vmem>> -> memref<1x125xi32, #tpu.memory_space<vmem>>
      %dma_start3A_350 = tpu.memref_squeeze %dma_start3A_349 : memref<1x125xi32, #tpu.memory_space<vmem>> -> memref<125xi32, #tpu.memory_space<vmem>>
      %dma_start3A_351 = arith.constant 0 : i32
      %dma_start3A_352 = arith.constant 0 : i32
      %dma_start3A_353 = tpu.memref_slice %arg10[%dma_start3A_351, %dma_start3A_352] : memref<10000x64xf32, #tpu.memory_space<vmem_shared>> -> memref<10000x64xf32, #tpu.memory_space<vmem_shared>>
      %dma_start3A_354 = tpu.memref_slice %arg12[%dma_start3A_343] : memref<8x!tpu.dma_semaphore, #tpu.memory_space<semaphore_mem>> -> memref<1x!tpu.dma_semaphore, #tpu.memory_space<semaphore_mem>>
      %dma_start3A_355 = tpu.memref_squeeze %dma_start3A_354 : memref<1x!tpu.dma_semaphore, #tpu.memory_space<semaphore_mem>> -> memref<!tpu.dma_semaphore, #tpu.memory_space<semaphore_mem>>
      tpu.enqueue_indirect_dma source(%dma_start3A_347 : memref<125x64xf32, #tpu.memory_space<vmem>>) target(%dma_start3A_353 : memref<10000x64xf32, #tpu.memory_space<vmem_shared>>) offsets(%dma_start3A_350 : memref<125xi32, #tpu.memory_space<vmem>>) semaphore(%dma_start3A_355 : memref<!tpu.dma_semaphore, #tpu.memory_space<semaphore_mem>>) {add = true}
      %dma_wait3A_356 = arith.constant 0 : i32
      %dma_wait3A_357 = arith.constant 1 : i32
      %dma_wait3A_358 = arith.constant 1 : i32
      %dma_wait3A_359 = arith.constant 0 : i32
      %dma_wait3A_360 = arith.constant 0 : i32
      %dma_wait3A_361 = tpu.memref_slice %arg8[%dma_wait3A_357, %dma_wait3A_359, %dma_wait3A_360] : memref<8x125x64xf32, #tpu.memory_space<vmem>> -> memref<1x125x64xf32, #tpu.memory_space<vmem>>
      %dma_wait3A_362 = tpu.memref_squeeze %dma_wait3A_361 : memref<1x125x64xf32, #tpu.memory_space<vmem>> -> memref<125x64xf32, #tpu.memory_space<vmem>>
      %dma_wait3A_363 = arith.constant 0 : i32
      %dma_wait3A_364 = tpu.memref_slice %arg6[%dma_wait3A_356, %dma_wait3A_363] : memref<40x125xi32, #tpu.memory_space<vmem>> -> memref<1x125xi32, #tpu.memory_space<vmem>>
      %dma_wait3A_365 = tpu.memref_squeeze %dma_wait3A_364 : memref<1x125xi32, #tpu.memory_space<vmem>> -> memref<125xi32, #tpu.memory_space<vmem>>
      %dma_wait3A_366 = arith.constant 0 : i32
      %dma_wait3A_367 = arith.constant 0 : i32
      %dma_wait3A_368 = tpu.memref_slice %arg2[%dma_wait3A_366, %dma_wait3A_367] : memref<10000x64xf32, #tpu.memory_space<hbm>> -> memref<10000x64xf32, #tpu.memory_space<hbm>>
      %dma_wait3A_369 = tpu.memref_slice %arg11[%dma_wait3A_358] : memref<8x!tpu.dma_semaphore, #tpu.memory_space<semaphore_mem>> -> memref<1x!tpu.dma_semaphore, #tpu.memory_space<semaphore_mem>>
      %dma_wait3A_370 = tpu.memref_squeeze %dma_wait3A_369 : memref<1x!tpu.dma_semaphore, #tpu.memory_space<semaphore_mem>> -> memref<!tpu.dma_semaphore, #tpu.memory_space<semaphore_mem>>
      tpu.wait_indirect_dma semaphore(%dma_wait3A_370 : memref<!tpu.dma_semaphore, #tpu.memory_space<semaphore_mem>>) src(%dma_wait3A_368 : memref<10000x64xf32, #tpu.memory_space<hbm>>) dst(%dma_wait3A_362 : memref<125x64xf32, #tpu.memory_space<vmem>>)
      %mul3A_371 = arith.constant 8 : i32
      %mul3A_372 = arith.muli %mul3A_371, %scan3A_282 : i32
      %add3A_373 = arith.constant 1 : i32
      %add3A_374 = arith.addi %mul3A_372, %add3A_373 : i32
      %dma_start3A_375 = arith.constant 1 : i32
      %dma_start3A_376 = arith.constant 1 : i32
      %dma_start3A_377 = arith.constant 0 : i32
      %dma_start3A_378 = arith.constant 0 : i32
      %dma_start3A_379 = tpu.memref_slice %arg8[%dma_start3A_375, %dma_start3A_377, %dma_start3A_378] : memref<8x125x64xf32, #tpu.memory_space<vmem>> -> memref<1x125x64xf32, #tpu.memory_space<vmem>>
      %dma_start3A_380 = tpu.memref_squeeze %dma_start3A_379 : memref<1x125x64xf32, #tpu.memory_space<vmem>> -> memref<125x64xf32, #tpu.memory_space<vmem>>
      %dma_start3A_381 = arith.constant 0 : i32
      %dma_start3A_382 = tpu.memref_slice %arg7[%add3A_374, %dma_start3A_381] : memref<40x125xi32, #tpu.memory_space<vmem>> -> memref<1x125xi32, #tpu.memory_space<vmem>>
      %dma_start3A_383 = tpu.memref_squeeze %dma_start3A_382 : memref<1x125xi32, #tpu.memory_space<vmem>> -> memref<125xi32, #tpu.memory_space<vmem>>
      %dma_start3A_384 = arith.constant 0 : i32
      %dma_start3A_385 = arith.constant 0 : i32
      %dma_start3A_386 = tpu.memref_slice %arg10[%dma_start3A_384, %dma_start3A_385] : memref<10000x64xf32, #tpu.memory_space<vmem_shared>> -> memref<10000x64xf32, #tpu.memory_space<vmem_shared>>
      %dma_start3A_387 = tpu.memref_slice %arg12[%dma_start3A_376] : memref<8x!tpu.dma_semaphore, #tpu.memory_space<semaphore_mem>> -> memref<1x!tpu.dma_semaphore, #tpu.memory_space<semaphore_mem>>
      %dma_start3A_388 = tpu.memref_squeeze %dma_start3A_387 : memref<1x!tpu.dma_semaphore, #tpu.memory_space<semaphore_mem>> -> memref<!tpu.dma_semaphore, #tpu.memory_space<semaphore_mem>>
      tpu.enqueue_indirect_dma source(%dma_start3A_380 : memref<125x64xf32, #tpu.memory_space<vmem>>) target(%dma_start3A_386 : memref<10000x64xf32, #tpu.memory_space<vmem_shared>>) offsets(%dma_start3A_383 : memref<125xi32, #tpu.memory_space<vmem>>) semaphore(%dma_start3A_388 : memref<!tpu.dma_semaphore, #tpu.memory_space<semaphore_mem>>) {add = true}
      %dma_wait3A_389 = arith.constant 0 : i32
      %dma_wait3A_390 = arith.constant 2 : i32
      %dma_wait3A_391 = arith.constant 2 : i32
      %dma_wait3A_392 = arith.constant 0 : i32
      %dma_wait3A_393 = arith.constant 0 : i32
      %dma_wait3A_394 = tpu.memref_slice %arg8[%dma_wait3A_390, %dma_wait3A_392, %dma_wait3A_393] : memref<8x125x64xf32, #tpu.memory_space<vmem>> -> memref<1x125x64xf32, #tpu.memory_space<vmem>>
      %dma_wait3A_395 = tpu.memref_squeeze %dma_wait3A_394 : memref<1x125x64xf32, #tpu.memory_space<vmem>> -> memref<125x64xf32, #tpu.memory_space<vmem>>
      %dma_wait3A_396 = arith.constant 0 : i32
      %dma_wait3A_397 = tpu.memref_slice %arg6[%dma_wait3A_389, %dma_wait3A_396] : memref<40x125xi32, #tpu.memory_space<vmem>> -> memref<1x125xi32, #tpu.memory_space<vmem>>
      %dma_wait3A_398 = tpu.memref_squeeze %dma_wait3A_397 : memref<1x125xi32, #tpu.memory_space<vmem>> -> memref<125xi32, #tpu.memory_space<vmem>>
      %dma_wait3A_399 = arith.constant 0 : i32
      %dma_wait3A_400 = arith.constant 0 : i32
      %dma_wait3A_401 = tpu.memref_slice %arg2[%dma_wait3A_399, %dma_wait3A_400] : memref<10000x64xf32, #tpu.memory_space<hbm>> -> memref<10000x64xf32, #tpu.memory_space<hbm>>
      %dma_wait3A_402 = tpu.memref_slice %arg11[%dma_wait3A_391] : memref<8x!tpu.dma_semaphore, #tpu.memory_space<semaphore_mem>> -> memref<1x!tpu.dma_semaphore, #tpu.memory_space<semaphore_mem>>
      %dma_wait3A_403 = tpu.memref_squeeze %dma_wait3A_402 : memref<1x!tpu.dma_semaphore, #tpu.memory_space<semaphore_mem>> -> memref<!tpu.dma_semaphore, #tpu.memory_space<semaphore_mem>>
      tpu.wait_indirect_dma semaphore(%dma_wait3A_403 : memref<!tpu.dma_semaphore, #tpu.memory_space<semaphore_mem>>) src(%dma_wait3A_401 : memref<10000x64xf32, #tpu.memory_space<hbm>>) dst(%dma_wait3A_395 : memref<125x64xf32, #tpu.memory_space<vmem>>)
      %mul3A_404 = arith.constant 8 : i32
      %mul3A_405 = arith.muli %mul3A_404, %scan3A_282 : i32
      %add3A_406 = arith.constant 2 : i32
      %add3A_407 = arith.addi %mul3A_405, %add3A_406 : i32
      %dma_start3A_408 = arith.constant 2 : i32
      %dma_start3A_409 = arith.constant 2 : i32
      %dma_start3A_410 = arith.constant 0 : i32
      %dma_start3A_411 = arith.constant 0 : i32
      %dma_start3A_412 = tpu.memref_slice %arg8[%dma_start3A_408, %dma_start3A_410, %dma_start3A_411] : memref<8x125x64xf32, #tpu.memory_space<vmem>> -> memref<1x125x64xf32, #tpu.memory_space<vmem>>
      %dma_start3A_413 = tpu.memref_squeeze %dma_start3A_412 : memref<1x125x64xf32, #tpu.memory_space<vmem>> -> memref<125x64xf32, #tpu.memory_space<vmem>>
      %dma_start3A_414 = arith.constant 0 : i32
      %dma_start3A_415 = tpu.memref_slice %arg7[%add3A_407, %dma_start3A_414] : memref<40x125xi32, #tpu.memory_space<vmem>> -> memref<1x125xi32, #tpu.memory_space<vmem>>
      %dma_start3A_416 = tpu.memref_squeeze %dma_start3A_415 : memref<1x125xi32, #tpu.memory_space<vmem>> -> memref<125xi32, #tpu.memory_space<vmem>>
      %dma_start3A_417 = arith.constant 0 : i32
      %dma_start3A_418 = arith.constant 0 : i32
      %dma_start3A_419 = tpu.memref_slice %arg10[%dma_start3A_417, %dma_start3A_418] : memref<10000x64xf32, #tpu.memory_space<vmem_shared>> -> memref<10000x64xf32, #tpu.memory_space<vmem_shared>>
      %dma_start3A_420 = tpu.memref_slice %arg12[%dma_start3A_409] : memref<8x!tpu.dma_semaphore, #tpu.memory_space<semaphore_mem>> -> memref<1x!tpu.dma_semaphore, #tpu.memory_space<semaphore_mem>>
      %dma_start3A_421 = tpu.memref_squeeze %dma_start3A_420 : memref<1x!tpu.dma_semaphore, #tpu.memory_space<semaphore_mem>> -> memref<!tpu.dma_semaphore, #tpu.memory_space<semaphore_mem>>
      tpu.enqueue_indirect_dma source(%dma_start3A_413 : memref<125x64xf32, #tpu.memory_space<vmem>>) target(%dma_start3A_419 : memref<10000x64xf32, #tpu.memory_space<vmem_shared>>) offsets(%dma_start3A_416 : memref<125xi32, #tpu.memory_space<vmem>>) semaphore(%dma_start3A_421 : memref<!tpu.dma_semaphore, #tpu.memory_space<semaphore_mem>>) {add = true}
      %dma_wait3A_422 = arith.constant 0 : i32
      %dma_wait3A_423 = arith.constant 3 : i32
      %dma_wait3A_424 = arith.constant 3 : i32
      %dma_wait3A_425 = arith.constant 0 : i32
      %dma_wait3A_426 = arith.constant 0 : i32
      %dma_wait3A_427 = tpu.memref_slice %arg8[%dma_wait3A_423, %dma_wait3A_425, %dma_wait3A_426] : memref<8x125x64xf32, #tpu.memory_space<vmem>> -> memref<1x125x64xf32, #tpu.memory_space<vmem>>
      %dma_wait3A_428 = tpu.memref_squeeze %dma_wait3A_427 : memref<1x125x64xf32, #tpu.memory_space<vmem>> -> memref<125x64xf32, #tpu.memory_space<vmem>>
      %dma_wait3A_429 = arith.constant 0 : i32
      %dma_wait3A_430 = tpu.memref_slice %arg6[%dma_wait3A_422, %dma_wait3A_429] : memref<40x125xi32, #tpu.memory_space<vmem>> -> memref<1x125xi32, #tpu.memory_space<vmem>>
      %dma_wait3A_431 = tpu.memref_squeeze %dma_wait3A_430 : memref<1x125xi32, #tpu.memory_space<vmem>> -> memref<125xi32, #tpu.memory_space<vmem>>
      %dma_wait3A_432 = arith.constant 0 : i32
      %dma_wait3A_433 = arith.constant 0 : i32
      %dma_wait3A_434 = tpu.memref_slice %arg2[%dma_wait3A_432, %dma_wait3A_433] : memref<10000x64xf32, #tpu.memory_space<hbm>> -> memref<10000x64xf32, #tpu.memory_space<hbm>>
      %dma_wait3A_435 = tpu.memref_slice %arg11[%dma_wait3A_424] : memref<8x!tpu.dma_semaphore, #tpu.memory_space<semaphore_mem>> -> memref<1x!tpu.dma_semaphore, #tpu.memory_space<semaphore_mem>>
      %dma_wait3A_436 = tpu.memref_squeeze %dma_wait3A_435 : memref<1x!tpu.dma_semaphore, #tpu.memory_space<semaphore_mem>> -> memref<!tpu.dma_semaphore, #tpu.memory_space<semaphore_mem>>
      tpu.wait_indirect_dma semaphore(%dma_wait3A_436 : memref<!tpu.dma_semaphore, #tpu.memory_space<semaphore_mem>>) src(%dma_wait3A_434 : memref<10000x64xf32, #tpu.memory_space<hbm>>) dst(%dma_wait3A_428 : memref<125x64xf32, #tpu.memory_space<vmem>>)
      %mul3A_437 = arith.constant 8 : i32
      %mul3A_438 = arith.muli %mul3A_437, %scan3A_282 : i32
      %add3A_439 = arith.constant 3 : i32
      %add3A_440 = arith.addi %mul3A_438, %add3A_439 : i32
      %dma_start3A_441 = arith.constant 3 : i32
      %dma_start3A_442 = arith.constant 3 : i32
      %dma_start3A_443 = arith.constant 0 : i32
      %dma_start3A_444 = arith.constant 0 : i32
      %dma_start3A_445 = tpu.memref_slice %arg8[%dma_start3A_441, %dma_start3A_443, %dma_start3A_444] : memref<8x125x64xf32, #tpu.memory_space<vmem>> -> memref<1x125x64xf32, #tpu.memory_space<vmem>>
      %dma_start3A_446 = tpu.memref_squeeze %dma_start3A_445 : memref<1x125x64xf32, #tpu.memory_space<vmem>> -> memref<125x64xf32, #tpu.memory_space<vmem>>
      %dma_start3A_447 = arith.constant 0 : i32
      %dma_start3A_448 = tpu.memref_slice %arg7[%add3A_440, %dma_start3A_447] : memref<40x125xi32, #tpu.memory_space<vmem>> -> memref<1x125xi32, #tpu.memory_space<vmem>>
      %dma_start3A_449 = tpu.memref_squeeze %dma_start3A_448 : memref<1x125xi32, #tpu.memory_space<vmem>> -> memref<125xi32, #tpu.memory_space<vmem>>
      %dma_start3A_450 = arith.constant 0 : i32
      %dma_start3A_451 = arith.constant 0 : i32
      %dma_start3A_452 = tpu.memref_slice %arg10[%dma_start3A_450, %dma_start3A_451] : memref<10000x64xf32, #tpu.memory_space<vmem_shared>> -> memref<10000x64xf32, #tpu.memory_space<vmem_shared>>
      %dma_start3A_453 = tpu.memref_slice %arg12[%dma_start3A_442] : memref<8x!tpu.dma_semaphore, #tpu.memory_space<semaphore_mem>> -> memref<1x!tpu.dma_semaphore, #tpu.memory_space<semaphore_mem>>
      %dma_start3A_454 = tpu.memref_squeeze %dma_start3A_453 : memref<1x!tpu.dma_semaphore, #tpu.memory_space<semaphore_mem>> -> memref<!tpu.dma_semaphore, #tpu.memory_space<semaphore_mem>>
      tpu.enqueue_indirect_dma source(%dma_start3A_446 : memref<125x64xf32, #tpu.memory_space<vmem>>) target(%dma_start3A_452 : memref<10000x64xf32, #tpu.memory_space<vmem_shared>>) offsets(%dma_start3A_449 : memref<125xi32, #tpu.memory_space<vmem>>) semaphore(%dma_start3A_454 : memref<!tpu.dma_semaphore, #tpu.memory_space<semaphore_mem>>) {add = true}
      %dma_wait3A_455 = arith.constant 0 : i32
      %dma_wait3A_456 = arith.constant 4 : i32
      %dma_wait3A_457 = arith.constant 4 : i32
      %dma_wait3A_458 = arith.constant 0 : i32
      %dma_wait3A_459 = arith.constant 0 : i32
      %dma_wait3A_460 = tpu.memref_slice %arg8[%dma_wait3A_456, %dma_wait3A_458, %dma_wait3A_459] : memref<8x125x64xf32, #tpu.memory_space<vmem>> -> memref<1x125x64xf32, #tpu.memory_space<vmem>>
      %dma_wait3A_461 = tpu.memref_squeeze %dma_wait3A_460 : memref<1x125x64xf32, #tpu.memory_space<vmem>> -> memref<125x64xf32, #tpu.memory_space<vmem>>
      %dma_wait3A_462 = arith.constant 0 : i32
      %dma_wait3A_463 = tpu.memref_slice %arg6[%dma_wait3A_455, %dma_wait3A_462] : memref<40x125xi32, #tpu.memory_space<vmem>> -> memref<1x125xi32, #tpu.memory_space<vmem>>
      %dma_wait3A_464 = tpu.memref_squeeze %dma_wait3A_463 : memref<1x125xi32, #tpu.memory_space<vmem>> -> memref<125xi32, #tpu.memory_space<vmem>>
      %dma_wait3A_465 = arith.constant 0 : i32
      %dma_wait3A_466 = arith.constant 0 : i32
      %dma_wait3A_467 = tpu.memref_slice %arg2[%dma_wait3A_465, %dma_wait3A_466] : memref<10000x64xf32, #tpu.memory_space<hbm>> -> memref<10000x64xf32, #tpu.memory_space<hbm>>
      %dma_wait3A_468 = tpu.memref_slice %arg11[%dma_wait3A_457] : memref<8x!tpu.dma_semaphore, #tpu.memory_space<semaphore_mem>> -> memref<1x!tpu.dma_semaphore, #tpu.memory_space<semaphore_mem>>
      %dma_wait3A_469 = tpu.memref_squeeze %dma_wait3A_468 : memref<1x!tpu.dma_semaphore, #tpu.memory_space<semaphore_mem>> -> memref<!tpu.dma_semaphore, #tpu.memory_space<semaphore_mem>>
      tpu.wait_indirect_dma semaphore(%dma_wait3A_469 : memref<!tpu.dma_semaphore, #tpu.memory_space<semaphore_mem>>) src(%dma_wait3A_467 : memref<10000x64xf32, #tpu.memory_space<hbm>>) dst(%dma_wait3A_461 : memref<125x64xf32, #tpu.memory_space<vmem>>)
      %mul3A_470 = arith.constant 8 : i32
      %mul3A_471 = arith.muli %mul3A_470, %scan3A_282 : i32
      %add3A_472 = arith.constant 4 : i32
      %add3A_473 = arith.addi %mul3A_471, %add3A_472 : i32
      %dma_start3A_474 = arith.constant 4 : i32
      %dma_start3A_475 = arith.constant 4 : i32
      %dma_start3A_476 = arith.constant 0 : i32
      %dma_start3A_477 = arith.constant 0 : i32
      %dma_start3A_478 = tpu.memref_slice %arg8[%dma_start3A_474, %dma_start3A_476, %dma_start3A_477] : memref<8x125x64xf32, #tpu.memory_space<vmem>> -> memref<1x125x64xf32, #tpu.memory_space<vmem>>
      %dma_start3A_479 = tpu.memref_squeeze %dma_start3A_478 : memref<1x125x64xf32, #tpu.memory_space<vmem>> -> memref<125x64xf32, #tpu.memory_space<vmem>>
      %dma_start3A_480 = arith.constant 0 : i32
      %dma_start3A_481 = tpu.memref_slice %arg7[%add3A_473, %dma_start3A_480] : memref<40x125xi32, #tpu.memory_space<vmem>> -> memref<1x125xi32, #tpu.memory_space<vmem>>
      %dma_start3A_482 = tpu.memref_squeeze %dma_start3A_481 : memref<1x125xi32, #tpu.memory_space<vmem>> -> memref<125xi32, #tpu.memory_space<vmem>>
      %dma_start3A_483 = arith.constant 0 : i32
      %dma_start3A_484 = arith.constant 0 : i32
      %dma_start3A_485 = tpu.memref_slice %arg10[%dma_start3A_483, %dma_start3A_484] : memref<10000x64xf32, #tpu.memory_space<vmem_shared>> -> memref<10000x64xf32, #tpu.memory_space<vmem_shared>>
      %dma_start3A_486 = tpu.memref_slice %arg12[%dma_start3A_475] : memref<8x!tpu.dma_semaphore, #tpu.memory_space<semaphore_mem>> -> memref<1x!tpu.dma_semaphore, #tpu.memory_space<semaphore_mem>>
      %dma_start3A_487 = tpu.memref_squeeze %dma_start3A_486 : memref<1x!tpu.dma_semaphore, #tpu.memory_space<semaphore_mem>> -> memref<!tpu.dma_semaphore, #tpu.memory_space<semaphore_mem>>
      tpu.enqueue_indirect_dma source(%dma_start3A_479 : memref<125x64xf32, #tpu.memory_space<vmem>>) target(%dma_start3A_485 : memref<10000x64xf32, #tpu.memory_space<vmem_shared>>) offsets(%dma_start3A_482 : memref<125xi32, #tpu.memory_space<vmem>>) semaphore(%dma_start3A_487 : memref<!tpu.dma_semaphore, #tpu.memory_space<semaphore_mem>>) {add = true}
      %dma_wait3A_488 = arith.constant 0 : i32
      %dma_wait3A_489 = arith.constant 5 : i32
      %dma_wait3A_490 = arith.constant 5 : i32
      %dma_wait3A_491 = arith.constant 0 : i32
      %dma_wait3A_492 = arith.constant 0 : i32
      %dma_wait3A_493 = tpu.memref_slice %arg8[%dma_wait3A_489, %dma_wait3A_491, %dma_wait3A_492] : memref<8x125x64xf32, #tpu.memory_space<vmem>> -> memref<1x125x64xf32, #tpu.memory_space<vmem>>
      %dma_wait3A_494 = tpu.memref_squeeze %dma_wait3A_493 : memref<1x125x64xf32, #tpu.memory_space<vmem>> -> memref<125x64xf32, #tpu.memory_space<vmem>>
      %dma_wait3A_495 = arith.constant 0 : i32
      %dma_wait3A_496 = tpu.memref_slice %arg6[%dma_wait3A_488, %dma_wait3A_495] : memref<40x125xi32, #tpu.memory_space<vmem>> -> memref<1x125xi32, #tpu.memory_space<vmem>>
      %dma_wait3A_497 = tpu.memref_squeeze %dma_wait3A_496 : memref<1x125xi32, #tpu.memory_space<vmem>> -> memref<125xi32, #tpu.memory_space<vmem>>
      %dma_wait3A_498 = arith.constant 0 : i32
      %dma_wait3A_499 = arith.constant 0 : i32
      %dma_wait3A_500 = tpu.memref_slice %arg2[%dma_wait3A_498, %dma_wait3A_499] : memref<10000x64xf32, #tpu.memory_space<hbm>> -> memref<10000x64xf32, #tpu.memory_space<hbm>>
      %dma_wait3A_501 = tpu.memref_slice %arg11[%dma_wait3A_490] : memref<8x!tpu.dma_semaphore, #tpu.memory_space<semaphore_mem>> -> memref<1x!tpu.dma_semaphore, #tpu.memory_space<semaphore_mem>>
      %dma_wait3A_502 = tpu.memref_squeeze %dma_wait3A_501 : memref<1x!tpu.dma_semaphore, #tpu.memory_space<semaphore_mem>> -> memref<!tpu.dma_semaphore, #tpu.memory_space<semaphore_mem>>
      tpu.wait_indirect_dma semaphore(%dma_wait3A_502 : memref<!tpu.dma_semaphore, #tpu.memory_space<semaphore_mem>>) src(%dma_wait3A_500 : memref<10000x64xf32, #tpu.memory_space<hbm>>) dst(%dma_wait3A_494 : memref<125x64xf32, #tpu.memory_space<vmem>>)
      %mul3A_503 = arith.constant 8 : i32
      %mul3A_504 = arith.muli %mul3A_503, %scan3A_282 : i32
      %add3A_505 = arith.constant 5 : i32
      %add3A_506 = arith.addi %mul3A_504, %add3A_505 : i32
      %dma_start3A_507 = arith.constant 5 : i32
      %dma_start3A_508 = arith.constant 5 : i32
      %dma_start3A_509 = arith.constant 0 : i32
      %dma_start3A_510 = arith.constant 0 : i32
      %dma_start3A_511 = tpu.memref_slice %arg8[%dma_start3A_507, %dma_start3A_509, %dma_start3A_510] : memref<8x125x64xf32, #tpu.memory_space<vmem>> -> memref<1x125x64xf32, #tpu.memory_space<vmem>>
      %dma_start3A_512 = tpu.memref_squeeze %dma_start3A_511 : memref<1x125x64xf32, #tpu.memory_space<vmem>> -> memref<125x64xf32, #tpu.memory_space<vmem>>
      %dma_start3A_513 = arith.constant 0 : i32
      %dma_start3A_514 = tpu.memref_slice %arg7[%add3A_506, %dma_start3A_513] : memref<40x125xi32, #tpu.memory_space<vmem>> -> memref<1x125xi32, #tpu.memory_space<vmem>>
      %dma_start3A_515 = tpu.memref_squeeze %dma_start3A_514 : memref<1x125xi32, #tpu.memory_space<vmem>> -> memref<125xi32, #tpu.memory_space<vmem>>
      %dma_start3A_516 = arith.constant 0 : i32
      %dma_start3A_517 = arith.constant 0 : i32
      %dma_start3A_518 = tpu.memref_slice %arg10[%dma_start3A_516, %dma_start3A_517] : memref<10000x64xf32, #tpu.memory_space<vmem_shared>> -> memref<10000x64xf32, #tpu.memory_space<vmem_shared>>
      %dma_start3A_519 = tpu.memref_slice %arg12[%dma_start3A_508] : memref<8x!tpu.dma_semaphore, #tpu.memory_space<semaphore_mem>> -> memref<1x!tpu.dma_semaphore, #tpu.memory_space<semaphore_mem>>
      %dma_start3A_520 = tpu.memref_squeeze %dma_start3A_519 : memref<1x!tpu.dma_semaphore, #tpu.memory_space<semaphore_mem>> -> memref<!tpu.dma_semaphore, #tpu.memory_space<semaphore_mem>>
      tpu.enqueue_indirect_dma source(%dma_start3A_512 : memref<125x64xf32, #tpu.memory_space<vmem>>) target(%dma_start3A_518 : memref<10000x64xf32, #tpu.memory_space<vmem_shared>>) offsets(%dma_start3A_515 : memref<125xi32, #tpu.memory_space<vmem>>) semaphore(%dma_start3A_520 : memref<!tpu.dma_semaphore, #tpu.memory_space<semaphore_mem>>) {add = true}
      %dma_wait3A_521 = arith.constant 0 : i32
      %dma_wait3A_522 = arith.constant 6 : i32
      %dma_wait3A_523 = arith.constant 6 : i32
      %dma_wait3A_524 = arith.constant 0 : i32
      %dma_wait3A_525 = arith.constant 0 : i32
      %dma_wait3A_526 = tpu.memref_slice %arg8[%dma_wait3A_522, %dma_wait3A_524, %dma_wait3A_525] : memref<8x125x64xf32, #tpu.memory_space<vmem>> -> memref<1x125x64xf32, #tpu.memory_space<vmem>>
      %dma_wait3A_527 = tpu.memref_squeeze %dma_wait3A_526 : memref<1x125x64xf32, #tpu.memory_space<vmem>> -> memref<125x64xf32, #tpu.memory_space<vmem>>
      %dma_wait3A_528 = arith.constant 0 : i32
      %dma_wait3A_529 = tpu.memref_slice %arg6[%dma_wait3A_521, %dma_wait3A_528] : memref<40x125xi32, #tpu.memory_space<vmem>> -> memref<1x125xi32, #tpu.memory_space<vmem>>
      %dma_wait3A_530 = tpu.memref_squeeze %dma_wait3A_529 : memref<1x125xi32, #tpu.memory_space<vmem>> -> memref<125xi32, #tpu.memory_space<vmem>>
      %dma_wait3A_531 = arith.constant 0 : i32
      %dma_wait3A_532 = arith.constant 0 : i32
      %dma_wait3A_533 = tpu.memref_slice %arg2[%dma_wait3A_531, %dma_wait3A_532] : memref<10000x64xf32, #tpu.memory_space<hbm>> -> memref<10000x64xf32, #tpu.memory_space<hbm>>
      %dma_wait3A_534 = tpu.memref_slice %arg11[%dma_wait3A_523] : memref<8x!tpu.dma_semaphore, #tpu.memory_space<semaphore_mem>> -> memref<1x!tpu.dma_semaphore, #tpu.memory_space<semaphore_mem>>
      %dma_wait3A_535 = tpu.memref_squeeze %dma_wait3A_534 : memref<1x!tpu.dma_semaphore, #tpu.memory_space<semaphore_mem>> -> memref<!tpu.dma_semaphore, #tpu.memory_space<semaphore_mem>>
      tpu.wait_indirect_dma semaphore(%dma_wait3A_535 : memref<!tpu.dma_semaphore, #tpu.memory_space<semaphore_mem>>) src(%dma_wait3A_533 : memref<10000x64xf32, #tpu.memory_space<hbm>>) dst(%dma_wait3A_527 : memref<125x64xf32, #tpu.memory_space<vmem>>)
      %mul3A_536 = arith.constant 8 : i32
      %mul3A_537 = arith.muli %mul3A_536, %scan3A_282 : i32
      %add3A_538 = arith.constant 6 : i32
      %add3A_539 = arith.addi %mul3A_537, %add3A_538 : i32
      %dma_start3A_540 = arith.constant 6 : i32
      %dma_start3A_541 = arith.constant 6 : i32
      %dma_start3A_542 = arith.constant 0 : i32
      %dma_start3A_543 = arith.constant 0 : i32
      %dma_start3A_544 = tpu.memref_slice %arg8[%dma_start3A_540, %dma_start3A_542, %dma_start3A_543] : memref<8x125x64xf32, #tpu.memory_space<vmem>> -> memref<1x125x64xf32, #tpu.memory_space<vmem>>
      %dma_start3A_545 = tpu.memref_squeeze %dma_start3A_544 : memref<1x125x64xf32, #tpu.memory_space<vmem>> -> memref<125x64xf32, #tpu.memory_space<vmem>>
      %dma_start3A_546 = arith.constant 0 : i32
      %dma_start3A_547 = tpu.memref_slice %arg7[%add3A_539, %dma_start3A_546] : memref<40x125xi32, #tpu.memory_space<vmem>> -> memref<1x125xi32, #tpu.memory_space<vmem>>
      %dma_start3A_548 = tpu.memref_squeeze %dma_start3A_547 : memref<1x125xi32, #tpu.memory_space<vmem>> -> memref<125xi32, #tpu.memory_space<vmem>>
      %dma_start3A_549 = arith.constant 0 : i32
      %dma_start3A_550 = arith.constant 0 : i32
      %dma_start3A_551 = tpu.memref_slice %arg10[%dma_start3A_549, %dma_start3A_550] : memref<10000x64xf32, #tpu.memory_space<vmem_shared>> -> memref<10000x64xf32, #tpu.memory_space<vmem_shared>>
      %dma_start3A_552 = tpu.memref_slice %arg12[%dma_start3A_541] : memref<8x!tpu.dma_semaphore, #tpu.memory_space<semaphore_mem>> -> memref<1x!tpu.dma_semaphore, #tpu.memory_space<semaphore_mem>>
      %dma_start3A_553 = tpu.memref_squeeze %dma_start3A_552 : memref<1x!tpu.dma_semaphore, #tpu.memory_space<semaphore_mem>> -> memref<!tpu.dma_semaphore, #tpu.memory_space<semaphore_mem>>
      tpu.enqueue_indirect_dma source(%dma_start3A_545 : memref<125x64xf32, #tpu.memory_space<vmem>>) target(%dma_start3A_551 : memref<10000x64xf32, #tpu.memory_space<vmem_shared>>) offsets(%dma_start3A_548 : memref<125xi32, #tpu.memory_space<vmem>>) semaphore(%dma_start3A_553 : memref<!tpu.dma_semaphore, #tpu.memory_space<semaphore_mem>>) {add = true}
      %dma_wait3A_554 = arith.constant 0 : i32
      %dma_wait3A_555 = arith.constant 7 : i32
      %dma_wait3A_556 = arith.constant 7 : i32
      %dma_wait3A_557 = arith.constant 0 : i32
      %dma_wait3A_558 = arith.constant 0 : i32
      %dma_wait3A_559 = tpu.memref_slice %arg8[%dma_wait3A_555, %dma_wait3A_557, %dma_wait3A_558] : memref<8x125x64xf32, #tpu.memory_space<vmem>> -> memref<1x125x64xf32, #tpu.memory_space<vmem>>
      %dma_wait3A_560 = tpu.memref_squeeze %dma_wait3A_559 : memref<1x125x64xf32, #tpu.memory_space<vmem>> -> memref<125x64xf32, #tpu.memory_space<vmem>>
      %dma_wait3A_561 = arith.constant 0 : i32
      %dma_wait3A_562 = tpu.memref_slice %arg6[%dma_wait3A_554, %dma_wait3A_561] : memref<40x125xi32, #tpu.memory_space<vmem>> -> memref<1x125xi32, #tpu.memory_space<vmem>>
      %dma_wait3A_563 = tpu.memref_squeeze %dma_wait3A_562 : memref<1x125xi32, #tpu.memory_space<vmem>> -> memref<125xi32, #tpu.memory_space<vmem>>
      %dma_wait3A_564 = arith.constant 0 : i32
      %dma_wait3A_565 = arith.constant 0 : i32
      %dma_wait3A_566 = tpu.memref_slice %arg2[%dma_wait3A_564, %dma_wait3A_565] : memref<10000x64xf32, #tpu.memory_space<hbm>> -> memref<10000x64xf32, #tpu.memory_space<hbm>>
      %dma_wait3A_567 = tpu.memref_slice %arg11[%dma_wait3A_556] : memref<8x!tpu.dma_semaphore, #tpu.memory_space<semaphore_mem>> -> memref<1x!tpu.dma_semaphore, #tpu.memory_space<semaphore_mem>>
      %dma_wait3A_568 = tpu.memref_squeeze %dma_wait3A_567 : memref<1x!tpu.dma_semaphore, #tpu.memory_space<semaphore_mem>> -> memref<!tpu.dma_semaphore, #tpu.memory_space<semaphore_mem>>
      tpu.wait_indirect_dma semaphore(%dma_wait3A_568 : memref<!tpu.dma_semaphore, #tpu.memory_space<semaphore_mem>>) src(%dma_wait3A_566 : memref<10000x64xf32, #tpu.memory_space<hbm>>) dst(%dma_wait3A_560 : memref<125x64xf32, #tpu.memory_space<vmem>>)
      %mul3A_569 = arith.constant 8 : i32
      %mul3A_570 = arith.muli %mul3A_569, %scan3A_282 : i32
      %add3A_571 = arith.constant 7 : i32
      %add3A_572 = arith.addi %mul3A_570, %add3A_571 : i32
      %dma_start3A_573 = arith.constant 7 : i32
      %dma_start3A_574 = arith.constant 7 : i32
      %dma_start3A_575 = arith.constant 0 : i32
      %dma_start3A_576 = arith.constant 0 : i32
      %dma_start3A_577 = tpu.memref_slice %arg8[%dma_start3A_573, %dma_start3A_575, %dma_start3A_576] : memref<8x125x64xf32, #tpu.memory_space<vmem>> -> memref<1x125x64xf32, #tpu.memory_space<vmem>>
      %dma_start3A_578 = tpu.memref_squeeze %dma_start3A_577 : memref<1x125x64xf32, #tpu.memory_space<vmem>> -> memref<125x64xf32, #tpu.memory_space<vmem>>
      %dma_start3A_579 = arith.constant 0 : i32
      %dma_start3A_580 = tpu.memref_slice %arg7[%add3A_572, %dma_start3A_579] : memref<40x125xi32, #tpu.memory_space<vmem>> -> memref<1x125xi32, #tpu.memory_space<vmem>>
      %dma_start3A_581 = tpu.memref_squeeze %dma_start3A_580 : memref<1x125xi32, #tpu.memory_space<vmem>> -> memref<125xi32, #tpu.memory_space<vmem>>
      %dma_start3A_582 = arith.constant 0 : i32
      %dma_start3A_583 = arith.constant 0 : i32
      %dma_start3A_584 = tpu.memref_slice %arg10[%dma_start3A_582, %dma_start3A_583] : memref<10000x64xf32, #tpu.memory_space<vmem_shared>> -> memref<10000x64xf32, #tpu.memory_space<vmem_shared>>
      %dma_start3A_585 = tpu.memref_slice %arg12[%dma_start3A_574] : memref<8x!tpu.dma_semaphore, #tpu.memory_space<semaphore_mem>> -> memref<1x!tpu.dma_semaphore, #tpu.memory_space<semaphore_mem>>
      %dma_start3A_586 = tpu.memref_squeeze %dma_start3A_585 : memref<1x!tpu.dma_semaphore, #tpu.memory_space<semaphore_mem>> -> memref<!tpu.dma_semaphore, #tpu.memory_space<semaphore_mem>>
      tpu.enqueue_indirect_dma source(%dma_start3A_578 : memref<125x64xf32, #tpu.memory_space<vmem>>) target(%dma_start3A_584 : memref<10000x64xf32, #tpu.memory_space<vmem_shared>>) offsets(%dma_start3A_581 : memref<125xi32, #tpu.memory_space<vmem>>) semaphore(%dma_start3A_586 : memref<!tpu.dma_semaphore, #tpu.memory_space<semaphore_mem>>) {add = true}
      %scan3A_587 = arith.constant 0 : i32
      scf.yield %scan3A_587 : i32
    }
    %scan3A_153 = arith.constant 5 : i32
    %dma_wait3A = arith.constant 0 : i32
    %dma_wait3A_154 = arith.constant 0 : i32
    %dma_wait3A_155 = arith.constant 0 : i32
    %dma_wait3A_156 = arith.constant 0 : i32
    %dma_wait3A_157 = arith.constant 0 : i32
    %dma_wait3A_158 = tpu.memref_slice %arg8[%dma_wait3A, %dma_wait3A_156, %dma_wait3A_157] : memref<8x125x64xf32, #tpu.memory_space<vmem>> -> memref<1x125x64xf32, #tpu.memory_space<vmem>>
    %dma_wait3A_159 = tpu.memref_squeeze %dma_wait3A_158 : memref<1x125x64xf32, #tpu.memory_space<vmem>> -> memref<125x64xf32, #tpu.memory_space<vmem>>
    %dma_wait3A_160 = arith.constant 0 : i32
    %dma_wait3A_161 = tpu.memref_slice %arg7[%dma_wait3A_154, %dma_wait3A_160] : memref<40x125xi32, #tpu.memory_space<vmem>> -> memref<1x125xi32, #tpu.memory_space<vmem>>
    %dma_wait3A_162 = tpu.memref_squeeze %dma_wait3A_161 : memref<1x125xi32, #tpu.memory_space<vmem>> -> memref<125xi32, #tpu.memory_space<vmem>>
    %dma_wait3A_163 = arith.constant 0 : i32
    %dma_wait3A_164 = arith.constant 0 : i32
    %dma_wait3A_165 = tpu.memref_slice %arg10[%dma_wait3A_163, %dma_wait3A_164] : memref<10000x64xf32, #tpu.memory_space<vmem_shared>> -> memref<10000x64xf32, #tpu.memory_space<vmem_shared>>
    %dma_wait3A_166 = tpu.memref_slice %arg12[%dma_wait3A_155] : memref<8x!tpu.dma_semaphore, #tpu.memory_space<semaphore_mem>> -> memref<1x!tpu.dma_semaphore, #tpu.memory_space<semaphore_mem>>
    %dma_wait3A_167 = tpu.memref_squeeze %dma_wait3A_166 : memref<1x!tpu.dma_semaphore, #tpu.memory_space<semaphore_mem>> -> memref<!tpu.dma_semaphore, #tpu.memory_space<semaphore_mem>>
    tpu.wait_indirect_dma semaphore(%dma_wait3A_167 : memref<!tpu.dma_semaphore, #tpu.memory_space<semaphore_mem>>) src(%dma_wait3A_159 : memref<125x64xf32, #tpu.memory_space<vmem>>) dst(%dma_wait3A_165 : memref<10000x64xf32, #tpu.memory_space<vmem_shared>>)
    %dma_wait3A_168 = arith.constant 1 : i32
    %dma_wait3A_169 = arith.constant 0 : i32
    %dma_wait3A_170 = arith.constant 1 : i32
    %dma_wait3A_171 = arith.constant 0 : i32
    %dma_wait3A_172 = arith.constant 0 : i32
    %dma_wait3A_173 = tpu.memref_slice %arg8[%dma_wait3A_168, %dma_wait3A_171, %dma_wait3A_172] : memref<8x125x64xf32, #tpu.memory_space<vmem>> -> memref<1x125x64xf32, #tpu.memory_space<vmem>>
    %dma_wait3A_174 = tpu.memref_squeeze %dma_wait3A_173 : memref<1x125x64xf32, #tpu.memory_space<vmem>> -> memref<125x64xf32, #tpu.memory_space<vmem>>
    %dma_wait3A_175 = arith.constant 0 : i32
    %dma_wait3A_176 = tpu.memref_slice %arg7[%dma_wait3A_169, %dma_wait3A_175] : memref<40x125xi32, #tpu.memory_space<vmem>> -> memref<1x125xi32, #tpu.memory_space<vmem>>
    %dma_wait3A_177 = tpu.memref_squeeze %dma_wait3A_176 : memref<1x125xi32, #tpu.memory_space<vmem>> -> memref<125xi32, #tpu.memory_space<vmem>>
    %dma_wait3A_178 = arith.constant 0 : i32
    %dma_wait3A_179 = arith.constant 0 : i32
    %dma_wait3A_180 = tpu.memref_slice %arg10[%dma_wait3A_178, %dma_wait3A_179] : memref<10000x64xf32, #tpu.memory_space<vmem_shared>> -> memref<10000x64xf32, #tpu.memory_space<vmem_shared>>
    %dma_wait3A_181 = tpu.memref_slice %arg12[%dma_wait3A_170] : memref<8x!tpu.dma_semaphore, #tpu.memory_space<semaphore_mem>> -> memref<1x!tpu.dma_semaphore, #tpu.memory_space<semaphore_mem>>
    %dma_wait3A_182 = tpu.memref_squeeze %dma_wait3A_181 : memref<1x!tpu.dma_semaphore, #tpu.memory_space<semaphore_mem>> -> memref<!tpu.dma_semaphore, #tpu.memory_space<semaphore_mem>>
    tpu.wait_indirect_dma semaphore(%dma_wait3A_182 : memref<!tpu.dma_semaphore, #tpu.memory_space<semaphore_mem>>) src(%dma_wait3A_174 : memref<125x64xf32, #tpu.memory_space<vmem>>) dst(%dma_wait3A_180 : memref<10000x64xf32, #tpu.memory_space<vmem_shared>>)
    %dma_wait3A_183 = arith.constant 2 : i32
    %dma_wait3A_184 = arith.constant 0 : i32
    %dma_wait3A_185 = arith.constant 2 : i32
    %dma_wait3A_186 = arith.constant 0 : i32
    %dma_wait3A_187 = arith.constant 0 : i32
    %dma_wait3A_188 = tpu.memref_slice %arg8[%dma_wait3A_183, %dma_wait3A_186, %dma_wait3A_187] : memref<8x125x64xf32, #tpu.memory_space<vmem>> -> memref<1x125x64xf32, #tpu.memory_space<vmem>>
    %dma_wait3A_189 = tpu.memref_squeeze %dma_wait3A_188 : memref<1x125x64xf32, #tpu.memory_space<vmem>> -> memref<125x64xf32, #tpu.memory_space<vmem>>
    %dma_wait3A_190 = arith.constant 0 : i32
    %dma_wait3A_191 = tpu.memref_slice %arg7[%dma_wait3A_184, %dma_wait3A_190] : memref<40x125xi32, #tpu.memory_space<vmem>> -> memref<1x125xi32, #tpu.memory_space<vmem>>
    %dma_wait3A_192 = tpu.memref_squeeze %dma_wait3A_191 : memref<1x125xi32, #tpu.memory_space<vmem>> -> memref<125xi32, #tpu.memory_space<vmem>>
    %dma_wait3A_193 = arith.constant 0 : i32
    %dma_wait3A_194 = arith.constant 0 : i32
    %dma_wait3A_195 = tpu.memref_slice %arg10[%dma_wait3A_193, %dma_wait3A_194] : memref<10000x64xf32, #tpu.memory_space<vmem_shared>> -> memref<10000x64xf32, #tpu.memory_space<vmem_shared>>
    %dma_wait3A_196 = tpu.memref_slice %arg12[%dma_wait3A_185] : memref<8x!tpu.dma_semaphore, #tpu.memory_space<semaphore_mem>> -> memref<1x!tpu.dma_semaphore, #tpu.memory_space<semaphore_mem>>
    %dma_wait3A_197 = tpu.memref_squeeze %dma_wait3A_196 : memref<1x!tpu.dma_semaphore, #tpu.memory_space<semaphore_mem>> -> memref<!tpu.dma_semaphore, #tpu.memory_space<semaphore_mem>>
    tpu.wait_indirect_dma semaphore(%dma_wait3A_197 : memref<!tpu.dma_semaphore, #tpu.memory_space<semaphore_mem>>) src(%dma_wait3A_189 : memref<125x64xf32, #tpu.memory_space<vmem>>) dst(%dma_wait3A_195 : memref<10000x64xf32, #tpu.memory_space<vmem_shared>>)
    %dma_wait3A_198 = arith.constant 3 : i32
    %dma_wait3A_199 = arith.constant 0 : i32
    %dma_wait3A_200 = arith.constant 3 : i32
    %dma_wait3A_201 = arith.constant 0 : i32
    %dma_wait3A_202 = arith.constant 0 : i32
    %dma_wait3A_203 = tpu.memref_slice %arg8[%dma_wait3A_198, %dma_wait3A_201, %dma_wait3A_202] : memref<8x125x64xf32, #tpu.memory_space<vmem>> -> memref<1x125x64xf32, #tpu.memory_space<vmem>>
    %dma_wait3A_204 = tpu.memref_squeeze %dma_wait3A_203 : memref<1x125x64xf32, #tpu.memory_space<vmem>> -> memref<125x64xf32, #tpu.memory_space<vmem>>
    %dma_wait3A_205 = arith.constant 0 : i32
    %dma_wait3A_206 = tpu.memref_slice %arg7[%dma_wait3A_199, %dma_wait3A_205] : memref<40x125xi32, #tpu.memory_space<vmem>> -> memref<1x125xi32, #tpu.memory_space<vmem>>
    %dma_wait3A_207 = tpu.memref_squeeze %dma_wait3A_206 : memref<1x125xi32, #tpu.memory_space<vmem>> -> memref<125xi32, #tpu.memory_space<vmem>>
    %dma_wait3A_208 = arith.constant 0 : i32
    %dma_wait3A_209 = arith.constant 0 : i32
    %dma_wait3A_210 = tpu.memref_slice %arg10[%dma_wait3A_208, %dma_wait3A_209] : memref<10000x64xf32, #tpu.memory_space<vmem_shared>> -> memref<10000x64xf32, #tpu.memory_space<vmem_shared>>
    %dma_wait3A_211 = tpu.memref_slice %arg12[%dma_wait3A_200] : memref<8x!tpu.dma_semaphore, #tpu.memory_space<semaphore_mem>> -> memref<1x!tpu.dma_semaphore, #tpu.memory_space<semaphore_mem>>
    %dma_wait3A_212 = tpu.memref_squeeze %dma_wait3A_211 : memref<1x!tpu.dma_semaphore, #tpu.memory_space<semaphore_mem>> -> memref<!tpu.dma_semaphore, #tpu.memory_space<semaphore_mem>>
    tpu.wait_indirect_dma semaphore(%dma_wait3A_212 : memref<!tpu.dma_semaphore, #tpu.memory_space<semaphore_mem>>) src(%dma_wait3A_204 : memref<125x64xf32, #tpu.memory_space<vmem>>) dst(%dma_wait3A_210 : memref<10000x64xf32, #tpu.memory_space<vmem_shared>>)
    %dma_wait3A_213 = arith.constant 4 : i32
    %dma_wait3A_214 = arith.constant 0 : i32
    %dma_wait3A_215 = arith.constant 4 : i32
    %dma_wait3A_216 = arith.constant 0 : i32
    %dma_wait3A_217 = arith.constant 0 : i32
    %dma_wait3A_218 = tpu.memref_slice %arg8[%dma_wait3A_213, %dma_wait3A_216, %dma_wait3A_217] : memref<8x125x64xf32, #tpu.memory_space<vmem>> -> memref<1x125x64xf32, #tpu.memory_space<vmem>>
    %dma_wait3A_219 = tpu.memref_squeeze %dma_wait3A_218 : memref<1x125x64xf32, #tpu.memory_space<vmem>> -> memref<125x64xf32, #tpu.memory_space<vmem>>
    %dma_wait3A_220 = arith.constant 0 : i32
    %dma_wait3A_221 = tpu.memref_slice %arg7[%dma_wait3A_214, %dma_wait3A_220] : memref<40x125xi32, #tpu.memory_space<vmem>> -> memref<1x125xi32, #tpu.memory_space<vmem>>
    %dma_wait3A_222 = tpu.memref_squeeze %dma_wait3A_221 : memref<1x125xi32, #tpu.memory_space<vmem>> -> memref<125xi32, #tpu.memory_space<vmem>>
    %dma_wait3A_223 = arith.constant 0 : i32
    %dma_wait3A_224 = arith.constant 0 : i32
    %dma_wait3A_225 = tpu.memref_slice %arg10[%dma_wait3A_223, %dma_wait3A_224] : memref<10000x64xf32, #tpu.memory_space<vmem_shared>> -> memref<10000x64xf32, #tpu.memory_space<vmem_shared>>
    %dma_wait3A_226 = tpu.memref_slice %arg12[%dma_wait3A_215] : memref<8x!tpu.dma_semaphore, #tpu.memory_space<semaphore_mem>> -> memref<1x!tpu.dma_semaphore, #tpu.memory_space<semaphore_mem>>
    %dma_wait3A_227 = tpu.memref_squeeze %dma_wait3A_226 : memref<1x!tpu.dma_semaphore, #tpu.memory_space<semaphore_mem>> -> memref<!tpu.dma_semaphore, #tpu.memory_space<semaphore_mem>>
    tpu.wait_indirect_dma semaphore(%dma_wait3A_227 : memref<!tpu.dma_semaphore, #tpu.memory_space<semaphore_mem>>) src(%dma_wait3A_219 : memref<125x64xf32, #tpu.memory_space<vmem>>) dst(%dma_wait3A_225 : memref<10000x64xf32, #tpu.memory_space<vmem_shared>>)
    %dma_wait3A_228 = arith.constant 5 : i32
    %dma_wait3A_229 = arith.constant 0 : i32
    %dma_wait3A_230 = arith.constant 5 : i32
    %dma_wait3A_231 = arith.constant 0 : i32
    %dma_wait3A_232 = arith.constant 0 : i32
    %dma_wait3A_233 = tpu.memref_slice %arg8[%dma_wait3A_228, %dma_wait3A_231, %dma_wait3A_232] : memref<8x125x64xf32, #tpu.memory_space<vmem>> -> memref<1x125x64xf32, #tpu.memory_space<vmem>>
    %dma_wait3A_234 = tpu.memref_squeeze %dma_wait3A_233 : memref<1x125x64xf32, #tpu.memory_space<vmem>> -> memref<125x64xf32, #tpu.memory_space<vmem>>
    %dma_wait3A_235 = arith.constant 0 : i32
    %dma_wait3A_236 = tpu.memref_slice %arg7[%dma_wait3A_229, %dma_wait3A_235] : memref<40x125xi32, #tpu.memory_space<vmem>> -> memref<1x125xi32, #tpu.memory_space<vmem>>
    %dma_wait3A_237 = tpu.memref_squeeze %dma_wait3A_236 : memref<1x125xi32, #tpu.memory_space<vmem>> -> memref<125xi32, #tpu.memory_space<vmem>>
    %dma_wait3A_238 = arith.constant 0 : i32
    %dma_wait3A_239 = arith.constant 0 : i32
    %dma_wait3A_240 = tpu.memref_slice %arg10[%dma_wait3A_238, %dma_wait3A_239] : memref<10000x64xf32, #tpu.memory_space<vmem_shared>> -> memref<10000x64xf32, #tpu.memory_space<vmem_shared>>
    %dma_wait3A_241 = tpu.memref_slice %arg12[%dma_wait3A_230] : memref<8x!tpu.dma_semaphore, #tpu.memory_space<semaphore_mem>> -> memref<1x!tpu.dma_semaphore, #tpu.memory_space<semaphore_mem>>
    %dma_wait3A_242 = tpu.memref_squeeze %dma_wait3A_241 : memref<1x!tpu.dma_semaphore, #tpu.memory_space<semaphore_mem>> -> memref<!tpu.dma_semaphore, #tpu.memory_space<semaphore_mem>>
    tpu.wait_indirect_dma semaphore(%dma_wait3A_242 : memref<!tpu.dma_semaphore, #tpu.memory_space<semaphore_mem>>) src(%dma_wait3A_234 : memref<125x64xf32, #tpu.memory_space<vmem>>) dst(%dma_wait3A_240 : memref<10000x64xf32, #tpu.memory_space<vmem_shared>>)
    %dma_wait3A_243 = arith.constant 6 : i32
    %dma_wait3A_244 = arith.constant 0 : i32
    %dma_wait3A_245 = arith.constant 6 : i32
    %dma_wait3A_246 = arith.constant 0 : i32
    %dma_wait3A_247 = arith.constant 0 : i32
    %dma_wait3A_248 = tpu.memref_slice %arg8[%dma_wait3A_243, %dma_wait3A_246, %dma_wait3A_247] : memref<8x125x64xf32, #tpu.memory_space<vmem>> -> memref<1x125x64xf32, #tpu.memory_space<vmem>>
    %dma_wait3A_249 = tpu.memref_squeeze %dma_wait3A_248 : memref<1x125x64xf32, #tpu.memory_space<vmem>> -> memref<125x64xf32, #tpu.memory_space<vmem>>
    %dma_wait3A_250 = arith.constant 0 : i32
    %dma_wait3A_251 = tpu.memref_slice %arg7[%dma_wait3A_244, %dma_wait3A_250] : memref<40x125xi32, #tpu.memory_space<vmem>> -> memref<1x125xi32, #tpu.memory_space<vmem>>
    %dma_wait3A_252 = tpu.memref_squeeze %dma_wait3A_251 : memref<1x125xi32, #tpu.memory_space<vmem>> -> memref<125xi32, #tpu.memory_space<vmem>>
    %dma_wait3A_253 = arith.constant 0 : i32
    %dma_wait3A_254 = arith.constant 0 : i32
    %dma_wait3A_255 = tpu.memref_slice %arg10[%dma_wait3A_253, %dma_wait3A_254] : memref<10000x64xf32, #tpu.memory_space<vmem_shared>> -> memref<10000x64xf32, #tpu.memory_space<vmem_shared>>
    %dma_wait3A_256 = tpu.memref_slice %arg12[%dma_wait3A_245] : memref<8x!tpu.dma_semaphore, #tpu.memory_space<semaphore_mem>> -> memref<1x!tpu.dma_semaphore, #tpu.memory_space<semaphore_mem>>
    %dma_wait3A_257 = tpu.memref_squeeze %dma_wait3A_256 : memref<1x!tpu.dma_semaphore, #tpu.memory_space<semaphore_mem>> -> memref<!tpu.dma_semaphore, #tpu.memory_space<semaphore_mem>>
    tpu.wait_indirect_dma semaphore(%dma_wait3A_257 : memref<!tpu.dma_semaphore, #tpu.memory_space<semaphore_mem>>) src(%dma_wait3A_249 : memref<125x64xf32, #tpu.memory_space<vmem>>) dst(%dma_wait3A_255 : memref<10000x64xf32, #tpu.memory_space<vmem_shared>>)
    %dma_wait3A_258 = arith.constant 7 : i32
    %dma_wait3A_259 = arith.constant 0 : i32
    %dma_wait3A_260 = arith.constant 7 : i32
    %dma_wait3A_261 = arith.constant 0 : i32
    %dma_wait3A_262 = arith.constant 0 : i32
    %dma_wait3A_263 = tpu.memref_slice %arg8[%dma_wait3A_258, %dma_wait3A_261, %dma_wait3A_262] : memref<8x125x64xf32, #tpu.memory_space<vmem>> -> memref<1x125x64xf32, #tpu.memory_space<vmem>>
    %dma_wait3A_264 = tpu.memref_squeeze %dma_wait3A_263 : memref<1x125x64xf32, #tpu.memory_space<vmem>> -> memref<125x64xf32, #tpu.memory_space<vmem>>
    %dma_wait3A_265 = arith.constant 0 : i32
    %dma_wait3A_266 = tpu.memref_slice %arg7[%dma_wait3A_259, %dma_wait3A_265] : memref<40x125xi32, #tpu.memory_space<vmem>> -> memref<1x125xi32, #tpu.memory_space<vmem>>
    %dma_wait3A_267 = tpu.memref_squeeze %dma_wait3A_266 : memref<1x125xi32, #tpu.memory_space<vmem>> -> memref<125xi32, #tpu.memory_space<vmem>>
    %dma_wait3A_268 = arith.constant 0 : i32
    %dma_wait3A_269 = arith.constant 0 : i32
    %dma_wait3A_270 = tpu.memref_slice %arg10[%dma_wait3A_268, %dma_wait3A_269] : memref<10000x64xf32, #tpu.memory_space<vmem_shared>> -> memref<10000x64xf32, #tpu.memory_space<vmem_shared>>
    %dma_wait3A_271 = tpu.memref_slice %arg12[%dma_wait3A_260] : memref<8x!tpu.dma_semaphore, #tpu.memory_space<semaphore_mem>> -> memref<1x!tpu.dma_semaphore, #tpu.memory_space<semaphore_mem>>
    %dma_wait3A_272 = tpu.memref_squeeze %dma_wait3A_271 : memref<1x!tpu.dma_semaphore, #tpu.memory_space<semaphore_mem>> -> memref<!tpu.dma_semaphore, #tpu.memory_space<semaphore_mem>>
    tpu.wait_indirect_dma semaphore(%dma_wait3A_272 : memref<!tpu.dma_semaphore, #tpu.memory_space<semaphore_mem>>) src(%dma_wait3A_264 : memref<125x64xf32, #tpu.memory_space<vmem>>) dst(%dma_wait3A_270 : memref<10000x64xf32, #tpu.memory_space<vmem_shared>>)
    %barrier3A_273 = arith.constant 0 : index
    tpu.barrier barrier_id(%barrier3A_273)
    %mul3A_274 = arith.constant 624 : i32
    %mul3A_275 = arith.muli %arg1, %mul3A_274 : i32
    %mul3A_276 = arith.constant 624 : i32
    %mul3A_277 = arith.muli %arg1, %mul3A_276 : i32
    %mul3A_278 = arith.constant 64 : i32
    %mul3A_279 = arith.muli %arg0, %mul3A_278 : i32
    "tpu.region"() ({
      %run_scoped3A = tpu.sem_alloc : memref<!tpu.dma_semaphore, #tpu.memory_space<semaphore_mem>>
      %dma_start3A_282 = tpu.memref_slice %arg5[%mul3A_277, %mul3A_279] : memref<10000x128xf32, #tpu.memory_space<hbm>> -> memref<624x64xf32, #tpu.memory_space<hbm>>
      %dma_start3A_283 = arith.constant 0 : i32
      %dma_start3A_284 = tpu.memref_slice %arg10[%mul3A_275, %dma_start3A_283] : memref<10000x64xf32, #tpu.memory_space<vmem_shared>> -> memref<624x64xf32, #tpu.memory_space<vmem_shared>>
      tpu.enqueue_dma source(%dma_start3A_284 : memref<624x64xf32, #tpu.memory_space<vmem_shared>>) target(%dma_start3A_282 : memref<624x64xf32, #tpu.memory_space<hbm>>) target_semaphore(%run_scoped3A : memref<!tpu.dma_semaphore, #tpu.memory_space<semaphore_mem>>)
      %dma_wait3A_285 = tpu.memref_slice %arg5[%mul3A_277, %mul3A_279] : memref<10000x128xf32, #tpu.memory_space<hbm>> -> memref<624x64xf32, #tpu.memory_space<hbm>>
      %dma_wait3A_286 = arith.constant 0 : i32
      %dma_wait3A_287 = tpu.memref_slice %arg10[%mul3A_275, %dma_wait3A_286] : memref<10000x64xf32, #tpu.memory_space<vmem_shared>> -> memref<624x64xf32, #tpu.memory_space<vmem_shared>>
      tpu.wait_dma2 semaphore(%run_scoped3A : memref<!tpu.dma_semaphore, #tpu.memory_space<semaphore_mem>>) src(%dma_wait3A_287 : memref<624x64xf32, #tpu.memory_space<vmem_shared>>) dst(%dma_wait3A_285 : memref<624x64xf32, #tpu.memory_space<hbm>>)
      tpu.yield
    }) : () -> ()
    %eq3A = arith.constant 15 : i32
    %eq3A_280 = arith.cmpi eq, %arg1, %eq3A : i32
    %convert_element_type3A = arith.extui %eq3A_280 : i1 to i32
    %cond3A = arith.constant 0 : i32
    %cond3A_281 = arith.cmpi ne, %convert_element_type3A, %cond3A : i32
    scf.if %cond3A_281 {
      %mul3A_282 = arith.constant 64 : i32
      %mul3A_283 = arith.muli %arg0, %mul3A_282 : i32
      "tpu.region"() ({
        %run_scoped3A = tpu.sem_alloc : memref<!tpu.dma_semaphore, #tpu.memory_space<semaphore_mem>>
        %dma_start3A_284 = arith.constant 9984 : i32
        %dma_start3A_285 = tpu.memref_slice %arg5[%dma_start3A_284, %mul3A_283] : memref<10000x128xf32, #tpu.memory_space<hbm>> -> memref<16x64xf32, #tpu.memory_space<hbm>>
        %dma_start3A_286 = arith.constant 9984 : i32
        %dma_start3A_287 = arith.constant 0 : i32
        %dma_start3A_288 = tpu.memref_slice %arg10[%dma_start3A_286, %dma_start3A_287] : memref<10000x64xf32, #tpu.memory_space<vmem_shared>> -> memref<16x64xf32, #tpu.memory_space<vmem_shared>>
        tpu.enqueue_dma source(%dma_start3A_288 : memref<16x64xf32, #tpu.memory_space<vmem_shared>>) target(%dma_start3A_285 : memref<16x64xf32, #tpu.memory_space<hbm>>) target_semaphore(%run_scoped3A : memref<!tpu.dma_semaphore, #tpu.memory_space<semaphore_mem>>)
        %dma_wait3A_289 = arith.constant 9984 : i32
        %dma_wait3A_290 = tpu.memref_slice %arg5[%dma_wait3A_289, %mul3A_283] : memref<10000x128xf32, #tpu.memory_space<hbm>> -> memref<16x64xf32, #tpu.memory_space<hbm>>
        %dma_wait3A_291 = arith.constant 9984 : i32
        %dma_wait3A_292 = arith.constant 0 : i32
        %dma_wait3A_293 = tpu.memref_slice %arg10[%dma_wait3A_291, %dma_wait3A_292] : memref<10000x64xf32, #tpu.memory_space<vmem_shared>> -> memref<16x64xf32, #tpu.memory_space<vmem_shared>>
        tpu.wait_dma2 semaphore(%run_scoped3A : memref<!tpu.dma_semaphore, #tpu.memory_space<semaphore_mem>>) src(%dma_wait3A_293 : memref<16x64xf32, #tpu.memory_space<vmem_shared>>) dst(%dma_wait3A_290 : memref<16x64xf32, #tpu.memory_space<hbm>>)
        tpu.yield
      }) : () -> ()
    } else {
    }
    return
  }
}

#map = affine_map<(d0, d1) -> (0, 0)>
#map1 = affine_map<(d0, d1) -> (0, 0, 0)>
module attributes {stable_mosaic.version = 14 : i64} {
  func.func @spmm(%arg0: i32, %arg1: i32, %arg2: memref<10000x16xf32, #tpu.memory_space<hbm>>, %arg3: memref<32x40x125xi32, #tpu.memory_space<hbm>>, %arg4: memref<32x40x125xi32, #tpu.memory_space<hbm>>, %arg5: memref<10000x32xf32, #tpu.memory_space<hbm>>, %arg6: memref<40x125xi32, #tpu.memory_space<vmem>>, %arg7: memref<40x125xi32, #tpu.memory_space<vmem>>, %arg8: memref<8x125x16xf32, #tpu.memory_space<vmem>>, %arg9: memref<128x16xf32, #tpu.memory_space<vmem>>, %arg10: memref<10000x16xf32, #tpu.memory_space<vmem_shared>>, %arg11: memref<8x!tpu.dma_semaphore, #tpu.memory_space<semaphore_mem>>, %arg12: memref<8x!tpu.dma_semaphore, #tpu.memory_space<semaphore_mem>>) attributes {dimension_semantics = [#tpu.dimension_semantics<core_parallel>, #tpu.dimension_semantics<subcore_parallel>], iteration_bounds = array<i64: 2, 16>, scalar_prefetch = 0 : i64, scratch_operands = 7 : i64, tpu.core_type = #tpu.core_type<sc_vector_subcore>, window_params = [{transform_indices = #map}, {transform_indices = #map1}, {transform_indices = #map1}, {transform_indices = #map}]} {
    %mul3A = arith.constant 16 : i32
    %mul3A_0 = arith.muli %arg0, %mul3A : i32
    %add3A = arith.addi %mul3A_0, %arg1 : i32
    "tpu.region"() ({
      %run_scoped3A = tpu.sem_alloc : memref<!tpu.dma_semaphore, #tpu.memory_space<semaphore_mem>>
      %dma_start3A_282 = arith.constant 0 : i32
      %dma_start3A_283 = arith.constant 0 : i32
      %dma_start3A_284 = tpu.memref_slice %arg3[%add3A, %dma_start3A_282, %dma_start3A_283] : memref<32x40x125xi32, #tpu.memory_space<hbm>> -> memref<1x40x125xi32, #tpu.memory_space<hbm>>
      %dma_start3A_285 = tpu.memref_squeeze %dma_start3A_284 : memref<1x40x125xi32, #tpu.memory_space<hbm>> -> memref<40x125xi32, #tpu.memory_space<hbm>>
      %dma_start3A_286 = arith.constant 0 : i32
      %dma_start3A_287 = arith.constant 0 : i32
      %dma_start3A_288 = tpu.memref_slice %arg3[%add3A, %dma_start3A_286, %dma_start3A_287] : memref<32x40x125xi32, #tpu.memory_space<hbm>> -> memref<1x40x125xi32, #tpu.memory_space<hbm>>
      %dma_start3A_289 = tpu.memref_squeeze %dma_start3A_288 : memref<1x40x125xi32, #tpu.memory_space<hbm>> -> memref<40x125xi32, #tpu.memory_space<hbm>>
      tpu.enqueue_dma source(%dma_start3A_289 : memref<40x125xi32, #tpu.memory_space<hbm>>) target(%arg6 : memref<40x125xi32, #tpu.memory_space<vmem>>) target_semaphore(%run_scoped3A : memref<!tpu.dma_semaphore, #tpu.memory_space<semaphore_mem>>)
      %dma_wait3A_290 = arith.constant 0 : i32
      %dma_wait3A_291 = arith.constant 0 : i32
      %dma_wait3A_292 = tpu.memref_slice %arg3[%add3A, %dma_wait3A_290, %dma_wait3A_291] : memref<32x40x125xi32, #tpu.memory_space<hbm>> -> memref<1x40x125xi32, #tpu.memory_space<hbm>>
      %dma_wait3A_293 = tpu.memref_squeeze %dma_wait3A_292 : memref<1x40x125xi32, #tpu.memory_space<hbm>> -> memref<40x125xi32, #tpu.memory_space<hbm>>
      %dma_wait3A_294 = arith.constant 0 : i32
      %dma_wait3A_295 = arith.constant 0 : i32
      %dma_wait3A_296 = tpu.memref_slice %arg3[%add3A, %dma_wait3A_294, %dma_wait3A_295] : memref<32x40x125xi32, #tpu.memory_space<hbm>> -> memref<1x40x125xi32, #tpu.memory_space<hbm>>
      %dma_wait3A_297 = tpu.memref_squeeze %dma_wait3A_296 : memref<1x40x125xi32, #tpu.memory_space<hbm>> -> memref<40x125xi32, #tpu.memory_space<hbm>>
      tpu.wait_dma2 semaphore(%run_scoped3A : memref<!tpu.dma_semaphore, #tpu.memory_space<semaphore_mem>>) src(%dma_wait3A_297 : memref<40x125xi32, #tpu.memory_space<hbm>>) dst(%arg6 : memref<40x125xi32, #tpu.memory_space<vmem>>)
      tpu.yield
    }) : () -> ()
    "tpu.region"() ({
      %run_scoped3A = tpu.sem_alloc : memref<!tpu.dma_semaphore, #tpu.memory_space<semaphore_mem>>
      %dma_start3A_282 = arith.constant 0 : i32
      %dma_start3A_283 = arith.constant 0 : i32
      %dma_start3A_284 = tpu.memref_slice %arg4[%add3A, %dma_start3A_282, %dma_start3A_283] : memref<32x40x125xi32, #tpu.memory_space<hbm>> -> memref<1x40x125xi32, #tpu.memory_space<hbm>>
      %dma_start3A_285 = tpu.memref_squeeze %dma_start3A_284 : memref<1x40x125xi32, #tpu.memory_space<hbm>> -> memref<40x125xi32, #tpu.memory_space<hbm>>
      %dma_start3A_286 = arith.constant 0 : i32
      %dma_start3A_287 = arith.constant 0 : i32
      %dma_start3A_288 = tpu.memref_slice %arg4[%add3A, %dma_start3A_286, %dma_start3A_287] : memref<32x40x125xi32, #tpu.memory_space<hbm>> -> memref<1x40x125xi32, #tpu.memory_space<hbm>>
      %dma_start3A_289 = tpu.memref_squeeze %dma_start3A_288 : memref<1x40x125xi32, #tpu.memory_space<hbm>> -> memref<40x125xi32, #tpu.memory_space<hbm>>
      tpu.enqueue_dma source(%dma_start3A_289 : memref<40x125xi32, #tpu.memory_space<hbm>>) target(%arg7 : memref<40x125xi32, #tpu.memory_space<vmem>>) target_semaphore(%run_scoped3A : memref<!tpu.dma_semaphore, #tpu.memory_space<semaphore_mem>>)
      %dma_wait3A_290 = arith.constant 0 : i32
      %dma_wait3A_291 = arith.constant 0 : i32
      %dma_wait3A_292 = tpu.memref_slice %arg4[%add3A, %dma_wait3A_290, %dma_wait3A_291] : memref<32x40x125xi32, #tpu.memory_space<hbm>> -> memref<1x40x125xi32, #tpu.memory_space<hbm>>
      %dma_wait3A_293 = tpu.memref_squeeze %dma_wait3A_292 : memref<1x40x125xi32, #tpu.memory_space<hbm>> -> memref<40x125xi32, #tpu.memory_space<hbm>>
      %dma_wait3A_294 = arith.constant 0 : i32
      %dma_wait3A_295 = arith.constant 0 : i32
      %dma_wait3A_296 = tpu.memref_slice %arg4[%add3A, %dma_wait3A_294, %dma_wait3A_295] : memref<32x40x125xi32, #tpu.memory_space<hbm>> -> memref<1x40x125xi32, #tpu.memory_space<hbm>>
      %dma_wait3A_297 = tpu.memref_squeeze %dma_wait3A_296 : memref<1x40x125xi32, #tpu.memory_space<hbm>> -> memref<40x125xi32, #tpu.memory_space<hbm>>
      tpu.wait_dma2 semaphore(%run_scoped3A : memref<!tpu.dma_semaphore, #tpu.memory_space<semaphore_mem>>) src(%dma_wait3A_297 : memref<40x125xi32, #tpu.memory_space<hbm>>) dst(%arg7 : memref<40x125xi32, #tpu.memory_space<vmem>>)
      tpu.yield
    }) : () -> ()
    %dma_start3A = arith.constant 0 : i32
    %dma_start3A_1 = arith.constant 0 : i32
    %dma_start3A_2 = arith.constant 0 : i32
    %dma_start3A_3 = arith.constant 0 : i32
    %dma_start3A_4 = arith.constant 0 : i32
    %dma_start3A_5 = tpu.memref_slice %arg8[%dma_start3A_1, %dma_start3A_3, %dma_start3A_4] : memref<8x125x16xf32, #tpu.memory_space<vmem>> -> memref<1x125x16xf32, #tpu.memory_space<vmem>>
    %dma_start3A_6 = tpu.memref_squeeze %dma_start3A_5 : memref<1x125x16xf32, #tpu.memory_space<vmem>> -> memref<125x16xf32, #tpu.memory_space<vmem>>
    %dma_start3A_7 = arith.constant 0 : i32
    %dma_start3A_8 = tpu.memref_slice %arg6[%dma_start3A, %dma_start3A_7] : memref<40x125xi32, #tpu.memory_space<vmem>> -> memref<1x125xi32, #tpu.memory_space<vmem>>
    %dma_start3A_9 = tpu.memref_squeeze %dma_start3A_8 : memref<1x125xi32, #tpu.memory_space<vmem>> -> memref<125xi32, #tpu.memory_space<vmem>>
    %dma_start3A_10 = arith.constant 0 : i32
    %dma_start3A_11 = arith.constant 0 : i32
    %dma_start3A_12 = tpu.memref_slice %arg2[%dma_start3A_10, %dma_start3A_11] : memref<10000x16xf32, #tpu.memory_space<hbm>> -> memref<10000x16xf32, #tpu.memory_space<hbm>>
    %dma_start3A_13 = tpu.memref_slice %arg11[%dma_start3A_2] : memref<8x!tpu.dma_semaphore, #tpu.memory_space<semaphore_mem>> -> memref<1x!tpu.dma_semaphore, #tpu.memory_space<semaphore_mem>>
    %dma_start3A_14 = tpu.memref_squeeze %dma_start3A_13 : memref<1x!tpu.dma_semaphore, #tpu.memory_space<semaphore_mem>> -> memref<!tpu.dma_semaphore, #tpu.memory_space<semaphore_mem>>
    tpu.enqueue_indirect_dma source(%dma_start3A_12 : memref<10000x16xf32, #tpu.memory_space<hbm>>) target(%dma_start3A_6 : memref<125x16xf32, #tpu.memory_space<vmem>>) offsets(%dma_start3A_9 : memref<125xi32, #tpu.memory_space<vmem>>) semaphore(%dma_start3A_14 : memref<!tpu.dma_semaphore, #tpu.memory_space<semaphore_mem>>)
    %dma_start3A_15 = arith.constant 1 : i32
    %dma_start3A_16 = arith.constant 1 : i32
    %dma_start3A_17 = arith.constant 1 : i32
    %dma_start3A_18 = arith.constant 0 : i32
    %dma_start3A_19 = arith.constant 0 : i32
    %dma_start3A_20 = tpu.memref_slice %arg8[%dma_start3A_16, %dma_start3A_18, %dma_start3A_19] : memref<8x125x16xf32, #tpu.memory_space<vmem>> -> memref<1x125x16xf32, #tpu.memory_space<vmem>>
    %dma_start3A_21 = tpu.memref_squeeze %dma_start3A_20 : memref<1x125x16xf32, #tpu.memory_space<vmem>> -> memref<125x16xf32, #tpu.memory_space<vmem>>
    %dma_start3A_22 = arith.constant 0 : i32
    %dma_start3A_23 = tpu.memref_slice %arg6[%dma_start3A_15, %dma_start3A_22] : memref<40x125xi32, #tpu.memory_space<vmem>> -> memref<1x125xi32, #tpu.memory_space<vmem>>
    %dma_start3A_24 = tpu.memref_squeeze %dma_start3A_23 : memref<1x125xi32, #tpu.memory_space<vmem>> -> memref<125xi32, #tpu.memory_space<vmem>>
    %dma_start3A_25 = arith.constant 0 : i32
    %dma_start3A_26 = arith.constant 0 : i32
    %dma_start3A_27 = tpu.memref_slice %arg2[%dma_start3A_25, %dma_start3A_26] : memref<10000x16xf32, #tpu.memory_space<hbm>> -> memref<10000x16xf32, #tpu.memory_space<hbm>>
    %dma_start3A_28 = tpu.memref_slice %arg11[%dma_start3A_17] : memref<8x!tpu.dma_semaphore, #tpu.memory_space<semaphore_mem>> -> memref<1x!tpu.dma_semaphore, #tpu.memory_space<semaphore_mem>>
    %dma_start3A_29 = tpu.memref_squeeze %dma_start3A_28 : memref<1x!tpu.dma_semaphore, #tpu.memory_space<semaphore_mem>> -> memref<!tpu.dma_semaphore, #tpu.memory_space<semaphore_mem>>
    tpu.enqueue_indirect_dma source(%dma_start3A_27 : memref<10000x16xf32, #tpu.memory_space<hbm>>) target(%dma_start3A_21 : memref<125x16xf32, #tpu.memory_space<vmem>>) offsets(%dma_start3A_24 : memref<125xi32, #tpu.memory_space<vmem>>) semaphore(%dma_start3A_29 : memref<!tpu.dma_semaphore, #tpu.memory_space<semaphore_mem>>)
    %dma_start3A_30 = arith.constant 2 : i32
    %dma_start3A_31 = arith.constant 2 : i32
    %dma_start3A_32 = arith.constant 2 : i32
    %dma_start3A_33 = arith.constant 0 : i32
    %dma_start3A_34 = arith.constant 0 : i32
    %dma_start3A_35 = tpu.memref_slice %arg8[%dma_start3A_31, %dma_start3A_33, %dma_start3A_34] : memref<8x125x16xf32, #tpu.memory_space<vmem>> -> memref<1x125x16xf32, #tpu.memory_space<vmem>>
    %dma_start3A_36 = tpu.memref_squeeze %dma_start3A_35 : memref<1x125x16xf32, #tpu.memory_space<vmem>> -> memref<125x16xf32, #tpu.memory_space<vmem>>
    %dma_start3A_37 = arith.constant 0 : i32
    %dma_start3A_38 = tpu.memref_slice %arg6[%dma_start3A_30, %dma_start3A_37] : memref<40x125xi32, #tpu.memory_space<vmem>> -> memref<1x125xi32, #tpu.memory_space<vmem>>
    %dma_start3A_39 = tpu.memref_squeeze %dma_start3A_38 : memref<1x125xi32, #tpu.memory_space<vmem>> -> memref<125xi32, #tpu.memory_space<vmem>>
    %dma_start3A_40 = arith.constant 0 : i32
    %dma_start3A_41 = arith.constant 0 : i32
    %dma_start3A_42 = tpu.memref_slice %arg2[%dma_start3A_40, %dma_start3A_41] : memref<10000x16xf32, #tpu.memory_space<hbm>> -> memref<10000x16xf32, #tpu.memory_space<hbm>>
    %dma_start3A_43 = tpu.memref_slice %arg11[%dma_start3A_32] : memref<8x!tpu.dma_semaphore, #tpu.memory_space<semaphore_mem>> -> memref<1x!tpu.dma_semaphore, #tpu.memory_space<semaphore_mem>>
    %dma_start3A_44 = tpu.memref_squeeze %dma_start3A_43 : memref<1x!tpu.dma_semaphore, #tpu.memory_space<semaphore_mem>> -> memref<!tpu.dma_semaphore, #tpu.memory_space<semaphore_mem>>
    tpu.enqueue_indirect_dma source(%dma_start3A_42 : memref<10000x16xf32, #tpu.memory_space<hbm>>) target(%dma_start3A_36 : memref<125x16xf32, #tpu.memory_space<vmem>>) offsets(%dma_start3A_39 : memref<125xi32, #tpu.memory_space<vmem>>) semaphore(%dma_start3A_44 : memref<!tpu.dma_semaphore, #tpu.memory_space<semaphore_mem>>)
    %dma_start3A_45 = arith.constant 3 : i32
    %dma_start3A_46 = arith.constant 3 : i32
    %dma_start3A_47 = arith.constant 3 : i32
    %dma_start3A_48 = arith.constant 0 : i32
    %dma_start3A_49 = arith.constant 0 : i32
    %dma_start3A_50 = tpu.memref_slice %arg8[%dma_start3A_46, %dma_start3A_48, %dma_start3A_49] : memref<8x125x16xf32, #tpu.memory_space<vmem>> -> memref<1x125x16xf32, #tpu.memory_space<vmem>>
    %dma_start3A_51 = tpu.memref_squeeze %dma_start3A_50 : memref<1x125x16xf32, #tpu.memory_space<vmem>> -> memref<125x16xf32, #tpu.memory_space<vmem>>
    %dma_start3A_52 = arith.constant 0 : i32
    %dma_start3A_53 = tpu.memref_slice %arg6[%dma_start3A_45, %dma_start3A_52] : memref<40x125xi32, #tpu.memory_space<vmem>> -> memref<1x125xi32, #tpu.memory_space<vmem>>
    %dma_start3A_54 = tpu.memref_squeeze %dma_start3A_53 : memref<1x125xi32, #tpu.memory_space<vmem>> -> memref<125xi32, #tpu.memory_space<vmem>>
    %dma_start3A_55 = arith.constant 0 : i32
    %dma_start3A_56 = arith.constant 0 : i32
    %dma_start3A_57 = tpu.memref_slice %arg2[%dma_start3A_55, %dma_start3A_56] : memref<10000x16xf32, #tpu.memory_space<hbm>> -> memref<10000x16xf32, #tpu.memory_space<hbm>>
    %dma_start3A_58 = tpu.memref_slice %arg11[%dma_start3A_47] : memref<8x!tpu.dma_semaphore, #tpu.memory_space<semaphore_mem>> -> memref<1x!tpu.dma_semaphore, #tpu.memory_space<semaphore_mem>>
    %dma_start3A_59 = tpu.memref_squeeze %dma_start3A_58 : memref<1x!tpu.dma_semaphore, #tpu.memory_space<semaphore_mem>> -> memref<!tpu.dma_semaphore, #tpu.memory_space<semaphore_mem>>
    tpu.enqueue_indirect_dma source(%dma_start3A_57 : memref<10000x16xf32, #tpu.memory_space<hbm>>) target(%dma_start3A_51 : memref<125x16xf32, #tpu.memory_space<vmem>>) offsets(%dma_start3A_54 : memref<125xi32, #tpu.memory_space<vmem>>) semaphore(%dma_start3A_59 : memref<!tpu.dma_semaphore, #tpu.memory_space<semaphore_mem>>)
    %dma_start3A_60 = arith.constant 4 : i32
    %dma_start3A_61 = arith.constant 4 : i32
    %dma_start3A_62 = arith.constant 4 : i32
    %dma_start3A_63 = arith.constant 0 : i32
    %dma_start3A_64 = arith.constant 0 : i32
    %dma_start3A_65 = tpu.memref_slice %arg8[%dma_start3A_61, %dma_start3A_63, %dma_start3A_64] : memref<8x125x16xf32, #tpu.memory_space<vmem>> -> memref<1x125x16xf32, #tpu.memory_space<vmem>>
    %dma_start3A_66 = tpu.memref_squeeze %dma_start3A_65 : memref<1x125x16xf32, #tpu.memory_space<vmem>> -> memref<125x16xf32, #tpu.memory_space<vmem>>
    %dma_start3A_67 = arith.constant 0 : i32
    %dma_start3A_68 = tpu.memref_slice %arg6[%dma_start3A_60, %dma_start3A_67] : memref<40x125xi32, #tpu.memory_space<vmem>> -> memref<1x125xi32, #tpu.memory_space<vmem>>
    %dma_start3A_69 = tpu.memref_squeeze %dma_start3A_68 : memref<1x125xi32, #tpu.memory_space<vmem>> -> memref<125xi32, #tpu.memory_space<vmem>>
    %dma_start3A_70 = arith.constant 0 : i32
    %dma_start3A_71 = arith.constant 0 : i32
    %dma_start3A_72 = tpu.memref_slice %arg2[%dma_start3A_70, %dma_start3A_71] : memref<10000x16xf32, #tpu.memory_space<hbm>> -> memref<10000x16xf32, #tpu.memory_space<hbm>>
    %dma_start3A_73 = tpu.memref_slice %arg11[%dma_start3A_62] : memref<8x!tpu.dma_semaphore, #tpu.memory_space<semaphore_mem>> -> memref<1x!tpu.dma_semaphore, #tpu.memory_space<semaphore_mem>>
    %dma_start3A_74 = tpu.memref_squeeze %dma_start3A_73 : memref<1x!tpu.dma_semaphore, #tpu.memory_space<semaphore_mem>> -> memref<!tpu.dma_semaphore, #tpu.memory_space<semaphore_mem>>
    tpu.enqueue_indirect_dma source(%dma_start3A_72 : memref<10000x16xf32, #tpu.memory_space<hbm>>) target(%dma_start3A_66 : memref<125x16xf32, #tpu.memory_space<vmem>>) offsets(%dma_start3A_69 : memref<125xi32, #tpu.memory_space<vmem>>) semaphore(%dma_start3A_74 : memref<!tpu.dma_semaphore, #tpu.memory_space<semaphore_mem>>)
    %dma_start3A_75 = arith.constant 5 : i32
    %dma_start3A_76 = arith.constant 5 : i32
    %dma_start3A_77 = arith.constant 5 : i32
    %dma_start3A_78 = arith.constant 0 : i32
    %dma_start3A_79 = arith.constant 0 : i32
    %dma_start3A_80 = tpu.memref_slice %arg8[%dma_start3A_76, %dma_start3A_78, %dma_start3A_79] : memref<8x125x16xf32, #tpu.memory_space<vmem>> -> memref<1x125x16xf32, #tpu.memory_space<vmem>>
    %dma_start3A_81 = tpu.memref_squeeze %dma_start3A_80 : memref<1x125x16xf32, #tpu.memory_space<vmem>> -> memref<125x16xf32, #tpu.memory_space<vmem>>
    %dma_start3A_82 = arith.constant 0 : i32
    %dma_start3A_83 = tpu.memref_slice %arg6[%dma_start3A_75, %dma_start3A_82] : memref<40x125xi32, #tpu.memory_space<vmem>> -> memref<1x125xi32, #tpu.memory_space<vmem>>
    %dma_start3A_84 = tpu.memref_squeeze %dma_start3A_83 : memref<1x125xi32, #tpu.memory_space<vmem>> -> memref<125xi32, #tpu.memory_space<vmem>>
    %dma_start3A_85 = arith.constant 0 : i32
    %dma_start3A_86 = arith.constant 0 : i32
    %dma_start3A_87 = tpu.memref_slice %arg2[%dma_start3A_85, %dma_start3A_86] : memref<10000x16xf32, #tpu.memory_space<hbm>> -> memref<10000x16xf32, #tpu.memory_space<hbm>>
    %dma_start3A_88 = tpu.memref_slice %arg11[%dma_start3A_77] : memref<8x!tpu.dma_semaphore, #tpu.memory_space<semaphore_mem>> -> memref<1x!tpu.dma_semaphore, #tpu.memory_space<semaphore_mem>>
    %dma_start3A_89 = tpu.memref_squeeze %dma_start3A_88 : memref<1x!tpu.dma_semaphore, #tpu.memory_space<semaphore_mem>> -> memref<!tpu.dma_semaphore, #tpu.memory_space<semaphore_mem>>
    tpu.enqueue_indirect_dma source(%dma_start3A_87 : memref<10000x16xf32, #tpu.memory_space<hbm>>) target(%dma_start3A_81 : memref<125x16xf32, #tpu.memory_space<vmem>>) offsets(%dma_start3A_84 : memref<125xi32, #tpu.memory_space<vmem>>) semaphore(%dma_start3A_89 : memref<!tpu.dma_semaphore, #tpu.memory_space<semaphore_mem>>)
    %dma_start3A_90 = arith.constant 6 : i32
    %dma_start3A_91 = arith.constant 6 : i32
    %dma_start3A_92 = arith.constant 6 : i32
    %dma_start3A_93 = arith.constant 0 : i32
    %dma_start3A_94 = arith.constant 0 : i32
    %dma_start3A_95 = tpu.memref_slice %arg8[%dma_start3A_91, %dma_start3A_93, %dma_start3A_94] : memref<8x125x16xf32, #tpu.memory_space<vmem>> -> memref<1x125x16xf32, #tpu.memory_space<vmem>>
    %dma_start3A_96 = tpu.memref_squeeze %dma_start3A_95 : memref<1x125x16xf32, #tpu.memory_space<vmem>> -> memref<125x16xf32, #tpu.memory_space<vmem>>
    %dma_start3A_97 = arith.constant 0 : i32
    %dma_start3A_98 = tpu.memref_slice %arg6[%dma_start3A_90, %dma_start3A_97] : memref<40x125xi32, #tpu.memory_space<vmem>> -> memref<1x125xi32, #tpu.memory_space<vmem>>
    %dma_start3A_99 = tpu.memref_squeeze %dma_start3A_98 : memref<1x125xi32, #tpu.memory_space<vmem>> -> memref<125xi32, #tpu.memory_space<vmem>>
    %dma_start3A_100 = arith.constant 0 : i32
    %dma_start3A_101 = arith.constant 0 : i32
    %dma_start3A_102 = tpu.memref_slice %arg2[%dma_start3A_100, %dma_start3A_101] : memref<10000x16xf32, #tpu.memory_space<hbm>> -> memref<10000x16xf32, #tpu.memory_space<hbm>>
    %dma_start3A_103 = tpu.memref_slice %arg11[%dma_start3A_92] : memref<8x!tpu.dma_semaphore, #tpu.memory_space<semaphore_mem>> -> memref<1x!tpu.dma_semaphore, #tpu.memory_space<semaphore_mem>>
    %dma_start3A_104 = tpu.memref_squeeze %dma_start3A_103 : memref<1x!tpu.dma_semaphore, #tpu.memory_space<semaphore_mem>> -> memref<!tpu.dma_semaphore, #tpu.memory_space<semaphore_mem>>
    tpu.enqueue_indirect_dma source(%dma_start3A_102 : memref<10000x16xf32, #tpu.memory_space<hbm>>) target(%dma_start3A_96 : memref<125x16xf32, #tpu.memory_space<vmem>>) offsets(%dma_start3A_99 : memref<125xi32, #tpu.memory_space<vmem>>) semaphore(%dma_start3A_104 : memref<!tpu.dma_semaphore, #tpu.memory_space<semaphore_mem>>)
    %dma_start3A_105 = arith.constant 7 : i32
    %dma_start3A_106 = arith.constant 7 : i32
    %dma_start3A_107 = arith.constant 7 : i32
    %dma_start3A_108 = arith.constant 0 : i32
    %dma_start3A_109 = arith.constant 0 : i32
    %dma_start3A_110 = tpu.memref_slice %arg8[%dma_start3A_106, %dma_start3A_108, %dma_start3A_109] : memref<8x125x16xf32, #tpu.memory_space<vmem>> -> memref<1x125x16xf32, #tpu.memory_space<vmem>>
    %dma_start3A_111 = tpu.memref_squeeze %dma_start3A_110 : memref<1x125x16xf32, #tpu.memory_space<vmem>> -> memref<125x16xf32, #tpu.memory_space<vmem>>
    %dma_start3A_112 = arith.constant 0 : i32
    %dma_start3A_113 = tpu.memref_slice %arg6[%dma_start3A_105, %dma_start3A_112] : memref<40x125xi32, #tpu.memory_space<vmem>> -> memref<1x125xi32, #tpu.memory_space<vmem>>
    %dma_start3A_114 = tpu.memref_squeeze %dma_start3A_113 : memref<1x125xi32, #tpu.memory_space<vmem>> -> memref<125xi32, #tpu.memory_space<vmem>>
    %dma_start3A_115 = arith.constant 0 : i32
    %dma_start3A_116 = arith.constant 0 : i32
    %dma_start3A_117 = tpu.memref_slice %arg2[%dma_start3A_115, %dma_start3A_116] : memref<10000x16xf32, #tpu.memory_space<hbm>> -> memref<10000x16xf32, #tpu.memory_space<hbm>>
    %dma_start3A_118 = tpu.memref_slice %arg11[%dma_start3A_107] : memref<8x!tpu.dma_semaphore, #tpu.memory_space<semaphore_mem>> -> memref<1x!tpu.dma_semaphore, #tpu.memory_space<semaphore_mem>>
    %dma_start3A_119 = tpu.memref_squeeze %dma_start3A_118 : memref<1x!tpu.dma_semaphore, #tpu.memory_space<semaphore_mem>> -> memref<!tpu.dma_semaphore, #tpu.memory_space<semaphore_mem>>
    tpu.enqueue_indirect_dma source(%dma_start3A_117 : memref<10000x16xf32, #tpu.memory_space<hbm>>) target(%dma_start3A_111 : memref<125x16xf32, #tpu.memory_space<vmem>>) offsets(%dma_start3A_114 : memref<125xi32, #tpu.memory_space<vmem>>) semaphore(%dma_start3A_119 : memref<!tpu.dma_semaphore, #tpu.memory_space<semaphore_mem>>)
    %broadcast_in_dim3A = arith.constant 0.000000e+00 : f32
    %broadcast_in_dim3A_120 = vector.broadcast %broadcast_in_dim3A : f32 to vector<16xf32>
    %scan3A = arith.constant 0 : i32
    %scan3A_121 = arith.constant 0 : i32
    %scan3A_122 = arith.constant 128 : i32
    %scan3A_123 = arith.addi %scan3A_121, %scan3A_122 : i32
    %scan3A_124 = arith.constant 1 : i32
    %scan3A_125 = scf.for %scan3A_282 = %scan3A_121 to %scan3A_123 step %scan3A_124 iter_args(%scan3A_283 = %scan3A) -> (i32)  : i32 {
      %jit3A = arith.constant 1 : i32
      %div3A = arith.divsi %scan3A_282, %jit3A : i32
      %sign3A = arith.constant 0 : i32
      %sign3A_284 = arith.cmpi sgt, %scan3A_282, %sign3A : i32
      %sign3A_285 = arith.extui %sign3A_284 : i1 to i32
      %sign3A_286 = arith.constant 0 : i32
      %sign3A_287 = arith.cmpi slt, %scan3A_282, %sign3A_286 : i32
      %sign3A_288 = arith.extui %sign3A_287 : i1 to i32
      %sign3A_289 = arith.subi %sign3A_285, %sign3A_288 : i32
      %sign3A_290 = arith.constant 0 : i32
      %sign3A_291 = arith.cmpi sgt, %jit3A, %sign3A_290 : i32
      %sign3A_292 = arith.extui %sign3A_291 : i1 to i32
      %sign3A_293 = arith.constant 0 : i32
      %sign3A_294 = arith.cmpi slt, %jit3A, %sign3A_293 : i32
      %sign3A_295 = arith.extui %sign3A_294 : i1 to i32
      %sign3A_296 = arith.subi %sign3A_292, %sign3A_295 : i32
      %ne3A = arith.cmpi ne, %sign3A_289, %sign3A_296 : i32
      %rem3A = arith.remsi %scan3A_282, %jit3A : i32
      %ne3A_297 = arith.constant 0 : i32
      %ne3A_298 = arith.cmpi ne, %rem3A, %ne3A_297 : i32
      %and3A = arith.andi %ne3A, %ne3A_298 : i1
      %sub3A = arith.constant 1 : i32
      %sub3A_299 = arith.subi %div3A, %sub3A : i32
      %select_n3A = arith.select %and3A, %sub3A_299, %div3A : i32
      %jit3A_300 = arith.constant 1 : i32
      %eq3A_301 = arith.constant 0 : i32
      %eq3A_302 = arith.cmpi eq, %jit3A_300, %eq3A_301 : i32
      %jit3A_303 = arith.constant 1 : i32
      %select_n3A_304 = arith.select %eq3A_302, %jit3A_303, %jit3A_300 : i32
      %rem3A_305 = arith.remsi %scan3A_282, %select_n3A_304 : i32
      %ne3A_306 = arith.constant 0 : i32
      %ne3A_307 = arith.cmpi ne, %rem3A_305, %ne3A_306 : i32
      %lt3A = arith.constant 0 : i32
      %lt3A_308 = arith.cmpi slt, %rem3A_305, %lt3A : i32
      %lt3A_309 = arith.constant 0 : i32
      %lt3A_310 = arith.cmpi slt, %select_n3A_304, %lt3A_309 : i32
      %ne3A_311 = arith.xori %lt3A_308, %lt3A_310 : i1
      %and3A_312 = arith.andi %ne3A_311, %ne3A_307 : i1
      %add3A_313 = arith.addi %rem3A_305, %select_n3A_304 : i32
      %select_n3A_314 = arith.select %and3A_312, %add3A_313, %rem3A_305 : i32
      %mul3A_315 = arith.constant 16 : i32
      %mul3A_316 = arith.muli %select_n3A_314, %mul3A_315 : i32
      %swap3A = arith.index_cast %select_n3A : i32 to index
      %swap3A_317 = arith.index_cast %mul3A_316 : i32 to index
      %swap3A_318 = tpu.vector_load %arg9[%swap3A, %swap3A_317] {strides = array<i32>} : memref<128x16xf32, #tpu.memory_space<vmem>>, vector<1x16xf32>,
      %swap3A_319 = vector.shape_cast %swap3A_318 : vector<1x16xf32> to vector<16xf32>
      %swap3A_320 = vector.shape_cast %broadcast_in_dim3A_120 : vector<16xf32> to vector<1x16xf32>
      tpu.vector_store %arg9[%swap3A, %swap3A_317], %swap3A_320 {strides = array<i32>} : memref<128x16xf32, #tpu.memory_space<vmem>>, vector<1x16xf32>,
      %scan3A_321 = arith.constant 0 : i32
      scf.yield %scan3A_321 : i32
    }
    %scan3A_126 = arith.constant 128 : i32
    %mul3A_127 = arith.constant 624 : i32
    %mul3A_128 = arith.muli %arg1, %mul3A_127 : i32
    %add3A_129 = arith.constant 0 : i32
    %add3A_130 = arith.addi %mul3A_128, %add3A_129 : i32
    "tpu.region"() ({
      %run_scoped3A = tpu.sem_alloc : memref<!tpu.dma_semaphore, #tpu.memory_space<semaphore_mem>>
      %dma_start3A_282 = arith.constant 0 : i32
      %dma_start3A_283 = tpu.memref_slice %arg10[%add3A_130, %dma_start3A_282] : memref<10000x16xf32, #tpu.memory_space<vmem_shared>> -> memref<128x16xf32, #tpu.memory_space<vmem_shared>>
      %dma_start3A_284 = arith.constant 0 : i32
      %dma_start3A_285 = tpu.memref_slice %arg10[%add3A_130, %dma_start3A_284] : memref<10000x16xf32, #tpu.memory_space<vmem_shared>> -> memref<128x16xf32, #tpu.memory_space<vmem_shared>>
      tpu.enqueue_dma source(%arg9 : memref<128x16xf32, #tpu.memory_space<vmem>>) target(%dma_start3A_285 : memref<128x16xf32, #tpu.memory_space<vmem_shared>>) target_semaphore(%run_scoped3A : memref<!tpu.dma_semaphore, #tpu.memory_space<semaphore_mem>>)
      %dma_wait3A_286 = arith.constant 0 : i32
      %dma_wait3A_287 = tpu.memref_slice %arg10[%add3A_130, %dma_wait3A_286] : memref<10000x16xf32, #tpu.memory_space<vmem_shared>> -> memref<128x16xf32, #tpu.memory_space<vmem_shared>>
      %dma_wait3A_288 = arith.constant 0 : i32
      %dma_wait3A_289 = tpu.memref_slice %arg10[%add3A_130, %dma_wait3A_288] : memref<10000x16xf32, #tpu.memory_space<vmem_shared>> -> memref<128x16xf32, #tpu.memory_space<vmem_shared>>
      tpu.wait_dma2 semaphore(%run_scoped3A : memref<!tpu.dma_semaphore, #tpu.memory_space<semaphore_mem>>) src(%arg9 : memref<128x16xf32, #tpu.memory_space<vmem>>) dst(%dma_wait3A_289 : memref<128x16xf32, #tpu.memory_space<vmem_shared>>)
      tpu.yield
    }) : () -> ()
    %mul3A_131 = arith.constant 624 : i32
    %mul3A_132 = arith.muli %arg1, %mul3A_131 : i32
    %add3A_133 = arith.constant 128 : i32
    %add3A_134 = arith.addi %mul3A_132, %add3A_133 : i32
    "tpu.region"() ({
      %run_scoped3A = tpu.sem_alloc : memref<!tpu.dma_semaphore, #tpu.memory_space<semaphore_mem>>
      %dma_start3A_282 = arith.constant 0 : i32
      %dma_start3A_283 = tpu.memref_slice %arg10[%add3A_134, %dma_start3A_282] : memref<10000x16xf32, #tpu.memory_space<vmem_shared>> -> memref<128x16xf32, #tpu.memory_space<vmem_shared>>
      %dma_start3A_284 = arith.constant 0 : i32
      %dma_start3A_285 = tpu.memref_slice %arg10[%add3A_134, %dma_start3A_284] : memref<10000x16xf32, #tpu.memory_space<vmem_shared>> -> memref<128x16xf32, #tpu.memory_space<vmem_shared>>
      tpu.enqueue_dma source(%arg9 : memref<128x16xf32, #tpu.memory_space<vmem>>) target(%dma_start3A_285 : memref<128x16xf32, #tpu.memory_space<vmem_shared>>) target_semaphore(%run_scoped3A : memref<!tpu.dma_semaphore, #tpu.memory_space<semaphore_mem>>)
      %dma_wait3A_286 = arith.constant 0 : i32
      %dma_wait3A_287 = tpu.memref_slice %arg10[%add3A_134, %dma_wait3A_286] : memref<10000x16xf32, #tpu.memory_space<vmem_shared>> -> memref<128x16xf32, #tpu.memory_space<vmem_shared>>
      %dma_wait3A_288 = arith.constant 0 : i32
      %dma_wait3A_289 = tpu.memref_slice %arg10[%add3A_134, %dma_wait3A_288] : memref<10000x16xf32, #tpu.memory_space<vmem_shared>> -> memref<128x16xf32, #tpu.memory_space<vmem_shared>>
      tpu.wait_dma2 semaphore(%run_scoped3A : memref<!tpu.dma_semaphore, #tpu.memory_space<semaphore_mem>>) src(%arg9 : memref<128x16xf32, #tpu.memory_space<vmem>>) dst(%dma_wait3A_289 : memref<128x16xf32, #tpu.memory_space<vmem_shared>>)
      tpu.yield
    }) : () -> ()
    %mul3A_135 = arith.constant 624 : i32
    %mul3A_136 = arith.muli %arg1, %mul3A_135 : i32
    %add3A_137 = arith.constant 256 : i32
    %add3A_138 = arith.addi %mul3A_136, %add3A_137 : i32
    "tpu.region"() ({
      %run_scoped3A = tpu.sem_alloc : memref<!tpu.dma_semaphore, #tpu.memory_space<semaphore_mem>>
      %dma_start3A_282 = arith.constant 0 : i32
      %dma_start3A_283 = tpu.memref_slice %arg10[%add3A_138, %dma_start3A_282] : memref<10000x16xf32, #tpu.memory_space<vmem_shared>> -> memref<128x16xf32, #tpu.memory_space<vmem_shared>>
      %dma_start3A_284 = arith.constant 0 : i32
      %dma_start3A_285 = tpu.memref_slice %arg10[%add3A_138, %dma_start3A_284] : memref<10000x16xf32, #tpu.memory_space<vmem_shared>> -> memref<128x16xf32, #tpu.memory_space<vmem_shared>>
      tpu.enqueue_dma source(%arg9 : memref<128x16xf32, #tpu.memory_space<vmem>>) target(%dma_start3A_285 : memref<128x16xf32, #tpu.memory_space<vmem_shared>>) target_semaphore(%run_scoped3A : memref<!tpu.dma_semaphore, #tpu.memory_space<semaphore_mem>>)
      %dma_wait3A_286 = arith.constant 0 : i32
      %dma_wait3A_287 = tpu.memref_slice %arg10[%add3A_138, %dma_wait3A_286] : memref<10000x16xf32, #tpu.memory_space<vmem_shared>> -> memref<128x16xf32, #tpu.memory_space<vmem_shared>>
      %dma_wait3A_288 = arith.constant 0 : i32
      %dma_wait3A_289 = tpu.memref_slice %arg10[%add3A_138, %dma_wait3A_288] : memref<10000x16xf32, #tpu.memory_space<vmem_shared>> -> memref<128x16xf32, #tpu.memory_space<vmem_shared>>
      tpu.wait_dma2 semaphore(%run_scoped3A : memref<!tpu.dma_semaphore, #tpu.memory_space<semaphore_mem>>) src(%arg9 : memref<128x16xf32, #tpu.memory_space<vmem>>) dst(%dma_wait3A_289 : memref<128x16xf32, #tpu.memory_space<vmem_shared>>)
      tpu.yield
    }) : () -> ()
    %mul3A_139 = arith.constant 624 : i32
    %mul3A_140 = arith.muli %arg1, %mul3A_139 : i32
    %add3A_141 = arith.constant 384 : i32
    %add3A_142 = arith.addi %mul3A_140, %add3A_141 : i32
    "tpu.region"() ({
      %run_scoped3A = tpu.sem_alloc : memref<!tpu.dma_semaphore, #tpu.memory_space<semaphore_mem>>
      %dma_start3A_282 = arith.constant 0 : i32
      %dma_start3A_283 = tpu.memref_slice %arg10[%add3A_142, %dma_start3A_282] : memref<10000x16xf32, #tpu.memory_space<vmem_shared>> -> memref<128x16xf32, #tpu.memory_space<vmem_shared>>
      %dma_start3A_284 = arith.constant 0 : i32
      %dma_start3A_285 = tpu.memref_slice %arg10[%add3A_142, %dma_start3A_284] : memref<10000x16xf32, #tpu.memory_space<vmem_shared>> -> memref<128x16xf32, #tpu.memory_space<vmem_shared>>
      tpu.enqueue_dma source(%arg9 : memref<128x16xf32, #tpu.memory_space<vmem>>) target(%dma_start3A_285 : memref<128x16xf32, #tpu.memory_space<vmem_shared>>) target_semaphore(%run_scoped3A : memref<!tpu.dma_semaphore, #tpu.memory_space<semaphore_mem>>)
      %dma_wait3A_286 = arith.constant 0 : i32
      %dma_wait3A_287 = tpu.memref_slice %arg10[%add3A_142, %dma_wait3A_286] : memref<10000x16xf32, #tpu.memory_space<vmem_shared>> -> memref<128x16xf32, #tpu.memory_space<vmem_shared>>
      %dma_wait3A_288 = arith.constant 0 : i32
      %dma_wait3A_289 = tpu.memref_slice %arg10[%add3A_142, %dma_wait3A_288] : memref<10000x16xf32, #tpu.memory_space<vmem_shared>> -> memref<128x16xf32, #tpu.memory_space<vmem_shared>>
      tpu.wait_dma2 semaphore(%run_scoped3A : memref<!tpu.dma_semaphore, #tpu.memory_space<semaphore_mem>>) src(%arg9 : memref<128x16xf32, #tpu.memory_space<vmem>>) dst(%dma_wait3A_289 : memref<128x16xf32, #tpu.memory_space<vmem_shared>>)
      tpu.yield
    }) : () -> ()
    %mul3A_143 = arith.constant 624 : i32
    %mul3A_144 = arith.muli %arg1, %mul3A_143 : i32
    %add3A_145 = arith.constant 512 : i32
    %add3A_146 = arith.addi %mul3A_144, %add3A_145 : i32
    "tpu.region"() ({
      %run_scoped3A = tpu.sem_alloc : memref<!tpu.dma_semaphore, #tpu.memory_space<semaphore_mem>>
      %dma_start3A_282 = arith.constant 0 : i32
      %dma_start3A_283 = tpu.memref_slice %arg10[%add3A_146, %dma_start3A_282] : memref<10000x16xf32, #tpu.memory_space<vmem_shared>> -> memref<128x16xf32, #tpu.memory_space<vmem_shared>>
      %dma_start3A_284 = arith.constant 0 : i32
      %dma_start3A_285 = tpu.memref_slice %arg10[%add3A_146, %dma_start3A_284] : memref<10000x16xf32, #tpu.memory_space<vmem_shared>> -> memref<128x16xf32, #tpu.memory_space<vmem_shared>>
      tpu.enqueue_dma source(%arg9 : memref<128x16xf32, #tpu.memory_space<vmem>>) target(%dma_start3A_285 : memref<128x16xf32, #tpu.memory_space<vmem_shared>>) target_semaphore(%run_scoped3A : memref<!tpu.dma_semaphore, #tpu.memory_space<semaphore_mem>>)
      %dma_wait3A_286 = arith.constant 0 : i32
      %dma_wait3A_287 = tpu.memref_slice %arg10[%add3A_146, %dma_wait3A_286] : memref<10000x16xf32, #tpu.memory_space<vmem_shared>> -> memref<128x16xf32, #tpu.memory_space<vmem_shared>>
      %dma_wait3A_288 = arith.constant 0 : i32
      %dma_wait3A_289 = tpu.memref_slice %arg10[%add3A_146, %dma_wait3A_288] : memref<10000x16xf32, #tpu.memory_space<vmem_shared>> -> memref<128x16xf32, #tpu.memory_space<vmem_shared>>
      tpu.wait_dma2 semaphore(%run_scoped3A : memref<!tpu.dma_semaphore, #tpu.memory_space<semaphore_mem>>) src(%arg9 : memref<128x16xf32, #tpu.memory_space<vmem>>) dst(%dma_wait3A_289 : memref<128x16xf32, #tpu.memory_space<vmem_shared>>)
      tpu.yield
    }) : () -> ()
    %barrier3A = arith.constant 0 : index
    tpu.barrier barrier_id(%barrier3A)
    %scan3A_147 = arith.constant 0 : i32
    %scan3A_148 = arith.constant 0 : i32
    %scan3A_149 = arith.constant 5 : i32
    %scan3A_150 = arith.addi %scan3A_148, %scan3A_149 : i32
    %scan3A_151 = arith.constant 1 : i32
    %scan3A_152 = scf.for %scan3A_282 = %scan3A_148 to %scan3A_150 step %scan3A_151 iter_args(%scan3A_283 = %scan3A_147) -> (i32)  : i32 {
      %gt3A = arith.constant 0 : i32
      %gt3A_284 = arith.cmpi sgt, %scan3A_282, %gt3A : i32
      %convert_element_type3A_285 = arith.extui %gt3A_284 : i1 to i32
      %cond3A_286 = arith.constant 0 : i32
      %cond3A_287 = arith.cmpi ne, %convert_element_type3A_285, %cond3A_286 : i32
      scf.if %cond3A_287 {
        %dma_wait3A_588 = arith.constant 0 : i32
        %dma_wait3A_589 = arith.constant 0 : i32
        %dma_wait3A_590 = arith.constant 0 : i32
        %dma_wait3A_591 = arith.constant 0 : i32
        %dma_wait3A_592 = arith.constant 0 : i32
        %dma_wait3A_593 = tpu.memref_slice %arg8[%dma_wait3A_588, %dma_wait3A_591, %dma_wait3A_592] : memref<8x125x16xf32, #tpu.memory_space<vmem>> -> memref<1x125x16xf32, #tpu.memory_space<vmem>>
        %dma_wait3A_594 = tpu.memref_squeeze %dma_wait3A_593 : memref<1x125x16xf32, #tpu.memory_space<vmem>> -> memref<125x16xf32, #tpu.memory_space<vmem>>
        %dma_wait3A_595 = arith.constant 0 : i32
        %dma_wait3A_596 = tpu.memref_slice %arg7[%dma_wait3A_589, %dma_wait3A_595] : memref<40x125xi32, #tpu.memory_space<vmem>> -> memref<1x125xi32, #tpu.memory_space<vmem>>
        %dma_wait3A_597 = tpu.memref_squeeze %dma_wait3A_596 : memref<1x125xi32, #tpu.memory_space<vmem>> -> memref<125xi32, #tpu.memory_space<vmem>>
        %dma_wait3A_598 = arith.constant 0 : i32
        %dma_wait3A_599 = arith.constant 0 : i32
        %dma_wait3A_600 = tpu.memref_slice %arg10[%dma_wait3A_598, %dma_wait3A_599] : memref<10000x16xf32, #tpu.memory_space<vmem_shared>> -> memref<10000x16xf32, #tpu.memory_space<vmem_shared>>
        %dma_wait3A_601 = tpu.memref_slice %arg12[%dma_wait3A_590] : memref<8x!tpu.dma_semaphore, #tpu.memory_space<semaphore_mem>> -> memref<1x!tpu.dma_semaphore, #tpu.memory_space<semaphore_mem>>
        %dma_wait3A_602 = tpu.memref_squeeze %dma_wait3A_601 : memref<1x!tpu.dma_semaphore, #tpu.memory_space<semaphore_mem>> -> memref<!tpu.dma_semaphore, #tpu.memory_space<semaphore_mem>>
        tpu.wait_indirect_dma semaphore(%dma_wait3A_602 : memref<!tpu.dma_semaphore, #tpu.memory_space<semaphore_mem>>) src(%dma_wait3A_594 : memref<125x16xf32, #tpu.memory_space<vmem>>) dst(%dma_wait3A_600 : memref<10000x16xf32, #tpu.memory_space<vmem_shared>>)
        %mul3A_603 = arith.constant 8 : i32
        %mul3A_604 = arith.muli %mul3A_603, %scan3A_282 : i32
        %add3A_605 = arith.constant 0 : i32
        %add3A_606 = arith.addi %mul3A_604, %add3A_605 : i32
        %dma_start3A_607 = arith.constant 0 : i32
        %dma_start3A_608 = arith.constant 0 : i32
        %dma_start3A_609 = arith.constant 0 : i32
        %dma_start3A_610 = arith.constant 0 : i32
        %dma_start3A_611 = tpu.memref_slice %arg8[%dma_start3A_607, %dma_start3A_609, %dma_start3A_610] : memref<8x125x16xf32, #tpu.memory_space<vmem>> -> memref<1x125x16xf32, #tpu.memory_space<vmem>>
        %dma_start3A_612 = tpu.memref_squeeze %dma_start3A_611 : memref<1x125x16xf32, #tpu.memory_space<vmem>> -> memref<125x16xf32, #tpu.memory_space<vmem>>
        %dma_start3A_613 = arith.constant 0 : i32
        %dma_start3A_614 = tpu.memref_slice %arg6[%add3A_606, %dma_start3A_613] : memref<40x125xi32, #tpu.memory_space<vmem>> -> memref<1x125xi32, #tpu.memory_space<vmem>>
        %dma_start3A_615 = tpu.memref_squeeze %dma_start3A_614 : memref<1x125xi32, #tpu.memory_space<vmem>> -> memref<125xi32, #tpu.memory_space<vmem>>
        %dma_start3A_616 = arith.constant 0 : i32
        %dma_start3A_617 = arith.constant 0 : i32
        %dma_start3A_618 = tpu.memref_slice %arg2[%dma_start3A_616, %dma_start3A_617] : memref<10000x16xf32, #tpu.memory_space<hbm>> -> memref<10000x16xf32, #tpu.memory_space<hbm>>
        %dma_start3A_619 = tpu.memref_slice %arg11[%dma_start3A_608] : memref<8x!tpu.dma_semaphore, #tpu.memory_space<semaphore_mem>> -> memref<1x!tpu.dma_semaphore, #tpu.memory_space<semaphore_mem>>
        %dma_start3A_620 = tpu.memref_squeeze %dma_start3A_619 : memref<1x!tpu.dma_semaphore, #tpu.memory_space<semaphore_mem>> -> memref<!tpu.dma_semaphore, #tpu.memory_space<semaphore_mem>>
        tpu.enqueue_indirect_dma source(%dma_start3A_618 : memref<10000x16xf32, #tpu.memory_space<hbm>>) target(%dma_start3A_612 : memref<125x16xf32, #tpu.memory_space<vmem>>) offsets(%dma_start3A_615 : memref<125xi32, #tpu.memory_space<vmem>>) semaphore(%dma_start3A_620 : memref<!tpu.dma_semaphore, #tpu.memory_space<semaphore_mem>>)
      } else {
      }
      %gt3A_288 = arith.constant 0 : i32
      %gt3A_289 = arith.cmpi sgt, %scan3A_282, %gt3A_288 : i32
      %convert_element_type3A_290 = arith.extui %gt3A_289 : i1 to i32
      %cond3A_291 = arith.constant 0 : i32
      %cond3A_292 = arith.cmpi ne, %convert_element_type3A_290, %cond3A_291 : i32
      scf.if %cond3A_292 {
        %dma_wait3A_588 = arith.constant 1 : i32
        %dma_wait3A_589 = arith.constant 0 : i32
        %dma_wait3A_590 = arith.constant 1 : i32
        %dma_wait3A_591 = arith.constant 0 : i32
        %dma_wait3A_592 = arith.constant 0 : i32
        %dma_wait3A_593 = tpu.memref_slice %arg8[%dma_wait3A_588, %dma_wait3A_591, %dma_wait3A_592] : memref<8x125x16xf32, #tpu.memory_space<vmem>> -> memref<1x125x16xf32, #tpu.memory_space<vmem>>
        %dma_wait3A_594 = tpu.memref_squeeze %dma_wait3A_593 : memref<1x125x16xf32, #tpu.memory_space<vmem>> -> memref<125x16xf32, #tpu.memory_space<vmem>>
        %dma_wait3A_595 = arith.constant 0 : i32
        %dma_wait3A_596 = tpu.memref_slice %arg7[%dma_wait3A_589, %dma_wait3A_595] : memref<40x125xi32, #tpu.memory_space<vmem>> -> memref<1x125xi32, #tpu.memory_space<vmem>>
        %dma_wait3A_597 = tpu.memref_squeeze %dma_wait3A_596 : memref<1x125xi32, #tpu.memory_space<vmem>> -> memref<125xi32, #tpu.memory_space<vmem>>
        %dma_wait3A_598 = arith.constant 0 : i32
        %dma_wait3A_599 = arith.constant 0 : i32
        %dma_wait3A_600 = tpu.memref_slice %arg10[%dma_wait3A_598, %dma_wait3A_599] : memref<10000x16xf32, #tpu.memory_space<vmem_shared>> -> memref<10000x16xf32, #tpu.memory_space<vmem_shared>>
        %dma_wait3A_601 = tpu.memref_slice %arg12[%dma_wait3A_590] : memref<8x!tpu.dma_semaphore, #tpu.memory_space<semaphore_mem>> -> memref<1x!tpu.dma_semaphore, #tpu.memory_space<semaphore_mem>>
        %dma_wait3A_602 = tpu.memref_squeeze %dma_wait3A_601 : memref<1x!tpu.dma_semaphore, #tpu.memory_space<semaphore_mem>> -> memref<!tpu.dma_semaphore, #tpu.memory_space<semaphore_mem>>
        tpu.wait_indirect_dma semaphore(%dma_wait3A_602 : memref<!tpu.dma_semaphore, #tpu.memory_space<semaphore_mem>>) src(%dma_wait3A_594 : memref<125x16xf32, #tpu.memory_space<vmem>>) dst(%dma_wait3A_600 : memref<10000x16xf32, #tpu.memory_space<vmem_shared>>)
        %mul3A_603 = arith.constant 8 : i32
        %mul3A_604 = arith.muli %mul3A_603, %scan3A_282 : i32
        %add3A_605 = arith.constant 1 : i32
        %add3A_606 = arith.addi %mul3A_604, %add3A_605 : i32
        %dma_start3A_607 = arith.constant 1 : i32
        %dma_start3A_608 = arith.constant 1 : i32
        %dma_start3A_609 = arith.constant 0 : i32
        %dma_start3A_610 = arith.constant 0 : i32
        %dma_start3A_611 = tpu.memref_slice %arg8[%dma_start3A_607, %dma_start3A_609, %dma_start3A_610] : memref<8x125x16xf32, #tpu.memory_space<vmem>> -> memref<1x125x16xf32, #tpu.memory_space<vmem>>
        %dma_start3A_612 = tpu.memref_squeeze %dma_start3A_611 : memref<1x125x16xf32, #tpu.memory_space<vmem>> -> memref<125x16xf32, #tpu.memory_space<vmem>>
        %dma_start3A_613 = arith.constant 0 : i32
        %dma_start3A_614 = tpu.memref_slice %arg6[%add3A_606, %dma_start3A_613] : memref<40x125xi32, #tpu.memory_space<vmem>> -> memref<1x125xi32, #tpu.memory_space<vmem>>
        %dma_start3A_615 = tpu.memref_squeeze %dma_start3A_614 : memref<1x125xi32, #tpu.memory_space<vmem>> -> memref<125xi32, #tpu.memory_space<vmem>>
        %dma_start3A_616 = arith.constant 0 : i32
        %dma_start3A_617 = arith.constant 0 : i32
        %dma_start3A_618 = tpu.memref_slice %arg2[%dma_start3A_616, %dma_start3A_617] : memref<10000x16xf32, #tpu.memory_space<hbm>> -> memref<10000x16xf32, #tpu.memory_space<hbm>>
        %dma_start3A_619 = tpu.memref_slice %arg11[%dma_start3A_608] : memref<8x!tpu.dma_semaphore, #tpu.memory_space<semaphore_mem>> -> memref<1x!tpu.dma_semaphore, #tpu.memory_space<semaphore_mem>>
        %dma_start3A_620 = tpu.memref_squeeze %dma_start3A_619 : memref<1x!tpu.dma_semaphore, #tpu.memory_space<semaphore_mem>> -> memref<!tpu.dma_semaphore, #tpu.memory_space<semaphore_mem>>
        tpu.enqueue_indirect_dma source(%dma_start3A_618 : memref<10000x16xf32, #tpu.memory_space<hbm>>) target(%dma_start3A_612 : memref<125x16xf32, #tpu.memory_space<vmem>>) offsets(%dma_start3A_615 : memref<125xi32, #tpu.memory_space<vmem>>) semaphore(%dma_start3A_620 : memref<!tpu.dma_semaphore, #tpu.memory_space<semaphore_mem>>)
      } else {
      }
      %gt3A_293 = arith.constant 0 : i32
      %gt3A_294 = arith.cmpi sgt, %scan3A_282, %gt3A_293 : i32
      %convert_element_type3A_295 = arith.extui %gt3A_294 : i1 to i32
      %cond3A_296 = arith.constant 0 : i32
      %cond3A_297 = arith.cmpi ne, %convert_element_type3A_295, %cond3A_296 : i32
      scf.if %cond3A_297 {
        %dma_wait3A_588 = arith.constant 2 : i32
        %dma_wait3A_589 = arith.constant 0 : i32
        %dma_wait3A_590 = arith.constant 2 : i32
        %dma_wait3A_591 = arith.constant 0 : i32
        %dma_wait3A_592 = arith.constant 0 : i32
        %dma_wait3A_593 = tpu.memref_slice %arg8[%dma_wait3A_588, %dma_wait3A_591, %dma_wait3A_592] : memref<8x125x16xf32, #tpu.memory_space<vmem>> -> memref<1x125x16xf32, #tpu.memory_space<vmem>>
        %dma_wait3A_594 = tpu.memref_squeeze %dma_wait3A_593 : memref<1x125x16xf32, #tpu.memory_space<vmem>> -> memref<125x16xf32, #tpu.memory_space<vmem>>
        %dma_wait3A_595 = arith.constant 0 : i32
        %dma_wait3A_596 = tpu.memref_slice %arg7[%dma_wait3A_589, %dma_wait3A_595] : memref<40x125xi32, #tpu.memory_space<vmem>> -> memref<1x125xi32, #tpu.memory_space<vmem>>
        %dma_wait3A_597 = tpu.memref_squeeze %dma_wait3A_596 : memref<1x125xi32, #tpu.memory_space<vmem>> -> memref<125xi32, #tpu.memory_space<vmem>>
        %dma_wait3A_598 = arith.constant 0 : i32
        %dma_wait3A_599 = arith.constant 0 : i32
        %dma_wait3A_600 = tpu.memref_slice %arg10[%dma_wait3A_598, %dma_wait3A_599] : memref<10000x16xf32, #tpu.memory_space<vmem_shared>> -> memref<10000x16xf32, #tpu.memory_space<vmem_shared>>
        %dma_wait3A_601 = tpu.memref_slice %arg12[%dma_wait3A_590] : memref<8x!tpu.dma_semaphore, #tpu.memory_space<semaphore_mem>> -> memref<1x!tpu.dma_semaphore, #tpu.memory_space<semaphore_mem>>
        %dma_wait3A_602 = tpu.memref_squeeze %dma_wait3A_601 : memref<1x!tpu.dma_semaphore, #tpu.memory_space<semaphore_mem>> -> memref<!tpu.dma_semaphore, #tpu.memory_space<semaphore_mem>>
        tpu.wait_indirect_dma semaphore(%dma_wait3A_602 : memref<!tpu.dma_semaphore, #tpu.memory_space<semaphore_mem>>) src(%dma_wait3A_594 : memref<125x16xf32, #tpu.memory_space<vmem>>) dst(%dma_wait3A_600 : memref<10000x16xf32, #tpu.memory_space<vmem_shared>>)
        %mul3A_603 = arith.constant 8 : i32
        %mul3A_604 = arith.muli %mul3A_603, %scan3A_282 : i32
        %add3A_605 = arith.constant 2 : i32
        %add3A_606 = arith.addi %mul3A_604, %add3A_605 : i32
        %dma_start3A_607 = arith.constant 2 : i32
        %dma_start3A_608 = arith.constant 2 : i32
        %dma_start3A_609 = arith.constant 0 : i32
        %dma_start3A_610 = arith.constant 0 : i32
        %dma_start3A_611 = tpu.memref_slice %arg8[%dma_start3A_607, %dma_start3A_609, %dma_start3A_610] : memref<8x125x16xf32, #tpu.memory_space<vmem>> -> memref<1x125x16xf32, #tpu.memory_space<vmem>>
        %dma_start3A_612 = tpu.memref_squeeze %dma_start3A_611 : memref<1x125x16xf32, #tpu.memory_space<vmem>> -> memref<125x16xf32, #tpu.memory_space<vmem>>
        %dma_start3A_613 = arith.constant 0 : i32
        %dma_start3A_614 = tpu.memref_slice %arg6[%add3A_606, %dma_start3A_613] : memref<40x125xi32, #tpu.memory_space<vmem>> -> memref<1x125xi32, #tpu.memory_space<vmem>>
        %dma_start3A_615 = tpu.memref_squeeze %dma_start3A_614 : memref<1x125xi32, #tpu.memory_space<vmem>> -> memref<125xi32, #tpu.memory_space<vmem>>
        %dma_start3A_616 = arith.constant 0 : i32
        %dma_start3A_617 = arith.constant 0 : i32
        %dma_start3A_618 = tpu.memref_slice %arg2[%dma_start3A_616, %dma_start3A_617] : memref<10000x16xf32, #tpu.memory_space<hbm>> -> memref<10000x16xf32, #tpu.memory_space<hbm>>
        %dma_start3A_619 = tpu.memref_slice %arg11[%dma_start3A_608] : memref<8x!tpu.dma_semaphore, #tpu.memory_space<semaphore_mem>> -> memref<1x!tpu.dma_semaphore, #tpu.memory_space<semaphore_mem>>
        %dma_start3A_620 = tpu.memref_squeeze %dma_start3A_619 : memref<1x!tpu.dma_semaphore, #tpu.memory_space<semaphore_mem>> -> memref<!tpu.dma_semaphore, #tpu.memory_space<semaphore_mem>>
        tpu.enqueue_indirect_dma source(%dma_start3A_618 : memref<10000x16xf32, #tpu.memory_space<hbm>>) target(%dma_start3A_612 : memref<125x16xf32, #tpu.memory_space<vmem>>) offsets(%dma_start3A_615 : memref<125xi32, #tpu.memory_space<vmem>>) semaphore(%dma_start3A_620 : memref<!tpu.dma_semaphore, #tpu.memory_space<semaphore_mem>>)
      } else {
      }
      %gt3A_298 = arith.constant 0 : i32
      %gt3A_299 = arith.cmpi sgt, %scan3A_282, %gt3A_298 : i32
      %convert_element_type3A_300 = arith.extui %gt3A_299 : i1 to i32
      %cond3A_301 = arith.constant 0 : i32
      %cond3A_302 = arith.cmpi ne, %convert_element_type3A_300, %cond3A_301 : i32
      scf.if %cond3A_302 {
        %dma_wait3A_588 = arith.constant 3 : i32
        %dma_wait3A_589 = arith.constant 0 : i32
        %dma_wait3A_590 = arith.constant 3 : i32
        %dma_wait3A_591 = arith.constant 0 : i32
        %dma_wait3A_592 = arith.constant 0 : i32
        %dma_wait3A_593 = tpu.memref_slice %arg8[%dma_wait3A_588, %dma_wait3A_591, %dma_wait3A_592] : memref<8x125x16xf32, #tpu.memory_space<vmem>> -> memref<1x125x16xf32, #tpu.memory_space<vmem>>
        %dma_wait3A_594 = tpu.memref_squeeze %dma_wait3A_593 : memref<1x125x16xf32, #tpu.memory_space<vmem>> -> memref<125x16xf32, #tpu.memory_space<vmem>>
        %dma_wait3A_595 = arith.constant 0 : i32
        %dma_wait3A_596 = tpu.memref_slice %arg7[%dma_wait3A_589, %dma_wait3A_595] : memref<40x125xi32, #tpu.memory_space<vmem>> -> memref<1x125xi32, #tpu.memory_space<vmem>>
        %dma_wait3A_597 = tpu.memref_squeeze %dma_wait3A_596 : memref<1x125xi32, #tpu.memory_space<vmem>> -> memref<125xi32, #tpu.memory_space<vmem>>
        %dma_wait3A_598 = arith.constant 0 : i32
        %dma_wait3A_599 = arith.constant 0 : i32
        %dma_wait3A_600 = tpu.memref_slice %arg10[%dma_wait3A_598, %dma_wait3A_599] : memref<10000x16xf32, #tpu.memory_space<vmem_shared>> -> memref<10000x16xf32, #tpu.memory_space<vmem_shared>>
        %dma_wait3A_601 = tpu.memref_slice %arg12[%dma_wait3A_590] : memref<8x!tpu.dma_semaphore, #tpu.memory_space<semaphore_mem>> -> memref<1x!tpu.dma_semaphore, #tpu.memory_space<semaphore_mem>>
        %dma_wait3A_602 = tpu.memref_squeeze %dma_wait3A_601 : memref<1x!tpu.dma_semaphore, #tpu.memory_space<semaphore_mem>> -> memref<!tpu.dma_semaphore, #tpu.memory_space<semaphore_mem>>
        tpu.wait_indirect_dma semaphore(%dma_wait3A_602 : memref<!tpu.dma_semaphore, #tpu.memory_space<semaphore_mem>>) src(%dma_wait3A_594 : memref<125x16xf32, #tpu.memory_space<vmem>>) dst(%dma_wait3A_600 : memref<10000x16xf32, #tpu.memory_space<vmem_shared>>)
        %mul3A_603 = arith.constant 8 : i32
        %mul3A_604 = arith.muli %mul3A_603, %scan3A_282 : i32
        %add3A_605 = arith.constant 3 : i32
        %add3A_606 = arith.addi %mul3A_604, %add3A_605 : i32
        %dma_start3A_607 = arith.constant 3 : i32
        %dma_start3A_608 = arith.constant 3 : i32
        %dma_start3A_609 = arith.constant 0 : i32
        %dma_start3A_610 = arith.constant 0 : i32
        %dma_start3A_611 = tpu.memref_slice %arg8[%dma_start3A_607, %dma_start3A_609, %dma_start3A_610] : memref<8x125x16xf32, #tpu.memory_space<vmem>> -> memref<1x125x16xf32, #tpu.memory_space<vmem>>
        %dma_start3A_612 = tpu.memref_squeeze %dma_start3A_611 : memref<1x125x16xf32, #tpu.memory_space<vmem>> -> memref<125x16xf32, #tpu.memory_space<vmem>>
        %dma_start3A_613 = arith.constant 0 : i32
        %dma_start3A_614 = tpu.memref_slice %arg6[%add3A_606, %dma_start3A_613] : memref<40x125xi32, #tpu.memory_space<vmem>> -> memref<1x125xi32, #tpu.memory_space<vmem>>
        %dma_start3A_615 = tpu.memref_squeeze %dma_start3A_614 : memref<1x125xi32, #tpu.memory_space<vmem>> -> memref<125xi32, #tpu.memory_space<vmem>>
        %dma_start3A_616 = arith.constant 0 : i32
        %dma_start3A_617 = arith.constant 0 : i32
        %dma_start3A_618 = tpu.memref_slice %arg2[%dma_start3A_616, %dma_start3A_617] : memref<10000x16xf32, #tpu.memory_space<hbm>> -> memref<10000x16xf32, #tpu.memory_space<hbm>>
        %dma_start3A_619 = tpu.memref_slice %arg11[%dma_start3A_608] : memref<8x!tpu.dma_semaphore, #tpu.memory_space<semaphore_mem>> -> memref<1x!tpu.dma_semaphore, #tpu.memory_space<semaphore_mem>>
        %dma_start3A_620 = tpu.memref_squeeze %dma_start3A_619 : memref<1x!tpu.dma_semaphore, #tpu.memory_space<semaphore_mem>> -> memref<!tpu.dma_semaphore, #tpu.memory_space<semaphore_mem>>
        tpu.enqueue_indirect_dma source(%dma_start3A_618 : memref<10000x16xf32, #tpu.memory_space<hbm>>) target(%dma_start3A_612 : memref<125x16xf32, #tpu.memory_space<vmem>>) offsets(%dma_start3A_615 : memref<125xi32, #tpu.memory_space<vmem>>) semaphore(%dma_start3A_620 : memref<!tpu.dma_semaphore, #tpu.memory_space<semaphore_mem>>)
      } else {
      }
      %gt3A_303 = arith.constant 0 : i32
      %gt3A_304 = arith.cmpi sgt, %scan3A_282, %gt3A_303 : i32
      %convert_element_type3A_305 = arith.extui %gt3A_304 : i1 to i32
      %cond3A_306 = arith.constant 0 : i32
      %cond3A_307 = arith.cmpi ne, %convert_element_type3A_305, %cond3A_306 : i32
      scf.if %cond3A_307 {
        %dma_wait3A_588 = arith.constant 4 : i32
        %dma_wait3A_589 = arith.constant 0 : i32
        %dma_wait3A_590 = arith.constant 4 : i32
        %dma_wait3A_591 = arith.constant 0 : i32
        %dma_wait3A_592 = arith.constant 0 : i32
        %dma_wait3A_593 = tpu.memref_slice %arg8[%dma_wait3A_588, %dma_wait3A_591, %dma_wait3A_592] : memref<8x125x16xf32, #tpu.memory_space<vmem>> -> memref<1x125x16xf32, #tpu.memory_space<vmem>>
        %dma_wait3A_594 = tpu.memref_squeeze %dma_wait3A_593 : memref<1x125x16xf32, #tpu.memory_space<vmem>> -> memref<125x16xf32, #tpu.memory_space<vmem>>
        %dma_wait3A_595 = arith.constant 0 : i32
        %dma_wait3A_596 = tpu.memref_slice %arg7[%dma_wait3A_589, %dma_wait3A_595] : memref<40x125xi32, #tpu.memory_space<vmem>> -> memref<1x125xi32, #tpu.memory_space<vmem>>
        %dma_wait3A_597 = tpu.memref_squeeze %dma_wait3A_596 : memref<1x125xi32, #tpu.memory_space<vmem>> -> memref<125xi32, #tpu.memory_space<vmem>>
        %dma_wait3A_598 = arith.constant 0 : i32
        %dma_wait3A_599 = arith.constant 0 : i32
        %dma_wait3A_600 = tpu.memref_slice %arg10[%dma_wait3A_598, %dma_wait3A_599] : memref<10000x16xf32, #tpu.memory_space<vmem_shared>> -> memref<10000x16xf32, #tpu.memory_space<vmem_shared>>
        %dma_wait3A_601 = tpu.memref_slice %arg12[%dma_wait3A_590] : memref<8x!tpu.dma_semaphore, #tpu.memory_space<semaphore_mem>> -> memref<1x!tpu.dma_semaphore, #tpu.memory_space<semaphore_mem>>
        %dma_wait3A_602 = tpu.memref_squeeze %dma_wait3A_601 : memref<1x!tpu.dma_semaphore, #tpu.memory_space<semaphore_mem>> -> memref<!tpu.dma_semaphore, #tpu.memory_space<semaphore_mem>>
        tpu.wait_indirect_dma semaphore(%dma_wait3A_602 : memref<!tpu.dma_semaphore, #tpu.memory_space<semaphore_mem>>) src(%dma_wait3A_594 : memref<125x16xf32, #tpu.memory_space<vmem>>) dst(%dma_wait3A_600 : memref<10000x16xf32, #tpu.memory_space<vmem_shared>>)
        %mul3A_603 = arith.constant 8 : i32
        %mul3A_604 = arith.muli %mul3A_603, %scan3A_282 : i32
        %add3A_605 = arith.constant 4 : i32
        %add3A_606 = arith.addi %mul3A_604, %add3A_605 : i32
        %dma_start3A_607 = arith.constant 4 : i32
        %dma_start3A_608 = arith.constant 4 : i32
        %dma_start3A_609 = arith.constant 0 : i32
        %dma_start3A_610 = arith.constant 0 : i32
        %dma_start3A_611 = tpu.memref_slice %arg8[%dma_start3A_607, %dma_start3A_609, %dma_start3A_610] : memref<8x125x16xf32, #tpu.memory_space<vmem>> -> memref<1x125x16xf32, #tpu.memory_space<vmem>>
        %dma_start3A_612 = tpu.memref_squeeze %dma_start3A_611 : memref<1x125x16xf32, #tpu.memory_space<vmem>> -> memref<125x16xf32, #tpu.memory_space<vmem>>
        %dma_start3A_613 = arith.constant 0 : i32
        %dma_start3A_614 = tpu.memref_slice %arg6[%add3A_606, %dma_start3A_613] : memref<40x125xi32, #tpu.memory_space<vmem>> -> memref<1x125xi32, #tpu.memory_space<vmem>>
        %dma_start3A_615 = tpu.memref_squeeze %dma_start3A_614 : memref<1x125xi32, #tpu.memory_space<vmem>> -> memref<125xi32, #tpu.memory_space<vmem>>
        %dma_start3A_616 = arith.constant 0 : i32
        %dma_start3A_617 = arith.constant 0 : i32
        %dma_start3A_618 = tpu.memref_slice %arg2[%dma_start3A_616, %dma_start3A_617] : memref<10000x16xf32, #tpu.memory_space<hbm>> -> memref<10000x16xf32, #tpu.memory_space<hbm>>
        %dma_start3A_619 = tpu.memref_slice %arg11[%dma_start3A_608] : memref<8x!tpu.dma_semaphore, #tpu.memory_space<semaphore_mem>> -> memref<1x!tpu.dma_semaphore, #tpu.memory_space<semaphore_mem>>
        %dma_start3A_620 = tpu.memref_squeeze %dma_start3A_619 : memref<1x!tpu.dma_semaphore, #tpu.memory_space<semaphore_mem>> -> memref<!tpu.dma_semaphore, #tpu.memory_space<semaphore_mem>>
        tpu.enqueue_indirect_dma source(%dma_start3A_618 : memref<10000x16xf32, #tpu.memory_space<hbm>>) target(%dma_start3A_612 : memref<125x16xf32, #tpu.memory_space<vmem>>) offsets(%dma_start3A_615 : memref<125xi32, #tpu.memory_space<vmem>>) semaphore(%dma_start3A_620 : memref<!tpu.dma_semaphore, #tpu.memory_space<semaphore_mem>>)
      } else {
      }
      %gt3A_308 = arith.constant 0 : i32
      %gt3A_309 = arith.cmpi sgt, %scan3A_282, %gt3A_308 : i32
      %convert_element_type3A_310 = arith.extui %gt3A_309 : i1 to i32
      %cond3A_311 = arith.constant 0 : i32
      %cond3A_312 = arith.cmpi ne, %convert_element_type3A_310, %cond3A_311 : i32
      scf.if %cond3A_312 {
        %dma_wait3A_588 = arith.constant 5 : i32
        %dma_wait3A_589 = arith.constant 0 : i32
        %dma_wait3A_590 = arith.constant 5 : i32
        %dma_wait3A_591 = arith.constant 0 : i32
        %dma_wait3A_592 = arith.constant 0 : i32
        %dma_wait3A_593 = tpu.memref_slice %arg8[%dma_wait3A_588, %dma_wait3A_591, %dma_wait3A_592] : memref<8x125x16xf32, #tpu.memory_space<vmem>> -> memref<1x125x16xf32, #tpu.memory_space<vmem>>
        %dma_wait3A_594 = tpu.memref_squeeze %dma_wait3A_593 : memref<1x125x16xf32, #tpu.memory_space<vmem>> -> memref<125x16xf32, #tpu.memory_space<vmem>>
        %dma_wait3A_595 = arith.constant 0 : i32
        %dma_wait3A_596 = tpu.memref_slice %arg7[%dma_wait3A_589, %dma_wait3A_595] : memref<40x125xi32, #tpu.memory_space<vmem>> -> memref<1x125xi32, #tpu.memory_space<vmem>>
        %dma_wait3A_597 = tpu.memref_squeeze %dma_wait3A_596 : memref<1x125xi32, #tpu.memory_space<vmem>> -> memref<125xi32, #tpu.memory_space<vmem>>
        %dma_wait3A_598 = arith.constant 0 : i32
        %dma_wait3A_599 = arith.constant 0 : i32
        %dma_wait3A_600 = tpu.memref_slice %arg10[%dma_wait3A_598, %dma_wait3A_599] : memref<10000x16xf32, #tpu.memory_space<vmem_shared>> -> memref<10000x16xf32, #tpu.memory_space<vmem_shared>>
        %dma_wait3A_601 = tpu.memref_slice %arg12[%dma_wait3A_590] : memref<8x!tpu.dma_semaphore, #tpu.memory_space<semaphore_mem>> -> memref<1x!tpu.dma_semaphore, #tpu.memory_space<semaphore_mem>>
        %dma_wait3A_602 = tpu.memref_squeeze %dma_wait3A_601 : memref<1x!tpu.dma_semaphore, #tpu.memory_space<semaphore_mem>> -> memref<!tpu.dma_semaphore, #tpu.memory_space<semaphore_mem>>
        tpu.wait_indirect_dma semaphore(%dma_wait3A_602 : memref<!tpu.dma_semaphore, #tpu.memory_space<semaphore_mem>>) src(%dma_wait3A_594 : memref<125x16xf32, #tpu.memory_space<vmem>>) dst(%dma_wait3A_600 : memref<10000x16xf32, #tpu.memory_space<vmem_shared>>)
        %mul3A_603 = arith.constant 8 : i32
        %mul3A_604 = arith.muli %mul3A_603, %scan3A_282 : i32
        %add3A_605 = arith.constant 5 : i32
        %add3A_606 = arith.addi %mul3A_604, %add3A_605 : i32
        %dma_start3A_607 = arith.constant 5 : i32
        %dma_start3A_608 = arith.constant 5 : i32
        %dma_start3A_609 = arith.constant 0 : i32
        %dma_start3A_610 = arith.constant 0 : i32
        %dma_start3A_611 = tpu.memref_slice %arg8[%dma_start3A_607, %dma_start3A_609, %dma_start3A_610] : memref<8x125x16xf32, #tpu.memory_space<vmem>> -> memref<1x125x16xf32, #tpu.memory_space<vmem>>
        %dma_start3A_612 = tpu.memref_squeeze %dma_start3A_611 : memref<1x125x16xf32, #tpu.memory_space<vmem>> -> memref<125x16xf32, #tpu.memory_space<vmem>>
        %dma_start3A_613 = arith.constant 0 : i32
        %dma_start3A_614 = tpu.memref_slice %arg6[%add3A_606, %dma_start3A_613] : memref<40x125xi32, #tpu.memory_space<vmem>> -> memref<1x125xi32, #tpu.memory_space<vmem>>
        %dma_start3A_615 = tpu.memref_squeeze %dma_start3A_614 : memref<1x125xi32, #tpu.memory_space<vmem>> -> memref<125xi32, #tpu.memory_space<vmem>>
        %dma_start3A_616 = arith.constant 0 : i32
        %dma_start3A_617 = arith.constant 0 : i32
        %dma_start3A_618 = tpu.memref_slice %arg2[%dma_start3A_616, %dma_start3A_617] : memref<10000x16xf32, #tpu.memory_space<hbm>> -> memref<10000x16xf32, #tpu.memory_space<hbm>>
        %dma_start3A_619 = tpu.memref_slice %arg11[%dma_start3A_608] : memref<8x!tpu.dma_semaphore, #tpu.memory_space<semaphore_mem>> -> memref<1x!tpu.dma_semaphore, #tpu.memory_space<semaphore_mem>>
        %dma_start3A_620 = tpu.memref_squeeze %dma_start3A_619 : memref<1x!tpu.dma_semaphore, #tpu.memory_space<semaphore_mem>> -> memref<!tpu.dma_semaphore, #tpu.memory_space<semaphore_mem>>
        tpu.enqueue_indirect_dma source(%dma_start3A_618 : memref<10000x16xf32, #tpu.memory_space<hbm>>) target(%dma_start3A_612 : memref<125x16xf32, #tpu.memory_space<vmem>>) offsets(%dma_start3A_615 : memref<125xi32, #tpu.memory_space<vmem>>) semaphore(%dma_start3A_620 : memref<!tpu.dma_semaphore, #tpu.memory_space<semaphore_mem>>)
      } else {
      }
      %gt3A_313 = arith.constant 0 : i32
      %gt3A_314 = arith.cmpi sgt, %scan3A_282, %gt3A_313 : i32
      %convert_element_type3A_315 = arith.extui %gt3A_314 : i1 to i32
      %cond3A_316 = arith.constant 0 : i32
      %cond3A_317 = arith.cmpi ne, %convert_element_type3A_315, %cond3A_316 : i32
      scf.if %cond3A_317 {
        %dma_wait3A_588 = arith.constant 6 : i32
        %dma_wait3A_589 = arith.constant 0 : i32
        %dma_wait3A_590 = arith.constant 6 : i32
        %dma_wait3A_591 = arith.constant 0 : i32
        %dma_wait3A_592 = arith.constant 0 : i32
        %dma_wait3A_593 = tpu.memref_slice %arg8[%dma_wait3A_588, %dma_wait3A_591, %dma_wait3A_592] : memref<8x125x16xf32, #tpu.memory_space<vmem>> -> memref<1x125x16xf32, #tpu.memory_space<vmem>>
        %dma_wait3A_594 = tpu.memref_squeeze %dma_wait3A_593 : memref<1x125x16xf32, #tpu.memory_space<vmem>> -> memref<125x16xf32, #tpu.memory_space<vmem>>
        %dma_wait3A_595 = arith.constant 0 : i32
        %dma_wait3A_596 = tpu.memref_slice %arg7[%dma_wait3A_589, %dma_wait3A_595] : memref<40x125xi32, #tpu.memory_space<vmem>> -> memref<1x125xi32, #tpu.memory_space<vmem>>
        %dma_wait3A_597 = tpu.memref_squeeze %dma_wait3A_596 : memref<1x125xi32, #tpu.memory_space<vmem>> -> memref<125xi32, #tpu.memory_space<vmem>>
        %dma_wait3A_598 = arith.constant 0 : i32
        %dma_wait3A_599 = arith.constant 0 : i32
        %dma_wait3A_600 = tpu.memref_slice %arg10[%dma_wait3A_598, %dma_wait3A_599] : memref<10000x16xf32, #tpu.memory_space<vmem_shared>> -> memref<10000x16xf32, #tpu.memory_space<vmem_shared>>
        %dma_wait3A_601 = tpu.memref_slice %arg12[%dma_wait3A_590] : memref<8x!tpu.dma_semaphore, #tpu.memory_space<semaphore_mem>> -> memref<1x!tpu.dma_semaphore, #tpu.memory_space<semaphore_mem>>
        %dma_wait3A_602 = tpu.memref_squeeze %dma_wait3A_601 : memref<1x!tpu.dma_semaphore, #tpu.memory_space<semaphore_mem>> -> memref<!tpu.dma_semaphore, #tpu.memory_space<semaphore_mem>>
        tpu.wait_indirect_dma semaphore(%dma_wait3A_602 : memref<!tpu.dma_semaphore, #tpu.memory_space<semaphore_mem>>) src(%dma_wait3A_594 : memref<125x16xf32, #tpu.memory_space<vmem>>) dst(%dma_wait3A_600 : memref<10000x16xf32, #tpu.memory_space<vmem_shared>>)
        %mul3A_603 = arith.constant 8 : i32
        %mul3A_604 = arith.muli %mul3A_603, %scan3A_282 : i32
        %add3A_605 = arith.constant 6 : i32
        %add3A_606 = arith.addi %mul3A_604, %add3A_605 : i32
        %dma_start3A_607 = arith.constant 6 : i32
        %dma_start3A_608 = arith.constant 6 : i32
        %dma_start3A_609 = arith.constant 0 : i32
        %dma_start3A_610 = arith.constant 0 : i32
        %dma_start3A_611 = tpu.memref_slice %arg8[%dma_start3A_607, %dma_start3A_609, %dma_start3A_610] : memref<8x125x16xf32, #tpu.memory_space<vmem>> -> memref<1x125x16xf32, #tpu.memory_space<vmem>>
        %dma_start3A_612 = tpu.memref_squeeze %dma_start3A_611 : memref<1x125x16xf32, #tpu.memory_space<vmem>> -> memref<125x16xf32, #tpu.memory_space<vmem>>
        %dma_start3A_613 = arith.constant 0 : i32
        %dma_start3A_614 = tpu.memref_slice %arg6[%add3A_606, %dma_start3A_613] : memref<40x125xi32, #tpu.memory_space<vmem>> -> memref<1x125xi32, #tpu.memory_space<vmem>>
        %dma_start3A_615 = tpu.memref_squeeze %dma_start3A_614 : memref<1x125xi32, #tpu.memory_space<vmem>> -> memref<125xi32, #tpu.memory_space<vmem>>
        %dma_start3A_616 = arith.constant 0 : i32
        %dma_start3A_617 = arith.constant 0 : i32
        %dma_start3A_618 = tpu.memref_slice %arg2[%dma_start3A_616, %dma_start3A_617] : memref<10000x16xf32, #tpu.memory_space<hbm>> -> memref<10000x16xf32, #tpu.memory_space<hbm>>
        %dma_start3A_619 = tpu.memref_slice %arg11[%dma_start3A_608] : memref<8x!tpu.dma_semaphore, #tpu.memory_space<semaphore_mem>> -> memref<1x!tpu.dma_semaphore, #tpu.memory_space<semaphore_mem>>
        %dma_start3A_620 = tpu.memref_squeeze %dma_start3A_619 : memref<1x!tpu.dma_semaphore, #tpu.memory_space<semaphore_mem>> -> memref<!tpu.dma_semaphore, #tpu.memory_space<semaphore_mem>>
        tpu.enqueue_indirect_dma source(%dma_start3A_618 : memref<10000x16xf32, #tpu.memory_space<hbm>>) target(%dma_start3A_612 : memref<125x16xf32, #tpu.memory_space<vmem>>) offsets(%dma_start3A_615 : memref<125xi32, #tpu.memory_space<vmem>>) semaphore(%dma_start3A_620 : memref<!tpu.dma_semaphore, #tpu.memory_space<semaphore_mem>>)
      } else {
      }
      %gt3A_318 = arith.constant 0 : i32
      %gt3A_319 = arith.cmpi sgt, %scan3A_282, %gt3A_318 : i32
      %convert_element_type3A_320 = arith.extui %gt3A_319 : i1 to i32
      %cond3A_321 = arith.constant 0 : i32
      %cond3A_322 = arith.cmpi ne, %convert_element_type3A_320, %cond3A_321 : i32
      scf.if %cond3A_322 {
        %dma_wait3A_588 = arith.constant 7 : i32
        %dma_wait3A_589 = arith.constant 0 : i32
        %dma_wait3A_590 = arith.constant 7 : i32
        %dma_wait3A_591 = arith.constant 0 : i32
        %dma_wait3A_592 = arith.constant 0 : i32
        %dma_wait3A_593 = tpu.memref_slice %arg8[%dma_wait3A_588, %dma_wait3A_591, %dma_wait3A_592] : memref<8x125x16xf32, #tpu.memory_space<vmem>> -> memref<1x125x16xf32, #tpu.memory_space<vmem>>
        %dma_wait3A_594 = tpu.memref_squeeze %dma_wait3A_593 : memref<1x125x16xf32, #tpu.memory_space<vmem>> -> memref<125x16xf32, #tpu.memory_space<vmem>>
        %dma_wait3A_595 = arith.constant 0 : i32
        %dma_wait3A_596 = tpu.memref_slice %arg7[%dma_wait3A_589, %dma_wait3A_595] : memref<40x125xi32, #tpu.memory_space<vmem>> -> memref<1x125xi32, #tpu.memory_space<vmem>>
        %dma_wait3A_597 = tpu.memref_squeeze %dma_wait3A_596 : memref<1x125xi32, #tpu.memory_space<vmem>> -> memref<125xi32, #tpu.memory_space<vmem>>
        %dma_wait3A_598 = arith.constant 0 : i32
        %dma_wait3A_599 = arith.constant 0 : i32
        %dma_wait3A_600 = tpu.memref_slice %arg10[%dma_wait3A_598, %dma_wait3A_599] : memref<10000x16xf32, #tpu.memory_space<vmem_shared>> -> memref<10000x16xf32, #tpu.memory_space<vmem_shared>>
        %dma_wait3A_601 = tpu.memref_slice %arg12[%dma_wait3A_590] : memref<8x!tpu.dma_semaphore, #tpu.memory_space<semaphore_mem>> -> memref<1x!tpu.dma_semaphore, #tpu.memory_space<semaphore_mem>>
        %dma_wait3A_602 = tpu.memref_squeeze %dma_wait3A_601 : memref<1x!tpu.dma_semaphore, #tpu.memory_space<semaphore_mem>> -> memref<!tpu.dma_semaphore, #tpu.memory_space<semaphore_mem>>
        tpu.wait_indirect_dma semaphore(%dma_wait3A_602 : memref<!tpu.dma_semaphore, #tpu.memory_space<semaphore_mem>>) src(%dma_wait3A_594 : memref<125x16xf32, #tpu.memory_space<vmem>>) dst(%dma_wait3A_600 : memref<10000x16xf32, #tpu.memory_space<vmem_shared>>)
        %mul3A_603 = arith.constant 8 : i32
        %mul3A_604 = arith.muli %mul3A_603, %scan3A_282 : i32
        %add3A_605 = arith.constant 7 : i32
        %add3A_606 = arith.addi %mul3A_604, %add3A_605 : i32
        %dma_start3A_607 = arith.constant 7 : i32
        %dma_start3A_608 = arith.constant 7 : i32
        %dma_start3A_609 = arith.constant 0 : i32
        %dma_start3A_610 = arith.constant 0 : i32
        %dma_start3A_611 = tpu.memref_slice %arg8[%dma_start3A_607, %dma_start3A_609, %dma_start3A_610] : memref<8x125x16xf32, #tpu.memory_space<vmem>> -> memref<1x125x16xf32, #tpu.memory_space<vmem>>
        %dma_start3A_612 = tpu.memref_squeeze %dma_start3A_611 : memref<1x125x16xf32, #tpu.memory_space<vmem>> -> memref<125x16xf32, #tpu.memory_space<vmem>>
        %dma_start3A_613 = arith.constant 0 : i32
        %dma_start3A_614 = tpu.memref_slice %arg6[%add3A_606, %dma_start3A_613] : memref<40x125xi32, #tpu.memory_space<vmem>> -> memref<1x125xi32, #tpu.memory_space<vmem>>
        %dma_start3A_615 = tpu.memref_squeeze %dma_start3A_614 : memref<1x125xi32, #tpu.memory_space<vmem>> -> memref<125xi32, #tpu.memory_space<vmem>>
        %dma_start3A_616 = arith.constant 0 : i32
        %dma_start3A_617 = arith.constant 0 : i32
        %dma_start3A_618 = tpu.memref_slice %arg2[%dma_start3A_616, %dma_start3A_617] : memref<10000x16xf32, #tpu.memory_space<hbm>> -> memref<10000x16xf32, #tpu.memory_space<hbm>>
        %dma_start3A_619 = tpu.memref_slice %arg11[%dma_start3A_608] : memref<8x!tpu.dma_semaphore, #tpu.memory_space<semaphore_mem>> -> memref<1x!tpu.dma_semaphore, #tpu.memory_space<semaphore_mem>>
        %dma_start3A_620 = tpu.memref_squeeze %dma_start3A_619 : memref<1x!tpu.dma_semaphore, #tpu.memory_space<semaphore_mem>> -> memref<!tpu.dma_semaphore, #tpu.memory_space<semaphore_mem>>
        tpu.enqueue_indirect_dma source(%dma_start3A_618 : memref<10000x16xf32, #tpu.memory_space<hbm>>) target(%dma_start3A_612 : memref<125x16xf32, #tpu.memory_space<vmem>>) offsets(%dma_start3A_615 : memref<125xi32, #tpu.memory_space<vmem>>) semaphore(%dma_start3A_620 : memref<!tpu.dma_semaphore, #tpu.memory_space<semaphore_mem>>)
      } else {
      }
      %dma_wait3A_323 = arith.constant 0 : i32
      %dma_wait3A_324 = arith.constant 0 : i32
      %dma_wait3A_325 = arith.constant 0 : i32
      %dma_wait3A_326 = arith.constant 0 : i32
      %dma_wait3A_327 = arith.constant 0 : i32
      %dma_wait3A_328 = tpu.memref_slice %arg8[%dma_wait3A_324, %dma_wait3A_326, %dma_wait3A_327] : memref<8x125x16xf32, #tpu.memory_space<vmem>> -> memref<1x125x16xf32, #tpu.memory_space<vmem>>
      %dma_wait3A_329 = tpu.memref_squeeze %dma_wait3A_328 : memref<1x125x16xf32, #tpu.memory_space<vmem>> -> memref<125x16xf32, #tpu.memory_space<vmem>>
      %dma_wait3A_330 = arith.constant 0 : i32
      %dma_wait3A_331 = tpu.memref_slice %arg6[%dma_wait3A_323, %dma_wait3A_330] : memref<40x125xi32, #tpu.memory_space<vmem>> -> memref<1x125xi32, #tpu.memory_space<vmem>>
      %dma_wait3A_332 = tpu.memref_squeeze %dma_wait3A_331 : memref<1x125xi32, #tpu.memory_space<vmem>> -> memref<125xi32, #tpu.memory_space<vmem>>
      %dma_wait3A_333 = arith.constant 0 : i32
      %dma_wait3A_334 = arith.constant 0 : i32
      %dma_wait3A_335 = tpu.memref_slice %arg2[%dma_wait3A_333, %dma_wait3A_334] : memref<10000x16xf32, #tpu.memory_space<hbm>> -> memref<10000x16xf32, #tpu.memory_space<hbm>>
      %dma_wait3A_336 = tpu.memref_slice %arg11[%dma_wait3A_325] : memref<8x!tpu.dma_semaphore, #tpu.memory_space<semaphore_mem>> -> memref<1x!tpu.dma_semaphore, #tpu.memory_space<semaphore_mem>>
      %dma_wait3A_337 = tpu.memref_squeeze %dma_wait3A_336 : memref<1x!tpu.dma_semaphore, #tpu.memory_space<semaphore_mem>> -> memref<!tpu.dma_semaphore, #tpu.memory_space<semaphore_mem>>
      tpu.wait_indirect_dma semaphore(%dma_wait3A_337 : memref<!tpu.dma_semaphore, #tpu.memory_space<semaphore_mem>>) src(%dma_wait3A_335 : memref<10000x16xf32, #tpu.memory_space<hbm>>) dst(%dma_wait3A_329 : memref<125x16xf32, #tpu.memory_space<vmem>>)
      %mul3A_338 = arith.constant 8 : i32
      %mul3A_339 = arith.muli %mul3A_338, %scan3A_282 : i32
      %add3A_340 = arith.constant 0 : i32
      %add3A_341 = arith.addi %mul3A_339, %add3A_340 : i32
      %dma_start3A_342 = arith.constant 0 : i32
      %dma_start3A_343 = arith.constant 0 : i32
      %dma_start3A_344 = arith.constant 0 : i32
      %dma_start3A_345 = arith.constant 0 : i32
      %dma_start3A_346 = tpu.memref_slice %arg8[%dma_start3A_342, %dma_start3A_344, %dma_start3A_345] : memref<8x125x16xf32, #tpu.memory_space<vmem>> -> memref<1x125x16xf32, #tpu.memory_space<vmem>>
      %dma_start3A_347 = tpu.memref_squeeze %dma_start3A_346 : memref<1x125x16xf32, #tpu.memory_space<vmem>> -> memref<125x16xf32, #tpu.memory_space<vmem>>
      %dma_start3A_348 = arith.constant 0 : i32
      %dma_start3A_349 = tpu.memref_slice %arg7[%add3A_341, %dma_start3A_348] : memref<40x125xi32, #tpu.memory_space<vmem>> -> memref<1x125xi32, #tpu.memory_space<vmem>>
      %dma_start3A_350 = tpu.memref_squeeze %dma_start3A_349 : memref<1x125xi32, #tpu.memory_space<vmem>> -> memref<125xi32, #tpu.memory_space<vmem>>
      %dma_start3A_351 = arith.constant 0 : i32
      %dma_start3A_352 = arith.constant 0 : i32
      %dma_start3A_353 = tpu.memref_slice %arg10[%dma_start3A_351, %dma_start3A_352] : memref<10000x16xf32, #tpu.memory_space<vmem_shared>> -> memref<10000x16xf32, #tpu.memory_space<vmem_shared>>
      %dma_start3A_354 = tpu.memref_slice %arg12[%dma_start3A_343] : memref<8x!tpu.dma_semaphore, #tpu.memory_space<semaphore_mem>> -> memref<1x!tpu.dma_semaphore, #tpu.memory_space<semaphore_mem>>
      %dma_start3A_355 = tpu.memref_squeeze %dma_start3A_354 : memref<1x!tpu.dma_semaphore, #tpu.memory_space<semaphore_mem>> -> memref<!tpu.dma_semaphore, #tpu.memory_space<semaphore_mem>>
      tpu.enqueue_indirect_dma source(%dma_start3A_347 : memref<125x16xf32, #tpu.memory_space<vmem>>) target(%dma_start3A_353 : memref<10000x16xf32, #tpu.memory_space<vmem_shared>>) offsets(%dma_start3A_350 : memref<125xi32, #tpu.memory_space<vmem>>) semaphore(%dma_start3A_355 : memref<!tpu.dma_semaphore, #tpu.memory_space<semaphore_mem>>) {add = true}
      %dma_wait3A_356 = arith.constant 0 : i32
      %dma_wait3A_357 = arith.constant 1 : i32
      %dma_wait3A_358 = arith.constant 1 : i32
      %dma_wait3A_359 = arith.constant 0 : i32
      %dma_wait3A_360 = arith.constant 0 : i32
      %dma_wait3A_361 = tpu.memref_slice %arg8[%dma_wait3A_357, %dma_wait3A_359, %dma_wait3A_360] : memref<8x125x16xf32, #tpu.memory_space<vmem>> -> memref<1x125x16xf32, #tpu.memory_space<vmem>>
      %dma_wait3A_362 = tpu.memref_squeeze %dma_wait3A_361 : memref<1x125x16xf32, #tpu.memory_space<vmem>> -> memref<125x16xf32, #tpu.memory_space<vmem>>
      %dma_wait3A_363 = arith.constant 0 : i32
      %dma_wait3A_364 = tpu.memref_slice %arg6[%dma_wait3A_356, %dma_wait3A_363] : memref<40x125xi32, #tpu.memory_space<vmem>> -> memref<1x125xi32, #tpu.memory_space<vmem>>
      %dma_wait3A_365 = tpu.memref_squeeze %dma_wait3A_364 : memref<1x125xi32, #tpu.memory_space<vmem>> -> memref<125xi32, #tpu.memory_space<vmem>>
      %dma_wait3A_366 = arith.constant 0 : i32
      %dma_wait3A_367 = arith.constant 0 : i32
      %dma_wait3A_368 = tpu.memref_slice %arg2[%dma_wait3A_366, %dma_wait3A_367] : memref<10000x16xf32, #tpu.memory_space<hbm>> -> memref<10000x16xf32, #tpu.memory_space<hbm>>
      %dma_wait3A_369 = tpu.memref_slice %arg11[%dma_wait3A_358] : memref<8x!tpu.dma_semaphore, #tpu.memory_space<semaphore_mem>> -> memref<1x!tpu.dma_semaphore, #tpu.memory_space<semaphore_mem>>
      %dma_wait3A_370 = tpu.memref_squeeze %dma_wait3A_369 : memref<1x!tpu.dma_semaphore, #tpu.memory_space<semaphore_mem>> -> memref<!tpu.dma_semaphore, #tpu.memory_space<semaphore_mem>>
      tpu.wait_indirect_dma semaphore(%dma_wait3A_370 : memref<!tpu.dma_semaphore, #tpu.memory_space<semaphore_mem>>) src(%dma_wait3A_368 : memref<10000x16xf32, #tpu.memory_space<hbm>>) dst(%dma_wait3A_362 : memref<125x16xf32, #tpu.memory_space<vmem>>)
      %mul3A_371 = arith.constant 8 : i32
      %mul3A_372 = arith.muli %mul3A_371, %scan3A_282 : i32
      %add3A_373 = arith.constant 1 : i32
      %add3A_374 = arith.addi %mul3A_372, %add3A_373 : i32
      %dma_start3A_375 = arith.constant 1 : i32
      %dma_start3A_376 = arith.constant 1 : i32
      %dma_start3A_377 = arith.constant 0 : i32
      %dma_start3A_378 = arith.constant 0 : i32
      %dma_start3A_379 = tpu.memref_slice %arg8[%dma_start3A_375, %dma_start3A_377, %dma_start3A_378] : memref<8x125x16xf32, #tpu.memory_space<vmem>> -> memref<1x125x16xf32, #tpu.memory_space<vmem>>
      %dma_start3A_380 = tpu.memref_squeeze %dma_start3A_379 : memref<1x125x16xf32, #tpu.memory_space<vmem>> -> memref<125x16xf32, #tpu.memory_space<vmem>>
      %dma_start3A_381 = arith.constant 0 : i32
      %dma_start3A_382 = tpu.memref_slice %arg7[%add3A_374, %dma_start3A_381] : memref<40x125xi32, #tpu.memory_space<vmem>> -> memref<1x125xi32, #tpu.memory_space<vmem>>
      %dma_start3A_383 = tpu.memref_squeeze %dma_start3A_382 : memref<1x125xi32, #tpu.memory_space<vmem>> -> memref<125xi32, #tpu.memory_space<vmem>>
      %dma_start3A_384 = arith.constant 0 : i32
      %dma_start3A_385 = arith.constant 0 : i32
      %dma_start3A_386 = tpu.memref_slice %arg10[%dma_start3A_384, %dma_start3A_385] : memref<10000x16xf32, #tpu.memory_space<vmem_shared>> -> memref<10000x16xf32, #tpu.memory_space<vmem_shared>>
      %dma_start3A_387 = tpu.memref_slice %arg12[%dma_start3A_376] : memref<8x!tpu.dma_semaphore, #tpu.memory_space<semaphore_mem>> -> memref<1x!tpu.dma_semaphore, #tpu.memory_space<semaphore_mem>>
      %dma_start3A_388 = tpu.memref_squeeze %dma_start3A_387 : memref<1x!tpu.dma_semaphore, #tpu.memory_space<semaphore_mem>> -> memref<!tpu.dma_semaphore, #tpu.memory_space<semaphore_mem>>
      tpu.enqueue_indirect_dma source(%dma_start3A_380 : memref<125x16xf32, #tpu.memory_space<vmem>>) target(%dma_start3A_386 : memref<10000x16xf32, #tpu.memory_space<vmem_shared>>) offsets(%dma_start3A_383 : memref<125xi32, #tpu.memory_space<vmem>>) semaphore(%dma_start3A_388 : memref<!tpu.dma_semaphore, #tpu.memory_space<semaphore_mem>>) {add = true}
      %dma_wait3A_389 = arith.constant 0 : i32
      %dma_wait3A_390 = arith.constant 2 : i32
      %dma_wait3A_391 = arith.constant 2 : i32
      %dma_wait3A_392 = arith.constant 0 : i32
      %dma_wait3A_393 = arith.constant 0 : i32
      %dma_wait3A_394 = tpu.memref_slice %arg8[%dma_wait3A_390, %dma_wait3A_392, %dma_wait3A_393] : memref<8x125x16xf32, #tpu.memory_space<vmem>> -> memref<1x125x16xf32, #tpu.memory_space<vmem>>
      %dma_wait3A_395 = tpu.memref_squeeze %dma_wait3A_394 : memref<1x125x16xf32, #tpu.memory_space<vmem>> -> memref<125x16xf32, #tpu.memory_space<vmem>>
      %dma_wait3A_396 = arith.constant 0 : i32
      %dma_wait3A_397 = tpu.memref_slice %arg6[%dma_wait3A_389, %dma_wait3A_396] : memref<40x125xi32, #tpu.memory_space<vmem>> -> memref<1x125xi32, #tpu.memory_space<vmem>>
      %dma_wait3A_398 = tpu.memref_squeeze %dma_wait3A_397 : memref<1x125xi32, #tpu.memory_space<vmem>> -> memref<125xi32, #tpu.memory_space<vmem>>
      %dma_wait3A_399 = arith.constant 0 : i32
      %dma_wait3A_400 = arith.constant 0 : i32
      %dma_wait3A_401 = tpu.memref_slice %arg2[%dma_wait3A_399, %dma_wait3A_400] : memref<10000x16xf32, #tpu.memory_space<hbm>> -> memref<10000x16xf32, #tpu.memory_space<hbm>>
      %dma_wait3A_402 = tpu.memref_slice %arg11[%dma_wait3A_391] : memref<8x!tpu.dma_semaphore, #tpu.memory_space<semaphore_mem>> -> memref<1x!tpu.dma_semaphore, #tpu.memory_space<semaphore_mem>>
      %dma_wait3A_403 = tpu.memref_squeeze %dma_wait3A_402 : memref<1x!tpu.dma_semaphore, #tpu.memory_space<semaphore_mem>> -> memref<!tpu.dma_semaphore, #tpu.memory_space<semaphore_mem>>
      tpu.wait_indirect_dma semaphore(%dma_wait3A_403 : memref<!tpu.dma_semaphore, #tpu.memory_space<semaphore_mem>>) src(%dma_wait3A_401 : memref<10000x16xf32, #tpu.memory_space<hbm>>) dst(%dma_wait3A_395 : memref<125x16xf32, #tpu.memory_space<vmem>>)
      %mul3A_404 = arith.constant 8 : i32
      %mul3A_405 = arith.muli %mul3A_404, %scan3A_282 : i32
      %add3A_406 = arith.constant 2 : i32
      %add3A_407 = arith.addi %mul3A_405, %add3A_406 : i32
      %dma_start3A_408 = arith.constant 2 : i32
      %dma_start3A_409 = arith.constant 2 : i32
      %dma_start3A_410 = arith.constant 0 : i32
      %dma_start3A_411 = arith.constant 0 : i32
      %dma_start3A_412 = tpu.memref_slice %arg8[%dma_start3A_408, %dma_start3A_410, %dma_start3A_411] : memref<8x125x16xf32, #tpu.memory_space<vmem>> -> memref<1x125x16xf32, #tpu.memory_space<vmem>>
      %dma_start3A_413 = tpu.memref_squeeze %dma_start3A_412 : memref<1x125x16xf32, #tpu.memory_space<vmem>> -> memref<125x16xf32, #tpu.memory_space<vmem>>
      %dma_start3A_414 = arith.constant 0 : i32
      %dma_start3A_415 = tpu.memref_slice %arg7[%add3A_407, %dma_start3A_414] : memref<40x125xi32, #tpu.memory_space<vmem>> -> memref<1x125xi32, #tpu.memory_space<vmem>>
      %dma_start3A_416 = tpu.memref_squeeze %dma_start3A_415 : memref<1x125xi32, #tpu.memory_space<vmem>> -> memref<125xi32, #tpu.memory_space<vmem>>
      %dma_start3A_417 = arith.constant 0 : i32
      %dma_start3A_418 = arith.constant 0 : i32
      %dma_start3A_419 = tpu.memref_slice %arg10[%dma_start3A_417, %dma_start3A_418] : memref<10000x16xf32, #tpu.memory_space<vmem_shared>> -> memref<10000x16xf32, #tpu.memory_space<vmem_shared>>
      %dma_start3A_420 = tpu.memref_slice %arg12[%dma_start3A_409] : memref<8x!tpu.dma_semaphore, #tpu.memory_space<semaphore_mem>> -> memref<1x!tpu.dma_semaphore, #tpu.memory_space<semaphore_mem>>
      %dma_start3A_421 = tpu.memref_squeeze %dma_start3A_420 : memref<1x!tpu.dma_semaphore, #tpu.memory_space<semaphore_mem>> -> memref<!tpu.dma_semaphore, #tpu.memory_space<semaphore_mem>>
      tpu.enqueue_indirect_dma source(%dma_start3A_413 : memref<125x16xf32, #tpu.memory_space<vmem>>) target(%dma_start3A_419 : memref<10000x16xf32, #tpu.memory_space<vmem_shared>>) offsets(%dma_start3A_416 : memref<125xi32, #tpu.memory_space<vmem>>) semaphore(%dma_start3A_421 : memref<!tpu.dma_semaphore, #tpu.memory_space<semaphore_mem>>) {add = true}
      %dma_wait3A_422 = arith.constant 0 : i32
      %dma_wait3A_423 = arith.constant 3 : i32
      %dma_wait3A_424 = arith.constant 3 : i32
      %dma_wait3A_425 = arith.constant 0 : i32
      %dma_wait3A_426 = arith.constant 0 : i32
      %dma_wait3A_427 = tpu.memref_slice %arg8[%dma_wait3A_423, %dma_wait3A_425, %dma_wait3A_426] : memref<8x125x16xf32, #tpu.memory_space<vmem>> -> memref<1x125x16xf32, #tpu.memory_space<vmem>>
      %dma_wait3A_428 = tpu.memref_squeeze %dma_wait3A_427 : memref<1x125x16xf32, #tpu.memory_space<vmem>> -> memref<125x16xf32, #tpu.memory_space<vmem>>
      %dma_wait3A_429 = arith.constant 0 : i32
      %dma_wait3A_430 = tpu.memref_slice %arg6[%dma_wait3A_422, %dma_wait3A_429] : memref<40x125xi32, #tpu.memory_space<vmem>> -> memref<1x125xi32, #tpu.memory_space<vmem>>
      %dma_wait3A_431 = tpu.memref_squeeze %dma_wait3A_430 : memref<1x125xi32, #tpu.memory_space<vmem>> -> memref<125xi32, #tpu.memory_space<vmem>>
      %dma_wait3A_432 = arith.constant 0 : i32
      %dma_wait3A_433 = arith.constant 0 : i32
      %dma_wait3A_434 = tpu.memref_slice %arg2[%dma_wait3A_432, %dma_wait3A_433] : memref<10000x16xf32, #tpu.memory_space<hbm>> -> memref<10000x16xf32, #tpu.memory_space<hbm>>
      %dma_wait3A_435 = tpu.memref_slice %arg11[%dma_wait3A_424] : memref<8x!tpu.dma_semaphore, #tpu.memory_space<semaphore_mem>> -> memref<1x!tpu.dma_semaphore, #tpu.memory_space<semaphore_mem>>
      %dma_wait3A_436 = tpu.memref_squeeze %dma_wait3A_435 : memref<1x!tpu.dma_semaphore, #tpu.memory_space<semaphore_mem>> -> memref<!tpu.dma_semaphore, #tpu.memory_space<semaphore_mem>>
      tpu.wait_indirect_dma semaphore(%dma_wait3A_436 : memref<!tpu.dma_semaphore, #tpu.memory_space<semaphore_mem>>) src(%dma_wait3A_434 : memref<10000x16xf32, #tpu.memory_space<hbm>>) dst(%dma_wait3A_428 : memref<125x16xf32, #tpu.memory_space<vmem>>)
      %mul3A_437 = arith.constant 8 : i32
      %mul3A_438 = arith.muli %mul3A_437, %scan3A_282 : i32
      %add3A_439 = arith.constant 3 : i32
      %add3A_440 = arith.addi %mul3A_438, %add3A_439 : i32
      %dma_start3A_441 = arith.constant 3 : i32
      %dma_start3A_442 = arith.constant 3 : i32
      %dma_start3A_443 = arith.constant 0 : i32
      %dma_start3A_444 = arith.constant 0 : i32
      %dma_start3A_445 = tpu.memref_slice %arg8[%dma_start3A_441, %dma_start3A_443, %dma_start3A_444] : memref<8x125x16xf32, #tpu.memory_space<vmem>> -> memref<1x125x16xf32, #tpu.memory_space<vmem>>
      %dma_start3A_446 = tpu.memref_squeeze %dma_start3A_445 : memref<1x125x16xf32, #tpu.memory_space<vmem>> -> memref<125x16xf32, #tpu.memory_space<vmem>>
      %dma_start3A_447 = arith.constant 0 : i32
      %dma_start3A_448 = tpu.memref_slice %arg7[%add3A_440, %dma_start3A_447] : memref<40x125xi32, #tpu.memory_space<vmem>> -> memref<1x125xi32, #tpu.memory_space<vmem>>
      %dma_start3A_449 = tpu.memref_squeeze %dma_start3A_448 : memref<1x125xi32, #tpu.memory_space<vmem>> -> memref<125xi32, #tpu.memory_space<vmem>>
      %dma_start3A_450 = arith.constant 0 : i32
      %dma_start3A_451 = arith.constant 0 : i32
      %dma_start3A_452 = tpu.memref_slice %arg10[%dma_start3A_450, %dma_start3A_451] : memref<10000x16xf32, #tpu.memory_space<vmem_shared>> -> memref<10000x16xf32, #tpu.memory_space<vmem_shared>>
      %dma_start3A_453 = tpu.memref_slice %arg12[%dma_start3A_442] : memref<8x!tpu.dma_semaphore, #tpu.memory_space<semaphore_mem>> -> memref<1x!tpu.dma_semaphore, #tpu.memory_space<semaphore_mem>>
      %dma_start3A_454 = tpu.memref_squeeze %dma_start3A_453 : memref<1x!tpu.dma_semaphore, #tpu.memory_space<semaphore_mem>> -> memref<!tpu.dma_semaphore, #tpu.memory_space<semaphore_mem>>
      tpu.enqueue_indirect_dma source(%dma_start3A_446 : memref<125x16xf32, #tpu.memory_space<vmem>>) target(%dma_start3A_452 : memref<10000x16xf32, #tpu.memory_space<vmem_shared>>) offsets(%dma_start3A_449 : memref<125xi32, #tpu.memory_space<vmem>>) semaphore(%dma_start3A_454 : memref<!tpu.dma_semaphore, #tpu.memory_space<semaphore_mem>>) {add = true}
      %dma_wait3A_455 = arith.constant 0 : i32
      %dma_wait3A_456 = arith.constant 4 : i32
      %dma_wait3A_457 = arith.constant 4 : i32
      %dma_wait3A_458 = arith.constant 0 : i32
      %dma_wait3A_459 = arith.constant 0 : i32
      %dma_wait3A_460 = tpu.memref_slice %arg8[%dma_wait3A_456, %dma_wait3A_458, %dma_wait3A_459] : memref<8x125x16xf32, #tpu.memory_space<vmem>> -> memref<1x125x16xf32, #tpu.memory_space<vmem>>
      %dma_wait3A_461 = tpu.memref_squeeze %dma_wait3A_460 : memref<1x125x16xf32, #tpu.memory_space<vmem>> -> memref<125x16xf32, #tpu.memory_space<vmem>>
      %dma_wait3A_462 = arith.constant 0 : i32
      %dma_wait3A_463 = tpu.memref_slice %arg6[%dma_wait3A_455, %dma_wait3A_462] : memref<40x125xi32, #tpu.memory_space<vmem>> -> memref<1x125xi32, #tpu.memory_space<vmem>>
      %dma_wait3A_464 = tpu.memref_squeeze %dma_wait3A_463 : memref<1x125xi32, #tpu.memory_space<vmem>> -> memref<125xi32, #tpu.memory_space<vmem>>
      %dma_wait3A_465 = arith.constant 0 : i32
      %dma_wait3A_466 = arith.constant 0 : i32
      %dma_wait3A_467 = tpu.memref_slice %arg2[%dma_wait3A_465, %dma_wait3A_466] : memref<10000x16xf32, #tpu.memory_space<hbm>> -> memref<10000x16xf32, #tpu.memory_space<hbm>>
      %dma_wait3A_468 = tpu.memref_slice %arg11[%dma_wait3A_457] : memref<8x!tpu.dma_semaphore, #tpu.memory_space<semaphore_mem>> -> memref<1x!tpu.dma_semaphore, #tpu.memory_space<semaphore_mem>>
      %dma_wait3A_469 = tpu.memref_squeeze %dma_wait3A_468 : memref<1x!tpu.dma_semaphore, #tpu.memory_space<semaphore_mem>> -> memref<!tpu.dma_semaphore, #tpu.memory_space<semaphore_mem>>
      tpu.wait_indirect_dma semaphore(%dma_wait3A_469 : memref<!tpu.dma_semaphore, #tpu.memory_space<semaphore_mem>>) src(%dma_wait3A_467 : memref<10000x16xf32, #tpu.memory_space<hbm>>) dst(%dma_wait3A_461 : memref<125x16xf32, #tpu.memory_space<vmem>>)
      %mul3A_470 = arith.constant 8 : i32
      %mul3A_471 = arith.muli %mul3A_470, %scan3A_282 : i32
      %add3A_472 = arith.constant 4 : i32
      %add3A_473 = arith.addi %mul3A_471, %add3A_472 : i32
      %dma_start3A_474 = arith.constant 4 : i32
      %dma_start3A_475 = arith.constant 4 : i32
      %dma_start3A_476 = arith.constant 0 : i32
      %dma_start3A_477 = arith.constant 0 : i32
      %dma_start3A_478 = tpu.memref_slice %arg8[%dma_start3A_474, %dma_start3A_476, %dma_start3A_477] : memref<8x125x16xf32, #tpu.memory_space<vmem>> -> memref<1x125x16xf32, #tpu.memory_space<vmem>>
      %dma_start3A_479 = tpu.memref_squeeze %dma_start3A_478 : memref<1x125x16xf32, #tpu.memory_space<vmem>> -> memref<125x16xf32, #tpu.memory_space<vmem>>
      %dma_start3A_480 = arith.constant 0 : i32
      %dma_start3A_481 = tpu.memref_slice %arg7[%add3A_473, %dma_start3A_480] : memref<40x125xi32, #tpu.memory_space<vmem>> -> memref<1x125xi32, #tpu.memory_space<vmem>>
      %dma_start3A_482 = tpu.memref_squeeze %dma_start3A_481 : memref<1x125xi32, #tpu.memory_space<vmem>> -> memref<125xi32, #tpu.memory_space<vmem>>
      %dma_start3A_483 = arith.constant 0 : i32
      %dma_start3A_484 = arith.constant 0 : i32
      %dma_start3A_485 = tpu.memref_slice %arg10[%dma_start3A_483, %dma_start3A_484] : memref<10000x16xf32, #tpu.memory_space<vmem_shared>> -> memref<10000x16xf32, #tpu.memory_space<vmem_shared>>
      %dma_start3A_486 = tpu.memref_slice %arg12[%dma_start3A_475] : memref<8x!tpu.dma_semaphore, #tpu.memory_space<semaphore_mem>> -> memref<1x!tpu.dma_semaphore, #tpu.memory_space<semaphore_mem>>
      %dma_start3A_487 = tpu.memref_squeeze %dma_start3A_486 : memref<1x!tpu.dma_semaphore, #tpu.memory_space<semaphore_mem>> -> memref<!tpu.dma_semaphore, #tpu.memory_space<semaphore_mem>>
      tpu.enqueue_indirect_dma source(%dma_start3A_479 : memref<125x16xf32, #tpu.memory_space<vmem>>) target(%dma_start3A_485 : memref<10000x16xf32, #tpu.memory_space<vmem_shared>>) offsets(%dma_start3A_482 : memref<125xi32, #tpu.memory_space<vmem>>) semaphore(%dma_start3A_487 : memref<!tpu.dma_semaphore, #tpu.memory_space<semaphore_mem>>) {add = true}
      %dma_wait3A_488 = arith.constant 0 : i32
      %dma_wait3A_489 = arith.constant 5 : i32
      %dma_wait3A_490 = arith.constant 5 : i32
      %dma_wait3A_491 = arith.constant 0 : i32
      %dma_wait3A_492 = arith.constant 0 : i32
      %dma_wait3A_493 = tpu.memref_slice %arg8[%dma_wait3A_489, %dma_wait3A_491, %dma_wait3A_492] : memref<8x125x16xf32, #tpu.memory_space<vmem>> -> memref<1x125x16xf32, #tpu.memory_space<vmem>>
      %dma_wait3A_494 = tpu.memref_squeeze %dma_wait3A_493 : memref<1x125x16xf32, #tpu.memory_space<vmem>> -> memref<125x16xf32, #tpu.memory_space<vmem>>
      %dma_wait3A_495 = arith.constant 0 : i32
      %dma_wait3A_496 = tpu.memref_slice %arg6[%dma_wait3A_488, %dma_wait3A_495] : memref<40x125xi32, #tpu.memory_space<vmem>> -> memref<1x125xi32, #tpu.memory_space<vmem>>
      %dma_wait3A_497 = tpu.memref_squeeze %dma_wait3A_496 : memref<1x125xi32, #tpu.memory_space<vmem>> -> memref<125xi32, #tpu.memory_space<vmem>>
      %dma_wait3A_498 = arith.constant 0 : i32
      %dma_wait3A_499 = arith.constant 0 : i32
      %dma_wait3A_500 = tpu.memref_slice %arg2[%dma_wait3A_498, %dma_wait3A_499] : memref<10000x16xf32, #tpu.memory_space<hbm>> -> memref<10000x16xf32, #tpu.memory_space<hbm>>
      %dma_wait3A_501 = tpu.memref_slice %arg11[%dma_wait3A_490] : memref<8x!tpu.dma_semaphore, #tpu.memory_space<semaphore_mem>> -> memref<1x!tpu.dma_semaphore, #tpu.memory_space<semaphore_mem>>
      %dma_wait3A_502 = tpu.memref_squeeze %dma_wait3A_501 : memref<1x!tpu.dma_semaphore, #tpu.memory_space<semaphore_mem>> -> memref<!tpu.dma_semaphore, #tpu.memory_space<semaphore_mem>>
      tpu.wait_indirect_dma semaphore(%dma_wait3A_502 : memref<!tpu.dma_semaphore, #tpu.memory_space<semaphore_mem>>) src(%dma_wait3A_500 : memref<10000x16xf32, #tpu.memory_space<hbm>>) dst(%dma_wait3A_494 : memref<125x16xf32, #tpu.memory_space<vmem>>)
      %mul3A_503 = arith.constant 8 : i32
      %mul3A_504 = arith.muli %mul3A_503, %scan3A_282 : i32
      %add3A_505 = arith.constant 5 : i32
      %add3A_506 = arith.addi %mul3A_504, %add3A_505 : i32
      %dma_start3A_507 = arith.constant 5 : i32
      %dma_start3A_508 = arith.constant 5 : i32
      %dma_start3A_509 = arith.constant 0 : i32
      %dma_start3A_510 = arith.constant 0 : i32
      %dma_start3A_511 = tpu.memref_slice %arg8[%dma_start3A_507, %dma_start3A_509, %dma_start3A_510] : memref<8x125x16xf32, #tpu.memory_space<vmem>> -> memref<1x125x16xf32, #tpu.memory_space<vmem>>
      %dma_start3A_512 = tpu.memref_squeeze %dma_start3A_511 : memref<1x125x16xf32, #tpu.memory_space<vmem>> -> memref<125x16xf32, #tpu.memory_space<vmem>>
      %dma_start3A_513 = arith.constant 0 : i32
      %dma_start3A_514 = tpu.memref_slice %arg7[%add3A_506, %dma_start3A_513] : memref<40x125xi32, #tpu.memory_space<vmem>> -> memref<1x125xi32, #tpu.memory_space<vmem>>
      %dma_start3A_515 = tpu.memref_squeeze %dma_start3A_514 : memref<1x125xi32, #tpu.memory_space<vmem>> -> memref<125xi32, #tpu.memory_space<vmem>>
      %dma_start3A_516 = arith.constant 0 : i32
      %dma_start3A_517 = arith.constant 0 : i32
      %dma_start3A_518 = tpu.memref_slice %arg10[%dma_start3A_516, %dma_start3A_517] : memref<10000x16xf32, #tpu.memory_space<vmem_shared>> -> memref<10000x16xf32, #tpu.memory_space<vmem_shared>>
      %dma_start3A_519 = tpu.memref_slice %arg12[%dma_start3A_508] : memref<8x!tpu.dma_semaphore, #tpu.memory_space<semaphore_mem>> -> memref<1x!tpu.dma_semaphore, #tpu.memory_space<semaphore_mem>>
      %dma_start3A_520 = tpu.memref_squeeze %dma_start3A_519 : memref<1x!tpu.dma_semaphore, #tpu.memory_space<semaphore_mem>> -> memref<!tpu.dma_semaphore, #tpu.memory_space<semaphore_mem>>
      tpu.enqueue_indirect_dma source(%dma_start3A_512 : memref<125x16xf32, #tpu.memory_space<vmem>>) target(%dma_start3A_518 : memref<10000x16xf32, #tpu.memory_space<vmem_shared>>) offsets(%dma_start3A_515 : memref<125xi32, #tpu.memory_space<vmem>>) semaphore(%dma_start3A_520 : memref<!tpu.dma_semaphore, #tpu.memory_space<semaphore_mem>>) {add = true}
      %dma_wait3A_521 = arith.constant 0 : i32
      %dma_wait3A_522 = arith.constant 6 : i32
      %dma_wait3A_523 = arith.constant 6 : i32
      %dma_wait3A_524 = arith.constant 0 : i32
      %dma_wait3A_525 = arith.constant 0 : i32
      %dma_wait3A_526 = tpu.memref_slice %arg8[%dma_wait3A_522, %dma_wait3A_524, %dma_wait3A_525] : memref<8x125x16xf32, #tpu.memory_space<vmem>> -> memref<1x125x16xf32, #tpu.memory_space<vmem>>
      %dma_wait3A_527 = tpu.memref_squeeze %dma_wait3A_526 : memref<1x125x16xf32, #tpu.memory_space<vmem>> -> memref<125x16xf32, #tpu.memory_space<vmem>>
      %dma_wait3A_528 = arith.constant 0 : i32
      %dma_wait3A_529 = tpu.memref_slice %arg6[%dma_wait3A_521, %dma_wait3A_528] : memref<40x125xi32, #tpu.memory_space<vmem>> -> memref<1x125xi32, #tpu.memory_space<vmem>>
      %dma_wait3A_530 = tpu.memref_squeeze %dma_wait3A_529 : memref<1x125xi32, #tpu.memory_space<vmem>> -> memref<125xi32, #tpu.memory_space<vmem>>
      %dma_wait3A_531 = arith.constant 0 : i32
      %dma_wait3A_532 = arith.constant 0 : i32
      %dma_wait3A_533 = tpu.memref_slice %arg2[%dma_wait3A_531, %dma_wait3A_532] : memref<10000x16xf32, #tpu.memory_space<hbm>> -> memref<10000x16xf32, #tpu.memory_space<hbm>>
      %dma_wait3A_534 = tpu.memref_slice %arg11[%dma_wait3A_523] : memref<8x!tpu.dma_semaphore, #tpu.memory_space<semaphore_mem>> -> memref<1x!tpu.dma_semaphore, #tpu.memory_space<semaphore_mem>>
      %dma_wait3A_535 = tpu.memref_squeeze %dma_wait3A_534 : memref<1x!tpu.dma_semaphore, #tpu.memory_space<semaphore_mem>> -> memref<!tpu.dma_semaphore, #tpu.memory_space<semaphore_mem>>
      tpu.wait_indirect_dma semaphore(%dma_wait3A_535 : memref<!tpu.dma_semaphore, #tpu.memory_space<semaphore_mem>>) src(%dma_wait3A_533 : memref<10000x16xf32, #tpu.memory_space<hbm>>) dst(%dma_wait3A_527 : memref<125x16xf32, #tpu.memory_space<vmem>>)
      %mul3A_536 = arith.constant 8 : i32
      %mul3A_537 = arith.muli %mul3A_536, %scan3A_282 : i32
      %add3A_538 = arith.constant 6 : i32
      %add3A_539 = arith.addi %mul3A_537, %add3A_538 : i32
      %dma_start3A_540 = arith.constant 6 : i32
      %dma_start3A_541 = arith.constant 6 : i32
      %dma_start3A_542 = arith.constant 0 : i32
      %dma_start3A_543 = arith.constant 0 : i32
      %dma_start3A_544 = tpu.memref_slice %arg8[%dma_start3A_540, %dma_start3A_542, %dma_start3A_543] : memref<8x125x16xf32, #tpu.memory_space<vmem>> -> memref<1x125x16xf32, #tpu.memory_space<vmem>>
      %dma_start3A_545 = tpu.memref_squeeze %dma_start3A_544 : memref<1x125x16xf32, #tpu.memory_space<vmem>> -> memref<125x16xf32, #tpu.memory_space<vmem>>
      %dma_start3A_546 = arith.constant 0 : i32
      %dma_start3A_547 = tpu.memref_slice %arg7[%add3A_539, %dma_start3A_546] : memref<40x125xi32, #tpu.memory_space<vmem>> -> memref<1x125xi32, #tpu.memory_space<vmem>>
      %dma_start3A_548 = tpu.memref_squeeze %dma_start3A_547 : memref<1x125xi32, #tpu.memory_space<vmem>> -> memref<125xi32, #tpu.memory_space<vmem>>
      %dma_start3A_549 = arith.constant 0 : i32
      %dma_start3A_550 = arith.constant 0 : i32
      %dma_start3A_551 = tpu.memref_slice %arg10[%dma_start3A_549, %dma_start3A_550] : memref<10000x16xf32, #tpu.memory_space<vmem_shared>> -> memref<10000x16xf32, #tpu.memory_space<vmem_shared>>
      %dma_start3A_552 = tpu.memref_slice %arg12[%dma_start3A_541] : memref<8x!tpu.dma_semaphore, #tpu.memory_space<semaphore_mem>> -> memref<1x!tpu.dma_semaphore, #tpu.memory_space<semaphore_mem>>
      %dma_start3A_553 = tpu.memref_squeeze %dma_start3A_552 : memref<1x!tpu.dma_semaphore, #tpu.memory_space<semaphore_mem>> -> memref<!tpu.dma_semaphore, #tpu.memory_space<semaphore_mem>>
      tpu.enqueue_indirect_dma source(%dma_start3A_545 : memref<125x16xf32, #tpu.memory_space<vmem>>) target(%dma_start3A_551 : memref<10000x16xf32, #tpu.memory_space<vmem_shared>>) offsets(%dma_start3A_548 : memref<125xi32, #tpu.memory_space<vmem>>) semaphore(%dma_start3A_553 : memref<!tpu.dma_semaphore, #tpu.memory_space<semaphore_mem>>) {add = true}
      %dma_wait3A_554 = arith.constant 0 : i32
      %dma_wait3A_555 = arith.constant 7 : i32
      %dma_wait3A_556 = arith.constant 7 : i32
      %dma_wait3A_557 = arith.constant 0 : i32
      %dma_wait3A_558 = arith.constant 0 : i32
      %dma_wait3A_559 = tpu.memref_slice %arg8[%dma_wait3A_555, %dma_wait3A_557, %dma_wait3A_558] : memref<8x125x16xf32, #tpu.memory_space<vmem>> -> memref<1x125x16xf32, #tpu.memory_space<vmem>>
      %dma_wait3A_560 = tpu.memref_squeeze %dma_wait3A_559 : memref<1x125x16xf32, #tpu.memory_space<vmem>> -> memref<125x16xf32, #tpu.memory_space<vmem>>
      %dma_wait3A_561 = arith.constant 0 : i32
      %dma_wait3A_562 = tpu.memref_slice %arg6[%dma_wait3A_554, %dma_wait3A_561] : memref<40x125xi32, #tpu.memory_space<vmem>> -> memref<1x125xi32, #tpu.memory_space<vmem>>
      %dma_wait3A_563 = tpu.memref_squeeze %dma_wait3A_562 : memref<1x125xi32, #tpu.memory_space<vmem>> -> memref<125xi32, #tpu.memory_space<vmem>>
      %dma_wait3A_564 = arith.constant 0 : i32
      %dma_wait3A_565 = arith.constant 0 : i32
      %dma_wait3A_566 = tpu.memref_slice %arg2[%dma_wait3A_564, %dma_wait3A_565] : memref<10000x16xf32, #tpu.memory_space<hbm>> -> memref<10000x16xf32, #tpu.memory_space<hbm>>
      %dma_wait3A_567 = tpu.memref_slice %arg11[%dma_wait3A_556] : memref<8x!tpu.dma_semaphore, #tpu.memory_space<semaphore_mem>> -> memref<1x!tpu.dma_semaphore, #tpu.memory_space<semaphore_mem>>
      %dma_wait3A_568 = tpu.memref_squeeze %dma_wait3A_567 : memref<1x!tpu.dma_semaphore, #tpu.memory_space<semaphore_mem>> -> memref<!tpu.dma_semaphore, #tpu.memory_space<semaphore_mem>>
      tpu.wait_indirect_dma semaphore(%dma_wait3A_568 : memref<!tpu.dma_semaphore, #tpu.memory_space<semaphore_mem>>) src(%dma_wait3A_566 : memref<10000x16xf32, #tpu.memory_space<hbm>>) dst(%dma_wait3A_560 : memref<125x16xf32, #tpu.memory_space<vmem>>)
      %mul3A_569 = arith.constant 8 : i32
      %mul3A_570 = arith.muli %mul3A_569, %scan3A_282 : i32
      %add3A_571 = arith.constant 7 : i32
      %add3A_572 = arith.addi %mul3A_570, %add3A_571 : i32
      %dma_start3A_573 = arith.constant 7 : i32
      %dma_start3A_574 = arith.constant 7 : i32
      %dma_start3A_575 = arith.constant 0 : i32
      %dma_start3A_576 = arith.constant 0 : i32
      %dma_start3A_577 = tpu.memref_slice %arg8[%dma_start3A_573, %dma_start3A_575, %dma_start3A_576] : memref<8x125x16xf32, #tpu.memory_space<vmem>> -> memref<1x125x16xf32, #tpu.memory_space<vmem>>
      %dma_start3A_578 = tpu.memref_squeeze %dma_start3A_577 : memref<1x125x16xf32, #tpu.memory_space<vmem>> -> memref<125x16xf32, #tpu.memory_space<vmem>>
      %dma_start3A_579 = arith.constant 0 : i32
      %dma_start3A_580 = tpu.memref_slice %arg7[%add3A_572, %dma_start3A_579] : memref<40x125xi32, #tpu.memory_space<vmem>> -> memref<1x125xi32, #tpu.memory_space<vmem>>
      %dma_start3A_581 = tpu.memref_squeeze %dma_start3A_580 : memref<1x125xi32, #tpu.memory_space<vmem>> -> memref<125xi32, #tpu.memory_space<vmem>>
      %dma_start3A_582 = arith.constant 0 : i32
      %dma_start3A_583 = arith.constant 0 : i32
      %dma_start3A_584 = tpu.memref_slice %arg10[%dma_start3A_582, %dma_start3A_583] : memref<10000x16xf32, #tpu.memory_space<vmem_shared>> -> memref<10000x16xf32, #tpu.memory_space<vmem_shared>>
      %dma_start3A_585 = tpu.memref_slice %arg12[%dma_start3A_574] : memref<8x!tpu.dma_semaphore, #tpu.memory_space<semaphore_mem>> -> memref<1x!tpu.dma_semaphore, #tpu.memory_space<semaphore_mem>>
      %dma_start3A_586 = tpu.memref_squeeze %dma_start3A_585 : memref<1x!tpu.dma_semaphore, #tpu.memory_space<semaphore_mem>> -> memref<!tpu.dma_semaphore, #tpu.memory_space<semaphore_mem>>
      tpu.enqueue_indirect_dma source(%dma_start3A_578 : memref<125x16xf32, #tpu.memory_space<vmem>>) target(%dma_start3A_584 : memref<10000x16xf32, #tpu.memory_space<vmem_shared>>) offsets(%dma_start3A_581 : memref<125xi32, #tpu.memory_space<vmem>>) semaphore(%dma_start3A_586 : memref<!tpu.dma_semaphore, #tpu.memory_space<semaphore_mem>>) {add = true}
      %scan3A_587 = arith.constant 0 : i32
      scf.yield %scan3A_587 : i32
    }
    %scan3A_153 = arith.constant 5 : i32
    %dma_wait3A = arith.constant 0 : i32
    %dma_wait3A_154 = arith.constant 0 : i32
    %dma_wait3A_155 = arith.constant 0 : i32
    %dma_wait3A_156 = arith.constant 0 : i32
    %dma_wait3A_157 = arith.constant 0 : i32
    %dma_wait3A_158 = tpu.memref_slice %arg8[%dma_wait3A, %dma_wait3A_156, %dma_wait3A_157] : memref<8x125x16xf32, #tpu.memory_space<vmem>> -> memref<1x125x16xf32, #tpu.memory_space<vmem>>
    %dma_wait3A_159 = tpu.memref_squeeze %dma_wait3A_158 : memref<1x125x16xf32, #tpu.memory_space<vmem>> -> memref<125x16xf32, #tpu.memory_space<vmem>>
    %dma_wait3A_160 = arith.constant 0 : i32
    %dma_wait3A_161 = tpu.memref_slice %arg7[%dma_wait3A_154, %dma_wait3A_160] : memref<40x125xi32, #tpu.memory_space<vmem>> -> memref<1x125xi32, #tpu.memory_space<vmem>>
    %dma_wait3A_162 = tpu.memref_squeeze %dma_wait3A_161 : memref<1x125xi32, #tpu.memory_space<vmem>> -> memref<125xi32, #tpu.memory_space<vmem>>
    %dma_wait3A_163 = arith.constant 0 : i32
    %dma_wait3A_164 = arith.constant 0 : i32
    %dma_wait3A_165 = tpu.memref_slice %arg10[%dma_wait3A_163, %dma_wait3A_164] : memref<10000x16xf32, #tpu.memory_space<vmem_shared>> -> memref<10000x16xf32, #tpu.memory_space<vmem_shared>>
    %dma_wait3A_166 = tpu.memref_slice %arg12[%dma_wait3A_155] : memref<8x!tpu.dma_semaphore, #tpu.memory_space<semaphore_mem>> -> memref<1x!tpu.dma_semaphore, #tpu.memory_space<semaphore_mem>>
    %dma_wait3A_167 = tpu.memref_squeeze %dma_wait3A_166 : memref<1x!tpu.dma_semaphore, #tpu.memory_space<semaphore_mem>> -> memref<!tpu.dma_semaphore, #tpu.memory_space<semaphore_mem>>
    tpu.wait_indirect_dma semaphore(%dma_wait3A_167 : memref<!tpu.dma_semaphore, #tpu.memory_space<semaphore_mem>>) src(%dma_wait3A_159 : memref<125x16xf32, #tpu.memory_space<vmem>>) dst(%dma_wait3A_165 : memref<10000x16xf32, #tpu.memory_space<vmem_shared>>)
    %dma_wait3A_168 = arith.constant 1 : i32
    %dma_wait3A_169 = arith.constant 0 : i32
    %dma_wait3A_170 = arith.constant 1 : i32
    %dma_wait3A_171 = arith.constant 0 : i32
    %dma_wait3A_172 = arith.constant 0 : i32
    %dma_wait3A_173 = tpu.memref_slice %arg8[%dma_wait3A_168, %dma_wait3A_171, %dma_wait3A_172] : memref<8x125x16xf32, #tpu.memory_space<vmem>> -> memref<1x125x16xf32, #tpu.memory_space<vmem>>
    %dma_wait3A_174 = tpu.memref_squeeze %dma_wait3A_173 : memref<1x125x16xf32, #tpu.memory_space<vmem>> -> memref<125x16xf32, #tpu.memory_space<vmem>>
    %dma_wait3A_175 = arith.constant 0 : i32
    %dma_wait3A_176 = tpu.memref_slice %arg7[%dma_wait3A_169, %dma_wait3A_175] : memref<40x125xi32, #tpu.memory_space<vmem>> -> memref<1x125xi32, #tpu.memory_space<vmem>>
    %dma_wait3A_177 = tpu.memref_squeeze %dma_wait3A_176 : memref<1x125xi32, #tpu.memory_space<vmem>> -> memref<125xi32, #tpu.memory_space<vmem>>
    %dma_wait3A_178 = arith.constant 0 : i32
    %dma_wait3A_179 = arith.constant 0 : i32
    %dma_wait3A_180 = tpu.memref_slice %arg10[%dma_wait3A_178, %dma_wait3A_179] : memref<10000x16xf32, #tpu.memory_space<vmem_shared>> -> memref<10000x16xf32, #tpu.memory_space<vmem_shared>>
    %dma_wait3A_181 = tpu.memref_slice %arg12[%dma_wait3A_170] : memref<8x!tpu.dma_semaphore, #tpu.memory_space<semaphore_mem>> -> memref<1x!tpu.dma_semaphore, #tpu.memory_space<semaphore_mem>>
    %dma_wait3A_182 = tpu.memref_squeeze %dma_wait3A_181 : memref<1x!tpu.dma_semaphore, #tpu.memory_space<semaphore_mem>> -> memref<!tpu.dma_semaphore, #tpu.memory_space<semaphore_mem>>
    tpu.wait_indirect_dma semaphore(%dma_wait3A_182 : memref<!tpu.dma_semaphore, #tpu.memory_space<semaphore_mem>>) src(%dma_wait3A_174 : memref<125x16xf32, #tpu.memory_space<vmem>>) dst(%dma_wait3A_180 : memref<10000x16xf32, #tpu.memory_space<vmem_shared>>)
    %dma_wait3A_183 = arith.constant 2 : i32
    %dma_wait3A_184 = arith.constant 0 : i32
    %dma_wait3A_185 = arith.constant 2 : i32
    %dma_wait3A_186 = arith.constant 0 : i32
    %dma_wait3A_187 = arith.constant 0 : i32
    %dma_wait3A_188 = tpu.memref_slice %arg8[%dma_wait3A_183, %dma_wait3A_186, %dma_wait3A_187] : memref<8x125x16xf32, #tpu.memory_space<vmem>> -> memref<1x125x16xf32, #tpu.memory_space<vmem>>
    %dma_wait3A_189 = tpu.memref_squeeze %dma_wait3A_188 : memref<1x125x16xf32, #tpu.memory_space<vmem>> -> memref<125x16xf32, #tpu.memory_space<vmem>>
    %dma_wait3A_190 = arith.constant 0 : i32
    %dma_wait3A_191 = tpu.memref_slice %arg7[%dma_wait3A_184, %dma_wait3A_190] : memref<40x125xi32, #tpu.memory_space<vmem>> -> memref<1x125xi32, #tpu.memory_space<vmem>>
    %dma_wait3A_192 = tpu.memref_squeeze %dma_wait3A_191 : memref<1x125xi32, #tpu.memory_space<vmem>> -> memref<125xi32, #tpu.memory_space<vmem>>
    %dma_wait3A_193 = arith.constant 0 : i32
    %dma_wait3A_194 = arith.constant 0 : i32
    %dma_wait3A_195 = tpu.memref_slice %arg10[%dma_wait3A_193, %dma_wait3A_194] : memref<10000x16xf32, #tpu.memory_space<vmem_shared>> -> memref<10000x16xf32, #tpu.memory_space<vmem_shared>>
    %dma_wait3A_196 = tpu.memref_slice %arg12[%dma_wait3A_185] : memref<8x!tpu.dma_semaphore, #tpu.memory_space<semaphore_mem>> -> memref<1x!tpu.dma_semaphore, #tpu.memory_space<semaphore_mem>>
    %dma_wait3A_197 = tpu.memref_squeeze %dma_wait3A_196 : memref<1x!tpu.dma_semaphore, #tpu.memory_space<semaphore_mem>> -> memref<!tpu.dma_semaphore, #tpu.memory_space<semaphore_mem>>
    tpu.wait_indirect_dma semaphore(%dma_wait3A_197 : memref<!tpu.dma_semaphore, #tpu.memory_space<semaphore_mem>>) src(%dma_wait3A_189 : memref<125x16xf32, #tpu.memory_space<vmem>>) dst(%dma_wait3A_195 : memref<10000x16xf32, #tpu.memory_space<vmem_shared>>)
    %dma_wait3A_198 = arith.constant 3 : i32
    %dma_wait3A_199 = arith.constant 0 : i32
    %dma_wait3A_200 = arith.constant 3 : i32
    %dma_wait3A_201 = arith.constant 0 : i32
    %dma_wait3A_202 = arith.constant 0 : i32
    %dma_wait3A_203 = tpu.memref_slice %arg8[%dma_wait3A_198, %dma_wait3A_201, %dma_wait3A_202] : memref<8x125x16xf32, #tpu.memory_space<vmem>> -> memref<1x125x16xf32, #tpu.memory_space<vmem>>
    %dma_wait3A_204 = tpu.memref_squeeze %dma_wait3A_203 : memref<1x125x16xf32, #tpu.memory_space<vmem>> -> memref<125x16xf32, #tpu.memory_space<vmem>>
    %dma_wait3A_205 = arith.constant 0 : i32
    %dma_wait3A_206 = tpu.memref_slice %arg7[%dma_wait3A_199, %dma_wait3A_205] : memref<40x125xi32, #tpu.memory_space<vmem>> -> memref<1x125xi32, #tpu.memory_space<vmem>>
    %dma_wait3A_207 = tpu.memref_squeeze %dma_wait3A_206 : memref<1x125xi32, #tpu.memory_space<vmem>> -> memref<125xi32, #tpu.memory_space<vmem>>
    %dma_wait3A_208 = arith.constant 0 : i32
    %dma_wait3A_209 = arith.constant 0 : i32
    %dma_wait3A_210 = tpu.memref_slice %arg10[%dma_wait3A_208, %dma_wait3A_209] : memref<10000x16xf32, #tpu.memory_space<vmem_shared>> -> memref<10000x16xf32, #tpu.memory_space<vmem_shared>>
    %dma_wait3A_211 = tpu.memref_slice %arg12[%dma_wait3A_200] : memref<8x!tpu.dma_semaphore, #tpu.memory_space<semaphore_mem>> -> memref<1x!tpu.dma_semaphore, #tpu.memory_space<semaphore_mem>>
    %dma_wait3A_212 = tpu.memref_squeeze %dma_wait3A_211 : memref<1x!tpu.dma_semaphore, #tpu.memory_space<semaphore_mem>> -> memref<!tpu.dma_semaphore, #tpu.memory_space<semaphore_mem>>
    tpu.wait_indirect_dma semaphore(%dma_wait3A_212 : memref<!tpu.dma_semaphore, #tpu.memory_space<semaphore_mem>>) src(%dma_wait3A_204 : memref<125x16xf32, #tpu.memory_space<vmem>>) dst(%dma_wait3A_210 : memref<10000x16xf32, #tpu.memory_space<vmem_shared>>)
    %dma_wait3A_213 = arith.constant 4 : i32
    %dma_wait3A_214 = arith.constant 0 : i32
    %dma_wait3A_215 = arith.constant 4 : i32
    %dma_wait3A_216 = arith.constant 0 : i32
    %dma_wait3A_217 = arith.constant 0 : i32
    %dma_wait3A_218 = tpu.memref_slice %arg8[%dma_wait3A_213, %dma_wait3A_216, %dma_wait3A_217] : memref<8x125x16xf32, #tpu.memory_space<vmem>> -> memref<1x125x16xf32, #tpu.memory_space<vmem>>
    %dma_wait3A_219 = tpu.memref_squeeze %dma_wait3A_218 : memref<1x125x16xf32, #tpu.memory_space<vmem>> -> memref<125x16xf32, #tpu.memory_space<vmem>>
    %dma_wait3A_220 = arith.constant 0 : i32
    %dma_wait3A_221 = tpu.memref_slice %arg7[%dma_wait3A_214, %dma_wait3A_220] : memref<40x125xi32, #tpu.memory_space<vmem>> -> memref<1x125xi32, #tpu.memory_space<vmem>>
    %dma_wait3A_222 = tpu.memref_squeeze %dma_wait3A_221 : memref<1x125xi32, #tpu.memory_space<vmem>> -> memref<125xi32, #tpu.memory_space<vmem>>
    %dma_wait3A_223 = arith.constant 0 : i32
    %dma_wait3A_224 = arith.constant 0 : i32
    %dma_wait3A_225 = tpu.memref_slice %arg10[%dma_wait3A_223, %dma_wait3A_224] : memref<10000x16xf32, #tpu.memory_space<vmem_shared>> -> memref<10000x16xf32, #tpu.memory_space<vmem_shared>>
    %dma_wait3A_226 = tpu.memref_slice %arg12[%dma_wait3A_215] : memref<8x!tpu.dma_semaphore, #tpu.memory_space<semaphore_mem>> -> memref<1x!tpu.dma_semaphore, #tpu.memory_space<semaphore_mem>>
    %dma_wait3A_227 = tpu.memref_squeeze %dma_wait3A_226 : memref<1x!tpu.dma_semaphore, #tpu.memory_space<semaphore_mem>> -> memref<!tpu.dma_semaphore, #tpu.memory_space<semaphore_mem>>
    tpu.wait_indirect_dma semaphore(%dma_wait3A_227 : memref<!tpu.dma_semaphore, #tpu.memory_space<semaphore_mem>>) src(%dma_wait3A_219 : memref<125x16xf32, #tpu.memory_space<vmem>>) dst(%dma_wait3A_225 : memref<10000x16xf32, #tpu.memory_space<vmem_shared>>)
    %dma_wait3A_228 = arith.constant 5 : i32
    %dma_wait3A_229 = arith.constant 0 : i32
    %dma_wait3A_230 = arith.constant 5 : i32
    %dma_wait3A_231 = arith.constant 0 : i32
    %dma_wait3A_232 = arith.constant 0 : i32
    %dma_wait3A_233 = tpu.memref_slice %arg8[%dma_wait3A_228, %dma_wait3A_231, %dma_wait3A_232] : memref<8x125x16xf32, #tpu.memory_space<vmem>> -> memref<1x125x16xf32, #tpu.memory_space<vmem>>
    %dma_wait3A_234 = tpu.memref_squeeze %dma_wait3A_233 : memref<1x125x16xf32, #tpu.memory_space<vmem>> -> memref<125x16xf32, #tpu.memory_space<vmem>>
    %dma_wait3A_235 = arith.constant 0 : i32
    %dma_wait3A_236 = tpu.memref_slice %arg7[%dma_wait3A_229, %dma_wait3A_235] : memref<40x125xi32, #tpu.memory_space<vmem>> -> memref<1x125xi32, #tpu.memory_space<vmem>>
    %dma_wait3A_237 = tpu.memref_squeeze %dma_wait3A_236 : memref<1x125xi32, #tpu.memory_space<vmem>> -> memref<125xi32, #tpu.memory_space<vmem>>
    %dma_wait3A_238 = arith.constant 0 : i32
    %dma_wait3A_239 = arith.constant 0 : i32
    %dma_wait3A_240 = tpu.memref_slice %arg10[%dma_wait3A_238, %dma_wait3A_239] : memref<10000x16xf32, #tpu.memory_space<vmem_shared>> -> memref<10000x16xf32, #tpu.memory_space<vmem_shared>>
    %dma_wait3A_241 = tpu.memref_slice %arg12[%dma_wait3A_230] : memref<8x!tpu.dma_semaphore, #tpu.memory_space<semaphore_mem>> -> memref<1x!tpu.dma_semaphore, #tpu.memory_space<semaphore_mem>>
    %dma_wait3A_242 = tpu.memref_squeeze %dma_wait3A_241 : memref<1x!tpu.dma_semaphore, #tpu.memory_space<semaphore_mem>> -> memref<!tpu.dma_semaphore, #tpu.memory_space<semaphore_mem>>
    tpu.wait_indirect_dma semaphore(%dma_wait3A_242 : memref<!tpu.dma_semaphore, #tpu.memory_space<semaphore_mem>>) src(%dma_wait3A_234 : memref<125x16xf32, #tpu.memory_space<vmem>>) dst(%dma_wait3A_240 : memref<10000x16xf32, #tpu.memory_space<vmem_shared>>)
    %dma_wait3A_243 = arith.constant 6 : i32
    %dma_wait3A_244 = arith.constant 0 : i32
    %dma_wait3A_245 = arith.constant 6 : i32
    %dma_wait3A_246 = arith.constant 0 : i32
    %dma_wait3A_247 = arith.constant 0 : i32
    %dma_wait3A_248 = tpu.memref_slice %arg8[%dma_wait3A_243, %dma_wait3A_246, %dma_wait3A_247] : memref<8x125x16xf32, #tpu.memory_space<vmem>> -> memref<1x125x16xf32, #tpu.memory_space<vmem>>
    %dma_wait3A_249 = tpu.memref_squeeze %dma_wait3A_248 : memref<1x125x16xf32, #tpu.memory_space<vmem>> -> memref<125x16xf32, #tpu.memory_space<vmem>>
    %dma_wait3A_250 = arith.constant 0 : i32
    %dma_wait3A_251 = tpu.memref_slice %arg7[%dma_wait3A_244, %dma_wait3A_250] : memref<40x125xi32, #tpu.memory_space<vmem>> -> memref<1x125xi32, #tpu.memory_space<vmem>>
    %dma_wait3A_252 = tpu.memref_squeeze %dma_wait3A_251 : memref<1x125xi32, #tpu.memory_space<vmem>> -> memref<125xi32, #tpu.memory_space<vmem>>
    %dma_wait3A_253 = arith.constant 0 : i32
    %dma_wait3A_254 = arith.constant 0 : i32
    %dma_wait3A_255 = tpu.memref_slice %arg10[%dma_wait3A_253, %dma_wait3A_254] : memref<10000x16xf32, #tpu.memory_space<vmem_shared>> -> memref<10000x16xf32, #tpu.memory_space<vmem_shared>>
    %dma_wait3A_256 = tpu.memref_slice %arg12[%dma_wait3A_245] : memref<8x!tpu.dma_semaphore, #tpu.memory_space<semaphore_mem>> -> memref<1x!tpu.dma_semaphore, #tpu.memory_space<semaphore_mem>>
    %dma_wait3A_257 = tpu.memref_squeeze %dma_wait3A_256 : memref<1x!tpu.dma_semaphore, #tpu.memory_space<semaphore_mem>> -> memref<!tpu.dma_semaphore, #tpu.memory_space<semaphore_mem>>
    tpu.wait_indirect_dma semaphore(%dma_wait3A_257 : memref<!tpu.dma_semaphore, #tpu.memory_space<semaphore_mem>>) src(%dma_wait3A_249 : memref<125x16xf32, #tpu.memory_space<vmem>>) dst(%dma_wait3A_255 : memref<10000x16xf32, #tpu.memory_space<vmem_shared>>)
    %dma_wait3A_258 = arith.constant 7 : i32
    %dma_wait3A_259 = arith.constant 0 : i32
    %dma_wait3A_260 = arith.constant 7 : i32
    %dma_wait3A_261 = arith.constant 0 : i32
    %dma_wait3A_262 = arith.constant 0 : i32
    %dma_wait3A_263 = tpu.memref_slice %arg8[%dma_wait3A_258, %dma_wait3A_261, %dma_wait3A_262] : memref<8x125x16xf32, #tpu.memory_space<vmem>> -> memref<1x125x16xf32, #tpu.memory_space<vmem>>
    %dma_wait3A_264 = tpu.memref_squeeze %dma_wait3A_263 : memref<1x125x16xf32, #tpu.memory_space<vmem>> -> memref<125x16xf32, #tpu.memory_space<vmem>>
    %dma_wait3A_265 = arith.constant 0 : i32
    %dma_wait3A_266 = tpu.memref_slice %arg7[%dma_wait3A_259, %dma_wait3A_265] : memref<40x125xi32, #tpu.memory_space<vmem>> -> memref<1x125xi32, #tpu.memory_space<vmem>>
    %dma_wait3A_267 = tpu.memref_squeeze %dma_wait3A_266 : memref<1x125xi32, #tpu.memory_space<vmem>> -> memref<125xi32, #tpu.memory_space<vmem>>
    %dma_wait3A_268 = arith.constant 0 : i32
    %dma_wait3A_269 = arith.constant 0 : i32
    %dma_wait3A_270 = tpu.memref_slice %arg10[%dma_wait3A_268, %dma_wait3A_269] : memref<10000x16xf32, #tpu.memory_space<vmem_shared>> -> memref<10000x16xf32, #tpu.memory_space<vmem_shared>>
    %dma_wait3A_271 = tpu.memref_slice %arg12[%dma_wait3A_260] : memref<8x!tpu.dma_semaphore, #tpu.memory_space<semaphore_mem>> -> memref<1x!tpu.dma_semaphore, #tpu.memory_space<semaphore_mem>>
    %dma_wait3A_272 = tpu.memref_squeeze %dma_wait3A_271 : memref<1x!tpu.dma_semaphore, #tpu.memory_space<semaphore_mem>> -> memref<!tpu.dma_semaphore, #tpu.memory_space<semaphore_mem>>
    tpu.wait_indirect_dma semaphore(%dma_wait3A_272 : memref<!tpu.dma_semaphore, #tpu.memory_space<semaphore_mem>>) src(%dma_wait3A_264 : memref<125x16xf32, #tpu.memory_space<vmem>>) dst(%dma_wait3A_270 : memref<10000x16xf32, #tpu.memory_space<vmem_shared>>)
    %barrier3A_273 = arith.constant 0 : index
    tpu.barrier barrier_id(%barrier3A_273)
    %mul3A_274 = arith.constant 624 : i32
    %mul3A_275 = arith.muli %arg1, %mul3A_274 : i32
    %mul3A_276 = arith.constant 624 : i32
    %mul3A_277 = arith.muli %arg1, %mul3A_276 : i32
    %mul3A_278 = arith.constant 16 : i32
    %mul3A_279 = arith.muli %arg0, %mul3A_278 : i32
    "tpu.region"() ({
      %run_scoped3A = tpu.sem_alloc : memref<!tpu.dma_semaphore, #tpu.memory_space<semaphore_mem>>
      %dma_start3A_282 = tpu.memref_slice %arg5[%mul3A_277, %mul3A_279] : memref<10000x32xf32, #tpu.memory_space<hbm>> -> memref<624x16xf32, #tpu.memory_space<hbm>>
      %dma_start3A_283 = arith.constant 0 : i32
      %dma_start3A_284 = tpu.memref_slice %arg10[%mul3A_275, %dma_start3A_283] : memref<10000x16xf32, #tpu.memory_space<vmem_shared>> -> memref<624x16xf32, #tpu.memory_space<vmem_shared>>
      tpu.enqueue_dma source(%dma_start3A_284 : memref<624x16xf32, #tpu.memory_space<vmem_shared>>) target(%dma_start3A_282 : memref<624x16xf32, #tpu.memory_space<hbm>>) target_semaphore(%run_scoped3A : memref<!tpu.dma_semaphore, #tpu.memory_space<semaphore_mem>>)
      %dma_wait3A_285 = tpu.memref_slice %arg5[%mul3A_277, %mul3A_279] : memref<10000x32xf32, #tpu.memory_space<hbm>> -> memref<624x16xf32, #tpu.memory_space<hbm>>
      %dma_wait3A_286 = arith.constant 0 : i32
      %dma_wait3A_287 = tpu.memref_slice %arg10[%mul3A_275, %dma_wait3A_286] : memref<10000x16xf32, #tpu.memory_space<vmem_shared>> -> memref<624x16xf32, #tpu.memory_space<vmem_shared>>
      tpu.wait_dma2 semaphore(%run_scoped3A : memref<!tpu.dma_semaphore, #tpu.memory_space<semaphore_mem>>) src(%dma_wait3A_287 : memref<624x16xf32, #tpu.memory_space<vmem_shared>>) dst(%dma_wait3A_285 : memref<624x16xf32, #tpu.memory_space<hbm>>)
      tpu.yield
    }) : () -> ()
    %eq3A = arith.constant 15 : i32
    %eq3A_280 = arith.cmpi eq, %arg1, %eq3A : i32
    %convert_element_type3A = arith.extui %eq3A_280 : i1 to i32
    %cond3A = arith.constant 0 : i32
    %cond3A_281 = arith.cmpi ne, %convert_element_type3A, %cond3A : i32
    scf.if %cond3A_281 {
      %mul3A_282 = arith.constant 16 : i32
      %mul3A_283 = arith.muli %arg0, %mul3A_282 : i32
      "tpu.region"() ({
        %run_scoped3A = tpu.sem_alloc : memref<!tpu.dma_semaphore, #tpu.memory_space<semaphore_mem>>
        %dma_start3A_284 = arith.constant 9984 : i32
        %dma_start3A_285 = tpu.memref_slice %arg5[%dma_start3A_284, %mul3A_283] : memref<10000x32xf32, #tpu.memory_space<hbm>> -> memref<16x16xf32, #tpu.memory_space<hbm>>
        %dma_start3A_286 = arith.constant 9984 : i32
        %dma_start3A_287 = arith.constant 0 : i32
        %dma_start3A_288 = tpu.memref_slice %arg10[%dma_start3A_286, %dma_start3A_287] : memref<10000x16xf32, #tpu.memory_space<vmem_shared>> -> memref<16x16xf32, #tpu.memory_space<vmem_shared>>
        tpu.enqueue_dma source(%dma_start3A_288 : memref<16x16xf32, #tpu.memory_space<vmem_shared>>) target(%dma_start3A_285 : memref<16x16xf32, #tpu.memory_space<hbm>>) target_semaphore(%run_scoped3A : memref<!tpu.dma_semaphore, #tpu.memory_space<semaphore_mem>>)
        %dma_wait3A_289 = arith.constant 9984 : i32
        %dma_wait3A_290 = tpu.memref_slice %arg5[%dma_wait3A_289, %mul3A_283] : memref<10000x32xf32, #tpu.memory_space<hbm>> -> memref<16x16xf32, #tpu.memory_space<hbm>>
        %dma_wait3A_291 = arith.constant 9984 : i32
        %dma_wait3A_292 = arith.constant 0 : i32
        %dma_wait3A_293 = tpu.memref_slice %arg10[%dma_wait3A_291, %dma_wait3A_292] : memref<10000x16xf32, #tpu.memory_space<vmem_shared>> -> memref<16x16xf32, #tpu.memory_space<vmem_shared>>
        tpu.wait_dma2 semaphore(%run_scoped3A : memref<!tpu.dma_semaphore, #tpu.memory_space<semaphore_mem>>) src(%dma_wait3A_293 : memref<16x16xf32, #tpu.memory_space<vmem_shared>>) dst(%dma_wait3A_290 : memref<16x16xf32, #tpu.memory_space<hbm>>)
        tpu.yield
      }) : () -> ()
    } else {
    }
    return
  }
}

module attributes {stable_mosaic.version = 14 : i64} {
  func.func @_dense1_body(%arg0: i32, %arg1: memref<2000x256xf32, #tpu.memory_space<vmem>>, %arg2: memref<1x256xf32, #tpu.memory_space<vmem>>, %arg3: memref<256x64xf32, #tpu.memory_space<vmem>>, %arg4: memref<2000x64xf32, #tpu.memory_space<vmem>>) attributes {dimension_semantics = [#tpu.dimension_semantics<arbitrary>], iteration_bounds = array<i64: 5>, scalar_prefetch = 0 : i64, scratch_operands = 0 : i64, tpu.core_type = #tpu.core_type<tc>, window_params = [{transform_indices = @transform_0, window_bounds = array<i64: 2000, 256>}, {pipeline_mode = #tpu.pipeline_mode<synchronous>, transform_indices = @transform_1, window_bounds = array<i64: 1, 256>}, {pipeline_mode = #tpu.pipeline_mode<synchronous>, transform_indices = @transform_2, window_bounds = array<i64: 256, 64>}, {transform_indices = @transform_3, window_bounds = array<i64: 2000, 64>}]} {
    %get3A = arith.constant 0 : index
    %get3A_0 = arith.constant 0 : index
    %get3A_1 = vector.load %arg1[%get3A, %get3A_0] : memref<2000x256xf32, #tpu.memory_space<vmem>>, vector<2000x256xf32>
    %get3A_2 = arith.constant 0 : index
    %get3A_3 = arith.constant 0 : index
    %get3A_4 = vector.load %arg2[%get3A_2, %get3A_3] : memref<1x256xf32, #tpu.memory_space<vmem>>, vector<1x256xf32>
    %mul3A = vector.broadcast %get3A_4 : vector<1x256xf32> to vector<2000x256xf32>
    %mul3A_5 = arith.mulf %get3A_1, %mul3A : vector<2000x256xf32>
    %get3A_6 = arith.constant 0 : index
    %get3A_7 = arith.constant 0 : index
    %get3A_8 = vector.load %arg3[%get3A_6, %get3A_7] : memref<256x64xf32, #tpu.memory_space<vmem>>, vector<256x64xf32>
    %dot_general3A = arith.constant dense<0.000000e+00> : vector<2000x64xf32>
    %dot_general3A_9 = tpu.matmul %mul3A_5, %get3A_8, %dot_general3A {dimension_numbers = #tpu.dot_dimension_numbers<[1], [0], [0], [1], [0, 0, 1, 1], [], []>, transpose_lhs_hint = false} : vector<2000x256xf32>, vector<256x64xf32>, vector<2000x64xf32> -> vector<2000x64xf32>
    %swap3A = arith.constant 0 : index
    %swap3A_10 = arith.constant 0 : index
    %swap3A_11 = vector.load %arg4[%swap3A, %swap3A_10] : memref<2000x64xf32, #tpu.memory_space<vmem>>, vector<2000x64xf32>
    tpu.vector_store %arg4[%swap3A, %swap3A_10], %dot_general3A_9 {strides = array<i32>} : memref<2000x64xf32, #tpu.memory_space<vmem>>, vector<2000x64xf32>,
    return
  }
  func.func @transform_0(%arg0: i32) -> (i32, i32) {
    %c0_i32 = arith.constant 0 : i32
    %c0_i32_0 = arith.constant 0 : i32
    return %arg0, %c0_i32 : i32, i32
  }
  func.func @transform_1(%arg0: i32) -> (i32, i32) {
    %c0_i32 = arith.constant 0 : i32
    %c0_i32_0 = arith.constant 0 : i32
    %c0_i32_1 = arith.constant 0 : i32
    return %c0_i32, %c0_i32_0 : i32, i32
  }
  func.func @transform_2(%arg0: i32) -> (i32, i32) {
    %c0_i32 = arith.constant 0 : i32
    %c0_i32_0 = arith.constant 0 : i32
    %c0_i32_1 = arith.constant 0 : i32
    return %c0_i32, %c0_i32_0 : i32, i32
  }
  func.func @transform_3(%arg0: i32) -> (i32, i32) {
    %c0_i32 = arith.constant 0 : i32
    %c0_i32_0 = arith.constant 0 : i32
    return %arg0, %c0_i32 : i32, i32
  }
}

module attributes {stable_mosaic.version = 14 : i64} {
  func.func @_dense2_body(%arg0: i32, %arg1: memref<2000x128xf32, #tpu.memory_space<vmem>>, %arg2: memref<128x32xf32, #tpu.memory_space<vmem>>, %arg3: memref<1x64xf32, #tpu.memory_space<vmem>>, %arg4: memref<64x32xf32, #tpu.memory_space<vmem>>, %arg5: memref<32x16xf32, #tpu.memory_space<vmem>>, %arg6: memref<2000x16xf32, #tpu.memory_space<vmem>>) attributes {dimension_semantics = [#tpu.dimension_semantics<arbitrary>], iteration_bounds = array<i64: 5>, scalar_prefetch = 0 : i64, scratch_operands = 0 : i64, tpu.core_type = #tpu.core_type<tc>, window_params = [{transform_indices = @transform_0, window_bounds = array<i64: 2000, 128>}, {pipeline_mode = #tpu.pipeline_mode<synchronous>, transform_indices = @transform_1, window_bounds = array<i64: 128, 32>}, {pipeline_mode = #tpu.pipeline_mode<synchronous>, transform_indices = @transform_2, window_bounds = array<i64: 1, 64>}, {pipeline_mode = #tpu.pipeline_mode<synchronous>, transform_indices = @transform_3, window_bounds = array<i64: 64, 32>}, {pipeline_mode = #tpu.pipeline_mode<synchronous>, transform_indices = @transform_4, window_bounds = array<i64: 32, 16>}, {transform_indices = @transform_5, window_bounds = array<i64: 2000, 16>}]} {
    %get3A = arith.constant 0 : index
    %get3A_0 = arith.constant 0 : index
    %get3A_1 = vector.load %arg1[%get3A, %get3A_0] : memref<2000x128xf32, #tpu.memory_space<vmem>>, vector<2000x128xf32>
    %get3A_2 = arith.constant 0 : index
    %get3A_3 = arith.constant 0 : index
    %get3A_4 = vector.load %arg2[%get3A_2, %get3A_3] : memref<128x32xf32, #tpu.memory_space<vmem>>, vector<128x32xf32>
    %dot_general3A = arith.constant dense<0.000000e+00> : vector<2000x32xf32>
    %dot_general3A_5 = tpu.matmul %get3A_1, %get3A_4, %dot_general3A {dimension_numbers = #tpu.dot_dimension_numbers<[1], [0], [0], [1], [0, 0, 1, 1], [], []>, transpose_lhs_hint = false} : vector<2000x128xf32>, vector<128x32xf32>, vector<2000x32xf32> -> vector<2000x32xf32>
    %get3A_6 = arith.constant 0 : index
    %get3A_7 = arith.constant 0 : index
    %get3A_8 = vector.load %arg3[%get3A_6, %get3A_7] : memref<1x64xf32, #tpu.memory_space<vmem>>, vector<1x64xf32>
    %get3A_9 = arith.constant 0 : index
    %get3A_10 = arith.constant 0 : index
    %get3A_11 = vector.load %arg4[%get3A_9, %get3A_10] : memref<64x32xf32, #tpu.memory_space<vmem>>, vector<64x32xf32>
    %dot_general3A_12 = arith.constant dense<0.000000e+00> : vector<1x32xf32>
    %dot_general3A_13 = tpu.matmul %get3A_8, %get3A_11, %dot_general3A_12 {dimension_numbers = #tpu.dot_dimension_numbers<[1], [0], [0], [1], [0, 0, 1, 1], [], []>, transpose_lhs_hint = false} : vector<1x64xf32>, vector<64x32xf32>, vector<1x32xf32> -> vector<1x32xf32>
    %add3A = vector.broadcast %dot_general3A_13 : vector<1x32xf32> to vector<2000x32xf32>
    %add3A_14 = arith.addf %dot_general3A_5, %add3A : vector<2000x32xf32>
    %get3A_15 = arith.constant 0 : index
    %get3A_16 = arith.constant 0 : index
    %get3A_17 = vector.load %arg5[%get3A_15, %get3A_16] : memref<32x16xf32, #tpu.memory_space<vmem>>, vector<32x16xf32>
    %dot_general3A_18 = arith.constant dense<0.000000e+00> : vector<2000x16xf32>
    %dot_general3A_19 = tpu.matmul %add3A_14, %get3A_17, %dot_general3A_18 {dimension_numbers = #tpu.dot_dimension_numbers<[1], [0], [0], [1], [0, 0, 1, 1], [], []>, transpose_lhs_hint = false} : vector<2000x32xf32>, vector<32x16xf32>, vector<2000x16xf32> -> vector<2000x16xf32>
    %swap3A = arith.constant 0 : index
    %swap3A_20 = arith.constant 0 : index
    %swap3A_21 = vector.load %arg6[%swap3A, %swap3A_20] : memref<2000x16xf32, #tpu.memory_space<vmem>>, vector<2000x16xf32>
    tpu.vector_store %arg6[%swap3A, %swap3A_20], %dot_general3A_19 {strides = array<i32>} : memref<2000x16xf32, #tpu.memory_space<vmem>>, vector<2000x16xf32>,
    return
  }
  func.func @transform_0(%arg0: i32) -> (i32, i32) {
    %c0_i32 = arith.constant 0 : i32
    %c0_i32_0 = arith.constant 0 : i32
    return %arg0, %c0_i32 : i32, i32
  }
  func.func @transform_1(%arg0: i32) -> (i32, i32) {
    %c0_i32 = arith.constant 0 : i32
    %c0_i32_0 = arith.constant 0 : i32
    %c0_i32_1 = arith.constant 0 : i32
    return %c0_i32, %c0_i32_0 : i32, i32
  }
  func.func @transform_2(%arg0: i32) -> (i32, i32) {
    %c0_i32 = arith.constant 0 : i32
    %c0_i32_0 = arith.constant 0 : i32
    %c0_i32_1 = arith.constant 0 : i32
    return %c0_i32, %c0_i32_0 : i32, i32
  }
  func.func @transform_3(%arg0: i32) -> (i32, i32) {
    %c0_i32 = arith.constant 0 : i32
    %c0_i32_0 = arith.constant 0 : i32
    %c0_i32_1 = arith.constant 0 : i32
    return %c0_i32, %c0_i32_0 : i32, i32
  }
  func.func @transform_4(%arg0: i32) -> (i32, i32) {
    %c0_i32 = arith.constant 0 : i32
    %c0_i32_0 = arith.constant 0 : i32
    %c0_i32_1 = arith.constant 0 : i32
    return %c0_i32, %c0_i32_0 : i32, i32
  }
  func.func @transform_5(%arg0: i32) -> (i32, i32) {
    %c0_i32 = arith.constant 0 : i32
    %c0_i32_0 = arith.constant 0 : i32
    return %arg0, %c0_i32 : i32, i32
  }
}

module attributes {stable_mosaic.version = 14 : i64} {
  func.func @_softmax_body(%arg0: i32, %arg1: memref<2000x32xf32, #tpu.memory_space<vmem>>, %arg2: memref<1x32xf32, #tpu.memory_space<vmem>>, %arg3: memref<32x16xf32, #tpu.memory_space<vmem>>, %arg4: memref<1x16xf32, #tpu.memory_space<vmem>>, %arg5: memref<2000x4xf32, #tpu.memory_space<vmem>>) attributes {dimension_semantics = [#tpu.dimension_semantics<arbitrary>], iteration_bounds = array<i64: 5>, scalar_prefetch = 0 : i64, scratch_operands = 0 : i64, tpu.core_type = #tpu.core_type<tc>, window_params = [{transform_indices = @transform_0, window_bounds = array<i64: 2000, 32>}, {pipeline_mode = #tpu.pipeline_mode<synchronous>, transform_indices = @transform_1, window_bounds = array<i64: 1, 32>}, {pipeline_mode = #tpu.pipeline_mode<synchronous>, transform_indices = @transform_2, window_bounds = array<i64: 32, 16>}, {pipeline_mode = #tpu.pipeline_mode<synchronous>, transform_indices = @transform_3, window_bounds = array<i64: 1, 16>}, {transform_indices = @transform_4, window_bounds = array<i64: 2000, 4>}]} {
    %get3A = arith.constant 0 : index
    %get3A_0 = arith.constant 0 : index
    %get3A_1 = vector.load %arg2[%get3A, %get3A_0] : memref<1x32xf32, #tpu.memory_space<vmem>>, vector<1x32xf32>
    %get3A_2 = arith.constant 0 : index
    %get3A_3 = arith.constant 0 : index
    %get3A_4 = vector.load %arg3[%get3A_2, %get3A_3] : memref<32x16xf32, #tpu.memory_space<vmem>>, vector<32x16xf32>
    %dot_general3A = arith.constant dense<0.000000e+00> : vector<1x16xf32>
    %dot_general3A_5 = tpu.matmul %get3A_1, %get3A_4, %dot_general3A {dimension_numbers = #tpu.dot_dimension_numbers<[1], [0], [0], [1], [0, 0, 1, 1], [], []>, transpose_lhs_hint = false} : vector<1x32xf32>, vector<32x16xf32>, vector<1x16xf32> -> vector<1x16xf32>
    %get3A_6 = arith.constant 0 : index
    %get3A_7 = arith.constant 0 : index
    %get3A_8 = vector.load %arg4[%get3A_6, %get3A_7] : memref<1x16xf32, #tpu.memory_space<vmem>>, vector<1x16xf32>
    %add3A = arith.addf %dot_general3A_5, %get3A_8 : vector<1x16xf32>
    %get3A_9 = arith.constant 0 : index
    %get3A_10 = arith.constant 0 : index
    %get3A_11 = vector.load %arg1[%get3A_9, %get3A_10] : memref<2000x32xf32, #tpu.memory_space<vmem>>, vector<2000x16xf32>
    %get3A_12 = arith.constant 0 : index
    %get3A_13 = arith.constant 16 : index
    %get3A_14 = vector.load %arg1[%get3A_12, %get3A_13] : memref<2000x32xf32, #tpu.memory_space<vmem>>, vector<2000x16xf32>
    %add3A_15 = arith.addf %get3A_11, %get3A_14 : vector<2000x16xf32>
    %add3A_16 = vector.broadcast %add3A : vector<1x16xf32> to vector<2000x16xf32>
    %add3A_17 = arith.addf %add3A_15, %add3A_16 : vector<2000x16xf32>
    %iota3A = tpu.iota {dimensions = array<i32: 1>} : vector<2000x16xi32>
    %lt3A = arith.constant 4 : i32
    %lt3A_18 = vector.broadcast %lt3A : i32 to vector<2000x16xi32>
    %lt3A_19 = arith.cmpi slt, %iota3A, %lt3A_18 : vector<2000x16xi32>
    %jit3A = arith.constant -1.000000e+30 : f32
    %broadcast_in_dim3A = vector.broadcast %jit3A : f32 to vector<2000x16xf32>
    %select_n3A = arith.select %lt3A_19, %add3A_17, %broadcast_in_dim3A : vector<2000x16xi1>, vector<2000x16xf32>
    %reduce_max3A = arith.constant dense<0xFF800000> : vector<2000xf32>
    %reduce_max3A_20 = vector.multi_reduction <maximumf>, %select_n3A, %reduce_max3A [1] : vector<2000x16xf32> to vector<2000xf32>
    %broadcast_in_dim3A_21 = vector.shape_cast %reduce_max3A_20 : vector<2000xf32> to vector<2000x1xf32>
    %sub3A = vector.broadcast %broadcast_in_dim3A_21 : vector<2000x1xf32> to vector<2000x16xf32>
    %sub3A_22 = arith.subf %select_n3A, %sub3A : vector<2000x16xf32>
    %exp3A = math.exp %sub3A_22 : vector<2000x16xf32>
    %reduce_sum3A = arith.constant dense<0.000000e+00> : vector<2000xf32>
    %reduce_sum3A_23 = vector.multi_reduction <add>, %exp3A, %reduce_sum3A [1] : vector<2000x16xf32> to vector<2000xf32>
    %broadcast_in_dim3A_24 = vector.shape_cast %reduce_sum3A_23 : vector<2000xf32> to vector<2000x1xf32>
    %div3A = vector.broadcast %broadcast_in_dim3A_24 : vector<2000x1xf32> to vector<2000x16xf32>
    %div3A_25 = arith.divf %exp3A, %div3A : vector<2000x16xf32>
    %slice3A = vector.extract_strided_slice %div3A_25 {offsets = [0, 0], sizes = [2000, 4], strides = [1, 1]} : vector<2000x16xf32> to vector<2000x4xf32>
    %swap3A = arith.constant 0 : index
    %swap3A_26 = arith.constant 0 : index
    %swap3A_27 = vector.load %arg5[%swap3A, %swap3A_26] : memref<2000x4xf32, #tpu.memory_space<vmem>>, vector<2000x4xf32>
    tpu.vector_store %arg5[%swap3A, %swap3A_26], %slice3A {strides = array<i32>} : memref<2000x4xf32, #tpu.memory_space<vmem>>, vector<2000x4xf32>,
    return
  }
  func.func @transform_0(%arg0: i32) -> (i32, i32) {
    %c0_i32 = arith.constant 0 : i32
    %c0_i32_0 = arith.constant 0 : i32
    return %arg0, %c0_i32 : i32, i32
  }
  func.func @transform_1(%arg0: i32) -> (i32, i32) {
    %c0_i32 = arith.constant 0 : i32
    %c0_i32_0 = arith.constant 0 : i32
    %c0_i32_1 = arith.constant 0 : i32
    return %c0_i32, %c0_i32_0 : i32, i32
  }
  func.func @transform_2(%arg0: i32) -> (i32, i32) {
    %c0_i32 = arith.constant 0 : i32
    %c0_i32_0 = arith.constant 0 : i32
    %c0_i32_1 = arith.constant 0 : i32
    return %c0_i32, %c0_i32_0 : i32, i32
  }
  func.func @transform_3(%arg0: i32) -> (i32, i32) {
    %c0_i32 = arith.constant 0 : i32
    %c0_i32_0 = arith.constant 0 : i32
    %c0_i32_1 = arith.constant 0 : i32
    return %c0_i32, %c0_i32_0 : i32, i32
  }
  func.func @transform_4(%arg0: i32) -> (i32, i32) {
    %c0_i32 = arith.constant 0 : i32
    %c0_i32_0 = arith.constant 0 : i32
    return %arg0, %c0_i32 : i32, i32
  }
}

</mosaic_0001>

<sc_bundles>
// kernel: kernel.10.cloned.1.call-start
scs
__scs_entry_jumppad:
0x0: {  	(pc) =	sbr.rel $0x88, $3  }
0x1: {  	(tag) =	ssettag $0x0;
	lr =	simm.s32 $0x1  }
0x2: {  	[smem:$0x3F97] =	sst lr;
	_ =	strace $0xD0000000  }
0x3: {  	_ = 	snop  }
0x4: {  	_ = 	snop  }
0x5: {  	_ = 	snop  }
0x6: {  	_ = 	snop  }
0x7: {  	_ = 	snop  }
__scs_overlays_trampoline_lowered:
0x8: {  	[smem:$0x3FA6] =	sst s0  }
0x9: {  	[smem:$0x3FA7] =	sst s1  }
0xa: {  	[smem:$0x3FA8] =	sst s2  }
0xb: {  	[smem:$0x3FA9] =	sst s3  }
0xc: {  	[smem:$0x3FAA] =	sst s4  }
0xd: {  	[smem:$0x3FAB] =	sst s5  }
0xe: {  	[smem:$0x3FAC] =	sst s6  }
0xf: {  	[smem:$0x3FAD] =	sst s7  }
0x10: {  	[smem:$0x3FAE] =	sst s8  }
0x11: {  	[smem:$0x3FAF] =	sst s9;
	s0 =	simm.s32 @!p0 $0x0  }
0x12: {  	s1 =	sld [smem:$0x3F95];
	s0 =	simm.s32 @p0 $0x1  }
0x13: {  	[smem:$0x3FB0] =	sst s0;
	s0 =	simm.s32 @!p1 $0x0  }
0x14: {  	s2 =	sld [smem:$0x3F94];
	s0 =	simm.s32 @p1 $0x1  }
0x15: {  	[smem:$0x3FB1] =	sst s0;
	s0 =	simm.s32 @!p2 $0x0  }
0x16: {  	s3 =	sld [smem:$0x3FDB];
	s0 =	simm.s32 @p2 $0x1  }
0x17: {  	s4 =	simm.s32 $0x1BF5;
	[smem:$0x3FB3] =	sst s0  }
0x18: {  	s0 =	sld [smem:$0x3F96];
	_ =	swait.ge [sflag:s4], $0x0  }
0x19: {  	s7 =	sld [smem:$0x3F97]  }
0x1a: {  	s8 =	sadd.s32 $0xFFFFE003, lr  }
0x1b: {  	s9 =	sadd.s32 $0xFFFFFEF7, lr;
	s5 =	simm.s32 $0xFFFFFFFF;
	p2 =	slt.u32 s8, $0xFFFFF086  }
0x1c: {  	p1 =	slt.u32 s9, $0xF7A;
	s5 =	simm.s32 @!p2 $0x0  }
0x1d: {  	s5 =	simm.s32 @p1 $0x1;
	p0 =	seq.s32 s7, s2  }
0x1e: {  	s7 =	smul.u32 @!p0 $0xF7A, s2;
	p2 =	seq.s32 @!p0 s5, $0x0  }
0x1f: {  	s9 =	smul.u32 $0xF7A, s1;
	s8 =	simm.s32 @!p0 $0x1BF5;
	p2 =	por !p2, p0  }
0x20: {  	[sflag:s8] =	ssyncset.s32 @!p0 $0xFFFFF086;
	s6 =	sadd.s32 @!p0 s3, s7;
	s7 =	simm.s32 @!p0 $0x108  }
0x21: {  	s3 =	sadd.s32 s3, s9;
	s6 =	sadd.s32 @!p0 $0x88, s6;
	s7 =	simm.s32 @p2 $0x1082  }
0x22: {  	[simem:s7], [sflag:s8] =	dma.local @!p0 [hbm:s6], $0xF7A  }
0x23: {  	s9 =	sor.u32 $0xD0000000, s2;
	s6 =	simm.s32 $0x108;
	_ =	swait.ge @!p0 [sflag:s8], $0x0  }
0x24: {  	s3 =	sadd.s32 $0x88, s3;
	s6 =	simm.s32 @!p1 $0x1082;
	[sflag:s4] =	ssyncset.s32 $0xFFFFF086  }
0x25: {  	[simem:s6], [sflag:s4] =	dma.local [hbm:s3], $0xF7A  }
0x26: {  	[smem:$0x3F97] =	sst s1;
	(tag) =	ssettag s2;
	_ =	strace s9  }
0x27: {  	s1 =	sld [smem:$0x3FA7]  }
0x28: {  	s2 =	sld [smem:$0x3FA8]  }
0x29: {  	s4 =	sld [smem:$0x3FAA]  }
0x2a: {  	p0 =	seq.s32 s5, $0x0;
	s5 =	sld [smem:$0x3FAB]  }
0x2b: {  	s6 =	sld [smem:$0x3FAC]  }
0x2c: {  	s7 =	sld [smem:$0x3FAD]  }
0x2d: {  	s3 =	simm.s32 $0x108;
	s8 =	sld [smem:$0x3FAE]  }
0x2e: {  	s3 =	simm.s32 @!p0 $0x1082;
	s9 =	sld [smem:$0x3FAF]  }
0x2f: {  	lr =	sadd.s32 s0, s3;
	s0 =	sld [smem:$0x3FA6]  }
0x30: {  	s3 =	sld [smem:$0x3FA9]  }
0x31: {  	[smem:$0x3FB2] =	sst s10  }
0x32: {  	s10 =	sld [smem:$0x3FB0];
	_ =	sdelay $0x3  }
0x33: {  	p0 =	seq.s32 s10, $0x1;
	s10 =	sld [smem:$0x3FB2];
	_ =	sdelay $0x3  }
0x34: {  	[smem:$0x3FB2] =	sst s10  }
0x35: {  	s10 =	sld [smem:$0x3FB1];
	_ =	sdelay $0x3  }
0x36: {  	p1 =	seq.s32 s10, $0x1;
	s10 =	sld [smem:$0x3FB2];
	_ =	sdelay $0x3  }
0x37: {  	[smem:$0x3FB2] =	sst s10  }
0x38: {  	s10 =	sld [smem:$0x3FB3]  }
0x39: {  	_ = 	snop;
	(pc) =	sbr.ind lr, $3  }
0x3a: {  	_ = 	snop  }
0x3b: {  	_ = 	snop  }
0x3c: {  	p2 =	seq.s32 s10, $0x1;
	s10 =	sld [smem:$0x3FB2]  }
0x3d: {  	_ =	shalt  }
0x3e: {  	_ =	shalt  }
0x3f: {  	_ =	shalt  }
0x40: {  	_ =	shalt  }
0x41: {  	_ =	shalt  }
0x42: {  	_ =	shalt  }
0x43: {  	_ =	shalt  }
0x44: {  	_ =	shalt  }
0x45: {  	_ =	shalt  }
0x46: {  	_ =	shalt  }
0x47: {  	_ =	shalt  }
0x48: {  	_ =	shalt  }
0x49: {  	_ =	shalt  }
0x4a: {  	_ =	shalt  }
0x4b: {  	_ =	shalt  }
0x4c: {  	_ =	shalt  }
0x4d: {  	_ =	shalt  }
0x4e: {  	_ =	shalt  }
0x4f: {  	_ =	shalt  }
0x50: {  	_ =	shalt  }
0x51: {  	_ =	shalt  }
0x52: {  	_ =	shalt  }
0x53: {  	_ =	shalt  }
0x54: {  	_ =	shalt  }
0x55: {  	_ =	shalt  }
0x56: {  	_ =	shalt  }
0x57: {  	_ =	shalt  }
0x58: {  	_ =	shalt  }
0x59: {  	_ =	shalt  }
0x5a: {  	_ =	shalt  }
0x5b: {  	_ =	shalt  }
0x5c: {  	_ =	shalt  }
0x5d: {  	_ =	shalt  }
0x5e: {  	_ =	shalt  }
0x5f: {  	_ =	shalt  }
0x60: {  	_ =	shalt  }
0x61: {  	_ =	shalt  }
0x62: {  	_ =	shalt  }
0x63: {  	_ =	shalt  }
0x64: {  	_ =	shalt  }
0x65: {  	_ =	shalt  }
0x66: {  	_ =	shalt  }
0x67: {  	_ =	shalt  }
0x68: {  	_ =	shalt  }
0x69: {  	_ =	shalt  }
0x6a: {  	_ =	shalt  }
0x6b: {  	_ =	shalt  }
0x6c: {  	_ =	shalt  }
0x6d: {  	_ =	shalt  }
0x6e: {  	_ =	shalt  }
0x6f: {  	_ =	shalt  }
0x70: {  	_ =	shalt  }
0x71: {  	_ =	shalt  }
0x72: {  	_ =	shalt  }
0x73: {  	_ =	shalt  }
0x74: {  	_ =	shalt  }
0x75: {  	_ =	shalt  }
0x76: {  	_ =	shalt  }
0x77: {  	_ =	shalt  }
0x78: {  	_ =	shalt  }
0x79: {  	_ =	shalt  }
0x7a: {  	_ =	shalt  }
0x7b: {  	_ =	shalt  }
0x7c: {  	_ =	shalt  }
0x7d: {  	_ =	shalt  }
0x7e: {  	_ =	shalt  }
0x7f: {  	_ =	shalt  }
0x80: {  	_ =	shalt  }
0x81: {  	_ =	shalt  }
0x82: {  	_ =	shalt  }
0x83: {  	_ =	shalt  }
0x84: {  	_ =	shalt  }
0x85: {  	_ =	shalt  }
0x86: {  	_ =	shalt  }
0x87: {  	_ =	shalt  }
.Lfunc_end0:
.L_simem_size_0:
called_computation.1_lowered:
.L_overlay_start_0:
0x88: {  	s2 =	sld [smem:$0x3FD9]  }
0x89: {  	s3 =	sld [smem:$0x3FFE];
	_ =	sdelay $0x1  }
0x8a: {  	s1 =	srdreg.scid  }
0x8b: {  	s0 =	sand.u32 $0x1, s1  }
0x8c: {  	s16 =	sshll.u32 s0, $0xA;
	s2 =	sadd.s32 s3, s2  }
0x8d: {  	s2 =	sadd.s32 s2, s16  }
0x8e: {  	[smem:$0x3FBE] =	sst s2  }
0x8f: {  	_ = 	snop  }
0x90: {  	(tm) =	ssettm $0x1  }
0x91: {  	s17 =	sld [smem:$0x3FFB];
	_ =	sdelay $0x3  }
0x92: {  	_ =	strace s17  }
0x93: {  	s2 =	sld [smem:$0x3FFC];
	_ =	sdelay $0x3  }
0x94: {  	_ =	strace s2  }
0x95: {  	s2 =	sld [smem:$0x3FFD];
	_ =	sdelay $0x3  }
0x96: {  	_ =	strace s2  }
0x97: {  	_ =	strace $0x8FFFFFFF  }
0x98: {  	s18 =	sld [smem:$0x3FDB];
	_ =	sdelay $0x1  }
0x99: {  	s19 =	simm.s32 $_scs_section_size  }
0x9a: {  	s4 =	simm.s32 $_size__tile_overlayer_lowered;
	s5 =	simm.s32 $_tile_overlayer_lowered  }
0x9b: {  	s22 =	simm.s32 $0x1BFF;
	s21 =	sshll.u32 s5, $0x1;
	s2 =	sadd.s32 s19, s18  }
0x9c: {  	s6 =	simm.s32 $0x0;
	s20 =	sshll.u32 s4, $0x1;
	s4 =	sadd.s32 s21, s2  }
0x9d: {  	[timem:s6], [sflag:s22] =	dma.local [hbm:s4], s20  }
0x9e: {  	_ =	swait.ge [sflag:s22], s20  }
0x9f: {  	s3 =	ssub.s32 $0x0, s20;
	[sflag:s22] =	ssyncset.done $0x0  }
0xa0: {  	[sflag:s22] =	ssyncadd.s32 s3;
	_ =	sdelay $0x1  }
0xa1: {  	s23 =	simm.s32 $0x1B8B  }
0xa2: {  	_ =	swait.ge [sflag:s23], $0x1  }
0xa3: {  	[sflag:s23] =	ssyncset.done $0x0  }
0xa4: {  	s25 =	simm.s32 $0x1B8E;
	s24 =	sld [smem:$0x3FFE];
	[sflag:s23] =	ssyncadd.s32 $0xFFFFFFFF  }
0xa5: {  	s26 =	simm.s32 $execute0_lowered;
	[smem:$0x3FD2] =	sst s25  }
0xa6: {  	s4 =	sshll.u32 s26, $0x1;
	_ =	strace $0x80000049;
	[dreg:$0x1] =	wrdreg $0xFFFFFFFF  }
0xa7: {  	s28 =	simm.s32 $_size_execute0_lowered;
	s2 =	sadd.s32 s2, s4;
	[dreg:$0x0] =	wrdreg $0x0  }
0xa8: {  	s4 =	sshll.u32 s28, $0x1;
	[dreg:$0x2] =	wrdreg s2  }
0xa9: {  	[dreg:$0x3] =	wrdreg s4  }
0xaa: {  	[dreg:$0x4] =	wrdreg $0xC0  }
0xab: {  	_ =	task [dreg:s6], $0x5FFFF  }
0xac: {  	[dreg:$0x1] =	wrdreg $0xFFFFFFFF  }
0xad: {  	[dreg:$0x0] =	wrdreg $0x60  }
0xae: {  	[dreg:$0x2] =	wrdreg s24  }
0xaf: {  	[dreg:$0x3] =	wrdreg $0x6E800  }
0xb0: {  	[dreg:$0x4] =	wrdreg $0x9  }
0xb1: {  	_ =	task.clear_ibuf [dreg:s6], $0x5FFFF;
	_ =	strace $0x90000049  }
0xb2: {  	s29 =	simm.s32 $0x9;
	_ =	strace $0x8000004B  }
0xb3: {  	_ =	swait.ge [sflag:s29], $0x1  }
0xb4: {  	[sflag:s29] =	ssyncadd.s32 $0xFFFFFFFF  }
0xb5: {  	_ =	strace $0x9000004B  }
0xb6: {  	_ =	sfence  }
0xb7: {  	s30 =	sld [smem:$0x0];
	_ =	sdelay $0x2  }
0xb8: {  	s31 =	sshll.u32 s1, $0xD;
	s1 =	sshrl.u32 s1, $0x2  }
0xb9: {  	s3 =	sand.u32 $0x4000, s31;
	s1 =	sadd.s32 s1, s30  }
0xba: {  	s0 =	sor.u32 s3, s0;
	s1 =	sshll.u32 s1, $0x11  }
0xbb: {  	s0 =	sor.u32 s1, s0  }
0xbc: {  	s0 =	sadd.s32 $0x8F2B, s0  }
0xbd: {  	[sflag:s0] =	ssyncadd.remote.s32 $0x1  }
0xbe: {  	_ =	sfence.sel $0xFFFF  }
0xbf: {  	[dreg:$0x0] =	wrdreg $0xFFFFFFFF;
	(pc) =	sbr.abs _section_cstart, $3  }
0xc0: {  	[dreg:$0x1] =	wrdreg $0xFFFFFFFF  }
0xc1: {  	_ =	task.clear_ibuf [dreg:s6], $0x2FFFF;
	_ =	strace $0x9FFFFFFF  }
0xc2: {  	(tm) =	ssettm $0x7FFFFFFF  }
0xc3: {  	_ =	shalt  }
tec
execute0_lowered:
.L_overlay_start_1:
0x0: {  	(tag) =	ssettag $0x1  }
0x1: {  	s0 =	rddreg [dreg:$0x0]  }
0x2: {  	s1 =	rddreg [dreg:$0x1];
	s2 =	srdreg.scid  }
0x3: {  	s4 =	simm.s32 $0x0;
	s9 =	stileid.u32;
	s15 =	simm.s32 $0x11  }
0x4: {  	s17 =	simm.s32 $0x7D;
	s18 =	simm.s32 $0x2800;
	s20 =	simm.s32 $0x2FD0  }
0x5: {  	s28 =	simm.s32 $0x4740;
	s30 =	simm.s32 $0x4F10;
	s29 =	simm.s32 $0x2  }
0x6: {  	s19 =	simm.s32 $0x3;
	s31 =	simm.s32 $0x4;
	s11 =	simm.s32 $0xB  }
0x7: {  	s16 =	simm.s32 $0xC;
	s12 =	simm.s32 $0xD;
	s13 =	simm.s32 $0xE  }
0x8: {  	s14 =	simm.s32 $0xF;
	s2 =	sand.u32 $0x1, s2;
	s7 =	smul.u32 $0x9C00, s9  }
0x9: {  	[smem:$0x7FF] =	sst s4;
	s4 =	sadd.s32 $0xB400, s0;
	s22 =	smul.u32 $0x4E00, s9  }
0xa: {  	p0 =	sne.s32 s9, $0xF;
	s3 =	sshll.u32 s2, $0x4;
	_ =	strace $0x8000004A  }
0xb: {  	s6 =	ssub.s32 $0x2, s2;
	s2 =	sshll.u32 s2, $0x1;
	s21 =	sor.u32 s9, s3  }
0xc: {  	s8 =	sshrl.u32 s6, $0x1;
	s7 =	sshrl.u32 s7, $0x2;
	s3 =	sor.u32 s3, s22  }
0xd: {  	s22 =	simm.s32 $0x37A0;
	s9 =	simm.s32 $0x9;
	s5 =	smul.u32 $0x280, s21  }
0xe: {  	s6 =	ssub.s32 s6, s8;
	s23 =	sadd.s32 s7, s1;
	s3 =	sshrl.u32 s3, $0x3  }
0xf: {  	s21 =	simm.s32 $0x5EB0;
	s7 =	sadd.s32 $0x800, s23;
	[dreg:$0x5] =	wrdreg s23  }
0x10: {  	s8 =	simm.s32 $0x8;
	s24 =	sadd.s32 $0x1000, s23;
	[dreg:$0x6] =	wrdreg s7  }
0x11: {  	s25 =	sadd.s32 $0x1800, s23;
	s26 =	smax.u32 s6, $0x1;
	[dreg:$0x7] =	wrdreg s24  }
0x12: {  	s6 =	simm.s32 $0x7;
	s5 =	sadd.s32 s5, s0;
	[dreg:$0x8] =	wrdreg s25  }
0x13: {  	s0 =	sadd.s32 $0x10400, s0;
	[dreg:$0xc] =	wrdreg s26;
	s24 =	simm.s32 $0x3F70  }
0x14: {  	s26 =	simm.s32 $0x1;
	s25 =	simm.s32 $0x10;
	s10 =	sadd.s32 $0x6400, s5  }
0x15: {  	s5 =	sadd.s32 $0x1400, s5;
	s3 =	sadd.s32 s0, s3;
	[dreg:$0x3] =	wrdreg s10  }
0x16: {  	s0 =	sadd.s32 s2, s0;
	s2 =	simm.s32 $0x5;
	[dreg:$0x4] =	wrdreg s5  }
0x17: {  	s5 =	sadd.s32 $0x2000, s23;
	[dreg:$0xa] =	wrdreg s3;
	s0 =	sadd.s32 $0x9C00, s0  }
0x18: {  	s10 =	simm.s32 $0xA;
	[dreg:$0xb] =	wrdreg s0;
	s0 =	sadd.s32 $0x27000, s1  }
0x19: {  	s23 =	simm.s32 $0x0;
	[dreg:$0x9] =	wrdreg s5;
	s0 =	sshrl.u32 @!p0 s0, $0x3  }
0x1a: {  	v0 =	vimm.f32 $0.0e+00;
	s5 =	simm.s32 $0x6;
	[dreg:$0xd] =	wrdreg s0;
	s0 =	simm.s32 $0x56E0  }
.LBB2_1:
0x1b: {  	[dreg:$0xe] =	wrdreg s23  }
0x1c: {  	s3 =	simm.s32 $0x0;
	s7 =	rddreg [dreg:$0x3]  }
0x1d: {  	[tilespmem:s3], [sflag:$0x11] =	stream.linear.gather [hbm4b:s7+s3], $0x1400, $0x38;
	[tilespmem:$0x9590] =	vst v63  }
0x1e: {  	_ =	swait.ge [sflag:s15], $0x1400  }
0x1f: {  	[sflag:s15] =	ssyncset.done $0x0  }
0x20: {  	s23 =	simm.s32 $0x1400;
	s7 =	rddreg [dreg:$0x4];
	[sflag:s15] =	ssyncadd.s32 $0xFFFFEC00  }
0x21: {  	[tilespmem:s23], [sflag:$0x11] =	stream.linear.gather [hbm4b:s7+s3], $0x1400, $0x38;
	[tilespmem:$0x9590] =	vst v63  }
0x22: {  	_ =	swait.ge [sflag:s15], $0x1400  }
0x23: {  	[sflag:s15] =	ssyncset.done $0x0  }
0x24: {  	[sflag:s15] =	ssyncadd.s32 $0xFFFFEC00  }
0x25: {  	[tilespmem:s18], [sflag:$0x1] =	stream.indirect.gather [hbm4b:s4+s17], $0x10, s3, s17, $0xb8;
	[tilespmem:$0x9590] =	vst v63  }
0x26: {  	s23 =	simm.s32 $0x80  }
0x27: {  	[tilespmem:s20], [sflag:$0x2] =	stream.indirect.gather [hbm4b:s4+s17], $0x10, s23, s17, $0xb8;
	[tilespmem:$0x9590] =	vst v63  }
0x28: {  	s7 =	simm.s32 $0x100  }
0x29: {  	[tilespmem:s22], [sflag:$0x3] =	stream.indirect.gather [hbm4b:s4+s17], $0x10, s7, s17, $0xb8;
	[tilespmem:$0x9590] =	vst v63  }
0x2a: {  	s23 =	simm.s32 $0x180  }
0x2b: {  	[tilespmem:s24], [sflag:$0x4] =	stream.indirect.gather [hbm4b:s4+s17], $0x10, s23, s17, $0xb8;
	[tilespmem:$0x9590] =	vst v63  }
0x2c: {  	s7 =	simm.s32 $0x200  }
0x2d: {  	[tilespmem:s28], [sflag:$0x5] =	stream.indirect.gather [hbm4b:s4+s17], $0x10, s7, s17, $0xb8;
	[tilespmem:$0x9590] =	vst v63  }
0x2e: {  	s23 =	simm.s32 $0x280  }
0x2f: {  	[tilespmem:s30], [sflag:$0x6] =	stream.indirect.gather [hbm4b:s4+s17], $0x10, s23, s17, $0xb8;
	[tilespmem:$0x9590] =	vst v63  }
0x30: {  	s7 =	simm.s32 $0x300  }
0x31: {  	[tilespmem:s0], [sflag:$0x7] =	stream.indirect.gather [hbm4b:s4+s17], $0x10, s7, s17, $0xb8;
	[tilespmem:$0x9590] =	vst v63  }
0x32: {  	s23 =	simm.s32 $0x380  }
0x33: {  	[tilespmem:s21], [sflag:$0x8] =	stream.indirect.gather [hbm4b:s4+s17], $0x10, s23, s17, $0xb8;
	[tilespmem:$0x9590] =	vst v63  }
0x34: {  	s7 =	simm.s32 $0x40;
	s23 =	simm.s32 $0x0  }
.LBB2_2:
0x35: {  	p1 =	sne.s32 s7, $0x1FC0;
	[tilespmem:s23+$0x6680] =	vst v0;
	s23 =	smov.u32 s7;
	s7 =	sadd.s32 $0x40, s7  }
.Ltmp0:
0x36: {  	(pc) =	sbr.rel @p1 .LBB2_2-.Ltmp0, $2  }
0x37: {  	_ =	sdelay $0x2  }
0x38: {  	s23 =	sshra.s32 s23, $0x2  }
0x39: {  	[tilespmem:s23+$0x6680] =	vst v0;
	s3 =	rddreg [dreg:$0x5];
	s7 =	simm.s32 $0x6680  }
0x3a: {  	[spmem:s3] =	stream.linear.scatter [tilespmem:s7], [sflag:$0x11], $0x800, $0x38;
	[tilespmem:$0x9590] =	vst v63  }
0x3b: {  	_ =	swait.ge [sflag:s15], $0x800  }
0x3c: {  	[sflag:s15] =	ssyncset.done $0x0  }
0x3d: {  	s23 =	rddreg [dreg:$0x6];
	[sflag:s15] =	ssyncadd.s32 $0xFFFFF800  }
0x3e: {  	[spmem:s23] =	stream.linear.scatter [tilespmem:s7], [sflag:$0x11], $0x800, $0x38;
	[tilespmem:$0x9590] =	vst v63  }
0x3f: {  	_ =	swait.ge [sflag:s15], $0x800  }
0x40: {  	[sflag:s15] =	ssyncset.done $0x0  }
0x41: {  	s23 =	rddreg [dreg:$0x7];
	[sflag:s15] =	ssyncadd.s32 $0xFFFFF800  }
0x42: {  	[spmem:s23] =	stream.linear.scatter [tilespmem:s7], [sflag:$0x11], $0x800, $0x38;
	[tilespmem:$0x9590] =	vst v63  }
0x43: {  	_ =	swait.ge [sflag:s15], $0x800  }
0x44: {  	[sflag:s15] =	ssyncset.done $0x0  }
0x45: {  	s23 =	rddreg [dreg:$0x8];
	[sflag:s15] =	ssyncadd.s32 $0xFFFFF800  }
0x46: {  	[spmem:s23] =	stream.linear.scatter [tilespmem:s7], [sflag:$0x11], $0x800, $0x38;
	[tilespmem:$0x9590] =	vst v63  }
0x47: {  	_ =	swait.ge [sflag:s15], $0x800  }
0x48: {  	[sflag:s15] =	ssyncset.done $0x0  }
0x49: {  	s23 =	rddreg [dreg:$0x9];
	[sflag:s15] =	ssyncadd.s32 $0xFFFFF800  }
0x4a: {  	[spmem:s23] =	stream.linear.scatter [tilespmem:s7], [sflag:$0x11], $0x800, $0x38;
	[tilespmem:$0x9590] =	vst v63  }
0x4b: {  	_ =	swait.ge [sflag:s15], $0x800  }
0x4c: {  	[sflag:s15] =	ssyncset.done $0x0  }
0x4d: {  	[sflag:s15] =	ssyncadd.s32 $0xFFFFF800  }
0x4e: {  	[bflag:$0x0] =	sbarrier.arrive $0xFFFF  }
0x4f: {  	_ =	swait.ge [sflag:s26], $0x7D0  }
0x50: {  	[sflag:s26] =	ssyncset.done $0x0  }
0x51: {  	s15 =	simm.s32 $0x1400;
	[sflag:s26] =	ssyncadd.s32 $0xFFFFF830  }
0x52: {  	[spmem:s1] =	stream.indirect.scatter.add.f32 [tilespmem:s18], [sflag:$0x9], $0x10, s15, s17, $0xb8;
	[tilespmem:$0x9590] =	vst v63  }
0x53: {  	_ =	swait.ge [sflag:s29], $0x7D0  }
0x54: {  	[sflag:s29] =	ssyncset.done $0x0  }
0x55: {  	s23 =	simm.s32 $0x1480;
	[sflag:s29] =	ssyncadd.s32 $0xFFFFF830  }
0x56: {  	[spmem:s1] =	stream.indirect.scatter.add.f32 [tilespmem:s20], [sflag:$0xA], $0x10, s23, s17, $0xb8;
	[tilespmem:$0x9590] =	vst v63  }
0x57: {  	_ =	swait.ge [sflag:s19], $0x7D0  }
0x58: {  	[sflag:s19] =	ssyncset.done $0x0  }
0x59: {  	s7 =	simm.s32 $0x1500;
	[sflag:s19] =	ssyncadd.s32 $0xFFFFF830  }
0x5a: {  	[spmem:s1] =	stream.indirect.scatter.add.f32 [tilespmem:s22], [sflag:$0xB], $0x10, s7, s17, $0xb8;
	[tilespmem:$0x9590] =	vst v63  }
0x5b: {  	_ =	swait.ge [sflag:s31], $0x7D0  }
0x5c: {  	[sflag:s31] =	ssyncset.done $0x0  }
0x5d: {  	s15 =	simm.s32 $0x1580;
	[sflag:s31] =	ssyncadd.s32 $0xFFFFF830  }
0x5e: {  	[spmem:s1] =	stream.indirect.scatter.add.f32 [tilespmem:s24], [sflag:$0xC], $0x10, s15, s17, $0xb8;
	[tilespmem:$0x9590] =	vst v63  }
0x5f: {  	_ =	swait.ge [sflag:s2], $0x7D0  }
0x60: {  	[sflag:s2] =	ssyncset.done $0x0  }
0x61: {  	s23 =	simm.s32 $0x1600;
	[sflag:s2] =	ssyncadd.s32 $0xFFFFF830  }
0x62: {  	[spmem:s1] =	stream.indirect.scatter.add.f32 [tilespmem:s28], [sflag:$0xD], $0x10, s23, s17, $0xb8;
	[tilespmem:$0x9590] =	vst v63  }
0x63: {  	_ =	swait.ge [sflag:s5], $0x7D0  }
0x64: {  	[sflag:s5] =	ssyncset.done $0x0  }
0x65: {  	s7 =	simm.s32 $0x1680;
	[sflag:s5] =	ssyncadd.s32 $0xFFFFF830  }
0x66: {  	[spmem:s1] =	stream.indirect.scatter.add.f32 [tilespmem:s30], [sflag:$0xE], $0x10, s7, s17, $0xb8;
	[tilespmem:$0x9590] =	vst v63  }
0x67: {  	_ =	swait.ge [sflag:s6], $0x7D0  }
0x68: {  	[sflag:s6] =	ssyncset.done $0x0  }
0x69: {  	s15 =	simm.s32 $0x1700;
	[sflag:s6] =	ssyncadd.s32 $0xFFFFF830  }
0x6a: {  	[spmem:s1] =	stream.indirect.scatter.add.f32 [tilespmem:s0], [sflag:$0xF], $0x10, s15, s17, $0xb8;
	[tilespmem:$0x9590] =	vst v63  }
0x6b: {  	_ =	swait.ge [sflag:s8], $0x7D0  }
0x6c: {  	[sflag:s8] =	ssyncset.done $0x0  }
0x6d: {  	s23 =	simm.s32 $0x1780;
	[sflag:s8] =	ssyncadd.s32 $0xFFFFF830  }
0x6e: {  	[spmem:s1] =	stream.indirect.scatter.add.f32 [tilespmem:s21], [sflag:$0x10], $0x10, s23, s17, $0xb8;
	[tilespmem:$0x9590] =	vst v63  }
0x6f: {  	_ =	swait.ge [sflag:s9], $0x7D0  }
0x70: {  	[sflag:s9] =	ssyncset.done $0x0  }
0x71: {  	s3 =	simm.s32 $0x400;
	[sflag:s9] =	ssyncadd.s32 $0xFFFFF830  }
0x72: {  	[tilespmem:s18], [sflag:$0x1] =	stream.indirect.gather [hbm4b:s4+s17], $0x10, s3, s17, $0xb8;
	[tilespmem:$0x9590] =	vst v63  }
0x73: {  	_ =	swait.ge [sflag:s10], $0x7D0  }
0x74: {  	[sflag:s10] =	ssyncset.done $0x0  }
0x75: {  	s15 =	simm.s32 $0x480;
	[sflag:s10] =	ssyncadd.s32 $0xFFFFF830  }
0x76: {  	[tilespmem:s20], [sflag:$0x2] =	stream.indirect.gather [hbm4b:s4+s17], $0x10, s15, s17, $0xb8;
	[tilespmem:$0x9590] =	vst v63  }
0x77: {  	_ =	swait.ge [sflag:s11], $0x7D0  }
0x78: {  	[sflag:s11] =	ssyncset.done $0x0  }
0x79: {  	s23 =	simm.s32 $0x500;
	[sflag:s11] =	ssyncadd.s32 $0xFFFFF830  }
0x7a: {  	[tilespmem:s22], [sflag:$0x3] =	stream.indirect.gather [hbm4b:s4+s17], $0x10, s23, s17, $0xb8;
	[tilespmem:$0x9590] =	vst v63  }
0x7b: {  	_ =	swait.ge [sflag:s16], $0x7D0  }
0x7c: {  	[sflag:s16] =	ssyncset.done $0x0  }
0x7d: {  	s3 =	simm.s32 $0x580;
	[sflag:s16] =	ssyncadd.s32 $0xFFFFF830  }
0x7e: {  	[tilespmem:s24], [sflag:$0x4] =	stream.indirect.gather [hbm4b:s4+s17], $0x10, s3, s17, $0xb8;
	[tilespmem:$0x9590] =	vst v63  }
0x7f: {  	_ =	swait.ge [sflag:s12], $0x7D0  }
0x80: {  	[sflag:s12] =	ssyncset.done $0x0  }
0x81: {  	s15 =	simm.s32 $0x600;
	[sflag:s12] =	ssyncadd.s32 $0xFFFFF830  }
0x82: {  	[tilespmem:s28], [sflag:$0x5] =	stream.indirect.gather [hbm4b:s4+s17], $0x10, s15, s17, $0xb8;
	[tilespmem:$0x9590] =	vst v63  }
0x83: {  	_ =	swait.ge [sflag:s13], $0x7D0  }
0x84: {  	[sflag:s13] =	ssyncset.done $0x0  }
0x85: {  	s23 =	simm.s32 $0x680;
	[sflag:s13] =	ssyncadd.s32 $0xFFFFF830  }
0x86: {  	[tilespmem:s30], [sflag:$0x6] =	stream.indirect.gather [hbm4b:s4+s17], $0x10, s23, s17, $0xb8;
	[tilespmem:$0x9590] =	vst v63  }
0x87: {  	_ =	swait.ge [sflag:s14], $0x7D0  }
0x88: {  	[sflag:s14] =	ssyncset.done $0x0  }
0x89: {  	s3 =	simm.s32 $0x700;
	[sflag:s14] =	ssyncadd.s32 $0xFFFFF830  }
0x8a: {  	[tilespmem:s0], [sflag:$0x7] =	stream.indirect.gather [hbm4b:s4+s17], $0x10, s3, s17, $0xb8;
	[tilespmem:$0x9590] =	vst v63  }
0x8b: {  	_ =	swait.ge [sflag:s25], $0x7D0  }
0x8c: {  	[sflag:s25] =	ssyncset.done $0x0  }
0x8d: {  	s15 =	simm.s32 $0x780;
	[sflag:s25] =	ssyncadd.s32 $0xFFFFF830  }
0x8e: {  	[tilespmem:s21], [sflag:$0x8] =	stream.indirect.gather [hbm4b:s4+s17], $0x10, s15, s17, $0xb8;
	[tilespmem:$0x9590] =	vst v63  }
0x8f: {  	_ =	swait.ge [sflag:s26], $0x7D0  }
0x90: {  	[sflag:s26] =	ssyncset.done $0x0  }
0x91: {  	s23 =	simm.s32 $0x1800;
	[sflag:s26] =	ssyncadd.s32 $0xFFFFF830  }
0x92: {  	[spmem:s1] =	stream.indirect.scatter.add.f32 [tilespmem:s18], [sflag:$0x9], $0x10, s23, s17, $0xb8;
	[tilespmem:$0x9590] =	vst v63  }
0x93: {  	_ =	swait.ge [sflag:s29], $0x7D0  }
0x94: {  	[sflag:s29] =	ssyncset.done $0x0  }
0x95: {  	s3 =	simm.s32 $0x1880;
	[sflag:s29] =	ssyncadd.s32 $0xFFFFF830  }
0x96: {  	[spmem:s1] =	stream.indirect.scatter.add.f32 [tilespmem:s20], [sflag:$0xA], $0x10, s3, s17, $0xb8;
	[tilespmem:$0x9590] =	vst v63  }
0x97: {  	_ =	swait.ge [sflag:s19], $0x7D0  }
0x98: {  	[sflag:s19] =	ssyncset.done $0x0  }
0x99: {  	s15 =	simm.s32 $0x1900;
	[sflag:s19] =	ssyncadd.s32 $0xFFFFF830  }
0x9a: {  	[spmem:s1] =	stream.indirect.scatter.add.f32 [tilespmem:s22], [sflag:$0xB], $0x10, s15, s17, $0xb8;
	[tilespmem:$0x9590] =	vst v63  }
0x9b: {  	_ =	swait.ge [sflag:s31], $0x7D0  }
0x9c: {  	[sflag:s31] =	ssyncset.done $0x0  }
0x9d: {  	s23 =	simm.s32 $0x1980;
	[sflag:s31] =	ssyncadd.s32 $0xFFFFF830  }
0x9e: {  	[spmem:s1] =	stream.indirect.scatter.add.f32 [tilespmem:s24], [sflag:$0xC], $0x10, s23, s17, $0xb8;
	[tilespmem:$0x9590] =	vst v63  }
0x9f: {  	_ =	swait.ge [sflag:s2], $0x7D0  }
0xa0: {  	[sflag:s2] =	ssyncset.done $0x0  }
0xa1: {  	s3 =	simm.s32 $0x1A00;
	[sflag:s2] =	ssyncadd.s32 $0xFFFFF830  }
0xa2: {  	[spmem:s1] =	stream.indirect.scatter.add.f32 [tilespmem:s28], [sflag:$0xD], $0x10, s3, s17, $0xb8;
	[tilespmem:$0x9590] =	vst v63  }
0xa3: {  	_ =	swait.ge [sflag:s5], $0x7D0  }
0xa4: {  	[sflag:s5] =	ssyncset.done $0x0  }
0xa5: {  	s15 =	simm.s32 $0x1A80;
	[sflag:s5] =	ssyncadd.s32 $0xFFFFF830  }
0xa6: {  	[spmem:s1] =	stream.indirect.scatter.add.f32 [tilespmem:s30], [sflag:$0xE], $0x10, s15, s17, $0xb8;
	[tilespmem:$0x9590] =	vst v63  }
0xa7: {  	_ =	swait.ge [sflag:s6], $0x7D0  }
0xa8: {  	[sflag:s6] =	ssyncset.done $0x0  }
0xa9: {  	s23 =	simm.s32 $0x1B00;
	[sflag:s6] =	ssyncadd.s32 $0xFFFFF830  }
0xaa: {  	[spmem:s1] =	stream.indirect.scatter.add.f32 [tilespmem:s0], [sflag:$0xF], $0x10, s23, s17, $0xb8;
	[tilespmem:$0x9590] =	vst v63  }
0xab: {  	_ =	swait.ge [sflag:s8], $0x7D0  }
0xac: {  	[sflag:s8] =	ssyncset.done $0x0  }
0xad: {  	s7 =	simm.s32 $0x1000;
	s23 =	simm.s32 $0x1B80;
	[sflag:s8] =	ssyncadd.s32 $0xFFFFF830  }
.LBB2_4:
0xae: {  	[spmem:s1] =	stream.indirect.scatter.add.f32 [tilespmem:s21], [sflag:$0x10], $0x10, s23, s17, $0xb8;
	[tilespmem:$0x9590] =	vst v63  }
0xaf: {  	s23 =	smov.u32 s7  }
0xb0: {  	p1 =	sne.s32 s7, $0x3000;
	s7 =	sadd.s32 $0x1000, s7;
	_ =	swait.ge [sflag:s9], $0x7D0  }
0xb1: {  	s23 =	sshra.s32 s23, $0x2;
	[sflag:s9] =	ssyncset.done $0x0  }
0xb2: {  	s3 =	sadd.s32 $0x400, s23;
	[sflag:s9] =	ssyncadd.s32 $0xFFFFF830  }
0xb3: {  	[tilespmem:s18], [sflag:$0x1] =	stream.indirect.gather [hbm4b:s4+s17], $0x10, s3, s17, $0xb8;
	[tilespmem:$0x9590] =	vst v63  }
0xb4: {  	_ =	swait.ge [sflag:s10], $0x7D0  }
0xb5: {  	[sflag:s10] =	ssyncset.done $0x0  }
0xb6: {  	s3 =	sadd.s32 $0x480, s23;
	[sflag:s10] =	ssyncadd.s32 $0xFFFFF830  }
0xb7: {  	[tilespmem:s20], [sflag:$0x2] =	stream.indirect.gather [hbm4b:s4+s17], $0x10, s3, s17, $0xb8;
	[tilespmem:$0x9590] =	vst v63  }
0xb8: {  	_ =	swait.ge [sflag:s11], $0x7D0  }
0xb9: {  	[sflag:s11] =	ssyncset.done $0x0  }
0xba: {  	s3 =	sadd.s32 $0x500, s23;
	[sflag:s11] =	ssyncadd.s32 $0xFFFFF830  }
0xbb: {  	[tilespmem:s22], [sflag:$0x3] =	stream.indirect.gather [hbm4b:s4+s17], $0x10, s3, s17, $0xb8;
	[tilespmem:$0x9590] =	vst v63  }
0xbc: {  	_ =	swait.ge [sflag:s16], $0x7D0  }
0xbd: {  	[sflag:s16] =	ssyncset.done $0x0  }
0xbe: {  	s3 =	sadd.s32 $0x580, s23;
	[sflag:s16] =	ssyncadd.s32 $0xFFFFF830  }
0xbf: {  	[tilespmem:s24], [sflag:$0x4] =	stream.indirect.gather [hbm4b:s4+s17], $0x10, s3, s17, $0xb8;
	[tilespmem:$0x9590] =	vst v63  }
0xc0: {  	_ =	swait.ge [sflag:s12], $0x7D0  }
0xc1: {  	[sflag:s12] =	ssyncset.done $0x0  }
0xc2: {  	s3 =	sadd.s32 $0x600, s23;
	[sflag:s12] =	ssyncadd.s32 $0xFFFFF830  }
0xc3: {  	[tilespmem:s28], [sflag:$0x5] =	stream.indirect.gather [hbm4b:s4+s17], $0x10, s3, s17, $0xb8;
	[tilespmem:$0x9590] =	vst v63  }
0xc4: {  	_ =	swait.ge [sflag:s13], $0x7D0  }
0xc5: {  	[sflag:s13] =	ssyncset.done $0x0  }
0xc6: {  	s3 =	sadd.s32 $0x680, s23;
	[sflag:s13] =	ssyncadd.s32 $0xFFFFF830  }
0xc7: {  	[tilespmem:s30], [sflag:$0x6] =	stream.indirect.gather [hbm4b:s4+s17], $0x10, s3, s17, $0xb8;
	[tilespmem:$0x9590] =	vst v63  }
0xc8: {  	_ =	swait.ge [sflag:s14], $0x7D0  }
0xc9: {  	[sflag:s14] =	ssyncset.done $0x0  }
0xca: {  	s3 =	sadd.s32 $0x700, s23;
	[sflag:s14] =	ssyncadd.s32 $0xFFFFF830  }
0xcb: {  	[tilespmem:s0], [sflag:$0x7] =	stream.indirect.gather [hbm4b:s4+s17], $0x10, s3, s17, $0xb8;
	[tilespmem:$0x9590] =	vst v63  }
0xcc: {  	_ =	swait.ge [sflag:s25], $0x7D0  }
0xcd: {  	[sflag:s25] =	ssyncset.done $0x0  }
0xce: {  	s3 =	sadd.s32 $0x780, s23;
	[sflag:s25] =	ssyncadd.s32 $0xFFFFF830  }
0xcf: {  	[tilespmem:s21], [sflag:$0x8] =	stream.indirect.gather [hbm4b:s4+s17], $0x10, s3, s17, $0xb8;
	[tilespmem:$0x9590] =	vst v63  }
0xd0: {  	_ =	swait.ge [sflag:s26], $0x7D0  }
0xd1: {  	[sflag:s26] =	ssyncset.done $0x0  }
0xd2: {  	s3 =	sadd.s32 $0x1800, s23;
	[sflag:s26] =	ssyncadd.s32 $0xFFFFF830  }
0xd3: {  	[spmem:s1] =	stream.indirect.scatter.add.f32 [tilespmem:s18], [sflag:$0x9], $0x10, s3, s17, $0xb8;
	[tilespmem:$0x9590] =	vst v63  }
0xd4: {  	_ =	swait.ge [sflag:s29], $0x7D0  }
0xd5: {  	[sflag:s29] =	ssyncset.done $0x0  }
0xd6: {  	s3 =	sadd.s32 $0x1880, s23;
	[sflag:s29] =	ssyncadd.s32 $0xFFFFF830  }
0xd7: {  	[spmem:s1] =	stream.indirect.scatter.add.f32 [tilespmem:s20], [sflag:$0xA], $0x10, s3, s17, $0xb8;
	[tilespmem:$0x9590] =	vst v63  }
0xd8: {  	_ =	swait.ge [sflag:s19], $0x7D0  }
0xd9: {  	[sflag:s19] =	ssyncset.done $0x0  }
0xda: {  	s3 =	sadd.s32 $0x1900, s23;
	[sflag:s19] =	ssyncadd.s32 $0xFFFFF830  }
0xdb: {  	[spmem:s1] =	stream.indirect.scatter.add.f32 [tilespmem:s22], [sflag:$0xB], $0x10, s3, s17, $0xb8;
	[tilespmem:$0x9590] =	vst v63  }
0xdc: {  	_ =	swait.ge [sflag:s31], $0x7D0  }
0xdd: {  	[sflag:s31] =	ssyncset.done $0x0  }
0xde: {  	s3 =	sadd.s32 $0x1980, s23;
	[sflag:s31] =	ssyncadd.s32 $0xFFFFF830  }
0xdf: {  	[spmem:s1] =	stream.indirect.scatter.add.f32 [tilespmem:s24], [sflag:$0xC], $0x10, s3, s17, $0xb8;
	[tilespmem:$0x9590] =	vst v63  }
0xe0: {  	_ =	swait.ge [sflag:s2], $0x7D0  }
0xe1: {  	[sflag:s2] =	ssyncset.done $0x0  }
0xe2: {  	s3 =	sadd.s32 $0x1A00, s23;
	[sflag:s2] =	ssyncadd.s32 $0xFFFFF830  }
0xe3: {  	[spmem:s1] =	stream.indirect.scatter.add.f32 [tilespmem:s28], [sflag:$0xD], $0x10, s3, s17, $0xb8;
	[tilespmem:$0x9590] =	vst v63  }
0xe4: {  	_ =	swait.ge [sflag:s5], $0x7D0  }
0xe5: {  	[sflag:s5] =	ssyncset.done $0x0  }
0xe6: {  	s3 =	sadd.s32 $0x1A80, s23;
	[sflag:s5] =	ssyncadd.s32 $0xFFFFF830  }
0xe7: {  	[spmem:s1] =	stream.indirect.scatter.add.f32 [tilespmem:s30], [sflag:$0xE], $0x10, s3, s17, $0xb8;
	[tilespmem:$0x9590] =	vst v63  }
0xe8: {  	_ =	swait.ge [sflag:s6], $0x7D0  }
0xe9: {  	[sflag:s6] =	ssyncset.done $0x0  }
.Ltmp1:
0xea: {  	s3 =	sadd.s32 $0x1B00, s23;
	[sflag:s6] =	ssyncadd.s32 $0xFFFFF830;
	(pc) =	sbr.rel @p1 .LBB2_4-.Ltmp1, $4  }
0xeb: {  	[spmem:s1] =	stream.indirect.scatter.add.f32 [tilespmem:s0], [sflag:$0xF], $0x10, s3, s17, $0xb8;
	[tilespmem:$0x9590] =	vst v63  }
0xec: {  	_ =	swait.ge [sflag:s8], $0x7D0  }
0xed: {  	[sflag:s8] =	ssyncset.done $0x0  }
0xee: {  	s23 =	sadd.s32 $0x1B80, s23;
	[sflag:s8] =	ssyncadd.s32 $0xFFFFF830  }
0xef: {  	[spmem:s1] =	stream.indirect.scatter.add.f32 [tilespmem:s21], [sflag:$0x10], $0x10, s23, s17, $0xb8;
	[tilespmem:$0x9590] =	vst v63  }
0xf0: {  	_ =	swait.ge [sflag:s9], $0x7D0  }
0xf1: {  	[sflag:s9] =	ssyncset.done $0x0  }
0xf2: {  	[sflag:s9] =	ssyncadd.s32 $0xFFFFF830  }
0xf3: {  	_ =	swait.ge [sflag:s10], $0x7D0  }
0xf4: {  	[sflag:s10] =	ssyncset.done $0x0  }
0xf5: {  	[sflag:s10] =	ssyncadd.s32 $0xFFFFF830  }
0xf6: {  	_ =	swait.ge [sflag:s11], $0x7D0  }
0xf7: {  	[sflag:s11] =	ssyncset.done $0x0  }
0xf8: {  	[sflag:s11] =	ssyncadd.s32 $0xFFFFF830  }
0xf9: {  	_ =	swait.ge [sflag:s16], $0x7D0  }
0xfa: {  	[sflag:s16] =	ssyncset.done $0x0  }
0xfb: {  	[sflag:s16] =	ssyncadd.s32 $0xFFFFF830  }
0xfc: {  	_ =	swait.ge [sflag:s12], $0x7D0  }
0xfd: {  	[sflag:s12] =	ssyncset.done $0x0  }
0xfe: {  	[sflag:s12] =	ssyncadd.s32 $0xFFFFF830  }
0xff: {  	_ =	swait.ge [sflag:s13], $0x7D0  }
0x100: {  	[sflag:s13] =	ssyncset.done $0x0  }
0x101: {  	[sflag:s13] =	ssyncadd.s32 $0xFFFFF830  }
0x102: {  	_ =	swait.ge [sflag:s14], $0x7D0  }
0x103: {  	[sflag:s14] =	ssyncset.done $0x0  }
0x104: {  	[sflag:s14] =	ssyncadd.s32 $0xFFFFF830  }
0x105: {  	_ =	swait.ge [sflag:s25], $0x7D0  }
0x106: {  	s3 =	stileid.u32;
	[sflag:s25] =	ssyncset.done $0x0  }
0x107: {  	s3 =	sshll.u32 s3, $0x6;
	[sflag:s25] =	ssyncadd.s32 $0xFFFFF830  }
0x108: {  	s3 =	sor.u32 $0x1C11, s3;
	[bflag:$0x0] =	sbarrier.arrive $0xFFFF  }
0x109: {  	[dreg:$0xf] =	wrdreg s3  }
0x10a: {  	s7 =	rddreg [dreg:$0x5]  }
0x10b: {  	s15 =	rddreg [dreg:$0xa];
	s7 =	sshrl.u32 s7, $0x3  }
0x10c: {  	[hbm:s15@s31], [sflag:s3] =	dma.strided [spmem:s7@s29], $0x4E0, s26, $0x2   }
0x10d: {  	s3 =	simm.s32 $0x11  }
0x10e: {  	_ =	swait.ge [sflag:s3], $0x4E0  }
0x10f: {  	s20 =	simm.s32 @!p0 $0x4;
	s7 =	rddreg [dreg:$0xb]  }
0x110: {  	s15 =	simm.s32 @!p0 $0x2;
	[sflag:s3] =	ssyncset.done $0x0;
	s23 =	rddreg [dreg:$0xd]  }
0x111: {  	s18 =	rddreg [dreg:$0xf];
	[sflag:s3] =	ssyncadd.s32 $0xFFFFFB20;
	s3 =	simm.s32 @!p0 $0x1  }
0x112: {  	[hbm:s7@s20], [sflag:s18] =	dma.strided @!p0 [spmem:s23@s15], $0x20, s3, $0x2   }
0x113: {  	s3 =	simm.s32 @!p0 $0x11  }
0x114: {  	_ =	swait.ge @!p0 [sflag:s3], $0x20  }
0x115: {  	s7 =	rddreg [dreg:$0xe]  }
0x116: {  	s23 =	sadd.s32 $0x1, s7;
	s7 =	rddreg [dreg:$0xc]  }
0x117: {  	p1 =	sne.s32 s23, s7  }
.Ltmp2:
0x118: {  	_ = 	snop;
	(pc) =	sbr.rel @p1 .LBB2_1-.Ltmp2, $3  }
0x119: {  	_ =	sdelay $0x1  }
0x11a: {  	s20 =	simm.s32 $0x2FD0;
	[sflag:s3] =	ssyncset.done @!p0 $0x0  }
0x11b: {  	s18 =	simm.s32 $0x2800;
	s15 =	simm.s32 $0x11;
	[sflag:s3] =	ssyncadd.s32 @!p0 $0xFFFFFFE0  }
0x11c: {  	_ =	sfence.sel $0x180000  }
0x11d: {  	[bflag:$0x0] =	sbarrier.arrive $0xFFFF  }
0x11e: {  	_ =	strace $0x9000004A  }
0x11f: {  	s0 =	stileid.u32;
	[bflag:$0x2] =	sbarrier.arrive $0xFFFF  }
0x120: {  	p0 =	sne.s32 s0, $0x0;
	s0 =	rddreg [dreg:$0x2]  }
0x121: {  	s0 =	sadd.s32 @!p0 $0x100000, s0  }
0x122: {  	[sflag:s0] =	ssyncadd.tile.s32 @!p0 $0x1;
	_ =	shalt  }
.Lfunc_end2:
_tile_overlayer_lowered:
.L_overlay_start_2:
0x123: {  	(tag) =	ssettag $0x2  }
0x124: {  	s0 =	rddreg [dreg:$0x0];
	s2 =	stileid.u32  }
0x125: {  	s1 =	rddreg [dreg:$0x1];
	p0 =	sne.s32 s2, $0x0  }
0x126: {  	s3 =	rddreg [dreg:$0x2];
	[bflag:$0x3] =	sbarrier.arrive $0xFFFF;
	s2 =	simm.s32 @!p0 $0x1C11  }
0x127: {  	[timem:s3], [sflag:s2] =	dma.local @!p0 [hbm:s0], s1  }
0x128: {  	s0 =	simm.s32 @!p0 $0x11  }
0x129: {  	_ =	swait.ge @!p0 [sflag:s0], s1  }
0x12a: {  	s1 =	ssub.s32 @!p0 $0x0, s1;
	[sflag:s0] =	ssyncset.done @!p0 $0x0  }
0x12b: {  	[sflag:s0] =	ssyncadd.s32 @!p0 s1  }
0x12c: {  	[bflag:$0x3] =	sbarrier.arrive $0xFFFF  }
0x12d: {  	_ =	shalt  }

// kernel: kernel.7.cloned.1.call-start
scs
__scs_entry_jumppad:
0x0: {  	(pc) =	sbr.rel $0x88, $3  }
0x1: {  	(tag) =	ssettag $0x0;
	lr =	simm.s32 $0x1  }
0x2: {  	[smem:$0x3F97] =	sst lr;
	_ =	strace $0xD0000000  }
0x3: {  	_ = 	snop  }
0x4: {  	_ = 	snop  }
0x5: {  	_ = 	snop  }
0x6: {  	_ = 	snop  }
0x7: {  	_ = 	snop  }
__scs_overlays_trampoline_lowered:
0x8: {  	[smem:$0x3FA6] =	sst s0  }
0x9: {  	[smem:$0x3FA7] =	sst s1  }
0xa: {  	[smem:$0x3FA8] =	sst s2  }
0xb: {  	[smem:$0x3FA9] =	sst s3  }
0xc: {  	[smem:$0x3FAA] =	sst s4  }
0xd: {  	[smem:$0x3FAB] =	sst s5  }
0xe: {  	[smem:$0x3FAC] =	sst s6  }
0xf: {  	[smem:$0x3FAD] =	sst s7  }
0x10: {  	[smem:$0x3FAE] =	sst s8  }
0x11: {  	[smem:$0x3FAF] =	sst s9;
	s0 =	simm.s32 @!p0 $0x0  }
0x12: {  	s1 =	sld [smem:$0x3F95];
	s0 =	simm.s32 @p0 $0x1  }
0x13: {  	[smem:$0x3FB0] =	sst s0;
	s0 =	simm.s32 @!p1 $0x0  }
0x14: {  	s2 =	sld [smem:$0x3F94];
	s0 =	simm.s32 @p1 $0x1  }
0x15: {  	[smem:$0x3FB1] =	sst s0;
	s0 =	simm.s32 @!p2 $0x0  }
0x16: {  	s3 =	sld [smem:$0x3FDB];
	s0 =	simm.s32 @p2 $0x1  }
0x17: {  	s4 =	simm.s32 $0x1BF5;
	[smem:$0x3FB3] =	sst s0  }
0x18: {  	s0 =	sld [smem:$0x3F96];
	_ =	swait.ge [sflag:s4], $0x0  }
0x19: {  	s7 =	sld [smem:$0x3F97]  }
0x1a: {  	s8 =	sadd.s32 $0xFFFFE003, lr  }
0x1b: {  	s9 =	sadd.s32 $0xFFFFFEF7, lr;
	s5 =	simm.s32 $0xFFFFFFFF;
	p2 =	slt.u32 s8, $0xFFFFF086  }
0x1c: {  	p1 =	slt.u32 s9, $0xF7A;
	s5 =	simm.s32 @!p2 $0x0  }
0x1d: {  	s5 =	simm.s32 @p1 $0x1;
	p0 =	seq.s32 s7, s2  }
0x1e: {  	s7 =	smul.u32 @!p0 $0xF7A, s2;
	p2 =	seq.s32 @!p0 s5, $0x0  }
0x1f: {  	s9 =	smul.u32 $0xF7A, s1;
	s8 =	simm.s32 @!p0 $0x1BF5;
	p2 =	por !p2, p0  }
0x20: {  	[sflag:s8] =	ssyncset.s32 @!p0 $0xFFFFF086;
	s6 =	sadd.s32 @!p0 s3, s7;
	s7 =	simm.s32 @!p0 $0x108  }
0x21: {  	s3 =	sadd.s32 s3, s9;
	s6 =	sadd.s32 @!p0 $0x88, s6;
	s7 =	simm.s32 @p2 $0x1082  }
0x22: {  	[simem:s7], [sflag:s8] =	dma.local @!p0 [hbm:s6], $0xF7A  }
0x23: {  	s9 =	sor.u32 $0xD0000000, s2;
	s6 =	simm.s32 $0x108;
	_ =	swait.ge @!p0 [sflag:s8], $0x0  }
0x24: {  	s3 =	sadd.s32 $0x88, s3;
	s6 =	simm.s32 @!p1 $0x1082;
	[sflag:s4] =	ssyncset.s32 $0xFFFFF086  }
0x25: {  	[simem:s6], [sflag:s4] =	dma.local [hbm:s3], $0xF7A  }
0x26: {  	[smem:$0x3F97] =	sst s1;
	(tag) =	ssettag s2;
	_ =	strace s9  }
0x27: {  	s1 =	sld [smem:$0x3FA7]  }
0x28: {  	s2 =	sld [smem:$0x3FA8]  }
0x29: {  	s4 =	sld [smem:$0x3FAA]  }
0x2a: {  	p0 =	seq.s32 s5, $0x0;
	s5 =	sld [smem:$0x3FAB]  }
0x2b: {  	s6 =	sld [smem:$0x3FAC]  }
0x2c: {  	s7 =	sld [smem:$0x3FAD]  }
0x2d: {  	s3 =	simm.s32 $0x108;
	s8 =	sld [smem:$0x3FAE]  }
0x2e: {  	s3 =	simm.s32 @!p0 $0x1082;
	s9 =	sld [smem:$0x3FAF]  }
0x2f: {  	lr =	sadd.s32 s0, s3;
	s0 =	sld [smem:$0x3FA6]  }
0x30: {  	s3 =	sld [smem:$0x3FA9]  }
0x31: {  	[smem:$0x3FB2] =	sst s10  }
0x32: {  	s10 =	sld [smem:$0x3FB0];
	_ =	sdelay $0x3  }
0x33: {  	p0 =	seq.s32 s10, $0x1;
	s10 =	sld [smem:$0x3FB2];
	_ =	sdelay $0x3  }
0x34: {  	[smem:$0x3FB2] =	sst s10  }
0x35: {  	s10 =	sld [smem:$0x3FB1];
	_ =	sdelay $0x3  }
0x36: {  	p1 =	seq.s32 s10, $0x1;
	s10 =	sld [smem:$0x3FB2];
	_ =	sdelay $0x3  }
0x37: {  	[smem:$0x3FB2] =	sst s10  }
0x38: {  	s10 =	sld [smem:$0x3FB3]  }
0x39: {  	_ = 	snop;
	(pc) =	sbr.ind lr, $3  }
0x3a: {  	_ = 	snop  }
0x3b: {  	_ = 	snop  }
0x3c: {  	p2 =	seq.s32 s10, $0x1;
	s10 =	sld [smem:$0x3FB2]  }
0x3d: {  	_ =	shalt  }
0x3e: {  	_ =	shalt  }
0x3f: {  	_ =	shalt  }
0x40: {  	_ =	shalt  }
0x41: {  	_ =	shalt  }
0x42: {  	_ =	shalt  }
0x43: {  	_ =	shalt  }
0x44: {  	_ =	shalt  }
0x45: {  	_ =	shalt  }
0x46: {  	_ =	shalt  }
0x47: {  	_ =	shalt  }
0x48: {  	_ =	shalt  }
0x49: {  	_ =	shalt  }
0x4a: {  	_ =	shalt  }
0x4b: {  	_ =	shalt  }
0x4c: {  	_ =	shalt  }
0x4d: {  	_ =	shalt  }
0x4e: {  	_ =	shalt  }
0x4f: {  	_ =	shalt  }
0x50: {  	_ =	shalt  }
0x51: {  	_ =	shalt  }
0x52: {  	_ =	shalt  }
0x53: {  	_ =	shalt  }
0x54: {  	_ =	shalt  }
0x55: {  	_ =	shalt  }
0x56: {  	_ =	shalt  }
0x57: {  	_ =	shalt  }
0x58: {  	_ =	shalt  }
0x59: {  	_ =	shalt  }
0x5a: {  	_ =	shalt  }
0x5b: {  	_ =	shalt  }
0x5c: {  	_ =	shalt  }
0x5d: {  	_ =	shalt  }
0x5e: {  	_ =	shalt  }
0x5f: {  	_ =	shalt  }
0x60: {  	_ =	shalt  }
0x61: {  	_ =	shalt  }
0x62: {  	_ =	shalt  }
0x63: {  	_ =	shalt  }
0x64: {  	_ =	shalt  }
0x65: {  	_ =	shalt  }
0x66: {  	_ =	shalt  }
0x67: {  	_ =	shalt  }
0x68: {  	_ =	shalt  }
0x69: {  	_ =	shalt  }
0x6a: {  	_ =	shalt  }
0x6b: {  	_ =	shalt  }
0x6c: {  	_ =	shalt  }
0x6d: {  	_ =	shalt  }
0x6e: {  	_ =	shalt  }
0x6f: {  	_ =	shalt  }
0x70: {  	_ =	shalt  }
0x71: {  	_ =	shalt  }
0x72: {  	_ =	shalt  }
0x73: {  	_ =	shalt  }
0x74: {  	_ =	shalt  }
0x75: {  	_ =	shalt  }
0x76: {  	_ =	shalt  }
0x77: {  	_ =	shalt  }
0x78: {  	_ =	shalt  }
0x79: {  	_ =	shalt  }
0x7a: {  	_ =	shalt  }
0x7b: {  	_ =	shalt  }
0x7c: {  	_ =	shalt  }
0x7d: {  	_ =	shalt  }
0x7e: {  	_ =	shalt  }
0x7f: {  	_ =	shalt  }
0x80: {  	_ =	shalt  }
0x81: {  	_ =	shalt  }
0x82: {  	_ =	shalt  }
0x83: {  	_ =	shalt  }
0x84: {  	_ =	shalt  }
0x85: {  	_ =	shalt  }
0x86: {  	_ =	shalt  }
0x87: {  	_ =	shalt  }
.Lfunc_end0:
.L_simem_size_0:
called_computation_lowered:
.L_overlay_start_0:
0x88: {  	s2 =	sld [smem:$0x3FD9]  }
0x89: {  	s3 =	sld [smem:$0x3FFE];
	_ =	sdelay $0x1  }
0x8a: {  	s1 =	srdreg.scid  }
0x8b: {  	s0 =	sand.u32 $0x1, s1  }
0x8c: {  	s16 =	sshll.u32 s0, $0xA;
	s2 =	sadd.s32 s3, s2  }
0x8d: {  	s2 =	sadd.s32 s2, s16  }
0x8e: {  	[smem:$0x3FBE] =	sst s2  }
0x8f: {  	_ = 	snop  }
0x90: {  	(tm) =	ssettm $0x1  }
0x91: {  	s17 =	sld [smem:$0x3FFB];
	_ =	sdelay $0x3  }
0x92: {  	_ =	strace s17  }
0x93: {  	s2 =	sld [smem:$0x3FFC];
	_ =	sdelay $0x3  }
0x94: {  	_ =	strace s2  }
0x95: {  	s2 =	sld [smem:$0x3FFD];
	_ =	sdelay $0x3  }
0x96: {  	_ =	strace s2  }
0x97: {  	_ =	strace $0x8FFFFFFF  }
0x98: {  	s18 =	sld [smem:$0x3FDB];
	_ =	sdelay $0x1  }
0x99: {  	s19 =	simm.s32 $_scs_section_size  }
0x9a: {  	s4 =	simm.s32 $_size__tile_overlayer_lowered;
	s5 =	simm.s32 $_tile_overlayer_lowered  }
0x9b: {  	s22 =	simm.s32 $0x1BFF;
	s21 =	sshll.u32 s5, $0x1;
	s2 =	sadd.s32 s19, s18  }
0x9c: {  	s6 =	simm.s32 $0x0;
	s20 =	sshll.u32 s4, $0x1;
	s4 =	sadd.s32 s21, s2  }
0x9d: {  	[timem:s6], [sflag:s22] =	dma.local [hbm:s4], s20  }
0x9e: {  	_ =	swait.ge [sflag:s22], s20  }
0x9f: {  	s3 =	ssub.s32 $0x0, s20;
	[sflag:s22] =	ssyncset.done $0x0  }
0xa0: {  	[sflag:s22] =	ssyncadd.s32 s3;
	_ =	sdelay $0x1  }
0xa1: {  	s23 =	simm.s32 $0x1B8B  }
0xa2: {  	_ =	swait.ge [sflag:s23], $0x1  }
0xa3: {  	[sflag:s23] =	ssyncset.done $0x0  }
0xa4: {  	s25 =	simm.s32 $0x1B8E;
	s24 =	sld [smem:$0x3FFE];
	[sflag:s23] =	ssyncadd.s32 $0xFFFFFFFF  }
0xa5: {  	s26 =	simm.s32 $execute0_lowered;
	[smem:$0x3FD2] =	sst s25  }
0xa6: {  	s4 =	sshll.u32 s26, $0x1;
	_ =	strace $0x80000046;
	[dreg:$0x1] =	wrdreg $0xFFFFFFFF  }
0xa7: {  	s28 =	simm.s32 $_size_execute0_lowered;
	s2 =	sadd.s32 s2, s4;
	[dreg:$0x0] =	wrdreg $0x0  }
0xa8: {  	s4 =	sshll.u32 s28, $0x1;
	[dreg:$0x2] =	wrdreg s2  }
0xa9: {  	[dreg:$0x3] =	wrdreg s4  }
0xaa: {  	[dreg:$0x4] =	wrdreg $0xC0  }
0xab: {  	_ =	task [dreg:s6], $0x5FFFF  }
0xac: {  	[dreg:$0x1] =	wrdreg $0xFFFFFFFF  }
0xad: {  	[dreg:$0x0] =	wrdreg $0x60  }
0xae: {  	[dreg:$0x2] =	wrdreg s24  }
0xaf: {  	[dreg:$0x3] =	wrdreg $0x142000  }
0xb0: {  	[dreg:$0x4] =	wrdreg $0x9  }
0xb1: {  	_ =	task.clear_ibuf [dreg:s6], $0x5FFFF;
	_ =	strace $0x90000046  }
0xb2: {  	s29 =	simm.s32 $0x9;
	_ =	strace $0x80000048  }
0xb3: {  	_ =	swait.ge [sflag:s29], $0x1  }
0xb4: {  	[sflag:s29] =	ssyncadd.s32 $0xFFFFFFFF  }
0xb5: {  	_ =	strace $0x90000048  }
0xb6: {  	_ =	sfence  }
0xb7: {  	s30 =	sld [smem:$0x0];
	_ =	sdelay $0x2  }
0xb8: {  	s31 =	sshll.u32 s1, $0xD;
	s1 =	sshrl.u32 s1, $0x2  }
0xb9: {  	s3 =	sand.u32 $0x4000, s31;
	s1 =	sadd.s32 s1, s30  }
0xba: {  	s0 =	sor.u32 s3, s0;
	s1 =	sshll.u32 s1, $0x11  }
0xbb: {  	s0 =	sor.u32 s1, s0  }
0xbc: {  	s0 =	sadd.s32 $0x8F2B, s0  }
0xbd: {  	[sflag:s0] =	ssyncadd.remote.s32 $0x1  }
0xbe: {  	_ =	sfence.sel $0xFFFF  }
0xbf: {  	[dreg:$0x0] =	wrdreg $0xFFFFFFFF;
	(pc) =	sbr.abs _section_cstart, $3  }
0xc0: {  	[dreg:$0x1] =	wrdreg $0xFFFFFFFF  }
0xc1: {  	_ =	task.clear_ibuf [dreg:s6], $0x2FFFF;
	_ =	strace $0x9FFFFFFF  }
0xc2: {  	(tm) =	ssettm $0x7FFFFFFF  }
0xc3: {  	_ =	shalt  }
tec
execute0_lowered:
.L_overlay_start_1:
0x0: {  	(tag) =	ssettag $0x1  }
0x1: {  	s0 =	rddreg [dreg:$0x0]  }
0x2: {  	s1 =	rddreg [dreg:$0x1];
	s2 =	srdreg.scid;
	s4 =	simm.s32 $0x0  }
0x3: {  	s8 =	stileid.u32;
	s15 =	simm.s32 $0x11;
	s17 =	simm.s32 $0x7D  }
0x4: {  	s18 =	simm.s32 $0x2800;
	s28 =	simm.s32 $0xA500;
	s30 =	simm.s32 $0xC440  }
0x5: {  	s29 =	simm.s32 $0x2;
	s19 =	simm.s32 $0x3;
	s31 =	simm.s32 $0x4  }
0x6: {  	s10 =	simm.s32 $0xA;
	s11 =	simm.s32 $0xB;
	s16 =	simm.s32 $0xC  }
0x7: {  	s12 =	simm.s32 $0xD;
	s13 =	simm.s32 $0xE;
	s14 =	simm.s32 $0xF  }
0x8: {  	s2 =	sand.u32 $0x1, s2;
	[smem:$0x7FF] =	sst s4;
	s7 =	smul.u32 $0x27000, s8  }
0x9: {  	s4 =	sadd.s32 $0xB400, s0;
	s22 =	smul.u32 $0x13800, s8;
	p0 =	sne.s32 s8, $0xF  }
0xa: {  	s3 =	sshll.u32 s2, $0x4;
	_ =	strace $0x80000047;
	s5 =	ssub.s32 $0x2, s2  }
0xb: {  	s23 =	sshll.u32 s2, $0x6;
	s6 =	sshrl.u32 s5, $0x1;
	s21 =	sshrl.u32 s7, $0x2  }
0xc: {  	s2 =	sshll.u32 s2, $0x3;
	s5 =	ssub.s32 s5, s6;
	s6 =	sadd.s32 s21, s1  }
0xd: {  	s3 =	sor.u32 s8, s3;
	s9 =	sadd.s32 $0x2000, s6;
	[dreg:$0x5] =	wrdreg s6  }
0xe: {  	s8 =	simm.s32 $0x8;
	s24 =	sadd.s32 $0x4000, s6;
	[dreg:$0x6] =	wrdreg s9  }
0xf: {  	s3 =	smul.u32 $0x280, s3;
	s25 =	sadd.s32 $0x6000, s6;
	[dreg:$0x7] =	wrdreg s24  }
0x10: {  	s21 =	simm.s32 $0x102C0;
	s6 =	sadd.s32 $0x8000, s6;
	[dreg:$0x8] =	wrdreg s25  }
0x11: {  	s26 =	smax.u32 s5, $0x1;
	s5 =	simm.s32 $0x6;
	[dreg:$0x9] =	wrdreg s6  }
0x12: {  	s3 =	sadd.s32 s3, s0;
	s0 =	sadd.s32 $0x1EE00, s0;
	[dreg:$0xc] =	wrdreg s26  }
0x13: {  	s24 =	simm.s32 $0x85C0;
	s20 =	sadd.s32 $0x6400, s3;
	s3 =	sadd.s32 $0x1400, s3  }
0x14: {  	s26 =	simm.s32 $0x1;
	[dreg:$0x4] =	wrdreg s3;
	s3 =	sor.u32 s23, s22  }
0x15: {  	s6 =	simm.s32 $0x7;
	s9 =	simm.s32 $0x9;
	s3 =	sshrl.u32 s3, $0x3  }
0x16: {  	s25 =	simm.s32 $0x10;
	s3 =	sadd.s32 s0, s3;
	s0 =	sadd.s32 s2, s0  }
0x17: {  	[dreg:$0x3] =	wrdreg s20;
	s20 =	simm.s32 $0x4740;
	s0 =	sadd.s32 $0x27000, s0  }
0x18: {  	s22 =	simm.s32 $0x6680;
	[dreg:$0xb] =	wrdreg s0;
	s0 =	sadd.s32 $0x9C000, s1  }
0x19: {  	s23 =	simm.s32 $0x0;
	[dreg:$0xa] =	wrdreg s3;
	s0 =	sshrl.u32 @!p0 s0, $0x3  }
0x1a: {  	v0 =	vimm.f32 $0.0e+00;
	s2 =	simm.s32 $0x5;
	[dreg:$0xd] =	wrdreg s0;
	s0 =	simm.s32 $0xE380  }
.LBB2_1:
0x1b: {  	[dreg:$0xe] =	wrdreg s23  }
0x1c: {  	s7 =	simm.s32 $0x0;
	s3 =	rddreg [dreg:$0x3]  }
0x1d: {  	[tilespmem:s7], [sflag:$0x11] =	stream.linear.gather [hbm4b:s3+s7], $0x1400, $0x38;
	[tilespmem:$0x1DE40] =	vst v63  }
0x1e: {  	_ =	swait.ge [sflag:s15], $0x1400  }
0x1f: {  	[sflag:s15] =	ssyncset.done $0x0  }
0x20: {  	s23 =	simm.s32 $0x1400;
	s3 =	rddreg [dreg:$0x4];
	[sflag:s15] =	ssyncadd.s32 $0xFFFFEC00  }
0x21: {  	[tilespmem:s23], [sflag:$0x11] =	stream.linear.gather [hbm4b:s3+s7], $0x1400, $0x38;
	[tilespmem:$0x1DE40] =	vst v63  }
0x22: {  	_ =	swait.ge [sflag:s15], $0x1400  }
0x23: {  	[sflag:s15] =	ssyncset.done $0x0  }
0x24: {  	[sflag:s15] =	ssyncadd.s32 $0xFFFFEC00  }
0x25: {  	[tilespmem:s18], [sflag:$0x1] =	stream.indirect.gather [hbm4b:s4+s17], $0x40, s7, s17, $0xb8;
	[tilespmem:$0x1DE40] =	vst v63  }
0x26: {  	s15 =	simm.s32 $0x80  }
0x27: {  	[tilespmem:s20], [sflag:$0x2] =	stream.indirect.gather [hbm4b:s4+s17], $0x40, s15, s17, $0xb8;
	[tilespmem:$0x1DE40] =	vst v63  }
0x28: {  	s23 =	simm.s32 $0x100  }
0x29: {  	[tilespmem:s22], [sflag:$0x3] =	stream.indirect.gather [hbm4b:s4+s17], $0x40, s23, s17, $0xb8;
	[tilespmem:$0x1DE40] =	vst v63  }
0x2a: {  	s15 =	simm.s32 $0x180  }
0x2b: {  	[tilespmem:s24], [sflag:$0x4] =	stream.indirect.gather [hbm4b:s4+s17], $0x40, s15, s17, $0xb8;
	[tilespmem:$0x1DE40] =	vst v63  }
0x2c: {  	s23 =	simm.s32 $0x200  }
0x2d: {  	[tilespmem:s28], [sflag:$0x5] =	stream.indirect.gather [hbm4b:s4+s17], $0x40, s23, s17, $0xb8;
	[tilespmem:$0x1DE40] =	vst v63  }
0x2e: {  	s15 =	simm.s32 $0x280  }
0x2f: {  	[tilespmem:s30], [sflag:$0x6] =	stream.indirect.gather [hbm4b:s4+s17], $0x40, s15, s17, $0xb8;
	[tilespmem:$0x1DE40] =	vst v63  }
0x30: {  	s23 =	simm.s32 $0x300  }
0x31: {  	[tilespmem:s0], [sflag:$0x7] =	stream.indirect.gather [hbm4b:s4+s17], $0x40, s23, s17, $0xb8;
	[tilespmem:$0x1DE40] =	vst v63  }
0x32: {  	s15 =	simm.s32 $0x380;
	s23 =	sand.u32 $0x7F00, s7  }
0x33: {  	[tilespmem:s21], [sflag:$0x8] =	stream.indirect.gather [hbm4b:s4+s17], $0x40, s15, s17, $0xb8;
	[tilespmem:$0x1DE40] =	vst v63  }
0x34: {  	s7 =	sand.u32 $0x30, s7;
	s15 =	sshrl.u32 s23, $0x2  }
0x35: {  	s3 =	simm.s32 $0x40;
	s23 =	simm.s32 $0x0;
	s7 =	sor.u32 s7, s15  }
.LBB2_2:
0x36: {  	p1 =	sne.s32 s3, $0x7FC0  }
0x37: {  	[tilespmem:s7+$0x12200] =	vst v0;
	s23 =	sadd.s32 $0x10, s23;
	s7 =	smov.u32 s3;
	s3 =	sadd.s32 $0x40, s3  }
.Ltmp0:
0x38: {  	(pc) =	sbr.rel @p1 .LBB2_2-.Ltmp0, $4  }
0x39: {  	_ = 	snop  }
0x3a: {  	s7 =	sand.u32 $0x7F00, s7  }
0x3b: {  	s15 =	sand.u32 $0x30, s23;
	s7 =	sshrl.u32 s7, $0x2  }
0x3c: {  	s7 =	sor.u32 s15, s7  }
0x3d: {  	[tilespmem:s7+$0x12200] =	vst v0;
	s3 =	rddreg [dreg:$0x5];
	s15 =	simm.s32 $0x12200;
	s7 =	simm.s32 $0x11  }
0x3e: {  	[spmem:s3] =	stream.linear.scatter [tilespmem:s15], [sflag:$0x11], $0x2000, $0x38;
	[tilespmem:$0x1DE40] =	vst v63  }
0x3f: {  	_ =	swait.ge [sflag:s7], $0x2000  }
0x40: {  	[sflag:s7] =	ssyncset.done $0x0  }
0x41: {  	s23 =	rddreg [dreg:$0x6];
	[sflag:s7] =	ssyncadd.s32 $0xFFFFE000  }
0x42: {  	[spmem:s23] =	stream.linear.scatter [tilespmem:s15], [sflag:$0x11], $0x2000, $0x38;
	[tilespmem:$0x1DE40] =	vst v63  }
0x43: {  	_ =	swait.ge [sflag:s7], $0x2000  }
0x44: {  	[sflag:s7] =	ssyncset.done $0x0  }
0x45: {  	s23 =	rddreg [dreg:$0x7];
	[sflag:s7] =	ssyncadd.s32 $0xFFFFE000  }
0x46: {  	[spmem:s23] =	stream.linear.scatter [tilespmem:s15], [sflag:$0x11], $0x2000, $0x38;
	[tilespmem:$0x1DE40] =	vst v63  }
0x47: {  	_ =	swait.ge [sflag:s7], $0x2000  }
0x48: {  	[sflag:s7] =	ssyncset.done $0x0  }
0x49: {  	s23 =	rddreg [dreg:$0x8];
	[sflag:s7] =	ssyncadd.s32 $0xFFFFE000  }
0x4a: {  	[spmem:s23] =	stream.linear.scatter [tilespmem:s15], [sflag:$0x11], $0x2000, $0x38;
	[tilespmem:$0x1DE40] =	vst v63  }
0x4b: {  	_ =	swait.ge [sflag:s7], $0x2000  }
0x4c: {  	[sflag:s7] =	ssyncset.done $0x0  }
0x4d: {  	s23 =	rddreg [dreg:$0x9];
	[sflag:s7] =	ssyncadd.s32 $0xFFFFE000  }
0x4e: {  	[spmem:s23] =	stream.linear.scatter [tilespmem:s15], [sflag:$0x11], $0x2000, $0x38;
	[tilespmem:$0x1DE40] =	vst v63  }
0x4f: {  	_ =	swait.ge [sflag:s7], $0x2000  }
0x50: {  	[sflag:s7] =	ssyncset.done $0x0  }
0x51: {  	[sflag:s7] =	ssyncadd.s32 $0xFFFFE000  }
0x52: {  	[bflag:$0x0] =	sbarrier.arrive $0xFFFF  }
0x53: {  	_ =	swait.ge [sflag:s26], $0x1F40  }
0x54: {  	[sflag:s26] =	ssyncset.done $0x0  }
0x55: {  	s15 =	simm.s32 $0x1400;
	[sflag:s26] =	ssyncadd.s32 $0xFFFFE0C0  }
0x56: {  	[spmem:s1] =	stream.indirect.scatter.add.f32 [tilespmem:s18], [sflag:$0x9], $0x40, s15, s17, $0xb8;
	[tilespmem:$0x1DE40] =	vst v63  }
0x57: {  	_ =	swait.ge [sflag:s29], $0x1F40  }
0x58: {  	[sflag:s29] =	ssyncset.done $0x0  }
0x59: {  	s23 =	simm.s32 $0x1480;
	[sflag:s29] =	ssyncadd.s32 $0xFFFFE0C0  }
0x5a: {  	[spmem:s1] =	stream.indirect.scatter.add.f32 [tilespmem:s20], [sflag:$0xA], $0x40, s23, s17, $0xb8;
	[tilespmem:$0x1DE40] =	vst v63  }
0x5b: {  	_ =	swait.ge [sflag:s19], $0x1F40  }
0x5c: {  	[sflag:s19] =	ssyncset.done $0x0  }
0x5d: {  	s7 =	simm.s32 $0x1500;
	[sflag:s19] =	ssyncadd.s32 $0xFFFFE0C0  }
0x5e: {  	[spmem:s1] =	stream.indirect.scatter.add.f32 [tilespmem:s22], [sflag:$0xB], $0x40, s7, s17, $0xb8;
	[tilespmem:$0x1DE40] =	vst v63  }
0x5f: {  	_ =	swait.ge [sflag:s31], $0x1F40  }
0x60: {  	[sflag:s31] =	ssyncset.done $0x0  }
0x61: {  	s15 =	simm.s32 $0x1580;
	[sflag:s31] =	ssyncadd.s32 $0xFFFFE0C0  }
0x62: {  	[spmem:s1] =	stream.indirect.scatter.add.f32 [tilespmem:s24], [sflag:$0xC], $0x40, s15, s17, $0xb8;
	[tilespmem:$0x1DE40] =	vst v63  }
0x63: {  	_ =	swait.ge [sflag:s2], $0x1F40  }
0x64: {  	[sflag:s2] =	ssyncset.done $0x0  }
0x65: {  	s23 =	simm.s32 $0x1600;
	[sflag:s2] =	ssyncadd.s32 $0xFFFFE0C0  }
0x66: {  	[spmem:s1] =	stream.indirect.scatter.add.f32 [tilespmem:s28], [sflag:$0xD], $0x40, s23, s17, $0xb8;
	[tilespmem:$0x1DE40] =	vst v63  }
0x67: {  	_ =	swait.ge [sflag:s5], $0x1F40  }
0x68: {  	[sflag:s5] =	ssyncset.done $0x0  }
0x69: {  	s7 =	simm.s32 $0x1680;
	[sflag:s5] =	ssyncadd.s32 $0xFFFFE0C0  }
0x6a: {  	[spmem:s1] =	stream.indirect.scatter.add.f32 [tilespmem:s30], [sflag:$0xE], $0x40, s7, s17, $0xb8;
	[tilespmem:$0x1DE40] =	vst v63  }
0x6b: {  	_ =	swait.ge [sflag:s6], $0x1F40  }
0x6c: {  	[sflag:s6] =	ssyncset.done $0x0  }
0x6d: {  	s15 =	simm.s32 $0x1700;
	[sflag:s6] =	ssyncadd.s32 $0xFFFFE0C0  }
0x6e: {  	[spmem:s1] =	stream.indirect.scatter.add.f32 [tilespmem:s0], [sflag:$0xF], $0x40, s15, s17, $0xb8;
	[tilespmem:$0x1DE40] =	vst v63  }
0x6f: {  	_ =	swait.ge [sflag:s8], $0x1F40  }
0x70: {  	[sflag:s8] =	ssyncset.done $0x0  }
0x71: {  	s23 =	simm.s32 $0x1780;
	[sflag:s8] =	ssyncadd.s32 $0xFFFFE0C0  }
0x72: {  	[spmem:s1] =	stream.indirect.scatter.add.f32 [tilespmem:s21], [sflag:$0x10], $0x40, s23, s17, $0xb8;
	[tilespmem:$0x1DE40] =	vst v63  }
0x73: {  	_ =	swait.ge [sflag:s9], $0x1F40  }
0x74: {  	[sflag:s9] =	ssyncset.done $0x0  }
0x75: {  	s7 =	simm.s32 $0x400;
	[sflag:s9] =	ssyncadd.s32 $0xFFFFE0C0  }
0x76: {  	[tilespmem:s18], [sflag:$0x1] =	stream.indirect.gather [hbm4b:s4+s17], $0x40, s7, s17, $0xb8;
	[tilespmem:$0x1DE40] =	vst v63  }
0x77: {  	_ =	swait.ge [sflag:s10], $0x1F40  }
0x78: {  	[sflag:s10] =	ssyncset.done $0x0  }
0x79: {  	s15 =	simm.s32 $0x480;
	[sflag:s10] =	ssyncadd.s32 $0xFFFFE0C0  }
0x7a: {  	[tilespmem:s20], [sflag:$0x2] =	stream.indirect.gather [hbm4b:s4+s17], $0x40, s15, s17, $0xb8;
	[tilespmem:$0x1DE40] =	vst v63  }
0x7b: {  	_ =	swait.ge [sflag:s11], $0x1F40  }
0x7c: {  	[sflag:s11] =	ssyncset.done $0x0  }
0x7d: {  	s23 =	simm.s32 $0x500;
	[sflag:s11] =	ssyncadd.s32 $0xFFFFE0C0  }
0x7e: {  	[tilespmem:s22], [sflag:$0x3] =	stream.indirect.gather [hbm4b:s4+s17], $0x40, s23, s17, $0xb8;
	[tilespmem:$0x1DE40] =	vst v63  }
0x7f: {  	_ =	swait.ge [sflag:s16], $0x1F40  }
0x80: {  	[sflag:s16] =	ssyncset.done $0x0  }
0x81: {  	s7 =	simm.s32 $0x580;
	[sflag:s16] =	ssyncadd.s32 $0xFFFFE0C0  }
0x82: {  	[tilespmem:s24], [sflag:$0x4] =	stream.indirect.gather [hbm4b:s4+s17], $0x40, s7, s17, $0xb8;
	[tilespmem:$0x1DE40] =	vst v63  }
0x83: {  	_ =	swait.ge [sflag:s12], $0x1F40  }
0x84: {  	[sflag:s12] =	ssyncset.done $0x0  }
0x85: {  	s15 =	simm.s32 $0x600;
	[sflag:s12] =	ssyncadd.s32 $0xFFFFE0C0  }
0x86: {  	[tilespmem:s28], [sflag:$0x5] =	stream.indirect.gather [hbm4b:s4+s17], $0x40, s15, s17, $0xb8;
	[tilespmem:$0x1DE40] =	vst v63  }
0x87: {  	_ =	swait.ge [sflag:s13], $0x1F40  }
0x88: {  	[sflag:s13] =	ssyncset.done $0x0  }
0x89: {  	s23 =	simm.s32 $0x680;
	[sflag:s13] =	ssyncadd.s32 $0xFFFFE0C0  }
0x8a: {  	[tilespmem:s30], [sflag:$0x6] =	stream.indirect.gather [hbm4b:s4+s17], $0x40, s23, s17, $0xb8;
	[tilespmem:$0x1DE40] =	vst v63  }
0x8b: {  	_ =	swait.ge [sflag:s14], $0x1F40  }
0x8c: {  	[sflag:s14] =	ssyncset.done $0x0  }
0x8d: {  	s7 =	simm.s32 $0x700;
	[sflag:s14] =	ssyncadd.s32 $0xFFFFE0C0  }
0x8e: {  	[tilespmem:s0], [sflag:$0x7] =	stream.indirect.gather [hbm4b:s4+s17], $0x40, s7, s17, $0xb8;
	[tilespmem:$0x1DE40] =	vst v63  }
0x8f: {  	_ =	swait.ge [sflag:s25], $0x1F40  }
0x90: {  	[sflag:s25] =	ssyncset.done $0x0  }
0x91: {  	s15 =	simm.s32 $0x780;
	[sflag:s25] =	ssyncadd.s32 $0xFFFFE0C0  }
0x92: {  	[tilespmem:s21], [sflag:$0x8] =	stream.indirect.gather [hbm4b:s4+s17], $0x40, s15, s17, $0xb8;
	[tilespmem:$0x1DE40] =	vst v63  }
0x93: {  	_ =	swait.ge [sflag:s26], $0x1F40  }
0x94: {  	[sflag:s26] =	ssyncset.done $0x0  }
0x95: {  	s23 =	simm.s32 $0x1800;
	[sflag:s26] =	ssyncadd.s32 $0xFFFFE0C0  }
0x96: {  	[spmem:s1] =	stream.indirect.scatter.add.f32 [tilespmem:s18], [sflag:$0x9], $0x40, s23, s17, $0xb8;
	[tilespmem:$0x1DE40] =	vst v63  }
0x97: {  	_ =	swait.ge [sflag:s29], $0x1F40  }
0x98: {  	[sflag:s29] =	ssyncset.done $0x0  }
0x99: {  	s7 =	simm.s32 $0x1880;
	[sflag:s29] =	ssyncadd.s32 $0xFFFFE0C0  }
0x9a: {  	[spmem:s1] =	stream.indirect.scatter.add.f32 [tilespmem:s20], [sflag:$0xA], $0x40, s7, s17, $0xb8;
	[tilespmem:$0x1DE40] =	vst v63  }
0x9b: {  	_ =	swait.ge [sflag:s19], $0x1F40  }
0x9c: {  	[sflag:s19] =	ssyncset.done $0x0  }
0x9d: {  	s15 =	simm.s32 $0x1900;
	[sflag:s19] =	ssyncadd.s32 $0xFFFFE0C0  }
0x9e: {  	[spmem:s1] =	stream.indirect.scatter.add.f32 [tilespmem:s22], [sflag:$0xB], $0x40, s15, s17, $0xb8;
	[tilespmem:$0x1DE40] =	vst v63  }
0x9f: {  	_ =	swait.ge [sflag:s31], $0x1F40  }
0xa0: {  	[sflag:s31] =	ssyncset.done $0x0  }
0xa1: {  	s23 =	simm.s32 $0x1980;
	[sflag:s31] =	ssyncadd.s32 $0xFFFFE0C0  }
0xa2: {  	[spmem:s1] =	stream.indirect.scatter.add.f32 [tilespmem:s24], [sflag:$0xC], $0x40, s23, s17, $0xb8;
	[tilespmem:$0x1DE40] =	vst v63  }
0xa3: {  	_ =	swait.ge [sflag:s2], $0x1F40  }
0xa4: {  	[sflag:s2] =	ssyncset.done $0x0  }
0xa5: {  	s7 =	simm.s32 $0x1A00;
	[sflag:s2] =	ssyncadd.s32 $0xFFFFE0C0  }
0xa6: {  	[spmem:s1] =	stream.indirect.scatter.add.f32 [tilespmem:s28], [sflag:$0xD], $0x40, s7, s17, $0xb8;
	[tilespmem:$0x1DE40] =	vst v63  }
0xa7: {  	_ =	swait.ge [sflag:s5], $0x1F40  }
0xa8: {  	[sflag:s5] =	ssyncset.done $0x0  }
0xa9: {  	s15 =	simm.s32 $0x1A80;
	[sflag:s5] =	ssyncadd.s32 $0xFFFFE0C0  }
0xaa: {  	[spmem:s1] =	stream.indirect.scatter.add.f32 [tilespmem:s30], [sflag:$0xE], $0x40, s15, s17, $0xb8;
	[tilespmem:$0x1DE40] =	vst v63  }
0xab: {  	_ =	swait.ge [sflag:s6], $0x1F40  }
0xac: {  	[sflag:s6] =	ssyncset.done $0x0  }
0xad: {  	s23 =	simm.s32 $0x1B00;
	[sflag:s6] =	ssyncadd.s32 $0xFFFFE0C0  }
0xae: {  	[spmem:s1] =	stream.indirect.scatter.add.f32 [tilespmem:s0], [sflag:$0xF], $0x40, s23, s17, $0xb8;
	[tilespmem:$0x1DE40] =	vst v63  }
0xaf: {  	_ =	swait.ge [sflag:s8], $0x1F40  }
0xb0: {  	[sflag:s8] =	ssyncset.done $0x0  }
0xb1: {  	s3 =	simm.s32 $0x1000;
	s7 =	simm.s32 $0x1B80;
	[sflag:s8] =	ssyncadd.s32 $0xFFFFE0C0  }
.LBB2_4:
0xb2: {  	[spmem:s1] =	stream.indirect.scatter.add.f32 [tilespmem:s21], [sflag:$0x10], $0x40, s7, s17, $0xb8;
	[tilespmem:$0x1DE40] =	vst v63  }
0xb3: {  	s7 =	smov.u32 s3  }
0xb4: {  	p1 =	sne.s32 s3, $0x3000;
	s3 =	sadd.s32 $0x1000, s3;
	_ =	swait.ge [sflag:s9], $0x1F40  }
0xb5: {  	s23 =	sshra.s32 s7, $0x2;
	[sflag:s9] =	ssyncset.done $0x0  }
0xb6: {  	s7 =	sadd.s32 $0x400, s23;
	[sflag:s9] =	ssyncadd.s32 $0xFFFFE0C0  }
0xb7: {  	[tilespmem:s18], [sflag:$0x1] =	stream.indirect.gather [hbm4b:s4+s17], $0x40, s7, s17, $0xb8;
	[tilespmem:$0x1DE40] =	vst v63  }
0xb8: {  	_ =	swait.ge [sflag:s10], $0x1F40  }
0xb9: {  	[sflag:s10] =	ssyncset.done $0x0  }
0xba: {  	s7 =	sadd.s32 $0x480, s23;
	[sflag:s10] =	ssyncadd.s32 $0xFFFFE0C0  }
0xbb: {  	[tilespmem:s20], [sflag:$0x2] =	stream.indirect.gather [hbm4b:s4+s17], $0x40, s7, s17, $0xb8;
	[tilespmem:$0x1DE40] =	vst v63  }
0xbc: {  	_ =	swait.ge [sflag:s11], $0x1F40  }
0xbd: {  	[sflag:s11] =	ssyncset.done $0x0  }
0xbe: {  	s7 =	sadd.s32 $0x500, s23;
	[sflag:s11] =	ssyncadd.s32 $0xFFFFE0C0  }
0xbf: {  	[tilespmem:s22], [sflag:$0x3] =	stream.indirect.gather [hbm4b:s4+s17], $0x40, s7, s17, $0xb8;
	[tilespmem:$0x1DE40] =	vst v63  }
0xc0: {  	_ =	swait.ge [sflag:s16], $0x1F40  }
0xc1: {  	[sflag:s16] =	ssyncset.done $0x0  }
0xc2: {  	s7 =	sadd.s32 $0x580, s23;
	[sflag:s16] =	ssyncadd.s32 $0xFFFFE0C0  }
0xc3: {  	[tilespmem:s24], [sflag:$0x4] =	stream.indirect.gather [hbm4b:s4+s17], $0x40, s7, s17, $0xb8;
	[tilespmem:$0x1DE40] =	vst v63  }
0xc4: {  	_ =	swait.ge [sflag:s12], $0x1F40  }
0xc5: {  	[sflag:s12] =	ssyncset.done $0x0  }
0xc6: {  	s7 =	sadd.s32 $0x600, s23;
	[sflag:s12] =	ssyncadd.s32 $0xFFFFE0C0  }
0xc7: {  	[tilespmem:s28], [sflag:$0x5] =	stream.indirect.gather [hbm4b:s4+s17], $0x40, s7, s17, $0xb8;
	[tilespmem:$0x1DE40] =	vst v63  }
0xc8: {  	_ =	swait.ge [sflag:s13], $0x1F40  }
0xc9: {  	[sflag:s13] =	ssyncset.done $0x0  }
0xca: {  	s7 =	sadd.s32 $0x680, s23;
	[sflag:s13] =	ssyncadd.s32 $0xFFFFE0C0  }
0xcb: {  	[tilespmem:s30], [sflag:$0x6] =	stream.indirect.gather [hbm4b:s4+s17], $0x40, s7, s17, $0xb8;
	[tilespmem:$0x1DE40] =	vst v63  }
0xcc: {  	_ =	swait.ge [sflag:s14], $0x1F40  }
0xcd: {  	[sflag:s14] =	ssyncset.done $0x0  }
0xce: {  	s7 =	sadd.s32 $0x700, s23;
	[sflag:s14] =	ssyncadd.s32 $0xFFFFE0C0  }
0xcf: {  	[tilespmem:s0], [sflag:$0x7] =	stream.indirect.gather [hbm4b:s4+s17], $0x40, s7, s17, $0xb8;
	[tilespmem:$0x1DE40] =	vst v63  }
0xd0: {  	_ =	swait.ge [sflag:s25], $0x1F40  }
0xd1: {  	[sflag:s25] =	ssyncset.done $0x0  }
0xd2: {  	s7 =	sadd.s32 $0x780, s23;
	[sflag:s25] =	ssyncadd.s32 $0xFFFFE0C0  }
0xd3: {  	[tilespmem:s21], [sflag:$0x8] =	stream.indirect.gather [hbm4b:s4+s17], $0x40, s7, s17, $0xb8;
	[tilespmem:$0x1DE40] =	vst v63  }
0xd4: {  	_ =	swait.ge [sflag:s26], $0x1F40  }
0xd5: {  	[sflag:s26] =	ssyncset.done $0x0  }
0xd6: {  	s7 =	sadd.s32 $0x1800, s23;
	[sflag:s26] =	ssyncadd.s32 $0xFFFFE0C0  }
0xd7: {  	[spmem:s1] =	stream.indirect.scatter.add.f32 [tilespmem:s18], [sflag:$0x9], $0x40, s7, s17, $0xb8;
	[tilespmem:$0x1DE40] =	vst v63  }
0xd8: {  	_ =	swait.ge [sflag:s29], $0x1F40  }
0xd9: {  	[sflag:s29] =	ssyncset.done $0x0  }
0xda: {  	s7 =	sadd.s32 $0x1880, s23;
	[sflag:s29] =	ssyncadd.s32 $0xFFFFE0C0  }
0xdb: {  	[spmem:s1] =	stream.indirect.scatter.add.f32 [tilespmem:s20], [sflag:$0xA], $0x40, s7, s17, $0xb8;
	[tilespmem:$0x1DE40] =	vst v63  }
0xdc: {  	_ =	swait.ge [sflag:s19], $0x1F40  }
0xdd: {  	[sflag:s19] =	ssyncset.done $0x0  }
0xde: {  	s7 =	sadd.s32 $0x1900, s23;
	[sflag:s19] =	ssyncadd.s32 $0xFFFFE0C0  }
0xdf: {  	[spmem:s1] =	stream.indirect.scatter.add.f32 [tilespmem:s22], [sflag:$0xB], $0x40, s7, s17, $0xb8;
	[tilespmem:$0x1DE40] =	vst v63  }
0xe0: {  	_ =	swait.ge [sflag:s31], $0x1F40  }
0xe1: {  	[sflag:s31] =	ssyncset.done $0x0  }
0xe2: {  	s7 =	sadd.s32 $0x1980, s23;
	[sflag:s31] =	ssyncadd.s32 $0xFFFFE0C0  }
0xe3: {  	[spmem:s1] =	stream.indirect.scatter.add.f32 [tilespmem:s24], [sflag:$0xC], $0x40, s7, s17, $0xb8;
	[tilespmem:$0x1DE40] =	vst v63  }
0xe4: {  	_ =	swait.ge [sflag:s2], $0x1F40  }
0xe5: {  	[sflag:s2] =	ssyncset.done $0x0  }
0xe6: {  	s7 =	sadd.s32 $0x1A00, s23;
	[sflag:s2] =	ssyncadd.s32 $0xFFFFE0C0  }
0xe7: {  	[spmem:s1] =	stream.indirect.scatter.add.f32 [tilespmem:s28], [sflag:$0xD], $0x40, s7, s17, $0xb8;
	[tilespmem:$0x1DE40] =	vst v63  }
0xe8: {  	_ =	swait.ge [sflag:s5], $0x1F40  }
0xe9: {  	[sflag:s5] =	ssyncset.done $0x0  }
0xea: {  	s7 =	sadd.s32 $0x1A80, s23;
	[sflag:s5] =	ssyncadd.s32 $0xFFFFE0C0  }
0xeb: {  	[spmem:s1] =	stream.indirect.scatter.add.f32 [tilespmem:s30], [sflag:$0xE], $0x40, s7, s17, $0xb8;
	[tilespmem:$0x1DE40] =	vst v63  }
0xec: {  	_ =	swait.ge [sflag:s6], $0x1F40  }
0xed: {  	[sflag:s6] =	ssyncset.done $0x0  }
.Ltmp1:
0xee: {  	s7 =	sadd.s32 $0x1B00, s23;
	[sflag:s6] =	ssyncadd.s32 $0xFFFFE0C0;
	(pc) =	sbr.rel @p1 .LBB2_4-.Ltmp1, $4  }
0xef: {  	[spmem:s1] =	stream.indirect.scatter.add.f32 [tilespmem:s0], [sflag:$0xF], $0x40, s7, s17, $0xb8;
	[tilespmem:$0x1DE40] =	vst v63  }
0xf0: {  	_ =	swait.ge [sflag:s8], $0x1F40  }
0xf1: {  	[sflag:s8] =	ssyncset.done $0x0  }
0xf2: {  	s7 =	sadd.s32 $0x1B80, s23;
	[sflag:s8] =	ssyncadd.s32 $0xFFFFE0C0  }
0xf3: {  	[spmem:s1] =	stream.indirect.scatter.add.f32 [tilespmem:s21], [sflag:$0x10], $0x40, s7, s17, $0xb8;
	[tilespmem:$0x1DE40] =	vst v63  }
0xf4: {  	_ =	swait.ge [sflag:s9], $0x1F40  }
0xf5: {  	[sflag:s9] =	ssyncset.done $0x0  }
0xf6: {  	[sflag:s9] =	ssyncadd.s32 $0xFFFFE0C0  }
0xf7: {  	_ =	swait.ge [sflag:s10], $0x1F40  }
0xf8: {  	[sflag:s10] =	ssyncset.done $0x0  }
0xf9: {  	[sflag:s10] =	ssyncadd.s32 $0xFFFFE0C0  }
0xfa: {  	_ =	swait.ge [sflag:s11], $0x1F40  }
0xfb: {  	[sflag:s11] =	ssyncset.done $0x0  }
0xfc: {  	[sflag:s11] =	ssyncadd.s32 $0xFFFFE0C0  }
0xfd: {  	_ =	swait.ge [sflag:s16], $0x1F40  }
0xfe: {  	[sflag:s16] =	ssyncset.done $0x0  }
0xff: {  	[sflag:s16] =	ssyncadd.s32 $0xFFFFE0C0  }
0x100: {  	_ =	swait.ge [sflag:s12], $0x1F40  }
0x101: {  	[sflag:s12] =	ssyncset.done $0x0  }
0x102: {  	[sflag:s12] =	ssyncadd.s32 $0xFFFFE0C0  }
0x103: {  	_ =	swait.ge [sflag:s13], $0x1F40  }
0x104: {  	[sflag:s13] =	ssyncset.done $0x0  }
0x105: {  	[sflag:s13] =	ssyncadd.s32 $0xFFFFE0C0  }
0x106: {  	_ =	swait.ge [sflag:s14], $0x1F40  }
0x107: {  	[sflag:s14] =	ssyncset.done $0x0  }
0x108: {  	[sflag:s14] =	ssyncadd.s32 $0xFFFFE0C0  }
0x109: {  	_ =	swait.ge [sflag:s25], $0x1F40  }
0x10a: {  	s3 =	stileid.u32;
	[sflag:s25] =	ssyncset.done $0x0  }
0x10b: {  	s3 =	sshll.u32 s3, $0x6;
	[sflag:s25] =	ssyncadd.s32 $0xFFFFE0C0  }
0x10c: {  	s3 =	sor.u32 $0x1C11, s3;
	[bflag:$0x0] =	sbarrier.arrive $0xFFFF  }
0x10d: {  	[dreg:$0xf] =	wrdreg s3  }
0x10e: {  	s23 =	rddreg [dreg:$0x5]  }
0x10f: {  	s15 =	rddreg [dreg:$0xa];
	s7 =	sshrl.u32 s23, $0x3  }
0x110: {  	[hbm:s15@s25], [sflag:s3] =	dma.strided [spmem:s7@s8], $0x1380, s26, $0x8   }
0x111: {  	s3 =	simm.s32 $0x11  }
0x112: {  	_ =	swait.ge [sflag:s3], $0x1380  }
0x113: {  	s20 =	simm.s32 @!p0 $0x10;
	s7 =	rddreg [dreg:$0xb]  }
0x114: {  	s23 =	simm.s32 @!p0 $0x8;
	[sflag:s3] =	ssyncset.done $0x0;
	s15 =	rddreg [dreg:$0xd]  }
0x115: {  	s18 =	rddreg [dreg:$0xf];
	[sflag:s3] =	ssyncadd.s32 $0xFFFFEC80;
	s3 =	simm.s32 @!p0 $0x1  }
0x116: {  	[hbm:s7@s20], [sflag:s18] =	dma.strided @!p0 [spmem:s15@s23], $0x80, s3, $0x8   }
0x117: {  	s3 =	simm.s32 @!p0 $0x11  }
0x118: {  	_ =	swait.ge @!p0 [sflag:s3], $0x80  }
0x119: {  	s7 =	rddreg [dreg:$0xe]  }
0x11a: {  	s23 =	sadd.s32 $0x1, s7;
	s7 =	rddreg [dreg:$0xc]  }
0x11b: {  	p1 =	sne.s32 s23, s7  }
.Ltmp2:
0x11c: {  	_ = 	snop;
	(pc) =	sbr.rel @p1 .LBB2_1-.Ltmp2, $3  }
0x11d: {  	_ =	sdelay $0x1  }
0x11e: {  	s20 =	simm.s32 $0x4740;
	[sflag:s3] =	ssyncset.done @!p0 $0x0  }
0x11f: {  	s18 =	simm.s32 $0x2800;
	s15 =	simm.s32 $0x11;
	[sflag:s3] =	ssyncadd.s32 @!p0 $0xFFFFFF80  }
0x120: {  	_ =	sfence.sel $0x180000  }
0x121: {  	[bflag:$0x0] =	sbarrier.arrive $0xFFFF  }
0x122: {  	_ =	strace $0x90000047  }
0x123: {  	s0 =	stileid.u32;
	[bflag:$0x2] =	sbarrier.arrive $0xFFFF  }
0x124: {  	p0 =	sne.s32 s0, $0x0;
	s0 =	rddreg [dreg:$0x2]  }
0x125: {  	s0 =	sadd.s32 @!p0 $0x100000, s0  }
0x126: {  	[sflag:s0] =	ssyncadd.tile.s32 @!p0 $0x1;
	_ =	shalt  }
.Lfunc_end2:
_tile_overlayer_lowered:
.L_overlay_start_2:
0x127: {  	(tag) =	ssettag $0x2  }
0x128: {  	s0 =	rddreg [dreg:$0x0];
	s2 =	stileid.u32  }
0x129: {  	s1 =	rddreg [dreg:$0x1];
	p0 =	sne.s32 s2, $0x0  }
0x12a: {  	s3 =	rddreg [dreg:$0x2];
	[bflag:$0x3] =	sbarrier.arrive $0xFFFF;
	s2 =	simm.s32 @!p0 $0x1C11  }
0x12b: {  	[timem:s3], [sflag:s2] =	dma.local @!p0 [hbm:s0], s1  }
0x12c: {  	s0 =	simm.s32 @!p0 $0x11  }
0x12d: {  	_ =	swait.ge @!p0 [sflag:s0], s1  }
0x12e: {  	s1 =	ssub.s32 @!p0 $0x0, s1;
	[sflag:s0] =	ssyncset.done @!p0 $0x0  }
0x12f: {  	[sflag:s0] =	ssyncadd.s32 @!p0 s1  }
0x130: {  	[bflag:$0x3] =	sbarrier.arrive $0xFFFF  }
0x131: {  	_ =	shalt  }

</sc_bundles>
